<compile_context>
chip_gen: v7x
topology: tpu7x:2x2x1
jax: 0.10.2.dev20260603
libtpu: 0.0.44.dev20260713+nightly
codegen_flags: <defaults>
</compile_context>

<pallas_src>
import functools

import jax
import jax.numpy as jnp
from jax import lax
from jax.experimental import pallas as pl
from jax.experimental.pallas import tpu as pltpu
from jax.experimental.pallas import tpu_sc as plsc

NBINS = 256
B, C, H, W, D = 4, 32, 64, 64, 64
ROWS = B * C
N = H * W * D
CENTER_H = (N // 2) // (W * D)
NORM = 65 * 65 * 65
LOG2E = 1.4426950408889634


NSTREAM = 4
TC_ROWS = 96
SHARE = TC_ROWS // NSTREAM


def _tc_body(*refs):
    in_refs = refs[:NSTREAM]
    acc_ref, cen_ref = refs[NSTREAM], refs[NSTREAM + 1]
    i = pl.program_id(0)

    for k, ref in enumerate(in_refs):
        row = i + k * SHARE
        blk = ref[0, 0]
        s = blk.sum(axis=0).sum(axis=0, keepdims=True)
        acc_ref[pl.ds(row, 1), :] = s
        cen_ref[pl.ds(row, 1), :] = blk[CENTER_H, 0:1, 0:1]


def _tc_partials(F):
    return pl.pallas_call(
        _tc_body,
        grid=(SHARE,),
        in_specs=[
            pl.BlockSpec(
                (1, 1, H, W, D),
                (lambda i, _k=k: ((i + _k * SHARE) // C, (i + _k * SHARE) % C,
                                  0, 0, 0)),
            )
            for k in range(NSTREAM)
        ],
        out_specs=[
            pl.BlockSpec((TC_ROWS, D), lambda i: (0, 0)),
            pl.BlockSpec((TC_ROWS, 1), lambda i: (0, 0)),
        ],
        out_shape=[
            jax.ShapeDtypeStruct((TC_ROWS, D), jnp.float32),
            jax.ShapeDtypeStruct((TC_ROWS, 1), jnp.float32),
        ],
    )(*([F] * NSTREAM))



NC, NS = 2, 16
NW = NC * NS
SC_ROWS = ROWS - TC_ROWS
CH_H = 2
CPR = H // CH_H
NBUF = 4
OUTW = 32

_mesh = plsc.VectorSubcoreMesh(core_axis_name="c", subcore_axis_name="s")


@functools.partial(
    pl.kernel,
    mesh=_mesh,
    out_type=jax.ShapeDtypeStruct((SC_ROWS * OUTW,), jnp.float32),
    scratch_types=[
        pltpu.VMEM((CH_H, W, D), jnp.float32),
        pltpu.VMEM((CH_H, W, D), jnp.float32),
        pltpu.VMEM((CH_H, W, D), jnp.float32),
        pltpu.VMEM((CH_H, W, D), jnp.float32),
        pltpu.VMEM((16,), jnp.float32),
        pltpu.VMEM((16,), jnp.float32),
        pltpu.SemaphoreType.DMA,
        pltpu.SemaphoreType.DMA,
        pltpu.SemaphoreType.DMA,
        pltpu.SemaphoreType.DMA,
    ],
)
def _sc_rowsum(x_hbm, out_hbm, b0, b1, b2, b3, accv, cenb, s0, s1, s2, s3):
    w = lax.axis_index("c") * NS + lax.axis_index("s")
    row = TC_ROWS + w
    bi = row // C
    ci = row % C
    bufs = (b0, b1, b2, b3)
    sems = (s0, s1, s2, s3)

    accv[...] = jnp.zeros((16,), jnp.float32)

    for t in range(NBUF - 1):
        pltpu.async_copy(
            x_hbm.at[bi, ci, pl.ds(t * CH_H, CH_H)], bufs[t], sems[t]
        )

    for t in range(CPR):
        nxt = t + NBUF - 1
        if nxt < CPR:
            pltpu.async_copy(
                x_hbm.at[bi, ci, pl.ds(nxt * CH_H, CH_H)],
                bufs[nxt % NBUF],
                sems[nxt % NBUF],
            )
        pltpu.make_async_copy(
            x_hbm.at[bi, ci, pl.ds(t * CH_H, CH_H)],
            bufs[t % NBUF],
            sems[t % NBUF],
        ).wait()
        buf = bufs[t % NBUF]

        for h in range(CH_H):

            @pl.loop(0, W)
            def _(wi, _buf=buf, _h=h):
                v = _buf[_h, wi, pl.ds(0, 16)]
                for j in range(1, D // 16):
                    v = v + _buf[_h, wi, pl.ds(16 * j, 16)]
                accv[...] += v

    off = w * OUTW
    pltpu.sync_copy(accv, out_hbm.at[pl.ds(off, 16)])
    pltpu.sync_copy(x_hbm.at[bi, ci, CENTER_H, 0, pl.ds(0, 16)], cenb)
    pltpu.sync_copy(cenb, out_hbm.at[pl.ds(off + 16, 16)])




def _finish_body(acc_ref, cen_ref, sc_ref, out_ref):
    s_tc = acc_ref[...].sum(axis=1, keepdims=True)
    cen_tc = cen_ref[...]
    scp = sc_ref[...]
    s_sc = scp[:, 0:16].sum(axis=1, keepdims=True)
    cen_sc = scp[:, 16:17]
    sums = jnp.concatenate([s_tc, s_sc], axis=0)
    cen = jnp.concatenate([cen_tc, cen_sc], axis=0)
    nb = (sums - cen) * (1.0 / (N - 1))
    vals = jnp.concatenate([cen, nb], axis=0)
    idx = jnp.floor(vals * NBINS).astype(jnp.int32)
    valid = (vals >= 0.0) & (vals <= 1.0)
    idx = jnp.minimum(idx, NBINS - 1)
    bins = lax.broadcasted_iota(jnp.int32, (2 * ROWS, NBINS), 1)
    match = (idx == bins) & valid
    counts = jnp.sum(match.astype(jnp.float32), axis=0, keepdims=True)
    p = counts * (1.0 / NORM)
    e = -jnp.sum(p * (jnp.log(p + 1e-10) * LOG2E), axis=1, keepdims=True)
    out_ref[...] = e


def kernel(F):
    acc, cen = _tc_partials(F)
    scpart = _sc_rowsum(F).reshape(SC_ROWS, OUTW)
    out = pl.pallas_call(
        _finish_body,
        grid=(1,),
        in_specs=[
            pl.BlockSpec((TC_ROWS, D), lambda i: (0, 0)),
            pl.BlockSpec((TC_ROWS, 1), lambda i: (0, 0)),
            pl.BlockSpec((SC_ROWS, OUTW), lambda i: (0, 0)),
        ],
        out_specs=pl.BlockSpec((1, 1), lambda i: (0, 0)),
        out_shape=jax.ShapeDtypeStruct((1, 1), jnp.float32),
    )(acc, cen, scpart)
    return out.reshape(())

# --- scband reference (transcript-rebuilt; emitter-appended) ---
"""Pipeline reference for scband-info-entropy-6794638262469 (READ-ONLY COPY).

The authoritative reference and input builder live on the scoring server;
editing this copy changes nothing except your own understanding.
"""

import jax, jax.numpy as jnp
import numpy as np

BINS = 256
KERNEL_SIZE = 3


def setup_inputs(seed: int = 0) -> dict:
    key = jax.random.key(seed)
    F = jax.random.uniform(key, (4, 32, 64, 64, 64), dtype=jnp.float32)
    return {"F": F}


def reference(F):
    B, C, H, W, D = F.shape
    F_flat = F.reshape(B, C, -1)
    n = F_flat.shape[2]
    center_idx = n // 2
    center_values = F_flat[:, :, center_idx]
    sum_all = F_flat.sum(axis=2)
    neighbor_values = (sum_all - center_values) / (n - 1)
    combined = jnp.stack([center_values, neighbor_values], axis=-1)
    combined = combined.reshape(-1).astype(jnp.float32)
    # torch.histc(combined, bins=BINS, min=0, max=1): out-of-range values ignored
    fhist, _ = jnp.histogram(combined, bins=BINS, range=(0.0, 1.0))
    fhist = fhist.astype(jnp.float32)
    ext_k = KERNEL_SIZE // 2
    norm_factor = (H + ext_k) * (W + ext_k) * (D + ext_k)
    Phist = fhist / norm_factor
    E = -jnp.sum(Phist * jnp.log2(Phist + 1e-10))
    return jax.lax.stop_gradient(E)

if __name__ == "__main__":
    import jax
    _d = setup_inputs()
    print(jax.jit(kernel)(*tuple(_d.values())))

</pallas_src>

<mosaic_0001>
#map = affine_map<(d0, d1) -> (0, 0, 0, 0, 0)>
#map1 = affine_map<(d0, d1) -> (0)>
module attributes {stable_mosaic.version = 14 : i64} {
  func.func @_sc_rowsum(%arg0: i32, %arg1: i32, %arg2: memref<4x32x64x64x64xf32, #tpu.memory_space<hbm>>, %arg3: memref<1024xf32, #tpu.memory_space<hbm>>, %arg4: memref<2x64x64xf32, #tpu.memory_space<vmem>>, %arg5: memref<2x64x64xf32, #tpu.memory_space<vmem>>, %arg6: memref<2x64x64xf32, #tpu.memory_space<vmem>>, %arg7: memref<2x64x64xf32, #tpu.memory_space<vmem>>, %arg8: memref<16xf32, #tpu.memory_space<vmem>>, %arg9: memref<16xf32, #tpu.memory_space<vmem>>, %arg10: memref<!tpu.dma_semaphore, #tpu.memory_space<semaphore_mem>>, %arg11: memref<!tpu.dma_semaphore, #tpu.memory_space<semaphore_mem>>, %arg12: memref<!tpu.dma_semaphore, #tpu.memory_space<semaphore_mem>>, %arg13: memref<!tpu.dma_semaphore, #tpu.memory_space<semaphore_mem>>) attributes {dimension_semantics = [#tpu.dimension_semantics<core_parallel>, #tpu.dimension_semantics<subcore_parallel>], iteration_bounds = array<i64: 2, 16>, scalar_prefetch = 0 : i64, scratch_operands = 10 : i64, tpu.core_type = #tpu.core_type<sc_vector_subcore>, window_params = [{transform_indices = #map}, {transform_indices = #map1}]} {
    %mul3A = arith.constant 16 : i32
    %mul3A_0 = arith.muli %arg0, %mul3A : i32
    %add3A = arith.addi %mul3A_0, %arg1 : i32
    %add3A_1 = arith.constant 96 : i32
    %add3A_2 = arith.addi %add3A_1, %add3A : i32
    %jit3A = arith.constant 32 : i32
    %div3A = arith.divsi %add3A_2, %jit3A : i32
    %sign3A = arith.constant 0 : i32
    %sign3A_3 = arith.cmpi sgt, %add3A_2, %sign3A : i32
    %sign3A_4 = arith.extui %sign3A_3 : i1 to i32
    %sign3A_5 = arith.constant 0 : i32
    %sign3A_6 = arith.cmpi slt, %add3A_2, %sign3A_5 : i32
    %sign3A_7 = arith.extui %sign3A_6 : i1 to i32
    %sign3A_8 = arith.subi %sign3A_4, %sign3A_7 : i32
    %sign3A_9 = arith.constant 0 : i32
    %sign3A_10 = arith.cmpi sgt, %jit3A, %sign3A_9 : i32
    %sign3A_11 = arith.extui %sign3A_10 : i1 to i32
    %sign3A_12 = arith.constant 0 : i32
    %sign3A_13 = arith.cmpi slt, %jit3A, %sign3A_12 : i32
    %sign3A_14 = arith.extui %sign3A_13 : i1 to i32
    %sign3A_15 = arith.subi %sign3A_11, %sign3A_14 : i32
    %ne3A = arith.cmpi ne, %sign3A_8, %sign3A_15 : i32
    %rem3A = arith.remsi %add3A_2, %jit3A : i32
    %ne3A_16 = arith.constant 0 : i32
    %ne3A_17 = arith.cmpi ne, %rem3A, %ne3A_16 : i32
    %and3A = arith.andi %ne3A, %ne3A_17 : i1
    %sub3A = arith.constant 1 : i32
    %sub3A_18 = arith.subi %div3A, %sub3A : i32
    %select_n3A = arith.select %and3A, %sub3A_18, %div3A : i32
    %jit3A_19 = arith.constant 32 : i32
    %eq3A = arith.constant 0 : i32
    %eq3A_20 = arith.cmpi eq, %jit3A_19, %eq3A : i32
    %jit3A_21 = arith.constant 1 : i32
    %select_n3A_22 = arith.select %eq3A_20, %jit3A_21, %jit3A_19 : i32
    %rem3A_23 = arith.remsi %add3A_2, %select_n3A_22 : i32
    %ne3A_24 = arith.constant 0 : i32
    %ne3A_25 = arith.cmpi ne, %rem3A_23, %ne3A_24 : i32
    %lt3A = arith.constant 0 : i32
    %lt3A_26 = arith.cmpi slt, %rem3A_23, %lt3A : i32
    %lt3A_27 = arith.constant 0 : i32
    %lt3A_28 = arith.cmpi slt, %select_n3A_22, %lt3A_27 : i32
    %ne3A_29 = arith.xori %lt3A_26, %lt3A_28 : i1
    %and3A_30 = arith.andi %ne3A_29, %ne3A_25 : i1
    %add3A_31 = arith.addi %rem3A_23, %select_n3A_22 : i32
    %select_n3A_32 = arith.select %and3A_30, %add3A_31, %rem3A_23 : i32
    %broadcast_in_dim3A = arith.constant 0.000000e+00 : f32
    %broadcast_in_dim3A_33 = vector.broadcast %broadcast_in_dim3A : f32 to vector<16xf32>
    %swap3A = arith.constant 0 : index
    %swap3A_34 = tpu.vector_load %arg8[%swap3A] {strides = array<i32>} : memref<16xf32, #tpu.memory_space<vmem>>, vector<16xf32>,
    %swap3A_35 = vector.shape_cast %swap3A_34 : vector<16xf32> to vector<16xf32>
    %swap3A_36 = vector.shape_cast %broadcast_in_dim3A_33 : vector<16xf32> to vector<16xf32>
    tpu.vector_store %arg8[%swap3A], %swap3A_36 {strides = array<i32>} : memref<16xf32, #tpu.memory_space<vmem>>, vector<16xf32>,
    %dma_start3A = arith.constant 0 : i32
    %dma_start3A_37 = arith.constant 0 : i32
    %dma_start3A_38 = arith.constant 0 : i32
    %dma_start3A_39 = tpu.memref_slice %arg2[%select_n3A, %select_n3A_32, %dma_start3A, %dma_start3A_37, %dma_start3A_38] : memref<4x32x64x64x64xf32, #tpu.memory_space<hbm>> -> memref<1x1x2x64x64xf32, #tpu.memory_space<hbm>>
    %dma_start3A_40 = tpu.memref_squeeze %dma_start3A_39 : memref<1x1x2x64x64xf32, #tpu.memory_space<hbm>> -> memref<2x64x64xf32, #tpu.memory_space<hbm>>
    %dma_start3A_41 = arith.constant 0 : i32
    %dma_start3A_42 = arith.constant 0 : i32
    %dma_start3A_43 = arith.constant 0 : i32
    %dma_start3A_44 = tpu.memref_slice %arg2[%select_n3A, %select_n3A_32, %dma_start3A_41, %dma_start3A_42, %dma_start3A_43] : memref<4x32x64x64x64xf32, #tpu.memory_space<hbm>> -> memref<1x1x2x64x64xf32, #tpu.memory_space<hbm>>
    %dma_start3A_45 = tpu.memref_squeeze %dma_start3A_44 : memref<1x1x2x64x64xf32, #tpu.memory_space<hbm>> -> memref<2x64x64xf32, #tpu.memory_space<hbm>>
    tpu.enqueue_dma source(%dma_start3A_45 : memref<2x64x64xf32, #tpu.memory_space<hbm>>) target(%arg4 : memref<2x64x64xf32, #tpu.memory_space<vmem>>) target_semaphore(%arg10 : memref<!tpu.dma_semaphore, #tpu.memory_space<semaphore_mem>>)
    %dma_start3A_46 = arith.constant 2 : i32
    %dma_start3A_47 = arith.constant 0 : i32
    %dma_start3A_48 = arith.constant 0 : i32
    %dma_start3A_49 = tpu.memref_slice %arg2[%select_n3A, %select_n3A_32, %dma_start3A_46, %dma_start3A_47, %dma_start3A_48] : memref<4x32x64x64x64xf32, #tpu.memory_space<hbm>> -> memref<1x1x2x64x64xf32, #tpu.memory_space<hbm>>
    %dma_start3A_50 = tpu.memref_squeeze %dma_start3A_49 : memref<1x1x2x64x64xf32, #tpu.memory_space<hbm>> -> memref<2x64x64xf32, #tpu.memory_space<hbm>>
    %dma_start3A_51 = arith.constant 2 : i32
    %dma_start3A_52 = arith.constant 0 : i32
    %dma_start3A_53 = arith.constant 0 : i32
    %dma_start3A_54 = tpu.memref_slice %arg2[%select_n3A, %select_n3A_32, %dma_start3A_51, %dma_start3A_52, %dma_start3A_53] : memref<4x32x64x64x64xf32, #tpu.memory_space<hbm>> -> memref<1x1x2x64x64xf32, #tpu.memory_space<hbm>>
    %dma_start3A_55 = tpu.memref_squeeze %dma_start3A_54 : memref<1x1x2x64x64xf32, #tpu.memory_space<hbm>> -> memref<2x64x64xf32, #tpu.memory_space<hbm>>
    tpu.enqueue_dma source(%dma_start3A_55 : memref<2x64x64xf32, #tpu.memory_space<hbm>>) target(%arg5 : memref<2x64x64xf32, #tpu.memory_space<vmem>>) target_semaphore(%arg11 : memref<!tpu.dma_semaphore, #tpu.memory_space<semaphore_mem>>)
    %dma_start3A_56 = arith.constant 4 : i32
    %dma_start3A_57 = arith.constant 0 : i32
    %dma_start3A_58 = arith.constant 0 : i32
    %dma_start3A_59 = tpu.memref_slice %arg2[%select_n3A, %select_n3A_32, %dma_start3A_56, %dma_start3A_57, %dma_start3A_58] : memref<4x32x64x64x64xf32, #tpu.memory_space<hbm>> -> memref<1x1x2x64x64xf32, #tpu.memory_space<hbm>>
    %dma_start3A_60 = tpu.memref_squeeze %dma_start3A_59 : memref<1x1x2x64x64xf32, #tpu.memory_space<hbm>> -> memref<2x64x64xf32, #tpu.memory_space<hbm>>
    %dma_start3A_61 = arith.constant 4 : i32
    %dma_start3A_62 = arith.constant 0 : i32
    %dma_start3A_63 = arith.constant 0 : i32
    %dma_start3A_64 = tpu.memref_slice %arg2[%select_n3A, %select_n3A_32, %dma_start3A_61, %dma_start3A_62, %dma_start3A_63] : memref<4x32x64x64x64xf32, #tpu.memory_space<hbm>> -> memref<1x1x2x64x64xf32, #tpu.memory_space<hbm>>
    %dma_start3A_65 = tpu.memref_squeeze %dma_start3A_64 : memref<1x1x2x64x64xf32, #tpu.memory_space<hbm>> -> memref<2x64x64xf32, #tpu.memory_space<hbm>>
    tpu.enqueue_dma source(%dma_start3A_65 : memref<2x64x64xf32, #tpu.memory_space<hbm>>) target(%arg6 : memref<2x64x64xf32, #tpu.memory_space<vmem>>) target_semaphore(%arg12 : memref<!tpu.dma_semaphore, #tpu.memory_space<semaphore_mem>>)
    %dma_start3A_66 = arith.constant 6 : i32
    %dma_start3A_67 = arith.constant 0 : i32
    %dma_start3A_68 = arith.constant 0 : i32
    %dma_start3A_69 = tpu.memref_slice %arg2[%select_n3A, %select_n3A_32, %dma_start3A_66, %dma_start3A_67, %dma_start3A_68] : memref<4x32x64x64x64xf32, #tpu.memory_space<hbm>> -> memref<1x1x2x64x64xf32, #tpu.memory_space<hbm>>
    %dma_start3A_70 = tpu.memref_squeeze %dma_start3A_69 : memref<1x1x2x64x64xf32, #tpu.memory_space<hbm>> -> memref<2x64x64xf32, #tpu.memory_space<hbm>>
    %dma_start3A_71 = arith.constant 6 : i32
    %dma_start3A_72 = arith.constant 0 : i32
    %dma_start3A_73 = arith.constant 0 : i32
    %dma_start3A_74 = tpu.memref_slice %arg2[%select_n3A, %select_n3A_32, %dma_start3A_71, %dma_start3A_72, %dma_start3A_73] : memref<4x32x64x64x64xf32, #tpu.memory_space<hbm>> -> memref<1x1x2x64x64xf32, #tpu.memory_space<hbm>>
    %dma_start3A_75 = tpu.memref_squeeze %dma_start3A_74 : memref<1x1x2x64x64xf32, #tpu.memory_space<hbm>> -> memref<2x64x64xf32, #tpu.memory_space<hbm>>
    tpu.enqueue_dma source(%dma_start3A_75 : memref<2x64x64xf32, #tpu.memory_space<hbm>>) target(%arg7 : memref<2x64x64xf32, #tpu.memory_space<vmem>>) target_semaphore(%arg13 : memref<!tpu.dma_semaphore, #tpu.memory_space<semaphore_mem>>)
    %dma_wait3A = arith.constant 0 : i32
    %dma_wait3A_76 = arith.constant 0 : i32
    %dma_wait3A_77 = arith.constant 0 : i32
    %dma_wait3A_78 = tpu.memref_slice %arg2[%select_n3A, %select_n3A_32, %dma_wait3A, %dma_wait3A_76, %dma_wait3A_77] : memref<4x32x64x64x64xf32, #tpu.memory_space<hbm>> -> memref<1x1x2x64x64xf32, #tpu.memory_space<hbm>>
    %dma_wait3A_79 = tpu.memref_squeeze %dma_wait3A_78 : memref<1x1x2x64x64xf32, #tpu.memory_space<hbm>> -> memref<2x64x64xf32, #tpu.memory_space<hbm>>
    %dma_wait3A_80 = arith.constant 0 : i32
    %dma_wait3A_81 = arith.constant 0 : i32
    %dma_wait3A_82 = arith.constant 0 : i32
    %dma_wait3A_83 = tpu.memref_slice %arg2[%select_n3A, %select_n3A_32, %dma_wait3A_80, %dma_wait3A_81, %dma_wait3A_82] : memref<4x32x64x64x64xf32, #tpu.memory_space<hbm>> -> memref<1x1x2x64x64xf32, #tpu.memory_space<hbm>>
    %dma_wait3A_84 = tpu.memref_squeeze %dma_wait3A_83 : memref<1x1x2x64x64xf32, #tpu.memory_space<hbm>> -> memref<2x64x64xf32, #tpu.memory_space<hbm>>
    tpu.wait_dma2 semaphore(%arg10 : memref<!tpu.dma_semaphore, #tpu.memory_space<semaphore_mem>>) src(%dma_wait3A_84 : memref<2x64x64xf32, #tpu.memory_space<hbm>>) dst(%arg4 : memref<2x64x64xf32, #tpu.memory_space<vmem>>)
    %scan3A = arith.constant 0 : i32
    %scan3A_85 = arith.constant 64 : i32
    %scan3A_86 = arith.addi %scan3A, %scan3A_85 : i32
    %scan3A_87 = arith.constant 1 : i32
    scf.for %scan3A_999 = %scan3A to %scan3A_86 step %scan3A_87  : i32 {
      %mul3A_1000 = arith.constant 1 : i32
      %mul3A_1001 = arith.muli %scan3A_999, %mul3A_1000 : i32
      %add3A_1002 = arith.constant 0 : i32
      %add3A_1003 = arith.addi %add3A_1002, %mul3A_1001 : i32
      %get3A = arith.constant 0 : i32
      %get3A_1004 = arith.index_cast %get3A : i32 to index
      %get3A_1005 = arith.index_cast %add3A_1003 : i32 to index
      %get3A_1006 = arith.constant 0 : index
      %get3A_1007 = tpu.vector_load %arg4[%get3A_1004, %get3A_1005, %get3A_1006] {strides = array<i32>} : memref<2x64x64xf32, #tpu.memory_space<vmem>>, vector<1x1x16xf32>,
      %get3A_1008 = vector.shape_cast %get3A_1007 : vector<1x1x16xf32> to vector<16xf32>
      %get3A_1009 = arith.constant 0 : i32
      %get3A_1010 = arith.index_cast %get3A_1009 : i32 to index
      %get3A_1011 = arith.index_cast %add3A_1003 : i32 to index
      %get3A_1012 = arith.constant 16 : index
      %get3A_1013 = tpu.vector_load %arg4[%get3A_1010, %get3A_1011, %get3A_1012] {strides = array<i32>} : memref<2x64x64xf32, #tpu.memory_space<vmem>>, vector<1x1x16xf32>,
      %get3A_1014 = vector.shape_cast %get3A_1013 : vector<1x1x16xf32> to vector<16xf32>
      %add3A_1015 = arith.addf %get3A_1008, %get3A_1014 : vector<16xf32>
      %get3A_1016 = arith.constant 0 : i32
      %get3A_1017 = arith.index_cast %get3A_1016 : i32 to index
      %get3A_1018 = arith.index_cast %add3A_1003 : i32 to index
      %get3A_1019 = arith.constant 32 : index
      %get3A_1020 = tpu.vector_load %arg4[%get3A_1017, %get3A_1018, %get3A_1019] {strides = array<i32>} : memref<2x64x64xf32, #tpu.memory_space<vmem>>, vector<1x1x16xf32>,
      %get3A_1021 = vector.shape_cast %get3A_1020 : vector<1x1x16xf32> to vector<16xf32>
      %add3A_1022 = arith.addf %add3A_1015, %get3A_1021 : vector<16xf32>
      %get3A_1023 = arith.constant 0 : i32
      %get3A_1024 = arith.index_cast %get3A_1023 : i32 to index
      %get3A_1025 = arith.index_cast %add3A_1003 : i32 to index
      %get3A_1026 = arith.constant 48 : index
      %get3A_1027 = tpu.vector_load %arg4[%get3A_1024, %get3A_1025, %get3A_1026] {strides = array<i32>} : memref<2x64x64xf32, #tpu.memory_space<vmem>>, vector<1x1x16xf32>,
      %get3A_1028 = vector.shape_cast %get3A_1027 : vector<1x1x16xf32> to vector<16xf32>
      %add3A_1029 = arith.addf %add3A_1022, %get3A_1028 : vector<16xf32>
      %get3A_1030 = arith.constant 0 : index
      %get3A_1031 = tpu.vector_load %arg8[%get3A_1030] {strides = array<i32>} : memref<16xf32, #tpu.memory_space<vmem>>, vector<16xf32>,
      %get3A_1032 = vector.shape_cast %get3A_1031 : vector<16xf32> to vector<16xf32>
      %add3A_1033 = arith.addf %get3A_1032, %add3A_1029 : vector<16xf32>
      %swap3A_1034 = arith.constant 0 : index
      %swap3A_1035 = tpu.vector_load %arg8[%swap3A_1034] {strides = array<i32>} : memref<16xf32, #tpu.memory_space<vmem>>, vector<16xf32>,
      %swap3A_1036 = vector.shape_cast %swap3A_1035 : vector<16xf32> to vector<16xf32>
      %swap3A_1037 = vector.shape_cast %add3A_1033 : vector<16xf32> to vector<16xf32>
      tpu.vector_store %arg8[%swap3A_1034], %swap3A_1037 {strides = array<i32>} : memref<16xf32, #tpu.memory_space<vmem>>, vector<16xf32>,
    }
    %scan3A_88 = arith.constant 64 : i32
    %scan3A_89 = arith.constant 0 : i32
    %scan3A_90 = arith.constant 64 : i32
    %scan3A_91 = arith.addi %scan3A_89, %scan3A_90 : i32
    %scan3A_92 = arith.constant 1 : i32
    scf.for %scan3A_999 = %scan3A_89 to %scan3A_91 step %scan3A_92  : i32 {
      %mul3A_1000 = arith.constant 1 : i32
      %mul3A_1001 = arith.muli %scan3A_999, %mul3A_1000 : i32
      %add3A_1002 = arith.constant 0 : i32
      %add3A_1003 = arith.addi %add3A_1002, %mul3A_1001 : i32
      %get3A = arith.constant 1 : i32
      %get3A_1004 = arith.index_cast %get3A : i32 to index
      %get3A_1005 = arith.index_cast %add3A_1003 : i32 to index
      %get3A_1006 = arith.constant 0 : index
      %get3A_1007 = tpu.vector_load %arg4[%get3A_1004, %get3A_1005, %get3A_1006] {strides = array<i32>} : memref<2x64x64xf32, #tpu.memory_space<vmem>>, vector<1x1x16xf32>,
      %get3A_1008 = vector.shape_cast %get3A_1007 : vector<1x1x16xf32> to vector<16xf32>
      %get3A_1009 = arith.constant 1 : i32
      %get3A_1010 = arith.index_cast %get3A_1009 : i32 to index
      %get3A_1011 = arith.index_cast %add3A_1003 : i32 to index
      %get3A_1012 = arith.constant 16 : index
      %get3A_1013 = tpu.vector_load %arg4[%get3A_1010, %get3A_1011, %get3A_1012] {strides = array<i32>} : memref<2x64x64xf32, #tpu.memory_space<vmem>>, vector<1x1x16xf32>,
      %get3A_1014 = vector.shape_cast %get3A_1013 : vector<1x1x16xf32> to vector<16xf32>
      %add3A_1015 = arith.addf %get3A_1008, %get3A_1014 : vector<16xf32>
      %get3A_1016 = arith.constant 1 : i32
      %get3A_1017 = arith.index_cast %get3A_1016 : i32 to index
      %get3A_1018 = arith.index_cast %add3A_1003 : i32 to index
      %get3A_1019 = arith.constant 32 : index
      %get3A_1020 = tpu.vector_load %arg4[%get3A_1017, %get3A_1018, %get3A_1019] {strides = array<i32>} : memref<2x64x64xf32, #tpu.memory_space<vmem>>, vector<1x1x16xf32>,
      %get3A_1021 = vector.shape_cast %get3A_1020 : vector<1x1x16xf32> to vector<16xf32>
      %add3A_1022 = arith.addf %add3A_1015, %get3A_1021 : vector<16xf32>
      %get3A_1023 = arith.constant 1 : i32
      %get3A_1024 = arith.index_cast %get3A_1023 : i32 to index
      %get3A_1025 = arith.index_cast %add3A_1003 : i32 to index
      %get3A_1026 = arith.constant 48 : index
      %get3A_1027 = tpu.vector_load %arg4[%get3A_1024, %get3A_1025, %get3A_1026] {strides = array<i32>} : memref<2x64x64xf32, #tpu.memory_space<vmem>>, vector<1x1x16xf32>,
      %get3A_1028 = vector.shape_cast %get3A_1027 : vector<1x1x16xf32> to vector<16xf32>
      %add3A_1029 = arith.addf %add3A_1022, %get3A_1028 : vector<16xf32>
      %get3A_1030 = arith.constant 0 : index
      %get3A_1031 = tpu.vector_load %arg8[%get3A_1030] {strides = array<i32>} : memref<16xf32, #tpu.memory_space<vmem>>, vector<16xf32>,
      %get3A_1032 = vector.shape_cast %get3A_1031 : vector<16xf32> to vector<16xf32>
      %add3A_1033 = arith.addf %get3A_1032, %add3A_1029 : vector<16xf32>
      %swap3A_1034 = arith.constant 0 : index
      %swap3A_1035 = tpu.vector_load %arg8[%swap3A_1034] {strides = array<i32>} : memref<16xf32, #tpu.memory_space<vmem>>, vector<16xf32>,
      %swap3A_1036 = vector.shape_cast %swap3A_1035 : vector<16xf32> to vector<16xf32>
      %swap3A_1037 = vector.shape_cast %add3A_1033 : vector<16xf32> to vector<16xf32>
      tpu.vector_store %arg8[%swap3A_1034], %swap3A_1037 {strides = array<i32>} : memref<16xf32, #tpu.memory_space<vmem>>, vector<16xf32>,
    }
    %scan3A_93 = arith.constant 64 : i32
    %dma_start3A_94 = arith.constant 8 : i32
    %dma_start3A_95 = arith.constant 0 : i32
    %dma_start3A_96 = arith.constant 0 : i32
    %dma_start3A_97 = tpu.memref_slice %arg2[%select_n3A, %select_n3A_32, %dma_start3A_94, %dma_start3A_95, %dma_start3A_96] : memref<4x32x64x64x64xf32, #tpu.memory_space<hbm>> -> memref<1x1x2x64x64xf32, #tpu.memory_space<hbm>>
    %dma_start3A_98 = tpu.memref_squeeze %dma_start3A_97 : memref<1x1x2x64x64xf32, #tpu.memory_space<hbm>> -> memref<2x64x64xf32, #tpu.memory_space<hbm>>
    %dma_start3A_99 = arith.constant 8 : i32
    %dma_start3A_100 = arith.constant 0 : i32
    %dma_start3A_101 = arith.constant 0 : i32
    %dma_start3A_102 = tpu.memref_slice %arg2[%select_n3A, %select_n3A_32, %dma_start3A_99, %dma_start3A_100, %dma_start3A_101] : memref<4x32x64x64x64xf32, #tpu.memory_space<hbm>> -> memref<1x1x2x64x64xf32, #tpu.memory_space<hbm>>
    %dma_start3A_103 = tpu.memref_squeeze %dma_start3A_102 : memref<1x1x2x64x64xf32, #tpu.memory_space<hbm>> -> memref<2x64x64xf32, #tpu.memory_space<hbm>>
    tpu.enqueue_dma source(%dma_start3A_103 : memref<2x64x64xf32, #tpu.memory_space<hbm>>) target(%arg4 : memref<2x64x64xf32, #tpu.memory_space<vmem>>) target_semaphore(%arg10 : memref<!tpu.dma_semaphore, #tpu.memory_space<semaphore_mem>>)
    %dma_wait3A_104 = arith.constant 2 : i32
    %dma_wait3A_105 = arith.constant 0 : i32
    %dma_wait3A_106 = arith.constant 0 : i32
    %dma_wait3A_107 = tpu.memref_slice %arg2[%select_n3A, %select_n3A_32, %dma_wait3A_104, %dma_wait3A_105, %dma_wait3A_106] : memref<4x32x64x64x64xf32, #tpu.memory_space<hbm>> -> memref<1x1x2x64x64xf32, #tpu.memory_space<hbm>>
    %dma_wait3A_108 = tpu.memref_squeeze %dma_wait3A_107 : memref<1x1x2x64x64xf32, #tpu.memory_space<hbm>> -> memref<2x64x64xf32, #tpu.memory_space<hbm>>
    %dma_wait3A_109 = arith.constant 2 : i32
    %dma_wait3A_110 = arith.constant 0 : i32
    %dma_wait3A_111 = arith.constant 0 : i32
    %dma_wait3A_112 = tpu.memref_slice %arg2[%select_n3A, %select_n3A_32, %dma_wait3A_109, %dma_wait3A_110, %dma_wait3A_111] : memref<4x32x64x64x64xf32, #tpu.memory_space<hbm>> -> memref<1x1x2x64x64xf32, #tpu.memory_space<hbm>>
    %dma_wait3A_113 = tpu.memref_squeeze %dma_wait3A_112 : memref<1x1x2x64x64xf32, #tpu.memory_space<hbm>> -> memref<2x64x64xf32, #tpu.memory_space<hbm>>
    tpu.wait_dma2 semaphore(%arg11 : memref<!tpu.dma_semaphore, #tpu.memory_space<semaphore_mem>>) src(%dma_wait3A_113 : memref<2x64x64xf32, #tpu.memory_space<hbm>>) dst(%arg5 : memref<2x64x64xf32, #tpu.memory_space<vmem>>)
    %scan3A_114 = arith.constant 0 : i32
    %scan3A_115 = arith.constant 64 : i32
    %scan3A_116 = arith.addi %scan3A_114, %scan3A_115 : i32
    %scan3A_117 = arith.constant 1 : i32
    scf.for %scan3A_999 = %scan3A_114 to %scan3A_116 step %scan3A_117  : i32 {
      %mul3A_1000 = arith.constant 1 : i32
      %mul3A_1001 = arith.muli %scan3A_999, %mul3A_1000 : i32
      %add3A_1002 = arith.constant 0 : i32
      %add3A_1003 = arith.addi %add3A_1002, %mul3A_1001 : i32
      %get3A = arith.constant 0 : i32
      %get3A_1004 = arith.index_cast %get3A : i32 to index
      %get3A_1005 = arith.index_cast %add3A_1003 : i32 to index
      %get3A_1006 = arith.constant 0 : index
      %get3A_1007 = tpu.vector_load %arg5[%get3A_1004, %get3A_1005, %get3A_1006] {strides = array<i32>} : memref<2x64x64xf32, #tpu.memory_space<vmem>>, vector<1x1x16xf32>,
      %get3A_1008 = vector.shape_cast %get3A_1007 : vector<1x1x16xf32> to vector<16xf32>
      %get3A_1009 = arith.constant 0 : i32
      %get3A_1010 = arith.index_cast %get3A_1009 : i32 to index
      %get3A_1011 = arith.index_cast %add3A_1003 : i32 to index
      %get3A_1012 = arith.constant 16 : index
      %get3A_1013 = tpu.vector_load %arg5[%get3A_1010, %get3A_1011, %get3A_1012] {strides = array<i32>} : memref<2x64x64xf32, #tpu.memory_space<vmem>>, vector<1x1x16xf32>,
      %get3A_1014 = vector.shape_cast %get3A_1013 : vector<1x1x16xf32> to vector<16xf32>
      %add3A_1015 = arith.addf %get3A_1008, %get3A_1014 : vector<16xf32>
      %get3A_1016 = arith.constant 0 : i32
      %get3A_1017 = arith.index_cast %get3A_1016 : i32 to index
      %get3A_1018 = arith.index_cast %add3A_1003 : i32 to index
      %get3A_1019 = arith.constant 32 : index
      %get3A_1020 = tpu.vector_load %arg5[%get3A_1017, %get3A_1018, %get3A_1019] {strides = array<i32>} : memref<2x64x64xf32, #tpu.memory_space<vmem>>, vector<1x1x16xf32>,
      %get3A_1021 = vector.shape_cast %get3A_1020 : vector<1x1x16xf32> to vector<16xf32>
      %add3A_1022 = arith.addf %add3A_1015, %get3A_1021 : vector<16xf32>
      %get3A_1023 = arith.constant 0 : i32
      %get3A_1024 = arith.index_cast %get3A_1023 : i32 to index
      %get3A_1025 = arith.index_cast %add3A_1003 : i32 to index
      %get3A_1026 = arith.constant 48 : index
      %get3A_1027 = tpu.vector_load %arg5[%get3A_1024, %get3A_1025, %get3A_1026] {strides = array<i32>} : memref<2x64x64xf32, #tpu.memory_space<vmem>>, vector<1x1x16xf32>,
      %get3A_1028 = vector.shape_cast %get3A_1027 : vector<1x1x16xf32> to vector<16xf32>
      %add3A_1029 = arith.addf %add3A_1022, %get3A_1028 : vector<16xf32>
      %get3A_1030 = arith.constant 0 : index
      %get3A_1031 = tpu.vector_load %arg8[%get3A_1030] {strides = array<i32>} : memref<16xf32, #tpu.memory_space<vmem>>, vector<16xf32>,
      %get3A_1032 = vector.shape_cast %get3A_1031 : vector<16xf32> to vector<16xf32>
      %add3A_1033 = arith.addf %get3A_1032, %add3A_1029 : vector<16xf32>
      %swap3A_1034 = arith.constant 0 : index
      %swap3A_1035 = tpu.vector_load %arg8[%swap3A_1034] {strides = array<i32>} : memref<16xf32, #tpu.memory_space<vmem>>, vector<16xf32>,
      %swap3A_1036 = vector.shape_cast %swap3A_1035 : vector<16xf32> to vector<16xf32>
      %swap3A_1037 = vector.shape_cast %add3A_1033 : vector<16xf32> to vector<16xf32>
      tpu.vector_store %arg8[%swap3A_1034], %swap3A_1037 {strides = array<i32>} : memref<16xf32, #tpu.memory_space<vmem>>, vector<16xf32>,
    }
    %scan3A_118 = arith.constant 64 : i32
    %scan3A_119 = arith.constant 0 : i32
    %scan3A_120 = arith.constant 64 : i32
    %scan3A_121 = arith.addi %scan3A_119, %scan3A_120 : i32
    %scan3A_122 = arith.constant 1 : i32
    scf.for %scan3A_999 = %scan3A_119 to %scan3A_121 step %scan3A_122  : i32 {
      %mul3A_1000 = arith.constant 1 : i32
      %mul3A_1001 = arith.muli %scan3A_999, %mul3A_1000 : i32
      %add3A_1002 = arith.constant 0 : i32
      %add3A_1003 = arith.addi %add3A_1002, %mul3A_1001 : i32
      %get3A = arith.constant 1 : i32
      %get3A_1004 = arith.index_cast %get3A : i32 to index
      %get3A_1005 = arith.index_cast %add3A_1003 : i32 to index
      %get3A_1006 = arith.constant 0 : index
      %get3A_1007 = tpu.vector_load %arg5[%get3A_1004, %get3A_1005, %get3A_1006] {strides = array<i32>} : memref<2x64x64xf32, #tpu.memory_space<vmem>>, vector<1x1x16xf32>,
      %get3A_1008 = vector.shape_cast %get3A_1007 : vector<1x1x16xf32> to vector<16xf32>
      %get3A_1009 = arith.constant 1 : i32
      %get3A_1010 = arith.index_cast %get3A_1009 : i32 to index
      %get3A_1011 = arith.index_cast %add3A_1003 : i32 to index
      %get3A_1012 = arith.constant 16 : index
      %get3A_1013 = tpu.vector_load %arg5[%get3A_1010, %get3A_1011, %get3A_1012] {strides = array<i32>} : memref<2x64x64xf32, #tpu.memory_space<vmem>>, vector<1x1x16xf32>,
      %get3A_1014 = vector.shape_cast %get3A_1013 : vector<1x1x16xf32> to vector<16xf32>
      %add3A_1015 = arith.addf %get3A_1008, %get3A_1014 : vector<16xf32>
      %get3A_1016 = arith.constant 1 : i32
      %get3A_1017 = arith.index_cast %get3A_1016 : i32 to index
      %get3A_1018 = arith.index_cast %add3A_1003 : i32 to index
      %get3A_1019 = arith.constant 32 : index
      %get3A_1020 = tpu.vector_load %arg5[%get3A_1017, %get3A_1018, %get3A_1019] {strides = array<i32>} : memref<2x64x64xf32, #tpu.memory_space<vmem>>, vector<1x1x16xf32>,
      %get3A_1021 = vector.shape_cast %get3A_1020 : vector<1x1x16xf32> to vector<16xf32>
      %add3A_1022 = arith.addf %add3A_1015, %get3A_1021 : vector<16xf32>
      %get3A_1023 = arith.constant 1 : i32
      %get3A_1024 = arith.index_cast %get3A_1023 : i32 to index
      %get3A_1025 = arith.index_cast %add3A_1003 : i32 to index
      %get3A_1026 = arith.constant 48 : index
      %get3A_1027 = tpu.vector_load %arg5[%get3A_1024, %get3A_1025, %get3A_1026] {strides = array<i32>} : memref<2x64x64xf32, #tpu.memory_space<vmem>>, vector<1x1x16xf32>,
      %get3A_1028 = vector.shape_cast %get3A_1027 : vector<1x1x16xf32> to vector<16xf32>
      %add3A_1029 = arith.addf %add3A_1022, %get3A_1028 : vector<16xf32>
      %get3A_1030 = arith.constant 0 : index
      %get3A_1031 = tpu.vector_load %arg8[%get3A_1030] {strides = array<i32>} : memref<16xf32, #tpu.memory_space<vmem>>, vector<16xf32>,
      %get3A_1032 = vector.shape_cast %get3A_1031 : vector<16xf32> to vector<16xf32>
      %add3A_1033 = arith.addf %get3A_1032, %add3A_1029 : vector<16xf32>
      %swap3A_1034 = arith.constant 0 : index
      %swap3A_1035 = tpu.vector_load %arg8[%swap3A_1034] {strides = array<i32>} : memref<16xf32, #tpu.memory_space<vmem>>, vector<16xf32>,
      %swap3A_1036 = vector.shape_cast %swap3A_1035 : vector<16xf32> to vector<16xf32>
      %swap3A_1037 = vector.shape_cast %add3A_1033 : vector<16xf32> to vector<16xf32>
      tpu.vector_store %arg8[%swap3A_1034], %swap3A_1037 {strides = array<i32>} : memref<16xf32, #tpu.memory_space<vmem>>, vector<16xf32>,
    }
    %scan3A_123 = arith.constant 64 : i32
    %dma_start3A_124 = arith.constant 10 : i32
    %dma_start3A_125 = arith.constant 0 : i32
    %dma_start3A_126 = arith.constant 0 : i32
    %dma_start3A_127 = tpu.memref_slice %arg2[%select_n3A, %select_n3A_32, %dma_start3A_124, %dma_start3A_125, %dma_start3A_126] : memref<4x32x64x64x64xf32, #tpu.memory_space<hbm>> -> memref<1x1x2x64x64xf32, #tpu.memory_space<hbm>>
    %dma_start3A_128 = tpu.memref_squeeze %dma_start3A_127 : memref<1x1x2x64x64xf32, #tpu.memory_space<hbm>> -> memref<2x64x64xf32, #tpu.memory_space<hbm>>
    %dma_start3A_129 = arith.constant 10 : i32
    %dma_start3A_130 = arith.constant 0 : i32
    %dma_start3A_131 = arith.constant 0 : i32
    %dma_start3A_132 = tpu.memref_slice %arg2[%select_n3A, %select_n3A_32, %dma_start3A_129, %dma_start3A_130, %dma_start3A_131] : memref<4x32x64x64x64xf32, #tpu.memory_space<hbm>> -> memref<1x1x2x64x64xf32, #tpu.memory_space<hbm>>
    %dma_start3A_133 = tpu.memref_squeeze %dma_start3A_132 : memref<1x1x2x64x64xf32, #tpu.memory_space<hbm>> -> memref<2x64x64xf32, #tpu.memory_space<hbm>>
    tpu.enqueue_dma source(%dma_start3A_133 : memref<2x64x64xf32, #tpu.memory_space<hbm>>) target(%arg5 : memref<2x64x64xf32, #tpu.memory_space<vmem>>) target_semaphore(%arg11 : memref<!tpu.dma_semaphore, #tpu.memory_space<semaphore_mem>>)
    %dma_wait3A_134 = arith.constant 4 : i32
    %dma_wait3A_135 = arith.constant 0 : i32
    %dma_wait3A_136 = arith.constant 0 : i32
    %dma_wait3A_137 = tpu.memref_slice %arg2[%select_n3A, %select_n3A_32, %dma_wait3A_134, %dma_wait3A_135, %dma_wait3A_136] : memref<4x32x64x64x64xf32, #tpu.memory_space<hbm>> -> memref<1x1x2x64x64xf32, #tpu.memory_space<hbm>>
    %dma_wait3A_138 = tpu.memref_squeeze %dma_wait3A_137 : memref<1x1x2x64x64xf32, #tpu.memory_space<hbm>> -> memref<2x64x64xf32, #tpu.memory_space<hbm>>
    %dma_wait3A_139 = arith.constant 4 : i32
    %dma_wait3A_140 = arith.constant 0 : i32
    %dma_wait3A_141 = arith.constant 0 : i32
    %dma_wait3A_142 = tpu.memref_slice %arg2[%select_n3A, %select_n3A_32, %dma_wait3A_139, %dma_wait3A_140, %dma_wait3A_141] : memref<4x32x64x64x64xf32, #tpu.memory_space<hbm>> -> memref<1x1x2x64x64xf32, #tpu.memory_space<hbm>>
    %dma_wait3A_143 = tpu.memref_squeeze %dma_wait3A_142 : memref<1x1x2x64x64xf32, #tpu.memory_space<hbm>> -> memref<2x64x64xf32, #tpu.memory_space<hbm>>
    tpu.wait_dma2 semaphore(%arg12 : memref<!tpu.dma_semaphore, #tpu.memory_space<semaphore_mem>>) src(%dma_wait3A_143 : memref<2x64x64xf32, #tpu.memory_space<hbm>>) dst(%arg6 : memref<2x64x64xf32, #tpu.memory_space<vmem>>)
    %scan3A_144 = arith.constant 0 : i32
    %scan3A_145 = arith.constant 64 : i32
    %scan3A_146 = arith.addi %scan3A_144, %scan3A_145 : i32
    %scan3A_147 = arith.constant 1 : i32
    scf.for %scan3A_999 = %scan3A_144 to %scan3A_146 step %scan3A_147  : i32 {
      %mul3A_1000 = arith.constant 1 : i32
      %mul3A_1001 = arith.muli %scan3A_999, %mul3A_1000 : i32
      %add3A_1002 = arith.constant 0 : i32
      %add3A_1003 = arith.addi %add3A_1002, %mul3A_1001 : i32
      %get3A = arith.constant 0 : i32
      %get3A_1004 = arith.index_cast %get3A : i32 to index
      %get3A_1005 = arith.index_cast %add3A_1003 : i32 to index
      %get3A_1006 = arith.constant 0 : index
      %get3A_1007 = tpu.vector_load %arg6[%get3A_1004, %get3A_1005, %get3A_1006] {strides = array<i32>} : memref<2x64x64xf32, #tpu.memory_space<vmem>>, vector<1x1x16xf32>,
      %get3A_1008 = vector.shape_cast %get3A_1007 : vector<1x1x16xf32> to vector<16xf32>
      %get3A_1009 = arith.constant 0 : i32
      %get3A_1010 = arith.index_cast %get3A_1009 : i32 to index
      %get3A_1011 = arith.index_cast %add3A_1003 : i32 to index
      %get3A_1012 = arith.constant 16 : index
      %get3A_1013 = tpu.vector_load %arg6[%get3A_1010, %get3A_1011, %get3A_1012] {strides = array<i32>} : memref<2x64x64xf32, #tpu.memory_space<vmem>>, vector<1x1x16xf32>,
      %get3A_1014 = vector.shape_cast %get3A_1013 : vector<1x1x16xf32> to vector<16xf32>
      %add3A_1015 = arith.addf %get3A_1008, %get3A_1014 : vector<16xf32>
      %get3A_1016 = arith.constant 0 : i32
      %get3A_1017 = arith.index_cast %get3A_1016 : i32 to index
      %get3A_1018 = arith.index_cast %add3A_1003 : i32 to index
      %get3A_1019 = arith.constant 32 : index
      %get3A_1020 = tpu.vector_load %arg6[%get3A_1017, %get3A_1018, %get3A_1019] {strides = array<i32>} : memref<2x64x64xf32, #tpu.memory_space<vmem>>, vector<1x1x16xf32>,
      %get3A_1021 = vector.shape_cast %get3A_1020 : vector<1x1x16xf32> to vector<16xf32>
      %add3A_1022 = arith.addf %add3A_1015, %get3A_1021 : vector<16xf32>
      %get3A_1023 = arith.constant 0 : i32
      %get3A_1024 = arith.index_cast %get3A_1023 : i32 to index
      %get3A_1025 = arith.index_cast %add3A_1003 : i32 to index
      %get3A_1026 = arith.constant 48 : index
      %get3A_1027 = tpu.vector_load %arg6[%get3A_1024, %get3A_1025, %get3A_1026] {strides = array<i32>} : memref<2x64x64xf32, #tpu.memory_space<vmem>>, vector<1x1x16xf32>,
      %get3A_1028 = vector.shape_cast %get3A_1027 : vector<1x1x16xf32> to vector<16xf32>
      %add3A_1029 = arith.addf %add3A_1022, %get3A_1028 : vector<16xf32>
      %get3A_1030 = arith.constant 0 : index
      %get3A_1031 = tpu.vector_load %arg8[%get3A_1030] {strides = array<i32>} : memref<16xf32, #tpu.memory_space<vmem>>, vector<16xf32>,
      %get3A_1032 = vector.shape_cast %get3A_1031 : vector<16xf32> to vector<16xf32>
      %add3A_1033 = arith.addf %get3A_1032, %add3A_1029 : vector<16xf32>
      %swap3A_1034 = arith.constant 0 : index
      %swap3A_1035 = tpu.vector_load %arg8[%swap3A_1034] {strides = array<i32>} : memref<16xf32, #tpu.memory_space<vmem>>, vector<16xf32>,
      %swap3A_1036 = vector.shape_cast %swap3A_1035 : vector<16xf32> to vector<16xf32>
      %swap3A_1037 = vector.shape_cast %add3A_1033 : vector<16xf32> to vector<16xf32>
      tpu.vector_store %arg8[%swap3A_1034], %swap3A_1037 {strides = array<i32>} : memref<16xf32, #tpu.memory_space<vmem>>, vector<16xf32>,
    }
    %scan3A_148 = arith.constant 64 : i32
    %scan3A_149 = arith.constant 0 : i32
    %scan3A_150 = arith.constant 64 : i32
    %scan3A_151 = arith.addi %scan3A_149, %scan3A_150 : i32
    %scan3A_152 = arith.constant 1 : i32
    scf.for %scan3A_999 = %scan3A_149 to %scan3A_151 step %scan3A_152  : i32 {
      %mul3A_1000 = arith.constant 1 : i32
      %mul3A_1001 = arith.muli %scan3A_999, %mul3A_1000 : i32
      %add3A_1002 = arith.constant 0 : i32
      %add3A_1003 = arith.addi %add3A_1002, %mul3A_1001 : i32
      %get3A = arith.constant 1 : i32
      %get3A_1004 = arith.index_cast %get3A : i32 to index
      %get3A_1005 = arith.index_cast %add3A_1003 : i32 to index
      %get3A_1006 = arith.constant 0 : index
      %get3A_1007 = tpu.vector_load %arg6[%get3A_1004, %get3A_1005, %get3A_1006] {strides = array<i32>} : memref<2x64x64xf32, #tpu.memory_space<vmem>>, vector<1x1x16xf32>,
      %get3A_1008 = vector.shape_cast %get3A_1007 : vector<1x1x16xf32> to vector<16xf32>
      %get3A_1009 = arith.constant 1 : i32
      %get3A_1010 = arith.index_cast %get3A_1009 : i32 to index
      %get3A_1011 = arith.index_cast %add3A_1003 : i32 to index
      %get3A_1012 = arith.constant 16 : index
      %get3A_1013 = tpu.vector_load %arg6[%get3A_1010, %get3A_1011, %get3A_1012] {strides = array<i32>} : memref<2x64x64xf32, #tpu.memory_space<vmem>>, vector<1x1x16xf32>,
      %get3A_1014 = vector.shape_cast %get3A_1013 : vector<1x1x16xf32> to vector<16xf32>
      %add3A_1015 = arith.addf %get3A_1008, %get3A_1014 : vector<16xf32>
      %get3A_1016 = arith.constant 1 : i32
      %get3A_1017 = arith.index_cast %get3A_1016 : i32 to index
      %get3A_1018 = arith.index_cast %add3A_1003 : i32 to index
      %get3A_1019 = arith.constant 32 : index
      %get3A_1020 = tpu.vector_load %arg6[%get3A_1017, %get3A_1018, %get3A_1019] {strides = array<i32>} : memref<2x64x64xf32, #tpu.memory_space<vmem>>, vector<1x1x16xf32>,
      %get3A_1021 = vector.shape_cast %get3A_1020 : vector<1x1x16xf32> to vector<16xf32>
      %add3A_1022 = arith.addf %add3A_1015, %get3A_1021 : vector<16xf32>
      %get3A_1023 = arith.constant 1 : i32
      %get3A_1024 = arith.index_cast %get3A_1023 : i32 to index
      %get3A_1025 = arith.index_cast %add3A_1003 : i32 to index
      %get3A_1026 = arith.constant 48 : index
      %get3A_1027 = tpu.vector_load %arg6[%get3A_1024, %get3A_1025, %get3A_1026] {strides = array<i32>} : memref<2x64x64xf32, #tpu.memory_space<vmem>>, vector<1x1x16xf32>,
      %get3A_1028 = vector.shape_cast %get3A_1027 : vector<1x1x16xf32> to vector<16xf32>
      %add3A_1029 = arith.addf %add3A_1022, %get3A_1028 : vector<16xf32>
      %get3A_1030 = arith.constant 0 : index
      %get3A_1031 = tpu.vector_load %arg8[%get3A_1030] {strides = array<i32>} : memref<16xf32, #tpu.memory_space<vmem>>, vector<16xf32>,
      %get3A_1032 = vector.shape_cast %get3A_1031 : vector<16xf32> to vector<16xf32>
      %add3A_1033 = arith.addf %get3A_1032, %add3A_1029 : vector<16xf32>
      %swap3A_1034 = arith.constant 0 : index
      %swap3A_1035 = tpu.vector_load %arg8[%swap3A_1034] {strides = array<i32>} : memref<16xf32, #tpu.memory_space<vmem>>, vector<16xf32>,
      %swap3A_1036 = vector.shape_cast %swap3A_1035 : vector<16xf32> to vector<16xf32>
      %swap3A_1037 = vector.shape_cast %add3A_1033 : vector<16xf32> to vector<16xf32>
      tpu.vector_store %arg8[%swap3A_1034], %swap3A_1037 {strides = array<i32>} : memref<16xf32, #tpu.memory_space<vmem>>, vector<16xf32>,
    }
    %scan3A_153 = arith.constant 64 : i32
    %dma_start3A_154 = arith.constant 12 : i32
    %dma_start3A_155 = arith.constant 0 : i32
    %dma_start3A_156 = arith.constant 0 : i32
    %dma_start3A_157 = tpu.memref_slice %arg2[%select_n3A, %select_n3A_32, %dma_start3A_154, %dma_start3A_155, %dma_start3A_156] : memref<4x32x64x64x64xf32, #tpu.memory_space<hbm>> -> memref<1x1x2x64x64xf32, #tpu.memory_space<hbm>>
    %dma_start3A_158 = tpu.memref_squeeze %dma_start3A_157 : memref<1x1x2x64x64xf32, #tpu.memory_space<hbm>> -> memref<2x64x64xf32, #tpu.memory_space<hbm>>
    %dma_start3A_159 = arith.constant 12 : i32
    %dma_start3A_160 = arith.constant 0 : i32
    %dma_start3A_161 = arith.constant 0 : i32
    %dma_start3A_162 = tpu.memref_slice %arg2[%select_n3A, %select_n3A_32, %dma_start3A_159, %dma_start3A_160, %dma_start3A_161] : memref<4x32x64x64x64xf32, #tpu.memory_space<hbm>> -> memref<1x1x2x64x64xf32, #tpu.memory_space<hbm>>
    %dma_start3A_163 = tpu.memref_squeeze %dma_start3A_162 : memref<1x1x2x64x64xf32, #tpu.memory_space<hbm>> -> memref<2x64x64xf32, #tpu.memory_space<hbm>>
    tpu.enqueue_dma source(%dma_start3A_163 : memref<2x64x64xf32, #tpu.memory_space<hbm>>) target(%arg6 : memref<2x64x64xf32, #tpu.memory_space<vmem>>) target_semaphore(%arg12 : memref<!tpu.dma_semaphore, #tpu.memory_space<semaphore_mem>>)
    %dma_wait3A_164 = arith.constant 6 : i32
    %dma_wait3A_165 = arith.constant 0 : i32
    %dma_wait3A_166 = arith.constant 0 : i32
    %dma_wait3A_167 = tpu.memref_slice %arg2[%select_n3A, %select_n3A_32, %dma_wait3A_164, %dma_wait3A_165, %dma_wait3A_166] : memref<4x32x64x64x64xf32, #tpu.memory_space<hbm>> -> memref<1x1x2x64x64xf32, #tpu.memory_space<hbm>>
    %dma_wait3A_168 = tpu.memref_squeeze %dma_wait3A_167 : memref<1x1x2x64x64xf32, #tpu.memory_space<hbm>> -> memref<2x64x64xf32, #tpu.memory_space<hbm>>
    %dma_wait3A_169 = arith.constant 6 : i32
    %dma_wait3A_170 = arith.constant 0 : i32
    %dma_wait3A_171 = arith.constant 0 : i32
    %dma_wait3A_172 = tpu.memref_slice %arg2[%select_n3A, %select_n3A_32, %dma_wait3A_169, %dma_wait3A_170, %dma_wait3A_171] : memref<4x32x64x64x64xf32, #tpu.memory_space<hbm>> -> memref<1x1x2x64x64xf32, #tpu.memory_space<hbm>>
    %dma_wait3A_173 = tpu.memref_squeeze %dma_wait3A_172 : memref<1x1x2x64x64xf32, #tpu.memory_space<hbm>> -> memref<2x64x64xf32, #tpu.memory_space<hbm>>
    tpu.wait_dma2 semaphore(%arg13 : memref<!tpu.dma_semaphore, #tpu.memory_space<semaphore_mem>>) src(%dma_wait3A_173 : memref<2x64x64xf32, #tpu.memory_space<hbm>>) dst(%arg7 : memref<2x64x64xf32, #tpu.memory_space<vmem>>)
    %scan3A_174 = arith.constant 0 : i32
    %scan3A_175 = arith.constant 64 : i32
    %scan3A_176 = arith.addi %scan3A_174, %scan3A_175 : i32
    %scan3A_177 = arith.constant 1 : i32
    scf.for %scan3A_999 = %scan3A_174 to %scan3A_176 step %scan3A_177  : i32 {
      %mul3A_1000 = arith.constant 1 : i32
      %mul3A_1001 = arith.muli %scan3A_999, %mul3A_1000 : i32
      %add3A_1002 = arith.constant 0 : i32
      %add3A_1003 = arith.addi %add3A_1002, %mul3A_1001 : i32
      %get3A = arith.constant 0 : i32
      %get3A_1004 = arith.index_cast %get3A : i32 to index
      %get3A_1005 = arith.index_cast %add3A_1003 : i32 to index
      %get3A_1006 = arith.constant 0 : index
      %get3A_1007 = tpu.vector_load %arg7[%get3A_1004, %get3A_1005, %get3A_1006] {strides = array<i32>} : memref<2x64x64xf32, #tpu.memory_space<vmem>>, vector<1x1x16xf32>,
      %get3A_1008 = vector.shape_cast %get3A_1007 : vector<1x1x16xf32> to vector<16xf32>
      %get3A_1009 = arith.constant 0 : i32
      %get3A_1010 = arith.index_cast %get3A_1009 : i32 to index
      %get3A_1011 = arith.index_cast %add3A_1003 : i32 to index
      %get3A_1012 = arith.constant 16 : index
      %get3A_1013 = tpu.vector_load %arg7[%get3A_1010, %get3A_1011, %get3A_1012] {strides = array<i32>} : memref<2x64x64xf32, #tpu.memory_space<vmem>>, vector<1x1x16xf32>,
      %get3A_1014 = vector.shape_cast %get3A_1013 : vector<1x1x16xf32> to vector<16xf32>
      %add3A_1015 = arith.addf %get3A_1008, %get3A_1014 : vector<16xf32>
      %get3A_1016 = arith.constant 0 : i32
      %get3A_1017 = arith.index_cast %get3A_1016 : i32 to index
      %get3A_1018 = arith.index_cast %add3A_1003 : i32 to index
      %get3A_1019 = arith.constant 32 : index
      %get3A_1020 = tpu.vector_load %arg7[%get3A_1017, %get3A_1018, %get3A_1019] {strides = array<i32>} : memref<2x64x64xf32, #tpu.memory_space<vmem>>, vector<1x1x16xf32>,
      %get3A_1021 = vector.shape_cast %get3A_1020 : vector<1x1x16xf32> to vector<16xf32>
      %add3A_1022 = arith.addf %add3A_1015, %get3A_1021 : vector<16xf32>
      %get3A_1023 = arith.constant 0 : i32
      %get3A_1024 = arith.index_cast %get3A_1023 : i32 to index
      %get3A_1025 = arith.index_cast %add3A_1003 : i32 to index
      %get3A_1026 = arith.constant 48 : index
      %get3A_1027 = tpu.vector_load %arg7[%get3A_1024, %get3A_1025, %get3A_1026] {strides = array<i32>} : memref<2x64x64xf32, #tpu.memory_space<vmem>>, vector<1x1x16xf32>,
      %get3A_1028 = vector.shape_cast %get3A_1027 : vector<1x1x16xf32> to vector<16xf32>
      %add3A_1029 = arith.addf %add3A_1022, %get3A_1028 : vector<16xf32>
      %get3A_1030 = arith.constant 0 : index
      %get3A_1031 = tpu.vector_load %arg8[%get3A_1030] {strides = array<i32>} : memref<16xf32, #tpu.memory_space<vmem>>, vector<16xf32>,
      %get3A_1032 = vector.shape_cast %get3A_1031 : vector<16xf32> to vector<16xf32>
      %add3A_1033 = arith.addf %get3A_1032, %add3A_1029 : vector<16xf32>
      %swap3A_1034 = arith.constant 0 : index
      %swap3A_1035 = tpu.vector_load %arg8[%swap3A_1034] {strides = array<i32>} : memref<16xf32, #tpu.memory_space<vmem>>, vector<16xf32>,
      %swap3A_1036 = vector.shape_cast %swap3A_1035 : vector<16xf32> to vector<16xf32>
      %swap3A_1037 = vector.shape_cast %add3A_1033 : vector<16xf32> to vector<16xf32>
      tpu.vector_store %arg8[%swap3A_1034], %swap3A_1037 {strides = array<i32>} : memref<16xf32, #tpu.memory_space<vmem>>, vector<16xf32>,
    }
    %scan3A_178 = arith.constant 64 : i32
    %scan3A_179 = arith.constant 0 : i32
    %scan3A_180 = arith.constant 64 : i32
    %scan3A_181 = arith.addi %scan3A_179, %scan3A_180 : i32
    %scan3A_182 = arith.constant 1 : i32
    scf.for %scan3A_999 = %scan3A_179 to %scan3A_181 step %scan3A_182  : i32 {
      %mul3A_1000 = arith.constant 1 : i32
      %mul3A_1001 = arith.muli %scan3A_999, %mul3A_1000 : i32
      %add3A_1002 = arith.constant 0 : i32
      %add3A_1003 = arith.addi %add3A_1002, %mul3A_1001 : i32
      %get3A = arith.constant 1 : i32
      %get3A_1004 = arith.index_cast %get3A : i32 to index
      %get3A_1005 = arith.index_cast %add3A_1003 : i32 to index
      %get3A_1006 = arith.constant 0 : index
      %get3A_1007 = tpu.vector_load %arg7[%get3A_1004, %get3A_1005, %get3A_1006] {strides = array<i32>} : memref<2x64x64xf32, #tpu.memory_space<vmem>>, vector<1x1x16xf32>,
      %get3A_1008 = vector.shape_cast %get3A_1007 : vector<1x1x16xf32> to vector<16xf32>
      %get3A_1009 = arith.constant 1 : i32
      %get3A_1010 = arith.index_cast %get3A_1009 : i32 to index
      %get3A_1011 = arith.index_cast %add3A_1003 : i32 to index
      %get3A_1012 = arith.constant 16 : index
      %get3A_1013 = tpu.vector_load %arg7[%get3A_1010, %get3A_1011, %get3A_1012] {strides = array<i32>} : memref<2x64x64xf32, #tpu.memory_space<vmem>>, vector<1x1x16xf32>,
      %get3A_1014 = vector.shape_cast %get3A_1013 : vector<1x1x16xf32> to vector<16xf32>
      %add3A_1015 = arith.addf %get3A_1008, %get3A_1014 : vector<16xf32>
      %get3A_1016 = arith.constant 1 : i32
      %get3A_1017 = arith.index_cast %get3A_1016 : i32 to index
      %get3A_1018 = arith.index_cast %add3A_1003 : i32 to index
      %get3A_1019 = arith.constant 32 : index
      %get3A_1020 = tpu.vector_load %arg7[%get3A_1017, %get3A_1018, %get3A_1019] {strides = array<i32>} : memref<2x64x64xf32, #tpu.memory_space<vmem>>, vector<1x1x16xf32>,
      %get3A_1021 = vector.shape_cast %get3A_1020 : vector<1x1x16xf32> to vector<16xf32>
      %add3A_1022 = arith.addf %add3A_1015, %get3A_1021 : vector<16xf32>
      %get3A_1023 = arith.constant 1 : i32
      %get3A_1024 = arith.index_cast %get3A_1023 : i32 to index
      %get3A_1025 = arith.index_cast %add3A_1003 : i32 to index
      %get3A_1026 = arith.constant 48 : index
      %get3A_1027 = tpu.vector_load %arg7[%get3A_1024, %get3A_1025, %get3A_1026] {strides = array<i32>} : memref<2x64x64xf32, #tpu.memory_space<vmem>>, vector<1x1x16xf32>,
      %get3A_1028 = vector.shape_cast %get3A_1027 : vector<1x1x16xf32> to vector<16xf32>
      %add3A_1029 = arith.addf %add3A_1022, %get3A_1028 : vector<16xf32>
      %get3A_1030 = arith.constant 0 : index
      %get3A_1031 = tpu.vector_load %arg8[%get3A_1030] {strides = array<i32>} : memref<16xf32, #tpu.memory_space<vmem>>, vector<16xf32>,
      %get3A_1032 = vector.shape_cast %get3A_1031 : vector<16xf32> to vector<16xf32>
      %add3A_1033 = arith.addf %get3A_1032, %add3A_1029 : vector<16xf32>
      %swap3A_1034 = arith.constant 0 : index
      %swap3A_1035 = tpu.vector_load %arg8[%swap3A_1034] {strides = array<i32>} : memref<16xf32, #tpu.memory_space<vmem>>, vector<16xf32>,
      %swap3A_1036 = vector.shape_cast %swap3A_1035 : vector<16xf32> to vector<16xf32>
      %swap3A_1037 = vector.shape_cast %add3A_1033 : vector<16xf32> to vector<16xf32>
      tpu.vector_store %arg8[%swap3A_1034], %swap3A_1037 {strides = array<i32>} : memref<16xf32, #tpu.memory_space<vmem>>, vector<16xf32>,
    }
    %scan3A_183 = arith.constant 64 : i32
    %dma_start3A_184 = arith.constant 14 : i32
    %dma_start3A_185 = arith.constant 0 : i32
    %dma_start3A_186 = arith.constant 0 : i32
    %dma_start3A_187 = tpu.memref_slice %arg2[%select_n3A, %select_n3A_32, %dma_start3A_184, %dma_start3A_185, %dma_start3A_186] : memref<4x32x64x64x64xf32, #tpu.memory_space<hbm>> -> memref<1x1x2x64x64xf32, #tpu.memory_space<hbm>>
    %dma_start3A_188 = tpu.memref_squeeze %dma_start3A_187 : memref<1x1x2x64x64xf32, #tpu.memory_space<hbm>> -> memref<2x64x64xf32, #tpu.memory_space<hbm>>
    %dma_start3A_189 = arith.constant 14 : i32
    %dma_start3A_190 = arith.constant 0 : i32
    %dma_start3A_191 = arith.constant 0 : i32
    %dma_start3A_192 = tpu.memref_slice %arg2[%select_n3A, %select_n3A_32, %dma_start3A_189, %dma_start3A_190, %dma_start3A_191] : memref<4x32x64x64x64xf32, #tpu.memory_space<hbm>> -> memref<1x1x2x64x64xf32, #tpu.memory_space<hbm>>
    %dma_start3A_193 = tpu.memref_squeeze %dma_start3A_192 : memref<1x1x2x64x64xf32, #tpu.memory_space<hbm>> -> memref<2x64x64xf32, #tpu.memory_space<hbm>>
    tpu.enqueue_dma source(%dma_start3A_193 : memref<2x64x64xf32, #tpu.memory_space<hbm>>) target(%arg7 : memref<2x64x64xf32, #tpu.memory_space<vmem>>) target_semaphore(%arg13 : memref<!tpu.dma_semaphore, #tpu.memory_space<semaphore_mem>>)
    %dma_wait3A_194 = arith.constant 8 : i32
    %dma_wait3A_195 = arith.constant 0 : i32
    %dma_wait3A_196 = arith.constant 0 : i32
    %dma_wait3A_197 = tpu.memref_slice %arg2[%select_n3A, %select_n3A_32, %dma_wait3A_194, %dma_wait3A_195, %dma_wait3A_196] : memref<4x32x64x64x64xf32, #tpu.memory_space<hbm>> -> memref<1x1x2x64x64xf32, #tpu.memory_space<hbm>>
    %dma_wait3A_198 = tpu.memref_squeeze %dma_wait3A_197 : memref<1x1x2x64x64xf32, #tpu.memory_space<hbm>> -> memref<2x64x64xf32, #tpu.memory_space<hbm>>
    %dma_wait3A_199 = arith.constant 8 : i32
    %dma_wait3A_200 = arith.constant 0 : i32
    %dma_wait3A_201 = arith.constant 0 : i32
    %dma_wait3A_202 = tpu.memref_slice %arg2[%select_n3A, %select_n3A_32, %dma_wait3A_199, %dma_wait3A_200, %dma_wait3A_201] : memref<4x32x64x64x64xf32, #tpu.memory_space<hbm>> -> memref<1x1x2x64x64xf32, #tpu.memory_space<hbm>>
    %dma_wait3A_203 = tpu.memref_squeeze %dma_wait3A_202 : memref<1x1x2x64x64xf32, #tpu.memory_space<hbm>> -> memref<2x64x64xf32, #tpu.memory_space<hbm>>
    tpu.wait_dma2 semaphore(%arg10 : memref<!tpu.dma_semaphore, #tpu.memory_space<semaphore_mem>>) src(%dma_wait3A_203 : memref<2x64x64xf32, #tpu.memory_space<hbm>>) dst(%arg4 : memref<2x64x64xf32, #tpu.memory_space<vmem>>)
    %scan3A_204 = arith.constant 0 : i32
    %scan3A_205 = arith.constant 64 : i32
    %scan3A_206 = arith.addi %scan3A_204, %scan3A_205 : i32
    %scan3A_207 = arith.constant 1 : i32
    scf.for %scan3A_999 = %scan3A_204 to %scan3A_206 step %scan3A_207  : i32 {
      %mul3A_1000 = arith.constant 1 : i32
      %mul3A_1001 = arith.muli %scan3A_999, %mul3A_1000 : i32
      %add3A_1002 = arith.constant 0 : i32
      %add3A_1003 = arith.addi %add3A_1002, %mul3A_1001 : i32
      %get3A = arith.constant 0 : i32
      %get3A_1004 = arith.index_cast %get3A : i32 to index
      %get3A_1005 = arith.index_cast %add3A_1003 : i32 to index
      %get3A_1006 = arith.constant 0 : index
      %get3A_1007 = tpu.vector_load %arg4[%get3A_1004, %get3A_1005, %get3A_1006] {strides = array<i32>} : memref<2x64x64xf32, #tpu.memory_space<vmem>>, vector<1x1x16xf32>,
      %get3A_1008 = vector.shape_cast %get3A_1007 : vector<1x1x16xf32> to vector<16xf32>
      %get3A_1009 = arith.constant 0 : i32
      %get3A_1010 = arith.index_cast %get3A_1009 : i32 to index
      %get3A_1011 = arith.index_cast %add3A_1003 : i32 to index
      %get3A_1012 = arith.constant 16 : index
      %get3A_1013 = tpu.vector_load %arg4[%get3A_1010, %get3A_1011, %get3A_1012] {strides = array<i32>} : memref<2x64x64xf32, #tpu.memory_space<vmem>>, vector<1x1x16xf32>,
      %get3A_1014 = vector.shape_cast %get3A_1013 : vector<1x1x16xf32> to vector<16xf32>
      %add3A_1015 = arith.addf %get3A_1008, %get3A_1014 : vector<16xf32>
      %get3A_1016 = arith.constant 0 : i32
      %get3A_1017 = arith.index_cast %get3A_1016 : i32 to index
      %get3A_1018 = arith.index_cast %add3A_1003 : i32 to index
      %get3A_1019 = arith.constant 32 : index
      %get3A_1020 = tpu.vector_load %arg4[%get3A_1017, %get3A_1018, %get3A_1019] {strides = array<i32>} : memref<2x64x64xf32, #tpu.memory_space<vmem>>, vector<1x1x16xf32>,
      %get3A_1021 = vector.shape_cast %get3A_1020 : vector<1x1x16xf32> to vector<16xf32>
      %add3A_1022 = arith.addf %add3A_1015, %get3A_1021 : vector<16xf32>
      %get3A_1023 = arith.constant 0 : i32
      %get3A_1024 = arith.index_cast %get3A_1023 : i32 to index
      %get3A_1025 = arith.index_cast %add3A_1003 : i32 to index
      %get3A_1026 = arith.constant 48 : index
      %get3A_1027 = tpu.vector_load %arg4[%get3A_1024, %get3A_1025, %get3A_1026] {strides = array<i32>} : memref<2x64x64xf32, #tpu.memory_space<vmem>>, vector<1x1x16xf32>,
      %get3A_1028 = vector.shape_cast %get3A_1027 : vector<1x1x16xf32> to vector<16xf32>
      %add3A_1029 = arith.addf %add3A_1022, %get3A_1028 : vector<16xf32>
      %get3A_1030 = arith.constant 0 : index
      %get3A_1031 = tpu.vector_load %arg8[%get3A_1030] {strides = array<i32>} : memref<16xf32, #tpu.memory_space<vmem>>, vector<16xf32>,
      %get3A_1032 = vector.shape_cast %get3A_1031 : vector<16xf32> to vector<16xf32>
      %add3A_1033 = arith.addf %get3A_1032, %add3A_1029 : vector<16xf32>
      %swap3A_1034 = arith.constant 0 : index
      %swap3A_1035 = tpu.vector_load %arg8[%swap3A_1034] {strides = array<i32>} : memref<16xf32, #tpu.memory_space<vmem>>, vector<16xf32>,
      %swap3A_1036 = vector.shape_cast %swap3A_1035 : vector<16xf32> to vector<16xf32>
      %swap3A_1037 = vector.shape_cast %add3A_1033 : vector<16xf32> to vector<16xf32>
      tpu.vector_store %arg8[%swap3A_1034], %swap3A_1037 {strides = array<i32>} : memref<16xf32, #tpu.memory_space<vmem>>, vector<16xf32>,
    }
    %scan3A_208 = arith.constant 64 : i32
    %scan3A_209 = arith.constant 0 : i32
    %scan3A_210 = arith.constant 64 : i32
    %scan3A_211 = arith.addi %scan3A_209, %scan3A_210 : i32
    %scan3A_212 = arith.constant 1 : i32
    scf.for %scan3A_999 = %scan3A_209 to %scan3A_211 step %scan3A_212  : i32 {
      %mul3A_1000 = arith.constant 1 : i32
      %mul3A_1001 = arith.muli %scan3A_999, %mul3A_1000 : i32
      %add3A_1002 = arith.constant 0 : i32
      %add3A_1003 = arith.addi %add3A_1002, %mul3A_1001 : i32
      %get3A = arith.constant 1 : i32
      %get3A_1004 = arith.index_cast %get3A : i32 to index
      %get3A_1005 = arith.index_cast %add3A_1003 : i32 to index
      %get3A_1006 = arith.constant 0 : index
      %get3A_1007 = tpu.vector_load %arg4[%get3A_1004, %get3A_1005, %get3A_1006] {strides = array<i32>} : memref<2x64x64xf32, #tpu.memory_space<vmem>>, vector<1x1x16xf32>,
      %get3A_1008 = vector.shape_cast %get3A_1007 : vector<1x1x16xf32> to vector<16xf32>
      %get3A_1009 = arith.constant 1 : i32
      %get3A_1010 = arith.index_cast %get3A_1009 : i32 to index
      %get3A_1011 = arith.index_cast %add3A_1003 : i32 to index
      %get3A_1012 = arith.constant 16 : index
      %get3A_1013 = tpu.vector_load %arg4[%get3A_1010, %get3A_1011, %get3A_1012] {strides = array<i32>} : memref<2x64x64xf32, #tpu.memory_space<vmem>>, vector<1x1x16xf32>,
      %get3A_1014 = vector.shape_cast %get3A_1013 : vector<1x1x16xf32> to vector<16xf32>
      %add3A_1015 = arith.addf %get3A_1008, %get3A_1014 : vector<16xf32>
      %get3A_1016 = arith.constant 1 : i32
      %get3A_1017 = arith.index_cast %get3A_1016 : i32 to index
      %get3A_1018 = arith.index_cast %add3A_1003 : i32 to index
      %get3A_1019 = arith.constant 32 : index
      %get3A_1020 = tpu.vector_load %arg4[%get3A_1017, %get3A_1018, %get3A_1019] {strides = array<i32>} : memref<2x64x64xf32, #tpu.memory_space<vmem>>, vector<1x1x16xf32>,
      %get3A_1021 = vector.shape_cast %get3A_1020 : vector<1x1x16xf32> to vector<16xf32>
      %add3A_1022 = arith.addf %add3A_1015, %get3A_1021 : vector<16xf32>
      %get3A_1023 = arith.constant 1 : i32
      %get3A_1024 = arith.index_cast %get3A_1023 : i32 to index
      %get3A_1025 = arith.index_cast %add3A_1003 : i32 to index
      %get3A_1026 = arith.constant 48 : index
      %get3A_1027 = tpu.vector_load %arg4[%get3A_1024, %get3A_1025, %get3A_1026] {strides = array<i32>} : memref<2x64x64xf32, #tpu.memory_space<vmem>>, vector<1x1x16xf32>,
      %get3A_1028 = vector.shape_cast %get3A_1027 : vector<1x1x16xf32> to vector<16xf32>
      %add3A_1029 = arith.addf %add3A_1022, %get3A_1028 : vector<16xf32>
      %get3A_1030 = arith.constant 0 : index
      %get3A_1031 = tpu.vector_load %arg8[%get3A_1030] {strides = array<i32>} : memref<16xf32, #tpu.memory_space<vmem>>, vector<16xf32>,
      %get3A_1032 = vector.shape_cast %get3A_1031 : vector<16xf32> to vector<16xf32>
      %add3A_1033 = arith.addf %get3A_1032, %add3A_1029 : vector<16xf32>
      %swap3A_1034 = arith.constant 0 : index
      %swap3A_1035 = tpu.vector_load %arg8[%swap3A_1034] {strides = array<i32>} : memref<16xf32, #tpu.memory_space<vmem>>, vector<16xf32>,
      %swap3A_1036 = vector.shape_cast %swap3A_1035 : vector<16xf32> to vector<16xf32>
      %swap3A_1037 = vector.shape_cast %add3A_1033 : vector<16xf32> to vector<16xf32>
      tpu.vector_store %arg8[%swap3A_1034], %swap3A_1037 {strides = array<i32>} : memref<16xf32, #tpu.memory_space<vmem>>, vector<16xf32>,
    }
    %scan3A_213 = arith.constant 64 : i32
    %dma_start3A_214 = arith.constant 16 : i32
    %dma_start3A_215 = arith.constant 0 : i32
    %dma_start3A_216 = arith.constant 0 : i32
    %dma_start3A_217 = tpu.memref_slice %arg2[%select_n3A, %select_n3A_32, %dma_start3A_214, %dma_start3A_215, %dma_start3A_216] : memref<4x32x64x64x64xf32, #tpu.memory_space<hbm>> -> memref<1x1x2x64x64xf32, #tpu.memory_space<hbm>>
    %dma_start3A_218 = tpu.memref_squeeze %dma_start3A_217 : memref<1x1x2x64x64xf32, #tpu.memory_space<hbm>> -> memref<2x64x64xf32, #tpu.memory_space<hbm>>
    %dma_start3A_219 = arith.constant 16 : i32
    %dma_start3A_220 = arith.constant 0 : i32
    %dma_start3A_221 = arith.constant 0 : i32
    %dma_start3A_222 = tpu.memref_slice %arg2[%select_n3A, %select_n3A_32, %dma_start3A_219, %dma_start3A_220, %dma_start3A_221] : memref<4x32x64x64x64xf32, #tpu.memory_space<hbm>> -> memref<1x1x2x64x64xf32, #tpu.memory_space<hbm>>
    %dma_start3A_223 = tpu.memref_squeeze %dma_start3A_222 : memref<1x1x2x64x64xf32, #tpu.memory_space<hbm>> -> memref<2x64x64xf32, #tpu.memory_space<hbm>>
    tpu.enqueue_dma source(%dma_start3A_223 : memref<2x64x64xf32, #tpu.memory_space<hbm>>) target(%arg4 : memref<2x64x64xf32, #tpu.memory_space<vmem>>) target_semaphore(%arg10 : memref<!tpu.dma_semaphore, #tpu.memory_space<semaphore_mem>>)
    %dma_wait3A_224 = arith.constant 10 : i32
    %dma_wait3A_225 = arith.constant 0 : i32
    %dma_wait3A_226 = arith.constant 0 : i32
    %dma_wait3A_227 = tpu.memref_slice %arg2[%select_n3A, %select_n3A_32, %dma_wait3A_224, %dma_wait3A_225, %dma_wait3A_226] : memref<4x32x64x64x64xf32, #tpu.memory_space<hbm>> -> memref<1x1x2x64x64xf32, #tpu.memory_space<hbm>>
    %dma_wait3A_228 = tpu.memref_squeeze %dma_wait3A_227 : memref<1x1x2x64x64xf32, #tpu.memory_space<hbm>> -> memref<2x64x64xf32, #tpu.memory_space<hbm>>
    %dma_wait3A_229 = arith.constant 10 : i32
    %dma_wait3A_230 = arith.constant 0 : i32
    %dma_wait3A_231 = arith.constant 0 : i32
    %dma_wait3A_232 = tpu.memref_slice %arg2[%select_n3A, %select_n3A_32, %dma_wait3A_229, %dma_wait3A_230, %dma_wait3A_231] : memref<4x32x64x64x64xf32, #tpu.memory_space<hbm>> -> memref<1x1x2x64x64xf32, #tpu.memory_space<hbm>>
    %dma_wait3A_233 = tpu.memref_squeeze %dma_wait3A_232 : memref<1x1x2x64x64xf32, #tpu.memory_space<hbm>> -> memref<2x64x64xf32, #tpu.memory_space<hbm>>
    tpu.wait_dma2 semaphore(%arg11 : memref<!tpu.dma_semaphore, #tpu.memory_space<semaphore_mem>>) src(%dma_wait3A_233 : memref<2x64x64xf32, #tpu.memory_space<hbm>>) dst(%arg5 : memref<2x64x64xf32, #tpu.memory_space<vmem>>)
    %scan3A_234 = arith.constant 0 : i32
    %scan3A_235 = arith.constant 64 : i32
    %scan3A_236 = arith.addi %scan3A_234, %scan3A_235 : i32
    %scan3A_237 = arith.constant 1 : i32
    scf.for %scan3A_999 = %scan3A_234 to %scan3A_236 step %scan3A_237  : i32 {
      %mul3A_1000 = arith.constant 1 : i32
      %mul3A_1001 = arith.muli %scan3A_999, %mul3A_1000 : i32
      %add3A_1002 = arith.constant 0 : i32
      %add3A_1003 = arith.addi %add3A_1002, %mul3A_1001 : i32
      %get3A = arith.constant 0 : i32
      %get3A_1004 = arith.index_cast %get3A : i32 to index
      %get3A_1005 = arith.index_cast %add3A_1003 : i32 to index
      %get3A_1006 = arith.constant 0 : index
      %get3A_1007 = tpu.vector_load %arg5[%get3A_1004, %get3A_1005, %get3A_1006] {strides = array<i32>} : memref<2x64x64xf32, #tpu.memory_space<vmem>>, vector<1x1x16xf32>,
      %get3A_1008 = vector.shape_cast %get3A_1007 : vector<1x1x16xf32> to vector<16xf32>
      %get3A_1009 = arith.constant 0 : i32
      %get3A_1010 = arith.index_cast %get3A_1009 : i32 to index
      %get3A_1011 = arith.index_cast %add3A_1003 : i32 to index
      %get3A_1012 = arith.constant 16 : index
      %get3A_1013 = tpu.vector_load %arg5[%get3A_1010, %get3A_1011, %get3A_1012] {strides = array<i32>} : memref<2x64x64xf32, #tpu.memory_space<vmem>>, vector<1x1x16xf32>,
      %get3A_1014 = vector.shape_cast %get3A_1013 : vector<1x1x16xf32> to vector<16xf32>
      %add3A_1015 = arith.addf %get3A_1008, %get3A_1014 : vector<16xf32>
      %get3A_1016 = arith.constant 0 : i32
      %get3A_1017 = arith.index_cast %get3A_1016 : i32 to index
      %get3A_1018 = arith.index_cast %add3A_1003 : i32 to index
      %get3A_1019 = arith.constant 32 : index
      %get3A_1020 = tpu.vector_load %arg5[%get3A_1017, %get3A_1018, %get3A_1019] {strides = array<i32>} : memref<2x64x64xf32, #tpu.memory_space<vmem>>, vector<1x1x16xf32>,
      %get3A_1021 = vector.shape_cast %get3A_1020 : vector<1x1x16xf32> to vector<16xf32>
      %add3A_1022 = arith.addf %add3A_1015, %get3A_1021 : vector<16xf32>
      %get3A_1023 = arith.constant 0 : i32
      %get3A_1024 = arith.index_cast %get3A_1023 : i32 to index
      %get3A_1025 = arith.index_cast %add3A_1003 : i32 to index
      %get3A_1026 = arith.constant 48 : index
      %get3A_1027 = tpu.vector_load %arg5[%get3A_1024, %get3A_1025, %get3A_1026] {strides = array<i32>} : memref<2x64x64xf32, #tpu.memory_space<vmem>>, vector<1x1x16xf32>,
      %get3A_1028 = vector.shape_cast %get3A_1027 : vector<1x1x16xf32> to vector<16xf32>
      %add3A_1029 = arith.addf %add3A_1022, %get3A_1028 : vector<16xf32>
      %get3A_1030 = arith.constant 0 : index
      %get3A_1031 = tpu.vector_load %arg8[%get3A_1030] {strides = array<i32>} : memref<16xf32, #tpu.memory_space<vmem>>, vector<16xf32>,
      %get3A_1032 = vector.shape_cast %get3A_1031 : vector<16xf32> to vector<16xf32>
      %add3A_1033 = arith.addf %get3A_1032, %add3A_1029 : vector<16xf32>
      %swap3A_1034 = arith.constant 0 : index
      %swap3A_1035 = tpu.vector_load %arg8[%swap3A_1034] {strides = array<i32>} : memref<16xf32, #tpu.memory_space<vmem>>, vector<16xf32>,
      %swap3A_1036 = vector.shape_cast %swap3A_1035 : vector<16xf32> to vector<16xf32>
      %swap3A_1037 = vector.shape_cast %add3A_1033 : vector<16xf32> to vector<16xf32>
      tpu.vector_store %arg8[%swap3A_1034], %swap3A_1037 {strides = array<i32>} : memref<16xf32, #tpu.memory_space<vmem>>, vector<16xf32>,
    }
    %scan3A_238 = arith.constant 64 : i32
    %scan3A_239 = arith.constant 0 : i32
    %scan3A_240 = arith.constant 64 : i32
    %scan3A_241 = arith.addi %scan3A_239, %scan3A_240 : i32
    %scan3A_242 = arith.constant 1 : i32
    scf.for %scan3A_999 = %scan3A_239 to %scan3A_241 step %scan3A_242  : i32 {
      %mul3A_1000 = arith.constant 1 : i32
      %mul3A_1001 = arith.muli %scan3A_999, %mul3A_1000 : i32
      %add3A_1002 = arith.constant 0 : i32
      %add3A_1003 = arith.addi %add3A_1002, %mul3A_1001 : i32
      %get3A = arith.constant 1 : i32
      %get3A_1004 = arith.index_cast %get3A : i32 to index
      %get3A_1005 = arith.index_cast %add3A_1003 : i32 to index
      %get3A_1006 = arith.constant 0 : index
      %get3A_1007 = tpu.vector_load %arg5[%get3A_1004, %get3A_1005, %get3A_1006] {strides = array<i32>} : memref<2x64x64xf32, #tpu.memory_space<vmem>>, vector<1x1x16xf32>,
      %get3A_1008 = vector.shape_cast %get3A_1007 : vector<1x1x16xf32> to vector<16xf32>
      %get3A_1009 = arith.constant 1 : i32
      %get3A_1010 = arith.index_cast %get3A_1009 : i32 to index
      %get3A_1011 = arith.index_cast %add3A_1003 : i32 to index
      %get3A_1012 = arith.constant 16 : index
      %get3A_1013 = tpu.vector_load %arg5[%get3A_1010, %get3A_1011, %get3A_1012] {strides = array<i32>} : memref<2x64x64xf32, #tpu.memory_space<vmem>>, vector<1x1x16xf32>,
      %get3A_1014 = vector.shape_cast %get3A_1013 : vector<1x1x16xf32> to vector<16xf32>
      %add3A_1015 = arith.addf %get3A_1008, %get3A_1014 : vector<16xf32>
      %get3A_1016 = arith.constant 1 : i32
      %get3A_1017 = arith.index_cast %get3A_1016 : i32 to index
      %get3A_1018 = arith.index_cast %add3A_1003 : i32 to index
      %get3A_1019 = arith.constant 32 : index
      %get3A_1020 = tpu.vector_load %arg5[%get3A_1017, %get3A_1018, %get3A_1019] {strides = array<i32>} : memref<2x64x64xf32, #tpu.memory_space<vmem>>, vector<1x1x16xf32>,
      %get3A_1021 = vector.shape_cast %get3A_1020 : vector<1x1x16xf32> to vector<16xf32>
      %add3A_1022 = arith.addf %add3A_1015, %get3A_1021 : vector<16xf32>
      %get3A_1023 = arith.constant 1 : i32
      %get3A_1024 = arith.index_cast %get3A_1023 : i32 to index
      %get3A_1025 = arith.index_cast %add3A_1003 : i32 to index
      %get3A_1026 = arith.constant 48 : index
      %get3A_1027 = tpu.vector_load %arg5[%get3A_1024, %get3A_1025, %get3A_1026] {strides = array<i32>} : memref<2x64x64xf32, #tpu.memory_space<vmem>>, vector<1x1x16xf32>,
      %get3A_1028 = vector.shape_cast %get3A_1027 : vector<1x1x16xf32> to vector<16xf32>
      %add3A_1029 = arith.addf %add3A_1022, %get3A_1028 : vector<16xf32>
      %get3A_1030 = arith.constant 0 : index
      %get3A_1031 = tpu.vector_load %arg8[%get3A_1030] {strides = array<i32>} : memref<16xf32, #tpu.memory_space<vmem>>, vector<16xf32>,
      %get3A_1032 = vector.shape_cast %get3A_1031 : vector<16xf32> to vector<16xf32>
      %add3A_1033 = arith.addf %get3A_1032, %add3A_1029 : vector<16xf32>
      %swap3A_1034 = arith.constant 0 : index
      %swap3A_1035 = tpu.vector_load %arg8[%swap3A_1034] {strides = array<i32>} : memref<16xf32, #tpu.memory_space<vmem>>, vector<16xf32>,
      %swap3A_1036 = vector.shape_cast %swap3A_1035 : vector<16xf32> to vector<16xf32>
      %swap3A_1037 = vector.shape_cast %add3A_1033 : vector<16xf32> to vector<16xf32>
      tpu.vector_store %arg8[%swap3A_1034], %swap3A_1037 {strides = array<i32>} : memref<16xf32, #tpu.memory_space<vmem>>, vector<16xf32>,
    }
    %scan3A_243 = arith.constant 64 : i32
    %dma_start3A_244 = arith.constant 18 : i32
    %dma_start3A_245 = arith.constant 0 : i32
    %dma_start3A_246 = arith.constant 0 : i32
    %dma_start3A_247 = tpu.memref_slice %arg2[%select_n3A, %select_n3A_32, %dma_start3A_244, %dma_start3A_245, %dma_start3A_246] : memref<4x32x64x64x64xf32, #tpu.memory_space<hbm>> -> memref<1x1x2x64x64xf32, #tpu.memory_space<hbm>>
    %dma_start3A_248 = tpu.memref_squeeze %dma_start3A_247 : memref<1x1x2x64x64xf32, #tpu.memory_space<hbm>> -> memref<2x64x64xf32, #tpu.memory_space<hbm>>
    %dma_start3A_249 = arith.constant 18 : i32
    %dma_start3A_250 = arith.constant 0 : i32
    %dma_start3A_251 = arith.constant 0 : i32
    %dma_start3A_252 = tpu.memref_slice %arg2[%select_n3A, %select_n3A_32, %dma_start3A_249, %dma_start3A_250, %dma_start3A_251] : memref<4x32x64x64x64xf32, #tpu.memory_space<hbm>> -> memref<1x1x2x64x64xf32, #tpu.memory_space<hbm>>
    %dma_start3A_253 = tpu.memref_squeeze %dma_start3A_252 : memref<1x1x2x64x64xf32, #tpu.memory_space<hbm>> -> memref<2x64x64xf32, #tpu.memory_space<hbm>>
    tpu.enqueue_dma source(%dma_start3A_253 : memref<2x64x64xf32, #tpu.memory_space<hbm>>) target(%arg5 : memref<2x64x64xf32, #tpu.memory_space<vmem>>) target_semaphore(%arg11 : memref<!tpu.dma_semaphore, #tpu.memory_space<semaphore_mem>>)
    %dma_wait3A_254 = arith.constant 12 : i32
    %dma_wait3A_255 = arith.constant 0 : i32
    %dma_wait3A_256 = arith.constant 0 : i32
    %dma_wait3A_257 = tpu.memref_slice %arg2[%select_n3A, %select_n3A_32, %dma_wait3A_254, %dma_wait3A_255, %dma_wait3A_256] : memref<4x32x64x64x64xf32, #tpu.memory_space<hbm>> -> memref<1x1x2x64x64xf32, #tpu.memory_space<hbm>>
    %dma_wait3A_258 = tpu.memref_squeeze %dma_wait3A_257 : memref<1x1x2x64x64xf32, #tpu.memory_space<hbm>> -> memref<2x64x64xf32, #tpu.memory_space<hbm>>
    %dma_wait3A_259 = arith.constant 12 : i32
    %dma_wait3A_260 = arith.constant 0 : i32
    %dma_wait3A_261 = arith.constant 0 : i32
    %dma_wait3A_262 = tpu.memref_slice %arg2[%select_n3A, %select_n3A_32, %dma_wait3A_259, %dma_wait3A_260, %dma_wait3A_261] : memref<4x32x64x64x64xf32, #tpu.memory_space<hbm>> -> memref<1x1x2x64x64xf32, #tpu.memory_space<hbm>>
    %dma_wait3A_263 = tpu.memref_squeeze %dma_wait3A_262 : memref<1x1x2x64x64xf32, #tpu.memory_space<hbm>> -> memref<2x64x64xf32, #tpu.memory_space<hbm>>
    tpu.wait_dma2 semaphore(%arg12 : memref<!tpu.dma_semaphore, #tpu.memory_space<semaphore_mem>>) src(%dma_wait3A_263 : memref<2x64x64xf32, #tpu.memory_space<hbm>>) dst(%arg6 : memref<2x64x64xf32, #tpu.memory_space<vmem>>)
    %scan3A_264 = arith.constant 0 : i32
    %scan3A_265 = arith.constant 64 : i32
    %scan3A_266 = arith.addi %scan3A_264, %scan3A_265 : i32
    %scan3A_267 = arith.constant 1 : i32
    scf.for %scan3A_999 = %scan3A_264 to %scan3A_266 step %scan3A_267  : i32 {
      %mul3A_1000 = arith.constant 1 : i32
      %mul3A_1001 = arith.muli %scan3A_999, %mul3A_1000 : i32
      %add3A_1002 = arith.constant 0 : i32
      %add3A_1003 = arith.addi %add3A_1002, %mul3A_1001 : i32
      %get3A = arith.constant 0 : i32
      %get3A_1004 = arith.index_cast %get3A : i32 to index
      %get3A_1005 = arith.index_cast %add3A_1003 : i32 to index
      %get3A_1006 = arith.constant 0 : index
      %get3A_1007 = tpu.vector_load %arg6[%get3A_1004, %get3A_1005, %get3A_1006] {strides = array<i32>} : memref<2x64x64xf32, #tpu.memory_space<vmem>>, vector<1x1x16xf32>,
      %get3A_1008 = vector.shape_cast %get3A_1007 : vector<1x1x16xf32> to vector<16xf32>
      %get3A_1009 = arith.constant 0 : i32
      %get3A_1010 = arith.index_cast %get3A_1009 : i32 to index
      %get3A_1011 = arith.index_cast %add3A_1003 : i32 to index
      %get3A_1012 = arith.constant 16 : index
      %get3A_1013 = tpu.vector_load %arg6[%get3A_1010, %get3A_1011, %get3A_1012] {strides = array<i32>} : memref<2x64x64xf32, #tpu.memory_space<vmem>>, vector<1x1x16xf32>,
      %get3A_1014 = vector.shape_cast %get3A_1013 : vector<1x1x16xf32> to vector<16xf32>
      %add3A_1015 = arith.addf %get3A_1008, %get3A_1014 : vector<16xf32>
      %get3A_1016 = arith.constant 0 : i32
      %get3A_1017 = arith.index_cast %get3A_1016 : i32 to index
      %get3A_1018 = arith.index_cast %add3A_1003 : i32 to index
      %get3A_1019 = arith.constant 32 : index
      %get3A_1020 = tpu.vector_load %arg6[%get3A_1017, %get3A_1018, %get3A_1019] {strides = array<i32>} : memref<2x64x64xf32, #tpu.memory_space<vmem>>, vector<1x1x16xf32>,
      %get3A_1021 = vector.shape_cast %get3A_1020 : vector<1x1x16xf32> to vector<16xf32>
      %add3A_1022 = arith.addf %add3A_1015, %get3A_1021 : vector<16xf32>
      %get3A_1023 = arith.constant 0 : i32
      %get3A_1024 = arith.index_cast %get3A_1023 : i32 to index
      %get3A_1025 = arith.index_cast %add3A_1003 : i32 to index
      %get3A_1026 = arith.constant 48 : index
      %get3A_1027 = tpu.vector_load %arg6[%get3A_1024, %get3A_1025, %get3A_1026] {strides = array<i32>} : memref<2x64x64xf32, #tpu.memory_space<vmem>>, vector<1x1x16xf32>,
      %get3A_1028 = vector.shape_cast %get3A_1027 : vector<1x1x16xf32> to vector<16xf32>
      %add3A_1029 = arith.addf %add3A_1022, %get3A_1028 : vector<16xf32>
      %get3A_1030 = arith.constant 0 : index
      %get3A_1031 = tpu.vector_load %arg8[%get3A_1030] {strides = array<i32>} : memref<16xf32, #tpu.memory_space<vmem>>, vector<16xf32>,
      %get3A_1032 = vector.shape_cast %get3A_1031 : vector<16xf32> to vector<16xf32>
      %add3A_1033 = arith.addf %get3A_1032, %add3A_1029 : vector<16xf32>
      %swap3A_1034 = arith.constant 0 : index
      %swap3A_1035 = tpu.vector_load %arg8[%swap3A_1034] {strides = array<i32>} : memref<16xf32, #tpu.memory_space<vmem>>, vector<16xf32>,
      %swap3A_1036 = vector.shape_cast %swap3A_1035 : vector<16xf32> to vector<16xf32>
      %swap3A_1037 = vector.shape_cast %add3A_1033 : vector<16xf32> to vector<16xf32>
      tpu.vector_store %arg8[%swap3A_1034], %swap3A_1037 {strides = array<i32>} : memref<16xf32, #tpu.memory_space<vmem>>, vector<16xf32>,
    }
    %scan3A_268 = arith.constant 64 : i32
    %scan3A_269 = arith.constant 0 : i32
    %scan3A_270 = arith.constant 64 : i32
    %scan3A_271 = arith.addi %scan3A_269, %scan3A_270 : i32
    %scan3A_272 = arith.constant 1 : i32
    scf.for %scan3A_999 = %scan3A_269 to %scan3A_271 step %scan3A_272  : i32 {
      %mul3A_1000 = arith.constant 1 : i32
      %mul3A_1001 = arith.muli %scan3A_999, %mul3A_1000 : i32
      %add3A_1002 = arith.constant 0 : i32
      %add3A_1003 = arith.addi %add3A_1002, %mul3A_1001 : i32
      %get3A = arith.constant 1 : i32
      %get3A_1004 = arith.index_cast %get3A : i32 to index
      %get3A_1005 = arith.index_cast %add3A_1003 : i32 to index
      %get3A_1006 = arith.constant 0 : index
      %get3A_1007 = tpu.vector_load %arg6[%get3A_1004, %get3A_1005, %get3A_1006] {strides = array<i32>} : memref<2x64x64xf32, #tpu.memory_space<vmem>>, vector<1x1x16xf32>,
      %get3A_1008 = vector.shape_cast %get3A_1007 : vector<1x1x16xf32> to vector<16xf32>
      %get3A_1009 = arith.constant 1 : i32
      %get3A_1010 = arith.index_cast %get3A_1009 : i32 to index
      %get3A_1011 = arith.index_cast %add3A_1003 : i32 to index
      %get3A_1012 = arith.constant 16 : index
      %get3A_1013 = tpu.vector_load %arg6[%get3A_1010, %get3A_1011, %get3A_1012] {strides = array<i32>} : memref<2x64x64xf32, #tpu.memory_space<vmem>>, vector<1x1x16xf32>,
      %get3A_1014 = vector.shape_cast %get3A_1013 : vector<1x1x16xf32> to vector<16xf32>
      %add3A_1015 = arith.addf %get3A_1008, %get3A_1014 : vector<16xf32>
      %get3A_1016 = arith.constant 1 : i32
      %get3A_1017 = arith.index_cast %get3A_1016 : i32 to index
      %get3A_1018 = arith.index_cast %add3A_1003 : i32 to index
      %get3A_1019 = arith.constant 32 : index
      %get3A_1020 = tpu.vector_load %arg6[%get3A_1017, %get3A_1018, %get3A_1019] {strides = array<i32>} : memref<2x64x64xf32, #tpu.memory_space<vmem>>, vector<1x1x16xf32>,
      %get3A_1021 = vector.shape_cast %get3A_1020 : vector<1x1x16xf32> to vector<16xf32>
      %add3A_1022 = arith.addf %add3A_1015, %get3A_1021 : vector<16xf32>
      %get3A_1023 = arith.constant 1 : i32
      %get3A_1024 = arith.index_cast %get3A_1023 : i32 to index
      %get3A_1025 = arith.index_cast %add3A_1003 : i32 to index
      %get3A_1026 = arith.constant 48 : index
      %get3A_1027 = tpu.vector_load %arg6[%get3A_1024, %get3A_1025, %get3A_1026] {strides = array<i32>} : memref<2x64x64xf32, #tpu.memory_space<vmem>>, vector<1x1x16xf32>,
      %get3A_1028 = vector.shape_cast %get3A_1027 : vector<1x1x16xf32> to vector<16xf32>
      %add3A_1029 = arith.addf %add3A_1022, %get3A_1028 : vector<16xf32>
      %get3A_1030 = arith.constant 0 : index
      %get3A_1031 = tpu.vector_load %arg8[%get3A_1030] {strides = array<i32>} : memref<16xf32, #tpu.memory_space<vmem>>, vector<16xf32>,
      %get3A_1032 = vector.shape_cast %get3A_1031 : vector<16xf32> to vector<16xf32>
      %add3A_1033 = arith.addf %get3A_1032, %add3A_1029 : vector<16xf32>
      %swap3A_1034 = arith.constant 0 : index
      %swap3A_1035 = tpu.vector_load %arg8[%swap3A_1034] {strides = array<i32>} : memref<16xf32, #tpu.memory_space<vmem>>, vector<16xf32>,
      %swap3A_1036 = vector.shape_cast %swap3A_1035 : vector<16xf32> to vector<16xf32>
      %swap3A_1037 = vector.shape_cast %add3A_1033 : vector<16xf32> to vector<16xf32>
      tpu.vector_store %arg8[%swap3A_1034], %swap3A_1037 {strides = array<i32>} : memref<16xf32, #tpu.memory_space<vmem>>, vector<16xf32>,
    }
    %scan3A_273 = arith.constant 64 : i32
    %dma_start3A_274 = arith.constant 20 : i32
    %dma_start3A_275 = arith.constant 0 : i32
    %dma_start3A_276 = arith.constant 0 : i32
    %dma_start3A_277 = tpu.memref_slice %arg2[%select_n3A, %select_n3A_32, %dma_start3A_274, %dma_start3A_275, %dma_start3A_276] : memref<4x32x64x64x64xf32, #tpu.memory_space<hbm>> -> memref<1x1x2x64x64xf32, #tpu.memory_space<hbm>>
    %dma_start3A_278 = tpu.memref_squeeze %dma_start3A_277 : memref<1x1x2x64x64xf32, #tpu.memory_space<hbm>> -> memref<2x64x64xf32, #tpu.memory_space<hbm>>
    %dma_start3A_279 = arith.constant 20 : i32
    %dma_start3A_280 = arith.constant 0 : i32
    %dma_start3A_281 = arith.constant 0 : i32
    %dma_start3A_282 = tpu.memref_slice %arg2[%select_n3A, %select_n3A_32, %dma_start3A_279, %dma_start3A_280, %dma_start3A_281] : memref<4x32x64x64x64xf32, #tpu.memory_space<hbm>> -> memref<1x1x2x64x64xf32, #tpu.memory_space<hbm>>
    %dma_start3A_283 = tpu.memref_squeeze %dma_start3A_282 : memref<1x1x2x64x64xf32, #tpu.memory_space<hbm>> -> memref<2x64x64xf32, #tpu.memory_space<hbm>>
    tpu.enqueue_dma source(%dma_start3A_283 : memref<2x64x64xf32, #tpu.memory_space<hbm>>) target(%arg6 : memref<2x64x64xf32, #tpu.memory_space<vmem>>) target_semaphore(%arg12 : memref<!tpu.dma_semaphore, #tpu.memory_space<semaphore_mem>>)
    %dma_wait3A_284 = arith.constant 14 : i32
    %dma_wait3A_285 = arith.constant 0 : i32
    %dma_wait3A_286 = arith.constant 0 : i32
    %dma_wait3A_287 = tpu.memref_slice %arg2[%select_n3A, %select_n3A_32, %dma_wait3A_284, %dma_wait3A_285, %dma_wait3A_286] : memref<4x32x64x64x64xf32, #tpu.memory_space<hbm>> -> memref<1x1x2x64x64xf32, #tpu.memory_space<hbm>>
    %dma_wait3A_288 = tpu.memref_squeeze %dma_wait3A_287 : memref<1x1x2x64x64xf32, #tpu.memory_space<hbm>> -> memref<2x64x64xf32, #tpu.memory_space<hbm>>
    %dma_wait3A_289 = arith.constant 14 : i32
    %dma_wait3A_290 = arith.constant 0 : i32
    %dma_wait3A_291 = arith.constant 0 : i32
    %dma_wait3A_292 = tpu.memref_slice %arg2[%select_n3A, %select_n3A_32, %dma_wait3A_289, %dma_wait3A_290, %dma_wait3A_291] : memref<4x32x64x64x64xf32, #tpu.memory_space<hbm>> -> memref<1x1x2x64x64xf32, #tpu.memory_space<hbm>>
    %dma_wait3A_293 = tpu.memref_squeeze %dma_wait3A_292 : memref<1x1x2x64x64xf32, #tpu.memory_space<hbm>> -> memref<2x64x64xf32, #tpu.memory_space<hbm>>
    tpu.wait_dma2 semaphore(%arg13 : memref<!tpu.dma_semaphore, #tpu.memory_space<semaphore_mem>>) src(%dma_wait3A_293 : memref<2x64x64xf32, #tpu.memory_space<hbm>>) dst(%arg7 : memref<2x64x64xf32, #tpu.memory_space<vmem>>)
    %scan3A_294 = arith.constant 0 : i32
    %scan3A_295 = arith.constant 64 : i32
    %scan3A_296 = arith.addi %scan3A_294, %scan3A_295 : i32
    %scan3A_297 = arith.constant 1 : i32
    scf.for %scan3A_999 = %scan3A_294 to %scan3A_296 step %scan3A_297  : i32 {
      %mul3A_1000 = arith.constant 1 : i32
      %mul3A_1001 = arith.muli %scan3A_999, %mul3A_1000 : i32
      %add3A_1002 = arith.constant 0 : i32
      %add3A_1003 = arith.addi %add3A_1002, %mul3A_1001 : i32
      %get3A = arith.constant 0 : i32
      %get3A_1004 = arith.index_cast %get3A : i32 to index
      %get3A_1005 = arith.index_cast %add3A_1003 : i32 to index
      %get3A_1006 = arith.constant 0 : index
      %get3A_1007 = tpu.vector_load %arg7[%get3A_1004, %get3A_1005, %get3A_1006] {strides = array<i32>} : memref<2x64x64xf32, #tpu.memory_space<vmem>>, vector<1x1x16xf32>,
      %get3A_1008 = vector.shape_cast %get3A_1007 : vector<1x1x16xf32> to vector<16xf32>
      %get3A_1009 = arith.constant 0 : i32
      %get3A_1010 = arith.index_cast %get3A_1009 : i32 to index
      %get3A_1011 = arith.index_cast %add3A_1003 : i32 to index
      %get3A_1012 = arith.constant 16 : index
      %get3A_1013 = tpu.vector_load %arg7[%get3A_1010, %get3A_1011, %get3A_1012] {strides = array<i32>} : memref<2x64x64xf32, #tpu.memory_space<vmem>>, vector<1x1x16xf32>,
      %get3A_1014 = vector.shape_cast %get3A_1013 : vector<1x1x16xf32> to vector<16xf32>
      %add3A_1015 = arith.addf %get3A_1008, %get3A_1014 : vector<16xf32>
      %get3A_1016 = arith.constant 0 : i32
      %get3A_1017 = arith.index_cast %get3A_1016 : i32 to index
      %get3A_1018 = arith.index_cast %add3A_1003 : i32 to index
      %get3A_1019 = arith.constant 32 : index
      %get3A_1020 = tpu.vector_load %arg7[%get3A_1017, %get3A_1018, %get3A_1019] {strides = array<i32>} : memref<2x64x64xf32, #tpu.memory_space<vmem>>, vector<1x1x16xf32>,
      %get3A_1021 = vector.shape_cast %get3A_1020 : vector<1x1x16xf32> to vector<16xf32>
      %add3A_1022 = arith.addf %add3A_1015, %get3A_1021 : vector<16xf32>
      %get3A_1023 = arith.constant 0 : i32
      %get3A_1024 = arith.index_cast %get3A_1023 : i32 to index
      %get3A_1025 = arith.index_cast %add3A_1003 : i32 to index
      %get3A_1026 = arith.constant 48 : index
      %get3A_1027 = tpu.vector_load %arg7[%get3A_1024, %get3A_1025, %get3A_1026] {strides = array<i32>} : memref<2x64x64xf32, #tpu.memory_space<vmem>>, vector<1x1x16xf32>,
      %get3A_1028 = vector.shape_cast %get3A_1027 : vector<1x1x16xf32> to vector<16xf32>
      %add3A_1029 = arith.addf %add3A_1022, %get3A_1028 : vector<16xf32>
      %get3A_1030 = arith.constant 0 : index
      %get3A_1031 = tpu.vector_load %arg8[%get3A_1030] {strides = array<i32>} : memref<16xf32, #tpu.memory_space<vmem>>, vector<16xf32>,
      %get3A_1032 = vector.shape_cast %get3A_1031 : vector<16xf32> to vector<16xf32>
      %add3A_1033 = arith.addf %get3A_1032, %add3A_1029 : vector<16xf32>
      %swap3A_1034 = arith.constant 0 : index
      %swap3A_1035 = tpu.vector_load %arg8[%swap3A_1034] {strides = array<i32>} : memref<16xf32, #tpu.memory_space<vmem>>, vector<16xf32>,
      %swap3A_1036 = vector.shape_cast %swap3A_1035 : vector<16xf32> to vector<16xf32>
      %swap3A_1037 = vector.shape_cast %add3A_1033 : vector<16xf32> to vector<16xf32>
      tpu.vector_store %arg8[%swap3A_1034], %swap3A_1037 {strides = array<i32>} : memref<16xf32, #tpu.memory_space<vmem>>, vector<16xf32>,
    }
    %scan3A_298 = arith.constant 64 : i32
    %scan3A_299 = arith.constant 0 : i32
    %scan3A_300 = arith.constant 64 : i32
    %scan3A_301 = arith.addi %scan3A_299, %scan3A_300 : i32
    %scan3A_302 = arith.constant 1 : i32
    scf.for %scan3A_999 = %scan3A_299 to %scan3A_301 step %scan3A_302  : i32 {
      %mul3A_1000 = arith.constant 1 : i32
      %mul3A_1001 = arith.muli %scan3A_999, %mul3A_1000 : i32
      %add3A_1002 = arith.constant 0 : i32
      %add3A_1003 = arith.addi %add3A_1002, %mul3A_1001 : i32
      %get3A = arith.constant 1 : i32
      %get3A_1004 = arith.index_cast %get3A : i32 to index
      %get3A_1005 = arith.index_cast %add3A_1003 : i32 to index
      %get3A_1006 = arith.constant 0 : index
      %get3A_1007 = tpu.vector_load %arg7[%get3A_1004, %get3A_1005, %get3A_1006] {strides = array<i32>} : memref<2x64x64xf32, #tpu.memory_space<vmem>>, vector<1x1x16xf32>,
      %get3A_1008 = vector.shape_cast %get3A_1007 : vector<1x1x16xf32> to vector<16xf32>
      %get3A_1009 = arith.constant 1 : i32
      %get3A_1010 = arith.index_cast %get3A_1009 : i32 to index
      %get3A_1011 = arith.index_cast %add3A_1003 : i32 to index
      %get3A_1012 = arith.constant 16 : index
      %get3A_1013 = tpu.vector_load %arg7[%get3A_1010, %get3A_1011, %get3A_1012] {strides = array<i32>} : memref<2x64x64xf32, #tpu.memory_space<vmem>>, vector<1x1x16xf32>,
      %get3A_1014 = vector.shape_cast %get3A_1013 : vector<1x1x16xf32> to vector<16xf32>
      %add3A_1015 = arith.addf %get3A_1008, %get3A_1014 : vector<16xf32>
      %get3A_1016 = arith.constant 1 : i32
      %get3A_1017 = arith.index_cast %get3A_1016 : i32 to index
      %get3A_1018 = arith.index_cast %add3A_1003 : i32 to index
      %get3A_1019 = arith.constant 32 : index
      %get3A_1020 = tpu.vector_load %arg7[%get3A_1017, %get3A_1018, %get3A_1019] {strides = array<i32>} : memref<2x64x64xf32, #tpu.memory_space<vmem>>, vector<1x1x16xf32>,
      %get3A_1021 = vector.shape_cast %get3A_1020 : vector<1x1x16xf32> to vector<16xf32>
      %add3A_1022 = arith.addf %add3A_1015, %get3A_1021 : vector<16xf32>
      %get3A_1023 = arith.constant 1 : i32
      %get3A_1024 = arith.index_cast %get3A_1023 : i32 to index
      %get3A_1025 = arith.index_cast %add3A_1003 : i32 to index
      %get3A_1026 = arith.constant 48 : index
      %get3A_1027 = tpu.vector_load %arg7[%get3A_1024, %get3A_1025, %get3A_1026] {strides = array<i32>} : memref<2x64x64xf32, #tpu.memory_space<vmem>>, vector<1x1x16xf32>,
      %get3A_1028 = vector.shape_cast %get3A_1027 : vector<1x1x16xf32> to vector<16xf32>
      %add3A_1029 = arith.addf %add3A_1022, %get3A_1028 : vector<16xf32>
      %get3A_1030 = arith.constant 0 : index
      %get3A_1031 = tpu.vector_load %arg8[%get3A_1030] {strides = array<i32>} : memref<16xf32, #tpu.memory_space<vmem>>, vector<16xf32>,
      %get3A_1032 = vector.shape_cast %get3A_1031 : vector<16xf32> to vector<16xf32>
      %add3A_1033 = arith.addf %get3A_1032, %add3A_1029 : vector<16xf32>
      %swap3A_1034 = arith.constant 0 : index
      %swap3A_1035 = tpu.vector_load %arg8[%swap3A_1034] {strides = array<i32>} : memref<16xf32, #tpu.memory_space<vmem>>, vector<16xf32>,
      %swap3A_1036 = vector.shape_cast %swap3A_1035 : vector<16xf32> to vector<16xf32>
      %swap3A_1037 = vector.shape_cast %add3A_1033 : vector<16xf32> to vector<16xf32>
      tpu.vector_store %arg8[%swap3A_1034], %swap3A_1037 {strides = array<i32>} : memref<16xf32, #tpu.memory_space<vmem>>, vector<16xf32>,
    }
    %scan3A_303 = arith.constant 64 : i32
    %dma_start3A_304 = arith.constant 22 : i32
    %dma_start3A_305 = arith.constant 0 : i32
    %dma_start3A_306 = arith.constant 0 : i32
    %dma_start3A_307 = tpu.memref_slice %arg2[%select_n3A, %select_n3A_32, %dma_start3A_304, %dma_start3A_305, %dma_start3A_306] : memref<4x32x64x64x64xf32, #tpu.memory_space<hbm>> -> memref<1x1x2x64x64xf32, #tpu.memory_space<hbm>>
    %dma_start3A_308 = tpu.memref_squeeze %dma_start3A_307 : memref<1x1x2x64x64xf32, #tpu.memory_space<hbm>> -> memref<2x64x64xf32, #tpu.memory_space<hbm>>
    %dma_start3A_309 = arith.constant 22 : i32
    %dma_start3A_310 = arith.constant 0 : i32
    %dma_start3A_311 = arith.constant 0 : i32
    %dma_start3A_312 = tpu.memref_slice %arg2[%select_n3A, %select_n3A_32, %dma_start3A_309, %dma_start3A_310, %dma_start3A_311] : memref<4x32x64x64x64xf32, #tpu.memory_space<hbm>> -> memref<1x1x2x64x64xf32, #tpu.memory_space<hbm>>
    %dma_start3A_313 = tpu.memref_squeeze %dma_start3A_312 : memref<1x1x2x64x64xf32, #tpu.memory_space<hbm>> -> memref<2x64x64xf32, #tpu.memory_space<hbm>>
    tpu.enqueue_dma source(%dma_start3A_313 : memref<2x64x64xf32, #tpu.memory_space<hbm>>) target(%arg7 : memref<2x64x64xf32, #tpu.memory_space<vmem>>) target_semaphore(%arg13 : memref<!tpu.dma_semaphore, #tpu.memory_space<semaphore_mem>>)
    %dma_wait3A_314 = arith.constant 16 : i32
    %dma_wait3A_315 = arith.constant 0 : i32
    %dma_wait3A_316 = arith.constant 0 : i32
    %dma_wait3A_317 = tpu.memref_slice %arg2[%select_n3A, %select_n3A_32, %dma_wait3A_314, %dma_wait3A_315, %dma_wait3A_316] : memref<4x32x64x64x64xf32, #tpu.memory_space<hbm>> -> memref<1x1x2x64x64xf32, #tpu.memory_space<hbm>>
    %dma_wait3A_318 = tpu.memref_squeeze %dma_wait3A_317 : memref<1x1x2x64x64xf32, #tpu.memory_space<hbm>> -> memref<2x64x64xf32, #tpu.memory_space<hbm>>
    %dma_wait3A_319 = arith.constant 16 : i32
    %dma_wait3A_320 = arith.constant 0 : i32
    %dma_wait3A_321 = arith.constant 0 : i32
    %dma_wait3A_322 = tpu.memref_slice %arg2[%select_n3A, %select_n3A_32, %dma_wait3A_319, %dma_wait3A_320, %dma_wait3A_321] : memref<4x32x64x64x64xf32, #tpu.memory_space<hbm>> -> memref<1x1x2x64x64xf32, #tpu.memory_space<hbm>>
    %dma_wait3A_323 = tpu.memref_squeeze %dma_wait3A_322 : memref<1x1x2x64x64xf32, #tpu.memory_space<hbm>> -> memref<2x64x64xf32, #tpu.memory_space<hbm>>
    tpu.wait_dma2 semaphore(%arg10 : memref<!tpu.dma_semaphore, #tpu.memory_space<semaphore_mem>>) src(%dma_wait3A_323 : memref<2x64x64xf32, #tpu.memory_space<hbm>>) dst(%arg4 : memref<2x64x64xf32, #tpu.memory_space<vmem>>)
    %scan3A_324 = arith.constant 0 : i32
    %scan3A_325 = arith.constant 64 : i32
    %scan3A_326 = arith.addi %scan3A_324, %scan3A_325 : i32
    %scan3A_327 = arith.constant 1 : i32
    scf.for %scan3A_999 = %scan3A_324 to %scan3A_326 step %scan3A_327  : i32 {
      %mul3A_1000 = arith.constant 1 : i32
      %mul3A_1001 = arith.muli %scan3A_999, %mul3A_1000 : i32
      %add3A_1002 = arith.constant 0 : i32
      %add3A_1003 = arith.addi %add3A_1002, %mul3A_1001 : i32
      %get3A = arith.constant 0 : i32
      %get3A_1004 = arith.index_cast %get3A : i32 to index
      %get3A_1005 = arith.index_cast %add3A_1003 : i32 to index
      %get3A_1006 = arith.constant 0 : index
      %get3A_1007 = tpu.vector_load %arg4[%get3A_1004, %get3A_1005, %get3A_1006] {strides = array<i32>} : memref<2x64x64xf32, #tpu.memory_space<vmem>>, vector<1x1x16xf32>,
      %get3A_1008 = vector.shape_cast %get3A_1007 : vector<1x1x16xf32> to vector<16xf32>
      %get3A_1009 = arith.constant 0 : i32
      %get3A_1010 = arith.index_cast %get3A_1009 : i32 to index
      %get3A_1011 = arith.index_cast %add3A_1003 : i32 to index
      %get3A_1012 = arith.constant 16 : index
      %get3A_1013 = tpu.vector_load %arg4[%get3A_1010, %get3A_1011, %get3A_1012] {strides = array<i32>} : memref<2x64x64xf32, #tpu.memory_space<vmem>>, vector<1x1x16xf32>,
      %get3A_1014 = vector.shape_cast %get3A_1013 : vector<1x1x16xf32> to vector<16xf32>
      %add3A_1015 = arith.addf %get3A_1008, %get3A_1014 : vector<16xf32>
      %get3A_1016 = arith.constant 0 : i32
      %get3A_1017 = arith.index_cast %get3A_1016 : i32 to index
      %get3A_1018 = arith.index_cast %add3A_1003 : i32 to index
      %get3A_1019 = arith.constant 32 : index
      %get3A_1020 = tpu.vector_load %arg4[%get3A_1017, %get3A_1018, %get3A_1019] {strides = array<i32>} : memref<2x64x64xf32, #tpu.memory_space<vmem>>, vector<1x1x16xf32>,
      %get3A_1021 = vector.shape_cast %get3A_1020 : vector<1x1x16xf32> to vector<16xf32>
      %add3A_1022 = arith.addf %add3A_1015, %get3A_1021 : vector<16xf32>
      %get3A_1023 = arith.constant 0 : i32
      %get3A_1024 = arith.index_cast %get3A_1023 : i32 to index
      %get3A_1025 = arith.index_cast %add3A_1003 : i32 to index
      %get3A_1026 = arith.constant 48 : index
      %get3A_1027 = tpu.vector_load %arg4[%get3A_1024, %get3A_1025, %get3A_1026] {strides = array<i32>} : memref<2x64x64xf32, #tpu.memory_space<vmem>>, vector<1x1x16xf32>,
      %get3A_1028 = vector.shape_cast %get3A_1027 : vector<1x1x16xf32> to vector<16xf32>
      %add3A_1029 = arith.addf %add3A_1022, %get3A_1028 : vector<16xf32>
      %get3A_1030 = arith.constant 0 : index
      %get3A_1031 = tpu.vector_load %arg8[%get3A_1030] {strides = array<i32>} : memref<16xf32, #tpu.memory_space<vmem>>, vector<16xf32>,
      %get3A_1032 = vector.shape_cast %get3A_1031 : vector<16xf32> to vector<16xf32>
      %add3A_1033 = arith.addf %get3A_1032, %add3A_1029 : vector<16xf32>
      %swap3A_1034 = arith.constant 0 : index
      %swap3A_1035 = tpu.vector_load %arg8[%swap3A_1034] {strides = array<i32>} : memref<16xf32, #tpu.memory_space<vmem>>, vector<16xf32>,
      %swap3A_1036 = vector.shape_cast %swap3A_1035 : vector<16xf32> to vector<16xf32>
      %swap3A_1037 = vector.shape_cast %add3A_1033 : vector<16xf32> to vector<16xf32>
      tpu.vector_store %arg8[%swap3A_1034], %swap3A_1037 {strides = array<i32>} : memref<16xf32, #tpu.memory_space<vmem>>, vector<16xf32>,
    }
    %scan3A_328 = arith.constant 64 : i32
    %scan3A_329 = arith.constant 0 : i32
    %scan3A_330 = arith.constant 64 : i32
    %scan3A_331 = arith.addi %scan3A_329, %scan3A_330 : i32
    %scan3A_332 = arith.constant 1 : i32
    scf.for %scan3A_999 = %scan3A_329 to %scan3A_331 step %scan3A_332  : i32 {
      %mul3A_1000 = arith.constant 1 : i32
      %mul3A_1001 = arith.muli %scan3A_999, %mul3A_1000 : i32
      %add3A_1002 = arith.constant 0 : i32
      %add3A_1003 = arith.addi %add3A_1002, %mul3A_1001 : i32
      %get3A = arith.constant 1 : i32
      %get3A_1004 = arith.index_cast %get3A : i32 to index
      %get3A_1005 = arith.index_cast %add3A_1003 : i32 to index
      %get3A_1006 = arith.constant 0 : index
      %get3A_1007 = tpu.vector_load %arg4[%get3A_1004, %get3A_1005, %get3A_1006] {strides = array<i32>} : memref<2x64x64xf32, #tpu.memory_space<vmem>>, vector<1x1x16xf32>,
      %get3A_1008 = vector.shape_cast %get3A_1007 : vector<1x1x16xf32> to vector<16xf32>
      %get3A_1009 = arith.constant 1 : i32
      %get3A_1010 = arith.index_cast %get3A_1009 : i32 to index
      %get3A_1011 = arith.index_cast %add3A_1003 : i32 to index
      %get3A_1012 = arith.constant 16 : index
      %get3A_1013 = tpu.vector_load %arg4[%get3A_1010, %get3A_1011, %get3A_1012] {strides = array<i32>} : memref<2x64x64xf32, #tpu.memory_space<vmem>>, vector<1x1x16xf32>,
      %get3A_1014 = vector.shape_cast %get3A_1013 : vector<1x1x16xf32> to vector<16xf32>
      %add3A_1015 = arith.addf %get3A_1008, %get3A_1014 : vector<16xf32>
      %get3A_1016 = arith.constant 1 : i32
      %get3A_1017 = arith.index_cast %get3A_1016 : i32 to index
      %get3A_1018 = arith.index_cast %add3A_1003 : i32 to index
      %get3A_1019 = arith.constant 32 : index
      %get3A_1020 = tpu.vector_load %arg4[%get3A_1017, %get3A_1018, %get3A_1019] {strides = array<i32>} : memref<2x64x64xf32, #tpu.memory_space<vmem>>, vector<1x1x16xf32>,
      %get3A_1021 = vector.shape_cast %get3A_1020 : vector<1x1x16xf32> to vector<16xf32>
      %add3A_1022 = arith.addf %add3A_1015, %get3A_1021 : vector<16xf32>
      %get3A_1023 = arith.constant 1 : i32
      %get3A_1024 = arith.index_cast %get3A_1023 : i32 to index
      %get3A_1025 = arith.index_cast %add3A_1003 : i32 to index
      %get3A_1026 = arith.constant 48 : index
      %get3A_1027 = tpu.vector_load %arg4[%get3A_1024, %get3A_1025, %get3A_1026] {strides = array<i32>} : memref<2x64x64xf32, #tpu.memory_space<vmem>>, vector<1x1x16xf32>,
      %get3A_1028 = vector.shape_cast %get3A_1027 : vector<1x1x16xf32> to vector<16xf32>
      %add3A_1029 = arith.addf %add3A_1022, %get3A_1028 : vector<16xf32>
      %get3A_1030 = arith.constant 0 : index
      %get3A_1031 = tpu.vector_load %arg8[%get3A_1030] {strides = array<i32>} : memref<16xf32, #tpu.memory_space<vmem>>, vector<16xf32>,
      %get3A_1032 = vector.shape_cast %get3A_1031 : vector<16xf32> to vector<16xf32>
      %add3A_1033 = arith.addf %get3A_1032, %add3A_1029 : vector<16xf32>
      %swap3A_1034 = arith.constant 0 : index
      %swap3A_1035 = tpu.vector_load %arg8[%swap3A_1034] {strides = array<i32>} : memref<16xf32, #tpu.memory_space<vmem>>, vector<16xf32>,
      %swap3A_1036 = vector.shape_cast %swap3A_1035 : vector<16xf32> to vector<16xf32>
      %swap3A_1037 = vector.shape_cast %add3A_1033 : vector<16xf32> to vector<16xf32>
      tpu.vector_store %arg8[%swap3A_1034], %swap3A_1037 {strides = array<i32>} : memref<16xf32, #tpu.memory_space<vmem>>, vector<16xf32>,
    }
    %scan3A_333 = arith.constant 64 : i32
    %dma_start3A_334 = arith.constant 24 : i32
    %dma_start3A_335 = arith.constant 0 : i32
    %dma_start3A_336 = arith.constant 0 : i32
    %dma_start3A_337 = tpu.memref_slice %arg2[%select_n3A, %select_n3A_32, %dma_start3A_334, %dma_start3A_335, %dma_start3A_336] : memref<4x32x64x64x64xf32, #tpu.memory_space<hbm>> -> memref<1x1x2x64x64xf32, #tpu.memory_space<hbm>>
    %dma_start3A_338 = tpu.memref_squeeze %dma_start3A_337 : memref<1x1x2x64x64xf32, #tpu.memory_space<hbm>> -> memref<2x64x64xf32, #tpu.memory_space<hbm>>
    %dma_start3A_339 = arith.constant 24 : i32
    %dma_start3A_340 = arith.constant 0 : i32
    %dma_start3A_341 = arith.constant 0 : i32
    %dma_start3A_342 = tpu.memref_slice %arg2[%select_n3A, %select_n3A_32, %dma_start3A_339, %dma_start3A_340, %dma_start3A_341] : memref<4x32x64x64x64xf32, #tpu.memory_space<hbm>> -> memref<1x1x2x64x64xf32, #tpu.memory_space<hbm>>
    %dma_start3A_343 = tpu.memref_squeeze %dma_start3A_342 : memref<1x1x2x64x64xf32, #tpu.memory_space<hbm>> -> memref<2x64x64xf32, #tpu.memory_space<hbm>>
    tpu.enqueue_dma source(%dma_start3A_343 : memref<2x64x64xf32, #tpu.memory_space<hbm>>) target(%arg4 : memref<2x64x64xf32, #tpu.memory_space<vmem>>) target_semaphore(%arg10 : memref<!tpu.dma_semaphore, #tpu.memory_space<semaphore_mem>>)
    %dma_wait3A_344 = arith.constant 18 : i32
    %dma_wait3A_345 = arith.constant 0 : i32
    %dma_wait3A_346 = arith.constant 0 : i32
    %dma_wait3A_347 = tpu.memref_slice %arg2[%select_n3A, %select_n3A_32, %dma_wait3A_344, %dma_wait3A_345, %dma_wait3A_346] : memref<4x32x64x64x64xf32, #tpu.memory_space<hbm>> -> memref<1x1x2x64x64xf32, #tpu.memory_space<hbm>>
    %dma_wait3A_348 = tpu.memref_squeeze %dma_wait3A_347 : memref<1x1x2x64x64xf32, #tpu.memory_space<hbm>> -> memref<2x64x64xf32, #tpu.memory_space<hbm>>
    %dma_wait3A_349 = arith.constant 18 : i32
    %dma_wait3A_350 = arith.constant 0 : i32
    %dma_wait3A_351 = arith.constant 0 : i32
    %dma_wait3A_352 = tpu.memref_slice %arg2[%select_n3A, %select_n3A_32, %dma_wait3A_349, %dma_wait3A_350, %dma_wait3A_351] : memref<4x32x64x64x64xf32, #tpu.memory_space<hbm>> -> memref<1x1x2x64x64xf32, #tpu.memory_space<hbm>>
    %dma_wait3A_353 = tpu.memref_squeeze %dma_wait3A_352 : memref<1x1x2x64x64xf32, #tpu.memory_space<hbm>> -> memref<2x64x64xf32, #tpu.memory_space<hbm>>
    tpu.wait_dma2 semaphore(%arg11 : memref<!tpu.dma_semaphore, #tpu.memory_space<semaphore_mem>>) src(%dma_wait3A_353 : memref<2x64x64xf32, #tpu.memory_space<hbm>>) dst(%arg5 : memref<2x64x64xf32, #tpu.memory_space<vmem>>)
    %scan3A_354 = arith.constant 0 : i32
    %scan3A_355 = arith.constant 64 : i32
    %scan3A_356 = arith.addi %scan3A_354, %scan3A_355 : i32
    %scan3A_357 = arith.constant 1 : i32
    scf.for %scan3A_999 = %scan3A_354 to %scan3A_356 step %scan3A_357  : i32 {
      %mul3A_1000 = arith.constant 1 : i32
      %mul3A_1001 = arith.muli %scan3A_999, %mul3A_1000 : i32
      %add3A_1002 = arith.constant 0 : i32
      %add3A_1003 = arith.addi %add3A_1002, %mul3A_1001 : i32
      %get3A = arith.constant 0 : i32
      %get3A_1004 = arith.index_cast %get3A : i32 to index
      %get3A_1005 = arith.index_cast %add3A_1003 : i32 to index
      %get3A_1006 = arith.constant 0 : index
      %get3A_1007 = tpu.vector_load %arg5[%get3A_1004, %get3A_1005, %get3A_1006] {strides = array<i32>} : memref<2x64x64xf32, #tpu.memory_space<vmem>>, vector<1x1x16xf32>,
      %get3A_1008 = vector.shape_cast %get3A_1007 : vector<1x1x16xf32> to vector<16xf32>
      %get3A_1009 = arith.constant 0 : i32
      %get3A_1010 = arith.index_cast %get3A_1009 : i32 to index
      %get3A_1011 = arith.index_cast %add3A_1003 : i32 to index
      %get3A_1012 = arith.constant 16 : index
      %get3A_1013 = tpu.vector_load %arg5[%get3A_1010, %get3A_1011, %get3A_1012] {strides = array<i32>} : memref<2x64x64xf32, #tpu.memory_space<vmem>>, vector<1x1x16xf32>,
      %get3A_1014 = vector.shape_cast %get3A_1013 : vector<1x1x16xf32> to vector<16xf32>
      %add3A_1015 = arith.addf %get3A_1008, %get3A_1014 : vector<16xf32>
      %get3A_1016 = arith.constant 0 : i32
      %get3A_1017 = arith.index_cast %get3A_1016 : i32 to index
      %get3A_1018 = arith.index_cast %add3A_1003 : i32 to index
      %get3A_1019 = arith.constant 32 : index
      %get3A_1020 = tpu.vector_load %arg5[%get3A_1017, %get3A_1018, %get3A_1019] {strides = array<i32>} : memref<2x64x64xf32, #tpu.memory_space<vmem>>, vector<1x1x16xf32>,
      %get3A_1021 = vector.shape_cast %get3A_1020 : vector<1x1x16xf32> to vector<16xf32>
      %add3A_1022 = arith.addf %add3A_1015, %get3A_1021 : vector<16xf32>
      %get3A_1023 = arith.constant 0 : i32
      %get3A_1024 = arith.index_cast %get3A_1023 : i32 to index
      %get3A_1025 = arith.index_cast %add3A_1003 : i32 to index
      %get3A_1026 = arith.constant 48 : index
      %get3A_1027 = tpu.vector_load %arg5[%get3A_1024, %get3A_1025, %get3A_1026] {strides = array<i32>} : memref<2x64x64xf32, #tpu.memory_space<vmem>>, vector<1x1x16xf32>,
      %get3A_1028 = vector.shape_cast %get3A_1027 : vector<1x1x16xf32> to vector<16xf32>
      %add3A_1029 = arith.addf %add3A_1022, %get3A_1028 : vector<16xf32>
      %get3A_1030 = arith.constant 0 : index
      %get3A_1031 = tpu.vector_load %arg8[%get3A_1030] {strides = array<i32>} : memref<16xf32, #tpu.memory_space<vmem>>, vector<16xf32>,
      %get3A_1032 = vector.shape_cast %get3A_1031 : vector<16xf32> to vector<16xf32>
      %add3A_1033 = arith.addf %get3A_1032, %add3A_1029 : vector<16xf32>
      %swap3A_1034 = arith.constant 0 : index
      %swap3A_1035 = tpu.vector_load %arg8[%swap3A_1034] {strides = array<i32>} : memref<16xf32, #tpu.memory_space<vmem>>, vector<16xf32>,
      %swap3A_1036 = vector.shape_cast %swap3A_1035 : vector<16xf32> to vector<16xf32>
      %swap3A_1037 = vector.shape_cast %add3A_1033 : vector<16xf32> to vector<16xf32>
      tpu.vector_store %arg8[%swap3A_1034], %swap3A_1037 {strides = array<i32>} : memref<16xf32, #tpu.memory_space<vmem>>, vector<16xf32>,
    }
    %scan3A_358 = arith.constant 64 : i32
    %scan3A_359 = arith.constant 0 : i32
    %scan3A_360 = arith.constant 64 : i32
    %scan3A_361 = arith.addi %scan3A_359, %scan3A_360 : i32
    %scan3A_362 = arith.constant 1 : i32
    scf.for %scan3A_999 = %scan3A_359 to %scan3A_361 step %scan3A_362  : i32 {
      %mul3A_1000 = arith.constant 1 : i32
      %mul3A_1001 = arith.muli %scan3A_999, %mul3A_1000 : i32
      %add3A_1002 = arith.constant 0 : i32
      %add3A_1003 = arith.addi %add3A_1002, %mul3A_1001 : i32
      %get3A = arith.constant 1 : i32
      %get3A_1004 = arith.index_cast %get3A : i32 to index
      %get3A_1005 = arith.index_cast %add3A_1003 : i32 to index
      %get3A_1006 = arith.constant 0 : index
      %get3A_1007 = tpu.vector_load %arg5[%get3A_1004, %get3A_1005, %get3A_1006] {strides = array<i32>} : memref<2x64x64xf32, #tpu.memory_space<vmem>>, vector<1x1x16xf32>,
      %get3A_1008 = vector.shape_cast %get3A_1007 : vector<1x1x16xf32> to vector<16xf32>
      %get3A_1009 = arith.constant 1 : i32
      %get3A_1010 = arith.index_cast %get3A_1009 : i32 to index
      %get3A_1011 = arith.index_cast %add3A_1003 : i32 to index
      %get3A_1012 = arith.constant 16 : index
      %get3A_1013 = tpu.vector_load %arg5[%get3A_1010, %get3A_1011, %get3A_1012] {strides = array<i32>} : memref<2x64x64xf32, #tpu.memory_space<vmem>>, vector<1x1x16xf32>,
      %get3A_1014 = vector.shape_cast %get3A_1013 : vector<1x1x16xf32> to vector<16xf32>
      %add3A_1015 = arith.addf %get3A_1008, %get3A_1014 : vector<16xf32>
      %get3A_1016 = arith.constant 1 : i32
      %get3A_1017 = arith.index_cast %get3A_1016 : i32 to index
      %get3A_1018 = arith.index_cast %add3A_1003 : i32 to index
      %get3A_1019 = arith.constant 32 : index
      %get3A_1020 = tpu.vector_load %arg5[%get3A_1017, %get3A_1018, %get3A_1019] {strides = array<i32>} : memref<2x64x64xf32, #tpu.memory_space<vmem>>, vector<1x1x16xf32>,
      %get3A_1021 = vector.shape_cast %get3A_1020 : vector<1x1x16xf32> to vector<16xf32>
      %add3A_1022 = arith.addf %add3A_1015, %get3A_1021 : vector<16xf32>
      %get3A_1023 = arith.constant 1 : i32
      %get3A_1024 = arith.index_cast %get3A_1023 : i32 to index
      %get3A_1025 = arith.index_cast %add3A_1003 : i32 to index
      %get3A_1026 = arith.constant 48 : index
      %get3A_1027 = tpu.vector_load %arg5[%get3A_1024, %get3A_1025, %get3A_1026] {strides = array<i32>} : memref<2x64x64xf32, #tpu.memory_space<vmem>>, vector<1x1x16xf32>,
      %get3A_1028 = vector.shape_cast %get3A_1027 : vector<1x1x16xf32> to vector<16xf32>
      %add3A_1029 = arith.addf %add3A_1022, %get3A_1028 : vector<16xf32>
      %get3A_1030 = arith.constant 0 : index
      %get3A_1031 = tpu.vector_load %arg8[%get3A_1030] {strides = array<i32>} : memref<16xf32, #tpu.memory_space<vmem>>, vector<16xf32>,
      %get3A_1032 = vector.shape_cast %get3A_1031 : vector<16xf32> to vector<16xf32>
      %add3A_1033 = arith.addf %get3A_1032, %add3A_1029 : vector<16xf32>
      %swap3A_1034 = arith.constant 0 : index
      %swap3A_1035 = tpu.vector_load %arg8[%swap3A_1034] {strides = array<i32>} : memref<16xf32, #tpu.memory_space<vmem>>, vector<16xf32>,
      %swap3A_1036 = vector.shape_cast %swap3A_1035 : vector<16xf32> to vector<16xf32>
      %swap3A_1037 = vector.shape_cast %add3A_1033 : vector<16xf32> to vector<16xf32>
      tpu.vector_store %arg8[%swap3A_1034], %swap3A_1037 {strides = array<i32>} : memref<16xf32, #tpu.memory_space<vmem>>, vector<16xf32>,
    }
    %scan3A_363 = arith.constant 64 : i32
    %dma_start3A_364 = arith.constant 26 : i32
    %dma_start3A_365 = arith.constant 0 : i32
    %dma_start3A_366 = arith.constant 0 : i32
    %dma_start3A_367 = tpu.memref_slice %arg2[%select_n3A, %select_n3A_32, %dma_start3A_364, %dma_start3A_365, %dma_start3A_366] : memref<4x32x64x64x64xf32, #tpu.memory_space<hbm>> -> memref<1x1x2x64x64xf32, #tpu.memory_space<hbm>>
    %dma_start3A_368 = tpu.memref_squeeze %dma_start3A_367 : memref<1x1x2x64x64xf32, #tpu.memory_space<hbm>> -> memref<2x64x64xf32, #tpu.memory_space<hbm>>
    %dma_start3A_369 = arith.constant 26 : i32
    %dma_start3A_370 = arith.constant 0 : i32
    %dma_start3A_371 = arith.constant 0 : i32
    %dma_start3A_372 = tpu.memref_slice %arg2[%select_n3A, %select_n3A_32, %dma_start3A_369, %dma_start3A_370, %dma_start3A_371] : memref<4x32x64x64x64xf32, #tpu.memory_space<hbm>> -> memref<1x1x2x64x64xf32, #tpu.memory_space<hbm>>
    %dma_start3A_373 = tpu.memref_squeeze %dma_start3A_372 : memref<1x1x2x64x64xf32, #tpu.memory_space<hbm>> -> memref<2x64x64xf32, #tpu.memory_space<hbm>>
    tpu.enqueue_dma source(%dma_start3A_373 : memref<2x64x64xf32, #tpu.memory_space<hbm>>) target(%arg5 : memref<2x64x64xf32, #tpu.memory_space<vmem>>) target_semaphore(%arg11 : memref<!tpu.dma_semaphore, #tpu.memory_space<semaphore_mem>>)
    %dma_wait3A_374 = arith.constant 20 : i32
    %dma_wait3A_375 = arith.constant 0 : i32
    %dma_wait3A_376 = arith.constant 0 : i32
    %dma_wait3A_377 = tpu.memref_slice %arg2[%select_n3A, %select_n3A_32, %dma_wait3A_374, %dma_wait3A_375, %dma_wait3A_376] : memref<4x32x64x64x64xf32, #tpu.memory_space<hbm>> -> memref<1x1x2x64x64xf32, #tpu.memory_space<hbm>>
    %dma_wait3A_378 = tpu.memref_squeeze %dma_wait3A_377 : memref<1x1x2x64x64xf32, #tpu.memory_space<hbm>> -> memref<2x64x64xf32, #tpu.memory_space<hbm>>
    %dma_wait3A_379 = arith.constant 20 : i32
    %dma_wait3A_380 = arith.constant 0 : i32
    %dma_wait3A_381 = arith.constant 0 : i32
    %dma_wait3A_382 = tpu.memref_slice %arg2[%select_n3A, %select_n3A_32, %dma_wait3A_379, %dma_wait3A_380, %dma_wait3A_381] : memref<4x32x64x64x64xf32, #tpu.memory_space<hbm>> -> memref<1x1x2x64x64xf32, #tpu.memory_space<hbm>>
    %dma_wait3A_383 = tpu.memref_squeeze %dma_wait3A_382 : memref<1x1x2x64x64xf32, #tpu.memory_space<hbm>> -> memref<2x64x64xf32, #tpu.memory_space<hbm>>
    tpu.wait_dma2 semaphore(%arg12 : memref<!tpu.dma_semaphore, #tpu.memory_space<semaphore_mem>>) src(%dma_wait3A_383 : memref<2x64x64xf32, #tpu.memory_space<hbm>>) dst(%arg6 : memref<2x64x64xf32, #tpu.memory_space<vmem>>)
    %scan3A_384 = arith.constant 0 : i32
    %scan3A_385 = arith.constant 64 : i32
    %scan3A_386 = arith.addi %scan3A_384, %scan3A_385 : i32
    %scan3A_387 = arith.constant 1 : i32
    scf.for %scan3A_999 = %scan3A_384 to %scan3A_386 step %scan3A_387  : i32 {
      %mul3A_1000 = arith.constant 1 : i32
      %mul3A_1001 = arith.muli %scan3A_999, %mul3A_1000 : i32
      %add3A_1002 = arith.constant 0 : i32
      %add3A_1003 = arith.addi %add3A_1002, %mul3A_1001 : i32
      %get3A = arith.constant 0 : i32
      %get3A_1004 = arith.index_cast %get3A : i32 to index
      %get3A_1005 = arith.index_cast %add3A_1003 : i32 to index
      %get3A_1006 = arith.constant 0 : index
      %get3A_1007 = tpu.vector_load %arg6[%get3A_1004, %get3A_1005, %get3A_1006] {strides = array<i32>} : memref<2x64x64xf32, #tpu.memory_space<vmem>>, vector<1x1x16xf32>,
      %get3A_1008 = vector.shape_cast %get3A_1007 : vector<1x1x16xf32> to vector<16xf32>
      %get3A_1009 = arith.constant 0 : i32
      %get3A_1010 = arith.index_cast %get3A_1009 : i32 to index
      %get3A_1011 = arith.index_cast %add3A_1003 : i32 to index
      %get3A_1012 = arith.constant 16 : index
      %get3A_1013 = tpu.vector_load %arg6[%get3A_1010, %get3A_1011, %get3A_1012] {strides = array<i32>} : memref<2x64x64xf32, #tpu.memory_space<vmem>>, vector<1x1x16xf32>,
      %get3A_1014 = vector.shape_cast %get3A_1013 : vector<1x1x16xf32> to vector<16xf32>
      %add3A_1015 = arith.addf %get3A_1008, %get3A_1014 : vector<16xf32>
      %get3A_1016 = arith.constant 0 : i32
      %get3A_1017 = arith.index_cast %get3A_1016 : i32 to index
      %get3A_1018 = arith.index_cast %add3A_1003 : i32 to index
      %get3A_1019 = arith.constant 32 : index
      %get3A_1020 = tpu.vector_load %arg6[%get3A_1017, %get3A_1018, %get3A_1019] {strides = array<i32>} : memref<2x64x64xf32, #tpu.memory_space<vmem>>, vector<1x1x16xf32>,
      %get3A_1021 = vector.shape_cast %get3A_1020 : vector<1x1x16xf32> to vector<16xf32>
      %add3A_1022 = arith.addf %add3A_1015, %get3A_1021 : vector<16xf32>
      %get3A_1023 = arith.constant 0 : i32
      %get3A_1024 = arith.index_cast %get3A_1023 : i32 to index
      %get3A_1025 = arith.index_cast %add3A_1003 : i32 to index
      %get3A_1026 = arith.constant 48 : index
      %get3A_1027 = tpu.vector_load %arg6[%get3A_1024, %get3A_1025, %get3A_1026] {strides = array<i32>} : memref<2x64x64xf32, #tpu.memory_space<vmem>>, vector<1x1x16xf32>,
      %get3A_1028 = vector.shape_cast %get3A_1027 : vector<1x1x16xf32> to vector<16xf32>
      %add3A_1029 = arith.addf %add3A_1022, %get3A_1028 : vector<16xf32>
      %get3A_1030 = arith.constant 0 : index
      %get3A_1031 = tpu.vector_load %arg8[%get3A_1030] {strides = array<i32>} : memref<16xf32, #tpu.memory_space<vmem>>, vector<16xf32>,
      %get3A_1032 = vector.shape_cast %get3A_1031 : vector<16xf32> to vector<16xf32>
      %add3A_1033 = arith.addf %get3A_1032, %add3A_1029 : vector<16xf32>
      %swap3A_1034 = arith.constant 0 : index
      %swap3A_1035 = tpu.vector_load %arg8[%swap3A_1034] {strides = array<i32>} : memref<16xf32, #tpu.memory_space<vmem>>, vector<16xf32>,
      %swap3A_1036 = vector.shape_cast %swap3A_1035 : vector<16xf32> to vector<16xf32>
      %swap3A_1037 = vector.shape_cast %add3A_1033 : vector<16xf32> to vector<16xf32>
      tpu.vector_store %arg8[%swap3A_1034], %swap3A_1037 {strides = array<i32>} : memref<16xf32, #tpu.memory_space<vmem>>, vector<16xf32>,
    }
    %scan3A_388 = arith.constant 64 : i32
    %scan3A_389 = arith.constant 0 : i32
    %scan3A_390 = arith.constant 64 : i32
    %scan3A_391 = arith.addi %scan3A_389, %scan3A_390 : i32
    %scan3A_392 = arith.constant 1 : i32
    scf.for %scan3A_999 = %scan3A_389 to %scan3A_391 step %scan3A_392  : i32 {
      %mul3A_1000 = arith.constant 1 : i32
      %mul3A_1001 = arith.muli %scan3A_999, %mul3A_1000 : i32
      %add3A_1002 = arith.constant 0 : i32
      %add3A_1003 = arith.addi %add3A_1002, %mul3A_1001 : i32
      %get3A = arith.constant 1 : i32
      %get3A_1004 = arith.index_cast %get3A : i32 to index
      %get3A_1005 = arith.index_cast %add3A_1003 : i32 to index
      %get3A_1006 = arith.constant 0 : index
      %get3A_1007 = tpu.vector_load %arg6[%get3A_1004, %get3A_1005, %get3A_1006] {strides = array<i32>} : memref<2x64x64xf32, #tpu.memory_space<vmem>>, vector<1x1x16xf32>,
      %get3A_1008 = vector.shape_cast %get3A_1007 : vector<1x1x16xf32> to vector<16xf32>
      %get3A_1009 = arith.constant 1 : i32
      %get3A_1010 = arith.index_cast %get3A_1009 : i32 to index
      %get3A_1011 = arith.index_cast %add3A_1003 : i32 to index
      %get3A_1012 = arith.constant 16 : index
      %get3A_1013 = tpu.vector_load %arg6[%get3A_1010, %get3A_1011, %get3A_1012] {strides = array<i32>} : memref<2x64x64xf32, #tpu.memory_space<vmem>>, vector<1x1x16xf32>,
      %get3A_1014 = vector.shape_cast %get3A_1013 : vector<1x1x16xf32> to vector<16xf32>
      %add3A_1015 = arith.addf %get3A_1008, %get3A_1014 : vector<16xf32>
      %get3A_1016 = arith.constant 1 : i32
      %get3A_1017 = arith.index_cast %get3A_1016 : i32 to index
      %get3A_1018 = arith.index_cast %add3A_1003 : i32 to index
      %get3A_1019 = arith.constant 32 : index
      %get3A_1020 = tpu.vector_load %arg6[%get3A_1017, %get3A_1018, %get3A_1019] {strides = array<i32>} : memref<2x64x64xf32, #tpu.memory_space<vmem>>, vector<1x1x16xf32>,
      %get3A_1021 = vector.shape_cast %get3A_1020 : vector<1x1x16xf32> to vector<16xf32>
      %add3A_1022 = arith.addf %add3A_1015, %get3A_1021 : vector<16xf32>
      %get3A_1023 = arith.constant 1 : i32
      %get3A_1024 = arith.index_cast %get3A_1023 : i32 to index
      %get3A_1025 = arith.index_cast %add3A_1003 : i32 to index
      %get3A_1026 = arith.constant 48 : index
      %get3A_1027 = tpu.vector_load %arg6[%get3A_1024, %get3A_1025, %get3A_1026] {strides = array<i32>} : memref<2x64x64xf32, #tpu.memory_space<vmem>>, vector<1x1x16xf32>,
      %get3A_1028 = vector.shape_cast %get3A_1027 : vector<1x1x16xf32> to vector<16xf32>
      %add3A_1029 = arith.addf %add3A_1022, %get3A_1028 : vector<16xf32>
      %get3A_1030 = arith.constant 0 : index
      %get3A_1031 = tpu.vector_load %arg8[%get3A_1030] {strides = array<i32>} : memref<16xf32, #tpu.memory_space<vmem>>, vector<16xf32>,
      %get3A_1032 = vector.shape_cast %get3A_1031 : vector<16xf32> to vector<16xf32>
      %add3A_1033 = arith.addf %get3A_1032, %add3A_1029 : vector<16xf32>
      %swap3A_1034 = arith.constant 0 : index
      %swap3A_1035 = tpu.vector_load %arg8[%swap3A_1034] {strides = array<i32>} : memref<16xf32, #tpu.memory_space<vmem>>, vector<16xf32>,
      %swap3A_1036 = vector.shape_cast %swap3A_1035 : vector<16xf32> to vector<16xf32>
      %swap3A_1037 = vector.shape_cast %add3A_1033 : vector<16xf32> to vector<16xf32>
      tpu.vector_store %arg8[%swap3A_1034], %swap3A_1037 {strides = array<i32>} : memref<16xf32, #tpu.memory_space<vmem>>, vector<16xf32>,
    }
    %scan3A_393 = arith.constant 64 : i32
    %dma_start3A_394 = arith.constant 28 : i32
    %dma_start3A_395 = arith.constant 0 : i32
    %dma_start3A_396 = arith.constant 0 : i32
    %dma_start3A_397 = tpu.memref_slice %arg2[%select_n3A, %select_n3A_32, %dma_start3A_394, %dma_start3A_395, %dma_start3A_396] : memref<4x32x64x64x64xf32, #tpu.memory_space<hbm>> -> memref<1x1x2x64x64xf32, #tpu.memory_space<hbm>>
    %dma_start3A_398 = tpu.memref_squeeze %dma_start3A_397 : memref<1x1x2x64x64xf32, #tpu.memory_space<hbm>> -> memref<2x64x64xf32, #tpu.memory_space<hbm>>
    %dma_start3A_399 = arith.constant 28 : i32
    %dma_start3A_400 = arith.constant 0 : i32
    %dma_start3A_401 = arith.constant 0 : i32
    %dma_start3A_402 = tpu.memref_slice %arg2[%select_n3A, %select_n3A_32, %dma_start3A_399, %dma_start3A_400, %dma_start3A_401] : memref<4x32x64x64x64xf32, #tpu.memory_space<hbm>> -> memref<1x1x2x64x64xf32, #tpu.memory_space<hbm>>
    %dma_start3A_403 = tpu.memref_squeeze %dma_start3A_402 : memref<1x1x2x64x64xf32, #tpu.memory_space<hbm>> -> memref<2x64x64xf32, #tpu.memory_space<hbm>>
    tpu.enqueue_dma source(%dma_start3A_403 : memref<2x64x64xf32, #tpu.memory_space<hbm>>) target(%arg6 : memref<2x64x64xf32, #tpu.memory_space<vmem>>) target_semaphore(%arg12 : memref<!tpu.dma_semaphore, #tpu.memory_space<semaphore_mem>>)
    %dma_wait3A_404 = arith.constant 22 : i32
    %dma_wait3A_405 = arith.constant 0 : i32
    %dma_wait3A_406 = arith.constant 0 : i32
    %dma_wait3A_407 = tpu.memref_slice %arg2[%select_n3A, %select_n3A_32, %dma_wait3A_404, %dma_wait3A_405, %dma_wait3A_406] : memref<4x32x64x64x64xf32, #tpu.memory_space<hbm>> -> memref<1x1x2x64x64xf32, #tpu.memory_space<hbm>>
    %dma_wait3A_408 = tpu.memref_squeeze %dma_wait3A_407 : memref<1x1x2x64x64xf32, #tpu.memory_space<hbm>> -> memref<2x64x64xf32, #tpu.memory_space<hbm>>
    %dma_wait3A_409 = arith.constant 22 : i32
    %dma_wait3A_410 = arith.constant 0 : i32
    %dma_wait3A_411 = arith.constant 0 : i32
    %dma_wait3A_412 = tpu.memref_slice %arg2[%select_n3A, %select_n3A_32, %dma_wait3A_409, %dma_wait3A_410, %dma_wait3A_411] : memref<4x32x64x64x64xf32, #tpu.memory_space<hbm>> -> memref<1x1x2x64x64xf32, #tpu.memory_space<hbm>>
    %dma_wait3A_413 = tpu.memref_squeeze %dma_wait3A_412 : memref<1x1x2x64x64xf32, #tpu.memory_space<hbm>> -> memref<2x64x64xf32, #tpu.memory_space<hbm>>
    tpu.wait_dma2 semaphore(%arg13 : memref<!tpu.dma_semaphore, #tpu.memory_space<semaphore_mem>>) src(%dma_wait3A_413 : memref<2x64x64xf32, #tpu.memory_space<hbm>>) dst(%arg7 : memref<2x64x64xf32, #tpu.memory_space<vmem>>)
    %scan3A_414 = arith.constant 0 : i32
    %scan3A_415 = arith.constant 64 : i32
    %scan3A_416 = arith.addi %scan3A_414, %scan3A_415 : i32
    %scan3A_417 = arith.constant 1 : i32
    scf.for %scan3A_999 = %scan3A_414 to %scan3A_416 step %scan3A_417  : i32 {
      %mul3A_1000 = arith.constant 1 : i32
      %mul3A_1001 = arith.muli %scan3A_999, %mul3A_1000 : i32
      %add3A_1002 = arith.constant 0 : i32
      %add3A_1003 = arith.addi %add3A_1002, %mul3A_1001 : i32
      %get3A = arith.constant 0 : i32
      %get3A_1004 = arith.index_cast %get3A : i32 to index
      %get3A_1005 = arith.index_cast %add3A_1003 : i32 to index
      %get3A_1006 = arith.constant 0 : index
      %get3A_1007 = tpu.vector_load %arg7[%get3A_1004, %get3A_1005, %get3A_1006] {strides = array<i32>} : memref<2x64x64xf32, #tpu.memory_space<vmem>>, vector<1x1x16xf32>,
      %get3A_1008 = vector.shape_cast %get3A_1007 : vector<1x1x16xf32> to vector<16xf32>
      %get3A_1009 = arith.constant 0 : i32
      %get3A_1010 = arith.index_cast %get3A_1009 : i32 to index
      %get3A_1011 = arith.index_cast %add3A_1003 : i32 to index
      %get3A_1012 = arith.constant 16 : index
      %get3A_1013 = tpu.vector_load %arg7[%get3A_1010, %get3A_1011, %get3A_1012] {strides = array<i32>} : memref<2x64x64xf32, #tpu.memory_space<vmem>>, vector<1x1x16xf32>,
      %get3A_1014 = vector.shape_cast %get3A_1013 : vector<1x1x16xf32> to vector<16xf32>
      %add3A_1015 = arith.addf %get3A_1008, %get3A_1014 : vector<16xf32>
      %get3A_1016 = arith.constant 0 : i32
      %get3A_1017 = arith.index_cast %get3A_1016 : i32 to index
      %get3A_1018 = arith.index_cast %add3A_1003 : i32 to index
      %get3A_1019 = arith.constant 32 : index
      %get3A_1020 = tpu.vector_load %arg7[%get3A_1017, %get3A_1018, %get3A_1019] {strides = array<i32>} : memref<2x64x64xf32, #tpu.memory_space<vmem>>, vector<1x1x16xf32>,
      %get3A_1021 = vector.shape_cast %get3A_1020 : vector<1x1x16xf32> to vector<16xf32>
      %add3A_1022 = arith.addf %add3A_1015, %get3A_1021 : vector<16xf32>
      %get3A_1023 = arith.constant 0 : i32
      %get3A_1024 = arith.index_cast %get3A_1023 : i32 to index
      %get3A_1025 = arith.index_cast %add3A_1003 : i32 to index
      %get3A_1026 = arith.constant 48 : index
      %get3A_1027 = tpu.vector_load %arg7[%get3A_1024, %get3A_1025, %get3A_1026] {strides = array<i32>} : memref<2x64x64xf32, #tpu.memory_space<vmem>>, vector<1x1x16xf32>,
      %get3A_1028 = vector.shape_cast %get3A_1027 : vector<1x1x16xf32> to vector<16xf32>
      %add3A_1029 = arith.addf %add3A_1022, %get3A_1028 : vector<16xf32>
      %get3A_1030 = arith.constant 0 : index
      %get3A_1031 = tpu.vector_load %arg8[%get3A_1030] {strides = array<i32>} : memref<16xf32, #tpu.memory_space<vmem>>, vector<16xf32>,
      %get3A_1032 = vector.shape_cast %get3A_1031 : vector<16xf32> to vector<16xf32>
      %add3A_1033 = arith.addf %get3A_1032, %add3A_1029 : vector<16xf32>
      %swap3A_1034 = arith.constant 0 : index
      %swap3A_1035 = tpu.vector_load %arg8[%swap3A_1034] {strides = array<i32>} : memref<16xf32, #tpu.memory_space<vmem>>, vector<16xf32>,
      %swap3A_1036 = vector.shape_cast %swap3A_1035 : vector<16xf32> to vector<16xf32>
      %swap3A_1037 = vector.shape_cast %add3A_1033 : vector<16xf32> to vector<16xf32>
      tpu.vector_store %arg8[%swap3A_1034], %swap3A_1037 {strides = array<i32>} : memref<16xf32, #tpu.memory_space<vmem>>, vector<16xf32>,
    }
    %scan3A_418 = arith.constant 64 : i32
    %scan3A_419 = arith.constant 0 : i32
    %scan3A_420 = arith.constant 64 : i32
    %scan3A_421 = arith.addi %scan3A_419, %scan3A_420 : i32
    %scan3A_422 = arith.constant 1 : i32
    scf.for %scan3A_999 = %scan3A_419 to %scan3A_421 step %scan3A_422  : i32 {
      %mul3A_1000 = arith.constant 1 : i32
      %mul3A_1001 = arith.muli %scan3A_999, %mul3A_1000 : i32
      %add3A_1002 = arith.constant 0 : i32
      %add3A_1003 = arith.addi %add3A_1002, %mul3A_1001 : i32
      %get3A = arith.constant 1 : i32
      %get3A_1004 = arith.index_cast %get3A : i32 to index
      %get3A_1005 = arith.index_cast %add3A_1003 : i32 to index
      %get3A_1006 = arith.constant 0 : index
      %get3A_1007 = tpu.vector_load %arg7[%get3A_1004, %get3A_1005, %get3A_1006] {strides = array<i32>} : memref<2x64x64xf32, #tpu.memory_space<vmem>>, vector<1x1x16xf32>,
      %get3A_1008 = vector.shape_cast %get3A_1007 : vector<1x1x16xf32> to vector<16xf32>
      %get3A_1009 = arith.constant 1 : i32
      %get3A_1010 = arith.index_cast %get3A_1009 : i32 to index
      %get3A_1011 = arith.index_cast %add3A_1003 : i32 to index
      %get3A_1012 = arith.constant 16 : index
      %get3A_1013 = tpu.vector_load %arg7[%get3A_1010, %get3A_1011, %get3A_1012] {strides = array<i32>} : memref<2x64x64xf32, #tpu.memory_space<vmem>>, vector<1x1x16xf32>,
      %get3A_1014 = vector.shape_cast %get3A_1013 : vector<1x1x16xf32> to vector<16xf32>
      %add3A_1015 = arith.addf %get3A_1008, %get3A_1014 : vector<16xf32>
      %get3A_1016 = arith.constant 1 : i32
      %get3A_1017 = arith.index_cast %get3A_1016 : i32 to index
      %get3A_1018 = arith.index_cast %add3A_1003 : i32 to index
      %get3A_1019 = arith.constant 32 : index
      %get3A_1020 = tpu.vector_load %arg7[%get3A_1017, %get3A_1018, %get3A_1019] {strides = array<i32>} : memref<2x64x64xf32, #tpu.memory_space<vmem>>, vector<1x1x16xf32>,
      %get3A_1021 = vector.shape_cast %get3A_1020 : vector<1x1x16xf32> to vector<16xf32>
      %add3A_1022 = arith.addf %add3A_1015, %get3A_1021 : vector<16xf32>
      %get3A_1023 = arith.constant 1 : i32
      %get3A_1024 = arith.index_cast %get3A_1023 : i32 to index
      %get3A_1025 = arith.index_cast %add3A_1003 : i32 to index
      %get3A_1026 = arith.constant 48 : index
      %get3A_1027 = tpu.vector_load %arg7[%get3A_1024, %get3A_1025, %get3A_1026] {strides = array<i32>} : memref<2x64x64xf32, #tpu.memory_space<vmem>>, vector<1x1x16xf32>,
      %get3A_1028 = vector.shape_cast %get3A_1027 : vector<1x1x16xf32> to vector<16xf32>
      %add3A_1029 = arith.addf %add3A_1022, %get3A_1028 : vector<16xf32>
      %get3A_1030 = arith.constant 0 : index
      %get3A_1031 = tpu.vector_load %arg8[%get3A_1030] {strides = array<i32>} : memref<16xf32, #tpu.memory_space<vmem>>, vector<16xf32>,
      %get3A_1032 = vector.shape_cast %get3A_1031 : vector<16xf32> to vector<16xf32>
      %add3A_1033 = arith.addf %get3A_1032, %add3A_1029 : vector<16xf32>
      %swap3A_1034 = arith.constant 0 : index
      %swap3A_1035 = tpu.vector_load %arg8[%swap3A_1034] {strides = array<i32>} : memref<16xf32, #tpu.memory_space<vmem>>, vector<16xf32>,
      %swap3A_1036 = vector.shape_cast %swap3A_1035 : vector<16xf32> to vector<16xf32>
      %swap3A_1037 = vector.shape_cast %add3A_1033 : vector<16xf32> to vector<16xf32>
      tpu.vector_store %arg8[%swap3A_1034], %swap3A_1037 {strides = array<i32>} : memref<16xf32, #tpu.memory_space<vmem>>, vector<16xf32>,
    }
    %scan3A_423 = arith.constant 64 : i32
    %dma_start3A_424 = arith.constant 30 : i32
    %dma_start3A_425 = arith.constant 0 : i32
    %dma_start3A_426 = arith.constant 0 : i32
    %dma_start3A_427 = tpu.memref_slice %arg2[%select_n3A, %select_n3A_32, %dma_start3A_424, %dma_start3A_425, %dma_start3A_426] : memref<4x32x64x64x64xf32, #tpu.memory_space<hbm>> -> memref<1x1x2x64x64xf32, #tpu.memory_space<hbm>>
    %dma_start3A_428 = tpu.memref_squeeze %dma_start3A_427 : memref<1x1x2x64x64xf32, #tpu.memory_space<hbm>> -> memref<2x64x64xf32, #tpu.memory_space<hbm>>
    %dma_start3A_429 = arith.constant 30 : i32
    %dma_start3A_430 = arith.constant 0 : i32
    %dma_start3A_431 = arith.constant 0 : i32
    %dma_start3A_432 = tpu.memref_slice %arg2[%select_n3A, %select_n3A_32, %dma_start3A_429, %dma_start3A_430, %dma_start3A_431] : memref<4x32x64x64x64xf32, #tpu.memory_space<hbm>> -> memref<1x1x2x64x64xf32, #tpu.memory_space<hbm>>
    %dma_start3A_433 = tpu.memref_squeeze %dma_start3A_432 : memref<1x1x2x64x64xf32, #tpu.memory_space<hbm>> -> memref<2x64x64xf32, #tpu.memory_space<hbm>>
    tpu.enqueue_dma source(%dma_start3A_433 : memref<2x64x64xf32, #tpu.memory_space<hbm>>) target(%arg7 : memref<2x64x64xf32, #tpu.memory_space<vmem>>) target_semaphore(%arg13 : memref<!tpu.dma_semaphore, #tpu.memory_space<semaphore_mem>>)
    %dma_wait3A_434 = arith.constant 24 : i32
    %dma_wait3A_435 = arith.constant 0 : i32
    %dma_wait3A_436 = arith.constant 0 : i32
    %dma_wait3A_437 = tpu.memref_slice %arg2[%select_n3A, %select_n3A_32, %dma_wait3A_434, %dma_wait3A_435, %dma_wait3A_436] : memref<4x32x64x64x64xf32, #tpu.memory_space<hbm>> -> memref<1x1x2x64x64xf32, #tpu.memory_space<hbm>>
    %dma_wait3A_438 = tpu.memref_squeeze %dma_wait3A_437 : memref<1x1x2x64x64xf32, #tpu.memory_space<hbm>> -> memref<2x64x64xf32, #tpu.memory_space<hbm>>
    %dma_wait3A_439 = arith.constant 24 : i32
    %dma_wait3A_440 = arith.constant 0 : i32
    %dma_wait3A_441 = arith.constant 0 : i32
    %dma_wait3A_442 = tpu.memref_slice %arg2[%select_n3A, %select_n3A_32, %dma_wait3A_439, %dma_wait3A_440, %dma_wait3A_441] : memref<4x32x64x64x64xf32, #tpu.memory_space<hbm>> -> memref<1x1x2x64x64xf32, #tpu.memory_space<hbm>>
    %dma_wait3A_443 = tpu.memref_squeeze %dma_wait3A_442 : memref<1x1x2x64x64xf32, #tpu.memory_space<hbm>> -> memref<2x64x64xf32, #tpu.memory_space<hbm>>
    tpu.wait_dma2 semaphore(%arg10 : memref<!tpu.dma_semaphore, #tpu.memory_space<semaphore_mem>>) src(%dma_wait3A_443 : memref<2x64x64xf32, #tpu.memory_space<hbm>>) dst(%arg4 : memref<2x64x64xf32, #tpu.memory_space<vmem>>)
    %scan3A_444 = arith.constant 0 : i32
    %scan3A_445 = arith.constant 64 : i32
    %scan3A_446 = arith.addi %scan3A_444, %scan3A_445 : i32
    %scan3A_447 = arith.constant 1 : i32
    scf.for %scan3A_999 = %scan3A_444 to %scan3A_446 step %scan3A_447  : i32 {
      %mul3A_1000 = arith.constant 1 : i32
      %mul3A_1001 = arith.muli %scan3A_999, %mul3A_1000 : i32
      %add3A_1002 = arith.constant 0 : i32
      %add3A_1003 = arith.addi %add3A_1002, %mul3A_1001 : i32
      %get3A = arith.constant 0 : i32
      %get3A_1004 = arith.index_cast %get3A : i32 to index
      %get3A_1005 = arith.index_cast %add3A_1003 : i32 to index
      %get3A_1006 = arith.constant 0 : index
      %get3A_1007 = tpu.vector_load %arg4[%get3A_1004, %get3A_1005, %get3A_1006] {strides = array<i32>} : memref<2x64x64xf32, #tpu.memory_space<vmem>>, vector<1x1x16xf32>,
      %get3A_1008 = vector.shape_cast %get3A_1007 : vector<1x1x16xf32> to vector<16xf32>
      %get3A_1009 = arith.constant 0 : i32
      %get3A_1010 = arith.index_cast %get3A_1009 : i32 to index
      %get3A_1011 = arith.index_cast %add3A_1003 : i32 to index
      %get3A_1012 = arith.constant 16 : index
      %get3A_1013 = tpu.vector_load %arg4[%get3A_1010, %get3A_1011, %get3A_1012] {strides = array<i32>} : memref<2x64x64xf32, #tpu.memory_space<vmem>>, vector<1x1x16xf32>,
      %get3A_1014 = vector.shape_cast %get3A_1013 : vector<1x1x16xf32> to vector<16xf32>
      %add3A_1015 = arith.addf %get3A_1008, %get3A_1014 : vector<16xf32>
      %get3A_1016 = arith.constant 0 : i32
      %get3A_1017 = arith.index_cast %get3A_1016 : i32 to index
      %get3A_1018 = arith.index_cast %add3A_1003 : i32 to index
      %get3A_1019 = arith.constant 32 : index
      %get3A_1020 = tpu.vector_load %arg4[%get3A_1017, %get3A_1018, %get3A_1019] {strides = array<i32>} : memref<2x64x64xf32, #tpu.memory_space<vmem>>, vector<1x1x16xf32>,
      %get3A_1021 = vector.shape_cast %get3A_1020 : vector<1x1x16xf32> to vector<16xf32>
      %add3A_1022 = arith.addf %add3A_1015, %get3A_1021 : vector<16xf32>
      %get3A_1023 = arith.constant 0 : i32
      %get3A_1024 = arith.index_cast %get3A_1023 : i32 to index
      %get3A_1025 = arith.index_cast %add3A_1003 : i32 to index
      %get3A_1026 = arith.constant 48 : index
      %get3A_1027 = tpu.vector_load %arg4[%get3A_1024, %get3A_1025, %get3A_1026] {strides = array<i32>} : memref<2x64x64xf32, #tpu.memory_space<vmem>>, vector<1x1x16xf32>,
      %get3A_1028 = vector.shape_cast %get3A_1027 : vector<1x1x16xf32> to vector<16xf32>
      %add3A_1029 = arith.addf %add3A_1022, %get3A_1028 : vector<16xf32>
      %get3A_1030 = arith.constant 0 : index
      %get3A_1031 = tpu.vector_load %arg8[%get3A_1030] {strides = array<i32>} : memref<16xf32, #tpu.memory_space<vmem>>, vector<16xf32>,
      %get3A_1032 = vector.shape_cast %get3A_1031 : vector<16xf32> to vector<16xf32>
      %add3A_1033 = arith.addf %get3A_1032, %add3A_1029 : vector<16xf32>
      %swap3A_1034 = arith.constant 0 : index
      %swap3A_1035 = tpu.vector_load %arg8[%swap3A_1034] {strides = array<i32>} : memref<16xf32, #tpu.memory_space<vmem>>, vector<16xf32>,
      %swap3A_1036 = vector.shape_cast %swap3A_1035 : vector<16xf32> to vector<16xf32>
      %swap3A_1037 = vector.shape_cast %add3A_1033 : vector<16xf32> to vector<16xf32>
      tpu.vector_store %arg8[%swap3A_1034], %swap3A_1037 {strides = array<i32>} : memref<16xf32, #tpu.memory_space<vmem>>, vector<16xf32>,
    }
    %scan3A_448 = arith.constant 64 : i32
    %scan3A_449 = arith.constant 0 : i32
    %scan3A_450 = arith.constant 64 : i32
    %scan3A_451 = arith.addi %scan3A_449, %scan3A_450 : i32
    %scan3A_452 = arith.constant 1 : i32
    scf.for %scan3A_999 = %scan3A_449 to %scan3A_451 step %scan3A_452  : i32 {
      %mul3A_1000 = arith.constant 1 : i32
      %mul3A_1001 = arith.muli %scan3A_999, %mul3A_1000 : i32
      %add3A_1002 = arith.constant 0 : i32
      %add3A_1003 = arith.addi %add3A_1002, %mul3A_1001 : i32
      %get3A = arith.constant 1 : i32
      %get3A_1004 = arith.index_cast %get3A : i32 to index
      %get3A_1005 = arith.index_cast %add3A_1003 : i32 to index
      %get3A_1006 = arith.constant 0 : index
      %get3A_1007 = tpu.vector_load %arg4[%get3A_1004, %get3A_1005, %get3A_1006] {strides = array<i32>} : memref<2x64x64xf32, #tpu.memory_space<vmem>>, vector<1x1x16xf32>,
      %get3A_1008 = vector.shape_cast %get3A_1007 : vector<1x1x16xf32> to vector<16xf32>
      %get3A_1009 = arith.constant 1 : i32
      %get3A_1010 = arith.index_cast %get3A_1009 : i32 to index
      %get3A_1011 = arith.index_cast %add3A_1003 : i32 to index
      %get3A_1012 = arith.constant 16 : index
      %get3A_1013 = tpu.vector_load %arg4[%get3A_1010, %get3A_1011, %get3A_1012] {strides = array<i32>} : memref<2x64x64xf32, #tpu.memory_space<vmem>>, vector<1x1x16xf32>,
      %get3A_1014 = vector.shape_cast %get3A_1013 : vector<1x1x16xf32> to vector<16xf32>
      %add3A_1015 = arith.addf %get3A_1008, %get3A_1014 : vector<16xf32>
      %get3A_1016 = arith.constant 1 : i32
      %get3A_1017 = arith.index_cast %get3A_1016 : i32 to index
      %get3A_1018 = arith.index_cast %add3A_1003 : i32 to index
      %get3A_1019 = arith.constant 32 : index
      %get3A_1020 = tpu.vector_load %arg4[%get3A_1017, %get3A_1018, %get3A_1019] {strides = array<i32>} : memref<2x64x64xf32, #tpu.memory_space<vmem>>, vector<1x1x16xf32>,
      %get3A_1021 = vector.shape_cast %get3A_1020 : vector<1x1x16xf32> to vector<16xf32>
      %add3A_1022 = arith.addf %add3A_1015, %get3A_1021 : vector<16xf32>
      %get3A_1023 = arith.constant 1 : i32
      %get3A_1024 = arith.index_cast %get3A_1023 : i32 to index
      %get3A_1025 = arith.index_cast %add3A_1003 : i32 to index
      %get3A_1026 = arith.constant 48 : index
      %get3A_1027 = tpu.vector_load %arg4[%get3A_1024, %get3A_1025, %get3A_1026] {strides = array<i32>} : memref<2x64x64xf32, #tpu.memory_space<vmem>>, vector<1x1x16xf32>,
      %get3A_1028 = vector.shape_cast %get3A_1027 : vector<1x1x16xf32> to vector<16xf32>
      %add3A_1029 = arith.addf %add3A_1022, %get3A_1028 : vector<16xf32>
      %get3A_1030 = arith.constant 0 : index
      %get3A_1031 = tpu.vector_load %arg8[%get3A_1030] {strides = array<i32>} : memref<16xf32, #tpu.memory_space<vmem>>, vector<16xf32>,
      %get3A_1032 = vector.shape_cast %get3A_1031 : vector<16xf32> to vector<16xf32>
      %add3A_1033 = arith.addf %get3A_1032, %add3A_1029 : vector<16xf32>
      %swap3A_1034 = arith.constant 0 : index
      %swap3A_1035 = tpu.vector_load %arg8[%swap3A_1034] {strides = array<i32>} : memref<16xf32, #tpu.memory_space<vmem>>, vector<16xf32>,
      %swap3A_1036 = vector.shape_cast %swap3A_1035 : vector<16xf32> to vector<16xf32>
      %swap3A_1037 = vector.shape_cast %add3A_1033 : vector<16xf32> to vector<16xf32>
      tpu.vector_store %arg8[%swap3A_1034], %swap3A_1037 {strides = array<i32>} : memref<16xf32, #tpu.memory_space<vmem>>, vector<16xf32>,
    }
    %scan3A_453 = arith.constant 64 : i32
    %dma_start3A_454 = arith.constant 32 : i32
    %dma_start3A_455 = arith.constant 0 : i32
    %dma_start3A_456 = arith.constant 0 : i32
    %dma_start3A_457 = tpu.memref_slice %arg2[%select_n3A, %select_n3A_32, %dma_start3A_454, %dma_start3A_455, %dma_start3A_456] : memref<4x32x64x64x64xf32, #tpu.memory_space<hbm>> -> memref<1x1x2x64x64xf32, #tpu.memory_space<hbm>>
    %dma_start3A_458 = tpu.memref_squeeze %dma_start3A_457 : memref<1x1x2x64x64xf32, #tpu.memory_space<hbm>> -> memref<2x64x64xf32, #tpu.memory_space<hbm>>
    %dma_start3A_459 = arith.constant 32 : i32
    %dma_start3A_460 = arith.constant 0 : i32
    %dma_start3A_461 = arith.constant 0 : i32
    %dma_start3A_462 = tpu.memref_slice %arg2[%select_n3A, %select_n3A_32, %dma_start3A_459, %dma_start3A_460, %dma_start3A_461] : memref<4x32x64x64x64xf32, #tpu.memory_space<hbm>> -> memref<1x1x2x64x64xf32, #tpu.memory_space<hbm>>
    %dma_start3A_463 = tpu.memref_squeeze %dma_start3A_462 : memref<1x1x2x64x64xf32, #tpu.memory_space<hbm>> -> memref<2x64x64xf32, #tpu.memory_space<hbm>>
    tpu.enqueue_dma source(%dma_start3A_463 : memref<2x64x64xf32, #tpu.memory_space<hbm>>) target(%arg4 : memref<2x64x64xf32, #tpu.memory_space<vmem>>) target_semaphore(%arg10 : memref<!tpu.dma_semaphore, #tpu.memory_space<semaphore_mem>>)
    %dma_wait3A_464 = arith.constant 26 : i32
    %dma_wait3A_465 = arith.constant 0 : i32
    %dma_wait3A_466 = arith.constant 0 : i32
    %dma_wait3A_467 = tpu.memref_slice %arg2[%select_n3A, %select_n3A_32, %dma_wait3A_464, %dma_wait3A_465, %dma_wait3A_466] : memref<4x32x64x64x64xf32, #tpu.memory_space<hbm>> -> memref<1x1x2x64x64xf32, #tpu.memory_space<hbm>>
    %dma_wait3A_468 = tpu.memref_squeeze %dma_wait3A_467 : memref<1x1x2x64x64xf32, #tpu.memory_space<hbm>> -> memref<2x64x64xf32, #tpu.memory_space<hbm>>
    %dma_wait3A_469 = arith.constant 26 : i32
    %dma_wait3A_470 = arith.constant 0 : i32
    %dma_wait3A_471 = arith.constant 0 : i32
    %dma_wait3A_472 = tpu.memref_slice %arg2[%select_n3A, %select_n3A_32, %dma_wait3A_469, %dma_wait3A_470, %dma_wait3A_471] : memref<4x32x64x64x64xf32, #tpu.memory_space<hbm>> -> memref<1x1x2x64x64xf32, #tpu.memory_space<hbm>>
    %dma_wait3A_473 = tpu.memref_squeeze %dma_wait3A_472 : memref<1x1x2x64x64xf32, #tpu.memory_space<hbm>> -> memref<2x64x64xf32, #tpu.memory_space<hbm>>
    tpu.wait_dma2 semaphore(%arg11 : memref<!tpu.dma_semaphore, #tpu.memory_space<semaphore_mem>>) src(%dma_wait3A_473 : memref<2x64x64xf32, #tpu.memory_space<hbm>>) dst(%arg5 : memref<2x64x64xf32, #tpu.memory_space<vmem>>)
    %scan3A_474 = arith.constant 0 : i32
    %scan3A_475 = arith.constant 64 : i32
    %scan3A_476 = arith.addi %scan3A_474, %scan3A_475 : i32
    %scan3A_477 = arith.constant 1 : i32
    scf.for %scan3A_999 = %scan3A_474 to %scan3A_476 step %scan3A_477  : i32 {
      %mul3A_1000 = arith.constant 1 : i32
      %mul3A_1001 = arith.muli %scan3A_999, %mul3A_1000 : i32
      %add3A_1002 = arith.constant 0 : i32
      %add3A_1003 = arith.addi %add3A_1002, %mul3A_1001 : i32
      %get3A = arith.constant 0 : i32
      %get3A_1004 = arith.index_cast %get3A : i32 to index
      %get3A_1005 = arith.index_cast %add3A_1003 : i32 to index
      %get3A_1006 = arith.constant 0 : index
      %get3A_1007 = tpu.vector_load %arg5[%get3A_1004, %get3A_1005, %get3A_1006] {strides = array<i32>} : memref<2x64x64xf32, #tpu.memory_space<vmem>>, vector<1x1x16xf32>,
      %get3A_1008 = vector.shape_cast %get3A_1007 : vector<1x1x16xf32> to vector<16xf32>
      %get3A_1009 = arith.constant 0 : i32
      %get3A_1010 = arith.index_cast %get3A_1009 : i32 to index
      %get3A_1011 = arith.index_cast %add3A_1003 : i32 to index
      %get3A_1012 = arith.constant 16 : index
      %get3A_1013 = tpu.vector_load %arg5[%get3A_1010, %get3A_1011, %get3A_1012] {strides = array<i32>} : memref<2x64x64xf32, #tpu.memory_space<vmem>>, vector<1x1x16xf32>,
      %get3A_1014 = vector.shape_cast %get3A_1013 : vector<1x1x16xf32> to vector<16xf32>
      %add3A_1015 = arith.addf %get3A_1008, %get3A_1014 : vector<16xf32>
      %get3A_1016 = arith.constant 0 : i32
      %get3A_1017 = arith.index_cast %get3A_1016 : i32 to index
      %get3A_1018 = arith.index_cast %add3A_1003 : i32 to index
      %get3A_1019 = arith.constant 32 : index
      %get3A_1020 = tpu.vector_load %arg5[%get3A_1017, %get3A_1018, %get3A_1019] {strides = array<i32>} : memref<2x64x64xf32, #tpu.memory_space<vmem>>, vector<1x1x16xf32>,
      %get3A_1021 = vector.shape_cast %get3A_1020 : vector<1x1x16xf32> to vector<16xf32>
      %add3A_1022 = arith.addf %add3A_1015, %get3A_1021 : vector<16xf32>
      %get3A_1023 = arith.constant 0 : i32
      %get3A_1024 = arith.index_cast %get3A_1023 : i32 to index
      %get3A_1025 = arith.index_cast %add3A_1003 : i32 to index
      %get3A_1026 = arith.constant 48 : index
      %get3A_1027 = tpu.vector_load %arg5[%get3A_1024, %get3A_1025, %get3A_1026] {strides = array<i32>} : memref<2x64x64xf32, #tpu.memory_space<vmem>>, vector<1x1x16xf32>,
      %get3A_1028 = vector.shape_cast %get3A_1027 : vector<1x1x16xf32> to vector<16xf32>
      %add3A_1029 = arith.addf %add3A_1022, %get3A_1028 : vector<16xf32>
      %get3A_1030 = arith.constant 0 : index
      %get3A_1031 = tpu.vector_load %arg8[%get3A_1030] {strides = array<i32>} : memref<16xf32, #tpu.memory_space<vmem>>, vector<16xf32>,
      %get3A_1032 = vector.shape_cast %get3A_1031 : vector<16xf32> to vector<16xf32>
      %add3A_1033 = arith.addf %get3A_1032, %add3A_1029 : vector<16xf32>
      %swap3A_1034 = arith.constant 0 : index
      %swap3A_1035 = tpu.vector_load %arg8[%swap3A_1034] {strides = array<i32>} : memref<16xf32, #tpu.memory_space<vmem>>, vector<16xf32>,
      %swap3A_1036 = vector.shape_cast %swap3A_1035 : vector<16xf32> to vector<16xf32>
      %swap3A_1037 = vector.shape_cast %add3A_1033 : vector<16xf32> to vector<16xf32>
      tpu.vector_store %arg8[%swap3A_1034], %swap3A_1037 {strides = array<i32>} : memref<16xf32, #tpu.memory_space<vmem>>, vector<16xf32>,
    }
    %scan3A_478 = arith.constant 64 : i32
    %scan3A_479 = arith.constant 0 : i32
    %scan3A_480 = arith.constant 64 : i32
    %scan3A_481 = arith.addi %scan3A_479, %scan3A_480 : i32
    %scan3A_482 = arith.constant 1 : i32
    scf.for %scan3A_999 = %scan3A_479 to %scan3A_481 step %scan3A_482  : i32 {
      %mul3A_1000 = arith.constant 1 : i32
      %mul3A_1001 = arith.muli %scan3A_999, %mul3A_1000 : i32
      %add3A_1002 = arith.constant 0 : i32
      %add3A_1003 = arith.addi %add3A_1002, %mul3A_1001 : i32
      %get3A = arith.constant 1 : i32
      %get3A_1004 = arith.index_cast %get3A : i32 to index
      %get3A_1005 = arith.index_cast %add3A_1003 : i32 to index
      %get3A_1006 = arith.constant 0 : index
      %get3A_1007 = tpu.vector_load %arg5[%get3A_1004, %get3A_1005, %get3A_1006] {strides = array<i32>} : memref<2x64x64xf32, #tpu.memory_space<vmem>>, vector<1x1x16xf32>,
      %get3A_1008 = vector.shape_cast %get3A_1007 : vector<1x1x16xf32> to vector<16xf32>
      %get3A_1009 = arith.constant 1 : i32
      %get3A_1010 = arith.index_cast %get3A_1009 : i32 to index
      %get3A_1011 = arith.index_cast %add3A_1003 : i32 to index
      %get3A_1012 = arith.constant 16 : index
      %get3A_1013 = tpu.vector_load %arg5[%get3A_1010, %get3A_1011, %get3A_1012] {strides = array<i32>} : memref<2x64x64xf32, #tpu.memory_space<vmem>>, vector<1x1x16xf32>,
      %get3A_1014 = vector.shape_cast %get3A_1013 : vector<1x1x16xf32> to vector<16xf32>
      %add3A_1015 = arith.addf %get3A_1008, %get3A_1014 : vector<16xf32>
      %get3A_1016 = arith.constant 1 : i32
      %get3A_1017 = arith.index_cast %get3A_1016 : i32 to index
      %get3A_1018 = arith.index_cast %add3A_1003 : i32 to index
      %get3A_1019 = arith.constant 32 : index
      %get3A_1020 = tpu.vector_load %arg5[%get3A_1017, %get3A_1018, %get3A_1019] {strides = array<i32>} : memref<2x64x64xf32, #tpu.memory_space<vmem>>, vector<1x1x16xf32>,
      %get3A_1021 = vector.shape_cast %get3A_1020 : vector<1x1x16xf32> to vector<16xf32>
      %add3A_1022 = arith.addf %add3A_1015, %get3A_1021 : vector<16xf32>
      %get3A_1023 = arith.constant 1 : i32
      %get3A_1024 = arith.index_cast %get3A_1023 : i32 to index
      %get3A_1025 = arith.index_cast %add3A_1003 : i32 to index
      %get3A_1026 = arith.constant 48 : index
      %get3A_1027 = tpu.vector_load %arg5[%get3A_1024, %get3A_1025, %get3A_1026] {strides = array<i32>} : memref<2x64x64xf32, #tpu.memory_space<vmem>>, vector<1x1x16xf32>,
      %get3A_1028 = vector.shape_cast %get3A_1027 : vector<1x1x16xf32> to vector<16xf32>
      %add3A_1029 = arith.addf %add3A_1022, %get3A_1028 : vector<16xf32>
      %get3A_1030 = arith.constant 0 : index
      %get3A_1031 = tpu.vector_load %arg8[%get3A_1030] {strides = array<i32>} : memref<16xf32, #tpu.memory_space<vmem>>, vector<16xf32>,
      %get3A_1032 = vector.shape_cast %get3A_1031 : vector<16xf32> to vector<16xf32>
      %add3A_1033 = arith.addf %get3A_1032, %add3A_1029 : vector<16xf32>
      %swap3A_1034 = arith.constant 0 : index
      %swap3A_1035 = tpu.vector_load %arg8[%swap3A_1034] {strides = array<i32>} : memref<16xf32, #tpu.memory_space<vmem>>, vector<16xf32>,
      %swap3A_1036 = vector.shape_cast %swap3A_1035 : vector<16xf32> to vector<16xf32>
      %swap3A_1037 = vector.shape_cast %add3A_1033 : vector<16xf32> to vector<16xf32>
      tpu.vector_store %arg8[%swap3A_1034], %swap3A_1037 {strides = array<i32>} : memref<16xf32, #tpu.memory_space<vmem>>, vector<16xf32>,
    }
    %scan3A_483 = arith.constant 64 : i32
    %dma_start3A_484 = arith.constant 34 : i32
    %dma_start3A_485 = arith.constant 0 : i32
    %dma_start3A_486 = arith.constant 0 : i32
    %dma_start3A_487 = tpu.memref_slice %arg2[%select_n3A, %select_n3A_32, %dma_start3A_484, %dma_start3A_485, %dma_start3A_486] : memref<4x32x64x64x64xf32, #tpu.memory_space<hbm>> -> memref<1x1x2x64x64xf32, #tpu.memory_space<hbm>>
    %dma_start3A_488 = tpu.memref_squeeze %dma_start3A_487 : memref<1x1x2x64x64xf32, #tpu.memory_space<hbm>> -> memref<2x64x64xf32, #tpu.memory_space<hbm>>
    %dma_start3A_489 = arith.constant 34 : i32
    %dma_start3A_490 = arith.constant 0 : i32
    %dma_start3A_491 = arith.constant 0 : i32
    %dma_start3A_492 = tpu.memref_slice %arg2[%select_n3A, %select_n3A_32, %dma_start3A_489, %dma_start3A_490, %dma_start3A_491] : memref<4x32x64x64x64xf32, #tpu.memory_space<hbm>> -> memref<1x1x2x64x64xf32, #tpu.memory_space<hbm>>
    %dma_start3A_493 = tpu.memref_squeeze %dma_start3A_492 : memref<1x1x2x64x64xf32, #tpu.memory_space<hbm>> -> memref<2x64x64xf32, #tpu.memory_space<hbm>>
    tpu.enqueue_dma source(%dma_start3A_493 : memref<2x64x64xf32, #tpu.memory_space<hbm>>) target(%arg5 : memref<2x64x64xf32, #tpu.memory_space<vmem>>) target_semaphore(%arg11 : memref<!tpu.dma_semaphore, #tpu.memory_space<semaphore_mem>>)
    %dma_wait3A_494 = arith.constant 28 : i32
    %dma_wait3A_495 = arith.constant 0 : i32
    %dma_wait3A_496 = arith.constant 0 : i32
    %dma_wait3A_497 = tpu.memref_slice %arg2[%select_n3A, %select_n3A_32, %dma_wait3A_494, %dma_wait3A_495, %dma_wait3A_496] : memref<4x32x64x64x64xf32, #tpu.memory_space<hbm>> -> memref<1x1x2x64x64xf32, #tpu.memory_space<hbm>>
    %dma_wait3A_498 = tpu.memref_squeeze %dma_wait3A_497 : memref<1x1x2x64x64xf32, #tpu.memory_space<hbm>> -> memref<2x64x64xf32, #tpu.memory_space<hbm>>
    %dma_wait3A_499 = arith.constant 28 : i32
    %dma_wait3A_500 = arith.constant 0 : i32
    %dma_wait3A_501 = arith.constant 0 : i32
    %dma_wait3A_502 = tpu.memref_slice %arg2[%select_n3A, %select_n3A_32, %dma_wait3A_499, %dma_wait3A_500, %dma_wait3A_501] : memref<4x32x64x64x64xf32, #tpu.memory_space<hbm>> -> memref<1x1x2x64x64xf32, #tpu.memory_space<hbm>>
    %dma_wait3A_503 = tpu.memref_squeeze %dma_wait3A_502 : memref<1x1x2x64x64xf32, #tpu.memory_space<hbm>> -> memref<2x64x64xf32, #tpu.memory_space<hbm>>
    tpu.wait_dma2 semaphore(%arg12 : memref<!tpu.dma_semaphore, #tpu.memory_space<semaphore_mem>>) src(%dma_wait3A_503 : memref<2x64x64xf32, #tpu.memory_space<hbm>>) dst(%arg6 : memref<2x64x64xf32, #tpu.memory_space<vmem>>)
    %scan3A_504 = arith.constant 0 : i32
    %scan3A_505 = arith.constant 64 : i32
    %scan3A_506 = arith.addi %scan3A_504, %scan3A_505 : i32
    %scan3A_507 = arith.constant 1 : i32
    scf.for %scan3A_999 = %scan3A_504 to %scan3A_506 step %scan3A_507  : i32 {
      %mul3A_1000 = arith.constant 1 : i32
      %mul3A_1001 = arith.muli %scan3A_999, %mul3A_1000 : i32
      %add3A_1002 = arith.constant 0 : i32
      %add3A_1003 = arith.addi %add3A_1002, %mul3A_1001 : i32
      %get3A = arith.constant 0 : i32
      %get3A_1004 = arith.index_cast %get3A : i32 to index
      %get3A_1005 = arith.index_cast %add3A_1003 : i32 to index
      %get3A_1006 = arith.constant 0 : index
      %get3A_1007 = tpu.vector_load %arg6[%get3A_1004, %get3A_1005, %get3A_1006] {strides = array<i32>} : memref<2x64x64xf32, #tpu.memory_space<vmem>>, vector<1x1x16xf32>,
      %get3A_1008 = vector.shape_cast %get3A_1007 : vector<1x1x16xf32> to vector<16xf32>
      %get3A_1009 = arith.constant 0 : i32
      %get3A_1010 = arith.index_cast %get3A_1009 : i32 to index
      %get3A_1011 = arith.index_cast %add3A_1003 : i32 to index
      %get3A_1012 = arith.constant 16 : index
      %get3A_1013 = tpu.vector_load %arg6[%get3A_1010, %get3A_1011, %get3A_1012] {strides = array<i32>} : memref<2x64x64xf32, #tpu.memory_space<vmem>>, vector<1x1x16xf32>,
      %get3A_1014 = vector.shape_cast %get3A_1013 : vector<1x1x16xf32> to vector<16xf32>
      %add3A_1015 = arith.addf %get3A_1008, %get3A_1014 : vector<16xf32>
      %get3A_1016 = arith.constant 0 : i32
      %get3A_1017 = arith.index_cast %get3A_1016 : i32 to index
      %get3A_1018 = arith.index_cast %add3A_1003 : i32 to index
      %get3A_1019 = arith.constant 32 : index
      %get3A_1020 = tpu.vector_load %arg6[%get3A_1017, %get3A_1018, %get3A_1019] {strides = array<i32>} : memref<2x64x64xf32, #tpu.memory_space<vmem>>, vector<1x1x16xf32>,
      %get3A_1021 = vector.shape_cast %get3A_1020 : vector<1x1x16xf32> to vector<16xf32>
      %add3A_1022 = arith.addf %add3A_1015, %get3A_1021 : vector<16xf32>
      %get3A_1023 = arith.constant 0 : i32
      %get3A_1024 = arith.index_cast %get3A_1023 : i32 to index
      %get3A_1025 = arith.index_cast %add3A_1003 : i32 to index
      %get3A_1026 = arith.constant 48 : index
      %get3A_1027 = tpu.vector_load %arg6[%get3A_1024, %get3A_1025, %get3A_1026] {strides = array<i32>} : memref<2x64x64xf32, #tpu.memory_space<vmem>>, vector<1x1x16xf32>,
      %get3A_1028 = vector.shape_cast %get3A_1027 : vector<1x1x16xf32> to vector<16xf32>
      %add3A_1029 = arith.addf %add3A_1022, %get3A_1028 : vector<16xf32>
      %get3A_1030 = arith.constant 0 : index
      %get3A_1031 = tpu.vector_load %arg8[%get3A_1030] {strides = array<i32>} : memref<16xf32, #tpu.memory_space<vmem>>, vector<16xf32>,
      %get3A_1032 = vector.shape_cast %get3A_1031 : vector<16xf32> to vector<16xf32>
      %add3A_1033 = arith.addf %get3A_1032, %add3A_1029 : vector<16xf32>
      %swap3A_1034 = arith.constant 0 : index
      %swap3A_1035 = tpu.vector_load %arg8[%swap3A_1034] {strides = array<i32>} : memref<16xf32, #tpu.memory_space<vmem>>, vector<16xf32>,
      %swap3A_1036 = vector.shape_cast %swap3A_1035 : vector<16xf32> to vector<16xf32>
      %swap3A_1037 = vector.shape_cast %add3A_1033 : vector<16xf32> to vector<16xf32>
      tpu.vector_store %arg8[%swap3A_1034], %swap3A_1037 {strides = array<i32>} : memref<16xf32, #tpu.memory_space<vmem>>, vector<16xf32>,
    }
    %scan3A_508 = arith.constant 64 : i32
    %scan3A_509 = arith.constant 0 : i32
    %scan3A_510 = arith.constant 64 : i32
    %scan3A_511 = arith.addi %scan3A_509, %scan3A_510 : i32
    %scan3A_512 = arith.constant 1 : i32
    scf.for %scan3A_999 = %scan3A_509 to %scan3A_511 step %scan3A_512  : i32 {
      %mul3A_1000 = arith.constant 1 : i32
      %mul3A_1001 = arith.muli %scan3A_999, %mul3A_1000 : i32
      %add3A_1002 = arith.constant 0 : i32
      %add3A_1003 = arith.addi %add3A_1002, %mul3A_1001 : i32
      %get3A = arith.constant 1 : i32
      %get3A_1004 = arith.index_cast %get3A : i32 to index
      %get3A_1005 = arith.index_cast %add3A_1003 : i32 to index
      %get3A_1006 = arith.constant 0 : index
      %get3A_1007 = tpu.vector_load %arg6[%get3A_1004, %get3A_1005, %get3A_1006] {strides = array<i32>} : memref<2x64x64xf32, #tpu.memory_space<vmem>>, vector<1x1x16xf32>,
      %get3A_1008 = vector.shape_cast %get3A_1007 : vector<1x1x16xf32> to vector<16xf32>
      %get3A_1009 = arith.constant 1 : i32
      %get3A_1010 = arith.index_cast %get3A_1009 : i32 to index
      %get3A_1011 = arith.index_cast %add3A_1003 : i32 to index
      %get3A_1012 = arith.constant 16 : index
      %get3A_1013 = tpu.vector_load %arg6[%get3A_1010, %get3A_1011, %get3A_1012] {strides = array<i32>} : memref<2x64x64xf32, #tpu.memory_space<vmem>>, vector<1x1x16xf32>,
      %get3A_1014 = vector.shape_cast %get3A_1013 : vector<1x1x16xf32> to vector<16xf32>
      %add3A_1015 = arith.addf %get3A_1008, %get3A_1014 : vector<16xf32>
      %get3A_1016 = arith.constant 1 : i32
      %get3A_1017 = arith.index_cast %get3A_1016 : i32 to index
      %get3A_1018 = arith.index_cast %add3A_1003 : i32 to index
      %get3A_1019 = arith.constant 32 : index
      %get3A_1020 = tpu.vector_load %arg6[%get3A_1017, %get3A_1018, %get3A_1019] {strides = array<i32>} : memref<2x64x64xf32, #tpu.memory_space<vmem>>, vector<1x1x16xf32>,
      %get3A_1021 = vector.shape_cast %get3A_1020 : vector<1x1x16xf32> to vector<16xf32>
      %add3A_1022 = arith.addf %add3A_1015, %get3A_1021 : vector<16xf32>
      %get3A_1023 = arith.constant 1 : i32
      %get3A_1024 = arith.index_cast %get3A_1023 : i32 to index
      %get3A_1025 = arith.index_cast %add3A_1003 : i32 to index
      %get3A_1026 = arith.constant 48 : index
      %get3A_1027 = tpu.vector_load %arg6[%get3A_1024, %get3A_1025, %get3A_1026] {strides = array<i32>} : memref<2x64x64xf32, #tpu.memory_space<vmem>>, vector<1x1x16xf32>,
      %get3A_1028 = vector.shape_cast %get3A_1027 : vector<1x1x16xf32> to vector<16xf32>
      %add3A_1029 = arith.addf %add3A_1022, %get3A_1028 : vector<16xf32>
      %get3A_1030 = arith.constant 0 : index
      %get3A_1031 = tpu.vector_load %arg8[%get3A_1030] {strides = array<i32>} : memref<16xf32, #tpu.memory_space<vmem>>, vector<16xf32>,
      %get3A_1032 = vector.shape_cast %get3A_1031 : vector<16xf32> to vector<16xf32>
      %add3A_1033 = arith.addf %get3A_1032, %add3A_1029 : vector<16xf32>
      %swap3A_1034 = arith.constant 0 : index
      %swap3A_1035 = tpu.vector_load %arg8[%swap3A_1034] {strides = array<i32>} : memref<16xf32, #tpu.memory_space<vmem>>, vector<16xf32>,
      %swap3A_1036 = vector.shape_cast %swap3A_1035 : vector<16xf32> to vector<16xf32>
      %swap3A_1037 = vector.shape_cast %add3A_1033 : vector<16xf32> to vector<16xf32>
      tpu.vector_store %arg8[%swap3A_1034], %swap3A_1037 {strides = array<i32>} : memref<16xf32, #tpu.memory_space<vmem>>, vector<16xf32>,
    }
    %scan3A_513 = arith.constant 64 : i32
    %dma_start3A_514 = arith.constant 36 : i32
    %dma_start3A_515 = arith.constant 0 : i32
    %dma_start3A_516 = arith.constant 0 : i32
    %dma_start3A_517 = tpu.memref_slice %arg2[%select_n3A, %select_n3A_32, %dma_start3A_514, %dma_start3A_515, %dma_start3A_516] : memref<4x32x64x64x64xf32, #tpu.memory_space<hbm>> -> memref<1x1x2x64x64xf32, #tpu.memory_space<hbm>>
    %dma_start3A_518 = tpu.memref_squeeze %dma_start3A_517 : memref<1x1x2x64x64xf32, #tpu.memory_space<hbm>> -> memref<2x64x64xf32, #tpu.memory_space<hbm>>
    %dma_start3A_519 = arith.constant 36 : i32
    %dma_start3A_520 = arith.constant 0 : i32
    %dma_start3A_521 = arith.constant 0 : i32
    %dma_start3A_522 = tpu.memref_slice %arg2[%select_n3A, %select_n3A_32, %dma_start3A_519, %dma_start3A_520, %dma_start3A_521] : memref<4x32x64x64x64xf32, #tpu.memory_space<hbm>> -> memref<1x1x2x64x64xf32, #tpu.memory_space<hbm>>
    %dma_start3A_523 = tpu.memref_squeeze %dma_start3A_522 : memref<1x1x2x64x64xf32, #tpu.memory_space<hbm>> -> memref<2x64x64xf32, #tpu.memory_space<hbm>>
    tpu.enqueue_dma source(%dma_start3A_523 : memref<2x64x64xf32, #tpu.memory_space<hbm>>) target(%arg6 : memref<2x64x64xf32, #tpu.memory_space<vmem>>) target_semaphore(%arg12 : memref<!tpu.dma_semaphore, #tpu.memory_space<semaphore_mem>>)
    %dma_wait3A_524 = arith.constant 30 : i32
    %dma_wait3A_525 = arith.constant 0 : i32
    %dma_wait3A_526 = arith.constant 0 : i32
    %dma_wait3A_527 = tpu.memref_slice %arg2[%select_n3A, %select_n3A_32, %dma_wait3A_524, %dma_wait3A_525, %dma_wait3A_526] : memref<4x32x64x64x64xf32, #tpu.memory_space<hbm>> -> memref<1x1x2x64x64xf32, #tpu.memory_space<hbm>>
    %dma_wait3A_528 = tpu.memref_squeeze %dma_wait3A_527 : memref<1x1x2x64x64xf32, #tpu.memory_space<hbm>> -> memref<2x64x64xf32, #tpu.memory_space<hbm>>
    %dma_wait3A_529 = arith.constant 30 : i32
    %dma_wait3A_530 = arith.constant 0 : i32
    %dma_wait3A_531 = arith.constant 0 : i32
    %dma_wait3A_532 = tpu.memref_slice %arg2[%select_n3A, %select_n3A_32, %dma_wait3A_529, %dma_wait3A_530, %dma_wait3A_531] : memref<4x32x64x64x64xf32, #tpu.memory_space<hbm>> -> memref<1x1x2x64x64xf32, #tpu.memory_space<hbm>>
    %dma_wait3A_533 = tpu.memref_squeeze %dma_wait3A_532 : memref<1x1x2x64x64xf32, #tpu.memory_space<hbm>> -> memref<2x64x64xf32, #tpu.memory_space<hbm>>
    tpu.wait_dma2 semaphore(%arg13 : memref<!tpu.dma_semaphore, #tpu.memory_space<semaphore_mem>>) src(%dma_wait3A_533 : memref<2x64x64xf32, #tpu.memory_space<hbm>>) dst(%arg7 : memref<2x64x64xf32, #tpu.memory_space<vmem>>)
    %scan3A_534 = arith.constant 0 : i32
    %scan3A_535 = arith.constant 64 : i32
    %scan3A_536 = arith.addi %scan3A_534, %scan3A_535 : i32
    %scan3A_537 = arith.constant 1 : i32
    scf.for %scan3A_999 = %scan3A_534 to %scan3A_536 step %scan3A_537  : i32 {
      %mul3A_1000 = arith.constant 1 : i32
      %mul3A_1001 = arith.muli %scan3A_999, %mul3A_1000 : i32
      %add3A_1002 = arith.constant 0 : i32
      %add3A_1003 = arith.addi %add3A_1002, %mul3A_1001 : i32
      %get3A = arith.constant 0 : i32
      %get3A_1004 = arith.index_cast %get3A : i32 to index
      %get3A_1005 = arith.index_cast %add3A_1003 : i32 to index
      %get3A_1006 = arith.constant 0 : index
      %get3A_1007 = tpu.vector_load %arg7[%get3A_1004, %get3A_1005, %get3A_1006] {strides = array<i32>} : memref<2x64x64xf32, #tpu.memory_space<vmem>>, vector<1x1x16xf32>,
      %get3A_1008 = vector.shape_cast %get3A_1007 : vector<1x1x16xf32> to vector<16xf32>
      %get3A_1009 = arith.constant 0 : i32
      %get3A_1010 = arith.index_cast %get3A_1009 : i32 to index
      %get3A_1011 = arith.index_cast %add3A_1003 : i32 to index
      %get3A_1012 = arith.constant 16 : index
      %get3A_1013 = tpu.vector_load %arg7[%get3A_1010, %get3A_1011, %get3A_1012] {strides = array<i32>} : memref<2x64x64xf32, #tpu.memory_space<vmem>>, vector<1x1x16xf32>,
      %get3A_1014 = vector.shape_cast %get3A_1013 : vector<1x1x16xf32> to vector<16xf32>
      %add3A_1015 = arith.addf %get3A_1008, %get3A_1014 : vector<16xf32>
      %get3A_1016 = arith.constant 0 : i32
      %get3A_1017 = arith.index_cast %get3A_1016 : i32 to index
      %get3A_1018 = arith.index_cast %add3A_1003 : i32 to index
      %get3A_1019 = arith.constant 32 : index
      %get3A_1020 = tpu.vector_load %arg7[%get3A_1017, %get3A_1018, %get3A_1019] {strides = array<i32>} : memref<2x64x64xf32, #tpu.memory_space<vmem>>, vector<1x1x16xf32>,
      %get3A_1021 = vector.shape_cast %get3A_1020 : vector<1x1x16xf32> to vector<16xf32>
      %add3A_1022 = arith.addf %add3A_1015, %get3A_1021 : vector<16xf32>
      %get3A_1023 = arith.constant 0 : i32
      %get3A_1024 = arith.index_cast %get3A_1023 : i32 to index
      %get3A_1025 = arith.index_cast %add3A_1003 : i32 to index
      %get3A_1026 = arith.constant 48 : index
      %get3A_1027 = tpu.vector_load %arg7[%get3A_1024, %get3A_1025, %get3A_1026] {strides = array<i32>} : memref<2x64x64xf32, #tpu.memory_space<vmem>>, vector<1x1x16xf32>,
      %get3A_1028 = vector.shape_cast %get3A_1027 : vector<1x1x16xf32> to vector<16xf32>
      %add3A_1029 = arith.addf %add3A_1022, %get3A_1028 : vector<16xf32>
      %get3A_1030 = arith.constant 0 : index
      %get3A_1031 = tpu.vector_load %arg8[%get3A_1030] {strides = array<i32>} : memref<16xf32, #tpu.memory_space<vmem>>, vector<16xf32>,
      %get3A_1032 = vector.shape_cast %get3A_1031 : vector<16xf32> to vector<16xf32>
      %add3A_1033 = arith.addf %get3A_1032, %add3A_1029 : vector<16xf32>
      %swap3A_1034 = arith.constant 0 : index
      %swap3A_1035 = tpu.vector_load %arg8[%swap3A_1034] {strides = array<i32>} : memref<16xf32, #tpu.memory_space<vmem>>, vector<16xf32>,
      %swap3A_1036 = vector.shape_cast %swap3A_1035 : vector<16xf32> to vector<16xf32>
      %swap3A_1037 = vector.shape_cast %add3A_1033 : vector<16xf32> to vector<16xf32>
      tpu.vector_store %arg8[%swap3A_1034], %swap3A_1037 {strides = array<i32>} : memref<16xf32, #tpu.memory_space<vmem>>, vector<16xf32>,
    }
    %scan3A_538 = arith.constant 64 : i32
    %scan3A_539 = arith.constant 0 : i32
    %scan3A_540 = arith.constant 64 : i32
    %scan3A_541 = arith.addi %scan3A_539, %scan3A_540 : i32
    %scan3A_542 = arith.constant 1 : i32
    scf.for %scan3A_999 = %scan3A_539 to %scan3A_541 step %scan3A_542  : i32 {
      %mul3A_1000 = arith.constant 1 : i32
      %mul3A_1001 = arith.muli %scan3A_999, %mul3A_1000 : i32
      %add3A_1002 = arith.constant 0 : i32
      %add3A_1003 = arith.addi %add3A_1002, %mul3A_1001 : i32
      %get3A = arith.constant 1 : i32
      %get3A_1004 = arith.index_cast %get3A : i32 to index
      %get3A_1005 = arith.index_cast %add3A_1003 : i32 to index
      %get3A_1006 = arith.constant 0 : index
      %get3A_1007 = tpu.vector_load %arg7[%get3A_1004, %get3A_1005, %get3A_1006] {strides = array<i32>} : memref<2x64x64xf32, #tpu.memory_space<vmem>>, vector<1x1x16xf32>,
      %get3A_1008 = vector.shape_cast %get3A_1007 : vector<1x1x16xf32> to vector<16xf32>
      %get3A_1009 = arith.constant 1 : i32
      %get3A_1010 = arith.index_cast %get3A_1009 : i32 to index
      %get3A_1011 = arith.index_cast %add3A_1003 : i32 to index
      %get3A_1012 = arith.constant 16 : index
      %get3A_1013 = tpu.vector_load %arg7[%get3A_1010, %get3A_1011, %get3A_1012] {strides = array<i32>} : memref<2x64x64xf32, #tpu.memory_space<vmem>>, vector<1x1x16xf32>,
      %get3A_1014 = vector.shape_cast %get3A_1013 : vector<1x1x16xf32> to vector<16xf32>
      %add3A_1015 = arith.addf %get3A_1008, %get3A_1014 : vector<16xf32>
      %get3A_1016 = arith.constant 1 : i32
      %get3A_1017 = arith.index_cast %get3A_1016 : i32 to index
      %get3A_1018 = arith.index_cast %add3A_1003 : i32 to index
      %get3A_1019 = arith.constant 32 : index
      %get3A_1020 = tpu.vector_load %arg7[%get3A_1017, %get3A_1018, %get3A_1019] {strides = array<i32>} : memref<2x64x64xf32, #tpu.memory_space<vmem>>, vector<1x1x16xf32>,
      %get3A_1021 = vector.shape_cast %get3A_1020 : vector<1x1x16xf32> to vector<16xf32>
      %add3A_1022 = arith.addf %add3A_1015, %get3A_1021 : vector<16xf32>
      %get3A_1023 = arith.constant 1 : i32
      %get3A_1024 = arith.index_cast %get3A_1023 : i32 to index
      %get3A_1025 = arith.index_cast %add3A_1003 : i32 to index
      %get3A_1026 = arith.constant 48 : index
      %get3A_1027 = tpu.vector_load %arg7[%get3A_1024, %get3A_1025, %get3A_1026] {strides = array<i32>} : memref<2x64x64xf32, #tpu.memory_space<vmem>>, vector<1x1x16xf32>,
      %get3A_1028 = vector.shape_cast %get3A_1027 : vector<1x1x16xf32> to vector<16xf32>
      %add3A_1029 = arith.addf %add3A_1022, %get3A_1028 : vector<16xf32>
      %get3A_1030 = arith.constant 0 : index
      %get3A_1031 = tpu.vector_load %arg8[%get3A_1030] {strides = array<i32>} : memref<16xf32, #tpu.memory_space<vmem>>, vector<16xf32>,
      %get3A_1032 = vector.shape_cast %get3A_1031 : vector<16xf32> to vector<16xf32>
      %add3A_1033 = arith.addf %get3A_1032, %add3A_1029 : vector<16xf32>
      %swap3A_1034 = arith.constant 0 : index
      %swap3A_1035 = tpu.vector_load %arg8[%swap3A_1034] {strides = array<i32>} : memref<16xf32, #tpu.memory_space<vmem>>, vector<16xf32>,
      %swap3A_1036 = vector.shape_cast %swap3A_1035 : vector<16xf32> to vector<16xf32>
      %swap3A_1037 = vector.shape_cast %add3A_1033 : vector<16xf32> to vector<16xf32>
      tpu.vector_store %arg8[%swap3A_1034], %swap3A_1037 {strides = array<i32>} : memref<16xf32, #tpu.memory_space<vmem>>, vector<16xf32>,
    }
    %scan3A_543 = arith.constant 64 : i32
    %dma_start3A_544 = arith.constant 38 : i32
    %dma_start3A_545 = arith.constant 0 : i32
    %dma_start3A_546 = arith.constant 0 : i32
    %dma_start3A_547 = tpu.memref_slice %arg2[%select_n3A, %select_n3A_32, %dma_start3A_544, %dma_start3A_545, %dma_start3A_546] : memref<4x32x64x64x64xf32, #tpu.memory_space<hbm>> -> memref<1x1x2x64x64xf32, #tpu.memory_space<hbm>>
    %dma_start3A_548 = tpu.memref_squeeze %dma_start3A_547 : memref<1x1x2x64x64xf32, #tpu.memory_space<hbm>> -> memref<2x64x64xf32, #tpu.memory_space<hbm>>
    %dma_start3A_549 = arith.constant 38 : i32
    %dma_start3A_550 = arith.constant 0 : i32
    %dma_start3A_551 = arith.constant 0 : i32
    %dma_start3A_552 = tpu.memref_slice %arg2[%select_n3A, %select_n3A_32, %dma_start3A_549, %dma_start3A_550, %dma_start3A_551] : memref<4x32x64x64x64xf32, #tpu.memory_space<hbm>> -> memref<1x1x2x64x64xf32, #tpu.memory_space<hbm>>
    %dma_start3A_553 = tpu.memref_squeeze %dma_start3A_552 : memref<1x1x2x64x64xf32, #tpu.memory_space<hbm>> -> memref<2x64x64xf32, #tpu.memory_space<hbm>>
    tpu.enqueue_dma source(%dma_start3A_553 : memref<2x64x64xf32, #tpu.memory_space<hbm>>) target(%arg7 : memref<2x64x64xf32, #tpu.memory_space<vmem>>) target_semaphore(%arg13 : memref<!tpu.dma_semaphore, #tpu.memory_space<semaphore_mem>>)
    %dma_wait3A_554 = arith.constant 32 : i32
    %dma_wait3A_555 = arith.constant 0 : i32
    %dma_wait3A_556 = arith.constant 0 : i32
    %dma_wait3A_557 = tpu.memref_slice %arg2[%select_n3A, %select_n3A_32, %dma_wait3A_554, %dma_wait3A_555, %dma_wait3A_556] : memref<4x32x64x64x64xf32, #tpu.memory_space<hbm>> -> memref<1x1x2x64x64xf32, #tpu.memory_space<hbm>>
    %dma_wait3A_558 = tpu.memref_squeeze %dma_wait3A_557 : memref<1x1x2x64x64xf32, #tpu.memory_space<hbm>> -> memref<2x64x64xf32, #tpu.memory_space<hbm>>
    %dma_wait3A_559 = arith.constant 32 : i32
    %dma_wait3A_560 = arith.constant 0 : i32
    %dma_wait3A_561 = arith.constant 0 : i32
    %dma_wait3A_562 = tpu.memref_slice %arg2[%select_n3A, %select_n3A_32, %dma_wait3A_559, %dma_wait3A_560, %dma_wait3A_561] : memref<4x32x64x64x64xf32, #tpu.memory_space<hbm>> -> memref<1x1x2x64x64xf32, #tpu.memory_space<hbm>>
    %dma_wait3A_563 = tpu.memref_squeeze %dma_wait3A_562 : memref<1x1x2x64x64xf32, #tpu.memory_space<hbm>> -> memref<2x64x64xf32, #tpu.memory_space<hbm>>
    tpu.wait_dma2 semaphore(%arg10 : memref<!tpu.dma_semaphore, #tpu.memory_space<semaphore_mem>>) src(%dma_wait3A_563 : memref<2x64x64xf32, #tpu.memory_space<hbm>>) dst(%arg4 : memref<2x64x64xf32, #tpu.memory_space<vmem>>)
    %scan3A_564 = arith.constant 0 : i32
    %scan3A_565 = arith.constant 64 : i32
    %scan3A_566 = arith.addi %scan3A_564, %scan3A_565 : i32
    %scan3A_567 = arith.constant 1 : i32
    scf.for %scan3A_999 = %scan3A_564 to %scan3A_566 step %scan3A_567  : i32 {
      %mul3A_1000 = arith.constant 1 : i32
      %mul3A_1001 = arith.muli %scan3A_999, %mul3A_1000 : i32
      %add3A_1002 = arith.constant 0 : i32
      %add3A_1003 = arith.addi %add3A_1002, %mul3A_1001 : i32
      %get3A = arith.constant 0 : i32
      %get3A_1004 = arith.index_cast %get3A : i32 to index
      %get3A_1005 = arith.index_cast %add3A_1003 : i32 to index
      %get3A_1006 = arith.constant 0 : index
      %get3A_1007 = tpu.vector_load %arg4[%get3A_1004, %get3A_1005, %get3A_1006] {strides = array<i32>} : memref<2x64x64xf32, #tpu.memory_space<vmem>>, vector<1x1x16xf32>,
      %get3A_1008 = vector.shape_cast %get3A_1007 : vector<1x1x16xf32> to vector<16xf32>
      %get3A_1009 = arith.constant 0 : i32
      %get3A_1010 = arith.index_cast %get3A_1009 : i32 to index
      %get3A_1011 = arith.index_cast %add3A_1003 : i32 to index
      %get3A_1012 = arith.constant 16 : index
      %get3A_1013 = tpu.vector_load %arg4[%get3A_1010, %get3A_1011, %get3A_1012] {strides = array<i32>} : memref<2x64x64xf32, #tpu.memory_space<vmem>>, vector<1x1x16xf32>,
      %get3A_1014 = vector.shape_cast %get3A_1013 : vector<1x1x16xf32> to vector<16xf32>
      %add3A_1015 = arith.addf %get3A_1008, %get3A_1014 : vector<16xf32>
      %get3A_1016 = arith.constant 0 : i32
      %get3A_1017 = arith.index_cast %get3A_1016 : i32 to index
      %get3A_1018 = arith.index_cast %add3A_1003 : i32 to index
      %get3A_1019 = arith.constant 32 : index
      %get3A_1020 = tpu.vector_load %arg4[%get3A_1017, %get3A_1018, %get3A_1019] {strides = array<i32>} : memref<2x64x64xf32, #tpu.memory_space<vmem>>, vector<1x1x16xf32>,
      %get3A_1021 = vector.shape_cast %get3A_1020 : vector<1x1x16xf32> to vector<16xf32>
      %add3A_1022 = arith.addf %add3A_1015, %get3A_1021 : vector<16xf32>
      %get3A_1023 = arith.constant 0 : i32
      %get3A_1024 = arith.index_cast %get3A_1023 : i32 to index
      %get3A_1025 = arith.index_cast %add3A_1003 : i32 to index
      %get3A_1026 = arith.constant 48 : index
      %get3A_1027 = tpu.vector_load %arg4[%get3A_1024, %get3A_1025, %get3A_1026] {strides = array<i32>} : memref<2x64x64xf32, #tpu.memory_space<vmem>>, vector<1x1x16xf32>,
      %get3A_1028 = vector.shape_cast %get3A_1027 : vector<1x1x16xf32> to vector<16xf32>
      %add3A_1029 = arith.addf %add3A_1022, %get3A_1028 : vector<16xf32>
      %get3A_1030 = arith.constant 0 : index
      %get3A_1031 = tpu.vector_load %arg8[%get3A_1030] {strides = array<i32>} : memref<16xf32, #tpu.memory_space<vmem>>, vector<16xf32>,
      %get3A_1032 = vector.shape_cast %get3A_1031 : vector<16xf32> to vector<16xf32>
      %add3A_1033 = arith.addf %get3A_1032, %add3A_1029 : vector<16xf32>
      %swap3A_1034 = arith.constant 0 : index
      %swap3A_1035 = tpu.vector_load %arg8[%swap3A_1034] {strides = array<i32>} : memref<16xf32, #tpu.memory_space<vmem>>, vector<16xf32>,
      %swap3A_1036 = vector.shape_cast %swap3A_1035 : vector<16xf32> to vector<16xf32>
      %swap3A_1037 = vector.shape_cast %add3A_1033 : vector<16xf32> to vector<16xf32>
      tpu.vector_store %arg8[%swap3A_1034], %swap3A_1037 {strides = array<i32>} : memref<16xf32, #tpu.memory_space<vmem>>, vector<16xf32>,
    }
    %scan3A_568 = arith.constant 64 : i32
    %scan3A_569 = arith.constant 0 : i32
    %scan3A_570 = arith.constant 64 : i32
    %scan3A_571 = arith.addi %scan3A_569, %scan3A_570 : i32
    %scan3A_572 = arith.constant 1 : i32
    scf.for %scan3A_999 = %scan3A_569 to %scan3A_571 step %scan3A_572  : i32 {
      %mul3A_1000 = arith.constant 1 : i32
      %mul3A_1001 = arith.muli %scan3A_999, %mul3A_1000 : i32
      %add3A_1002 = arith.constant 0 : i32
      %add3A_1003 = arith.addi %add3A_1002, %mul3A_1001 : i32
      %get3A = arith.constant 1 : i32
      %get3A_1004 = arith.index_cast %get3A : i32 to index
      %get3A_1005 = arith.index_cast %add3A_1003 : i32 to index
      %get3A_1006 = arith.constant 0 : index
      %get3A_1007 = tpu.vector_load %arg4[%get3A_1004, %get3A_1005, %get3A_1006] {strides = array<i32>} : memref<2x64x64xf32, #tpu.memory_space<vmem>>, vector<1x1x16xf32>,
      %get3A_1008 = vector.shape_cast %get3A_1007 : vector<1x1x16xf32> to vector<16xf32>
      %get3A_1009 = arith.constant 1 : i32
      %get3A_1010 = arith.index_cast %get3A_1009 : i32 to index
      %get3A_1011 = arith.index_cast %add3A_1003 : i32 to index
      %get3A_1012 = arith.constant 16 : index
      %get3A_1013 = tpu.vector_load %arg4[%get3A_1010, %get3A_1011, %get3A_1012] {strides = array<i32>} : memref<2x64x64xf32, #tpu.memory_space<vmem>>, vector<1x1x16xf32>,
      %get3A_1014 = vector.shape_cast %get3A_1013 : vector<1x1x16xf32> to vector<16xf32>
      %add3A_1015 = arith.addf %get3A_1008, %get3A_1014 : vector<16xf32>
      %get3A_1016 = arith.constant 1 : i32
      %get3A_1017 = arith.index_cast %get3A_1016 : i32 to index
      %get3A_1018 = arith.index_cast %add3A_1003 : i32 to index
      %get3A_1019 = arith.constant 32 : index
      %get3A_1020 = tpu.vector_load %arg4[%get3A_1017, %get3A_1018, %get3A_1019] {strides = array<i32>} : memref<2x64x64xf32, #tpu.memory_space<vmem>>, vector<1x1x16xf32>,
      %get3A_1021 = vector.shape_cast %get3A_1020 : vector<1x1x16xf32> to vector<16xf32>
      %add3A_1022 = arith.addf %add3A_1015, %get3A_1021 : vector<16xf32>
      %get3A_1023 = arith.constant 1 : i32
      %get3A_1024 = arith.index_cast %get3A_1023 : i32 to index
      %get3A_1025 = arith.index_cast %add3A_1003 : i32 to index
      %get3A_1026 = arith.constant 48 : index
      %get3A_1027 = tpu.vector_load %arg4[%get3A_1024, %get3A_1025, %get3A_1026] {strides = array<i32>} : memref<2x64x64xf32, #tpu.memory_space<vmem>>, vector<1x1x16xf32>,
      %get3A_1028 = vector.shape_cast %get3A_1027 : vector<1x1x16xf32> to vector<16xf32>
      %add3A_1029 = arith.addf %add3A_1022, %get3A_1028 : vector<16xf32>
      %get3A_1030 = arith.constant 0 : index
      %get3A_1031 = tpu.vector_load %arg8[%get3A_1030] {strides = array<i32>} : memref<16xf32, #tpu.memory_space<vmem>>, vector<16xf32>,
      %get3A_1032 = vector.shape_cast %get3A_1031 : vector<16xf32> to vector<16xf32>
      %add3A_1033 = arith.addf %get3A_1032, %add3A_1029 : vector<16xf32>
      %swap3A_1034 = arith.constant 0 : index
      %swap3A_1035 = tpu.vector_load %arg8[%swap3A_1034] {strides = array<i32>} : memref<16xf32, #tpu.memory_space<vmem>>, vector<16xf32>,
      %swap3A_1036 = vector.shape_cast %swap3A_1035 : vector<16xf32> to vector<16xf32>
      %swap3A_1037 = vector.shape_cast %add3A_1033 : vector<16xf32> to vector<16xf32>
      tpu.vector_store %arg8[%swap3A_1034], %swap3A_1037 {strides = array<i32>} : memref<16xf32, #tpu.memory_space<vmem>>, vector<16xf32>,
    }
    %scan3A_573 = arith.constant 64 : i32
    %dma_start3A_574 = arith.constant 40 : i32
    %dma_start3A_575 = arith.constant 0 : i32
    %dma_start3A_576 = arith.constant 0 : i32
    %dma_start3A_577 = tpu.memref_slice %arg2[%select_n3A, %select_n3A_32, %dma_start3A_574, %dma_start3A_575, %dma_start3A_576] : memref<4x32x64x64x64xf32, #tpu.memory_space<hbm>> -> memref<1x1x2x64x64xf32, #tpu.memory_space<hbm>>
    %dma_start3A_578 = tpu.memref_squeeze %dma_start3A_577 : memref<1x1x2x64x64xf32, #tpu.memory_space<hbm>> -> memref<2x64x64xf32, #tpu.memory_space<hbm>>
    %dma_start3A_579 = arith.constant 40 : i32
    %dma_start3A_580 = arith.constant 0 : i32
    %dma_start3A_581 = arith.constant 0 : i32
    %dma_start3A_582 = tpu.memref_slice %arg2[%select_n3A, %select_n3A_32, %dma_start3A_579, %dma_start3A_580, %dma_start3A_581] : memref<4x32x64x64x64xf32, #tpu.memory_space<hbm>> -> memref<1x1x2x64x64xf32, #tpu.memory_space<hbm>>
    %dma_start3A_583 = tpu.memref_squeeze %dma_start3A_582 : memref<1x1x2x64x64xf32, #tpu.memory_space<hbm>> -> memref<2x64x64xf32, #tpu.memory_space<hbm>>
    tpu.enqueue_dma source(%dma_start3A_583 : memref<2x64x64xf32, #tpu.memory_space<hbm>>) target(%arg4 : memref<2x64x64xf32, #tpu.memory_space<vmem>>) target_semaphore(%arg10 : memref<!tpu.dma_semaphore, #tpu.memory_space<semaphore_mem>>)
    %dma_wait3A_584 = arith.constant 34 : i32
    %dma_wait3A_585 = arith.constant 0 : i32
    %dma_wait3A_586 = arith.constant 0 : i32
    %dma_wait3A_587 = tpu.memref_slice %arg2[%select_n3A, %select_n3A_32, %dma_wait3A_584, %dma_wait3A_585, %dma_wait3A_586] : memref<4x32x64x64x64xf32, #tpu.memory_space<hbm>> -> memref<1x1x2x64x64xf32, #tpu.memory_space<hbm>>
    %dma_wait3A_588 = tpu.memref_squeeze %dma_wait3A_587 : memref<1x1x2x64x64xf32, #tpu.memory_space<hbm>> -> memref<2x64x64xf32, #tpu.memory_space<hbm>>
    %dma_wait3A_589 = arith.constant 34 : i32
    %dma_wait3A_590 = arith.constant 0 : i32
    %dma_wait3A_591 = arith.constant 0 : i32
    %dma_wait3A_592 = tpu.memref_slice %arg2[%select_n3A, %select_n3A_32, %dma_wait3A_589, %dma_wait3A_590, %dma_wait3A_591] : memref<4x32x64x64x64xf32, #tpu.memory_space<hbm>> -> memref<1x1x2x64x64xf32, #tpu.memory_space<hbm>>
    %dma_wait3A_593 = tpu.memref_squeeze %dma_wait3A_592 : memref<1x1x2x64x64xf32, #tpu.memory_space<hbm>> -> memref<2x64x64xf32, #tpu.memory_space<hbm>>
    tpu.wait_dma2 semaphore(%arg11 : memref<!tpu.dma_semaphore, #tpu.memory_space<semaphore_mem>>) src(%dma_wait3A_593 : memref<2x64x64xf32, #tpu.memory_space<hbm>>) dst(%arg5 : memref<2x64x64xf32, #tpu.memory_space<vmem>>)
    %scan3A_594 = arith.constant 0 : i32
    %scan3A_595 = arith.constant 64 : i32
    %scan3A_596 = arith.addi %scan3A_594, %scan3A_595 : i32
    %scan3A_597 = arith.constant 1 : i32
    scf.for %scan3A_999 = %scan3A_594 to %scan3A_596 step %scan3A_597  : i32 {
      %mul3A_1000 = arith.constant 1 : i32
      %mul3A_1001 = arith.muli %scan3A_999, %mul3A_1000 : i32
      %add3A_1002 = arith.constant 0 : i32
      %add3A_1003 = arith.addi %add3A_1002, %mul3A_1001 : i32
      %get3A = arith.constant 0 : i32
      %get3A_1004 = arith.index_cast %get3A : i32 to index
      %get3A_1005 = arith.index_cast %add3A_1003 : i32 to index
      %get3A_1006 = arith.constant 0 : index
      %get3A_1007 = tpu.vector_load %arg5[%get3A_1004, %get3A_1005, %get3A_1006] {strides = array<i32>} : memref<2x64x64xf32, #tpu.memory_space<vmem>>, vector<1x1x16xf32>,
      %get3A_1008 = vector.shape_cast %get3A_1007 : vector<1x1x16xf32> to vector<16xf32>
      %get3A_1009 = arith.constant 0 : i32
      %get3A_1010 = arith.index_cast %get3A_1009 : i32 to index
      %get3A_1011 = arith.index_cast %add3A_1003 : i32 to index
      %get3A_1012 = arith.constant 16 : index
      %get3A_1013 = tpu.vector_load %arg5[%get3A_1010, %get3A_1011, %get3A_1012] {strides = array<i32>} : memref<2x64x64xf32, #tpu.memory_space<vmem>>, vector<1x1x16xf32>,
      %get3A_1014 = vector.shape_cast %get3A_1013 : vector<1x1x16xf32> to vector<16xf32>
      %add3A_1015 = arith.addf %get3A_1008, %get3A_1014 : vector<16xf32>
      %get3A_1016 = arith.constant 0 : i32
      %get3A_1017 = arith.index_cast %get3A_1016 : i32 to index
      %get3A_1018 = arith.index_cast %add3A_1003 : i32 to index
      %get3A_1019 = arith.constant 32 : index
      %get3A_1020 = tpu.vector_load %arg5[%get3A_1017, %get3A_1018, %get3A_1019] {strides = array<i32>} : memref<2x64x64xf32, #tpu.memory_space<vmem>>, vector<1x1x16xf32>,
      %get3A_1021 = vector.shape_cast %get3A_1020 : vector<1x1x16xf32> to vector<16xf32>
      %add3A_1022 = arith.addf %add3A_1015, %get3A_1021 : vector<16xf32>
      %get3A_1023 = arith.constant 0 : i32
      %get3A_1024 = arith.index_cast %get3A_1023 : i32 to index
      %get3A_1025 = arith.index_cast %add3A_1003 : i32 to index
      %get3A_1026 = arith.constant 48 : index
      %get3A_1027 = tpu.vector_load %arg5[%get3A_1024, %get3A_1025, %get3A_1026] {strides = array<i32>} : memref<2x64x64xf32, #tpu.memory_space<vmem>>, vector<1x1x16xf32>,
      %get3A_1028 = vector.shape_cast %get3A_1027 : vector<1x1x16xf32> to vector<16xf32>
      %add3A_1029 = arith.addf %add3A_1022, %get3A_1028 : vector<16xf32>
      %get3A_1030 = arith.constant 0 : index
      %get3A_1031 = tpu.vector_load %arg8[%get3A_1030] {strides = array<i32>} : memref<16xf32, #tpu.memory_space<vmem>>, vector<16xf32>,
      %get3A_1032 = vector.shape_cast %get3A_1031 : vector<16xf32> to vector<16xf32>
      %add3A_1033 = arith.addf %get3A_1032, %add3A_1029 : vector<16xf32>
      %swap3A_1034 = arith.constant 0 : index
      %swap3A_1035 = tpu.vector_load %arg8[%swap3A_1034] {strides = array<i32>} : memref<16xf32, #tpu.memory_space<vmem>>, vector<16xf32>,
      %swap3A_1036 = vector.shape_cast %swap3A_1035 : vector<16xf32> to vector<16xf32>
      %swap3A_1037 = vector.shape_cast %add3A_1033 : vector<16xf32> to vector<16xf32>
      tpu.vector_store %arg8[%swap3A_1034], %swap3A_1037 {strides = array<i32>} : memref<16xf32, #tpu.memory_space<vmem>>, vector<16xf32>,
    }
    %scan3A_598 = arith.constant 64 : i32
    %scan3A_599 = arith.constant 0 : i32
    %scan3A_600 = arith.constant 64 : i32
    %scan3A_601 = arith.addi %scan3A_599, %scan3A_600 : i32
    %scan3A_602 = arith.constant 1 : i32
    scf.for %scan3A_999 = %scan3A_599 to %scan3A_601 step %scan3A_602  : i32 {
      %mul3A_1000 = arith.constant 1 : i32
      %mul3A_1001 = arith.muli %scan3A_999, %mul3A_1000 : i32
      %add3A_1002 = arith.constant 0 : i32
      %add3A_1003 = arith.addi %add3A_1002, %mul3A_1001 : i32
      %get3A = arith.constant 1 : i32
      %get3A_1004 = arith.index_cast %get3A : i32 to index
      %get3A_1005 = arith.index_cast %add3A_1003 : i32 to index
      %get3A_1006 = arith.constant 0 : index
      %get3A_1007 = tpu.vector_load %arg5[%get3A_1004, %get3A_1005, %get3A_1006] {strides = array<i32>} : memref<2x64x64xf32, #tpu.memory_space<vmem>>, vector<1x1x16xf32>,
      %get3A_1008 = vector.shape_cast %get3A_1007 : vector<1x1x16xf32> to vector<16xf32>
      %get3A_1009 = arith.constant 1 : i32
      %get3A_1010 = arith.index_cast %get3A_1009 : i32 to index
      %get3A_1011 = arith.index_cast %add3A_1003 : i32 to index
      %get3A_1012 = arith.constant 16 : index
      %get3A_1013 = tpu.vector_load %arg5[%get3A_1010, %get3A_1011, %get3A_1012] {strides = array<i32>} : memref<2x64x64xf32, #tpu.memory_space<vmem>>, vector<1x1x16xf32>,
      %get3A_1014 = vector.shape_cast %get3A_1013 : vector<1x1x16xf32> to vector<16xf32>
      %add3A_1015 = arith.addf %get3A_1008, %get3A_1014 : vector<16xf32>
      %get3A_1016 = arith.constant 1 : i32
      %get3A_1017 = arith.index_cast %get3A_1016 : i32 to index
      %get3A_1018 = arith.index_cast %add3A_1003 : i32 to index
      %get3A_1019 = arith.constant 32 : index
      %get3A_1020 = tpu.vector_load %arg5[%get3A_1017, %get3A_1018, %get3A_1019] {strides = array<i32>} : memref<2x64x64xf32, #tpu.memory_space<vmem>>, vector<1x1x16xf32>,
      %get3A_1021 = vector.shape_cast %get3A_1020 : vector<1x1x16xf32> to vector<16xf32>
      %add3A_1022 = arith.addf %add3A_1015, %get3A_1021 : vector<16xf32>
      %get3A_1023 = arith.constant 1 : i32
      %get3A_1024 = arith.index_cast %get3A_1023 : i32 to index
      %get3A_1025 = arith.index_cast %add3A_1003 : i32 to index
      %get3A_1026 = arith.constant 48 : index
      %get3A_1027 = tpu.vector_load %arg5[%get3A_1024, %get3A_1025, %get3A_1026] {strides = array<i32>} : memref<2x64x64xf32, #tpu.memory_space<vmem>>, vector<1x1x16xf32>,
      %get3A_1028 = vector.shape_cast %get3A_1027 : vector<1x1x16xf32> to vector<16xf32>
      %add3A_1029 = arith.addf %add3A_1022, %get3A_1028 : vector<16xf32>
      %get3A_1030 = arith.constant 0 : index
      %get3A_1031 = tpu.vector_load %arg8[%get3A_1030] {strides = array<i32>} : memref<16xf32, #tpu.memory_space<vmem>>, vector<16xf32>,
      %get3A_1032 = vector.shape_cast %get3A_1031 : vector<16xf32> to vector<16xf32>
      %add3A_1033 = arith.addf %get3A_1032, %add3A_1029 : vector<16xf32>
      %swap3A_1034 = arith.constant 0 : index
      %swap3A_1035 = tpu.vector_load %arg8[%swap3A_1034] {strides = array<i32>} : memref<16xf32, #tpu.memory_space<vmem>>, vector<16xf32>,
      %swap3A_1036 = vector.shape_cast %swap3A_1035 : vector<16xf32> to vector<16xf32>
      %swap3A_1037 = vector.shape_cast %add3A_1033 : vector<16xf32> to vector<16xf32>
      tpu.vector_store %arg8[%swap3A_1034], %swap3A_1037 {strides = array<i32>} : memref<16xf32, #tpu.memory_space<vmem>>, vector<16xf32>,
    }
    %scan3A_603 = arith.constant 64 : i32
    %dma_start3A_604 = arith.constant 42 : i32
    %dma_start3A_605 = arith.constant 0 : i32
    %dma_start3A_606 = arith.constant 0 : i32
    %dma_start3A_607 = tpu.memref_slice %arg2[%select_n3A, %select_n3A_32, %dma_start3A_604, %dma_start3A_605, %dma_start3A_606] : memref<4x32x64x64x64xf32, #tpu.memory_space<hbm>> -> memref<1x1x2x64x64xf32, #tpu.memory_space<hbm>>
    %dma_start3A_608 = tpu.memref_squeeze %dma_start3A_607 : memref<1x1x2x64x64xf32, #tpu.memory_space<hbm>> -> memref<2x64x64xf32, #tpu.memory_space<hbm>>
    %dma_start3A_609 = arith.constant 42 : i32
    %dma_start3A_610 = arith.constant 0 : i32
    %dma_start3A_611 = arith.constant 0 : i32
    %dma_start3A_612 = tpu.memref_slice %arg2[%select_n3A, %select_n3A_32, %dma_start3A_609, %dma_start3A_610, %dma_start3A_611] : memref<4x32x64x64x64xf32, #tpu.memory_space<hbm>> -> memref<1x1x2x64x64xf32, #tpu.memory_space<hbm>>
    %dma_start3A_613 = tpu.memref_squeeze %dma_start3A_612 : memref<1x1x2x64x64xf32, #tpu.memory_space<hbm>> -> memref<2x64x64xf32, #tpu.memory_space<hbm>>
    tpu.enqueue_dma source(%dma_start3A_613 : memref<2x64x64xf32, #tpu.memory_space<hbm>>) target(%arg5 : memref<2x64x64xf32, #tpu.memory_space<vmem>>) target_semaphore(%arg11 : memref<!tpu.dma_semaphore, #tpu.memory_space<semaphore_mem>>)
    %dma_wait3A_614 = arith.constant 36 : i32
    %dma_wait3A_615 = arith.constant 0 : i32
    %dma_wait3A_616 = arith.constant 0 : i32
    %dma_wait3A_617 = tpu.memref_slice %arg2[%select_n3A, %select_n3A_32, %dma_wait3A_614, %dma_wait3A_615, %dma_wait3A_616] : memref<4x32x64x64x64xf32, #tpu.memory_space<hbm>> -> memref<1x1x2x64x64xf32, #tpu.memory_space<hbm>>
    %dma_wait3A_618 = tpu.memref_squeeze %dma_wait3A_617 : memref<1x1x2x64x64xf32, #tpu.memory_space<hbm>> -> memref<2x64x64xf32, #tpu.memory_space<hbm>>
    %dma_wait3A_619 = arith.constant 36 : i32
    %dma_wait3A_620 = arith.constant 0 : i32
    %dma_wait3A_621 = arith.constant 0 : i32
    %dma_wait3A_622 = tpu.memref_slice %arg2[%select_n3A, %select_n3A_32, %dma_wait3A_619, %dma_wait3A_620, %dma_wait3A_621] : memref<4x32x64x64x64xf32, #tpu.memory_space<hbm>> -> memref<1x1x2x64x64xf32, #tpu.memory_space<hbm>>
    %dma_wait3A_623 = tpu.memref_squeeze %dma_wait3A_622 : memref<1x1x2x64x64xf32, #tpu.memory_space<hbm>> -> memref<2x64x64xf32, #tpu.memory_space<hbm>>
    tpu.wait_dma2 semaphore(%arg12 : memref<!tpu.dma_semaphore, #tpu.memory_space<semaphore_mem>>) src(%dma_wait3A_623 : memref<2x64x64xf32, #tpu.memory_space<hbm>>) dst(%arg6 : memref<2x64x64xf32, #tpu.memory_space<vmem>>)
    %scan3A_624 = arith.constant 0 : i32
    %scan3A_625 = arith.constant 64 : i32
    %scan3A_626 = arith.addi %scan3A_624, %scan3A_625 : i32
    %scan3A_627 = arith.constant 1 : i32
    scf.for %scan3A_999 = %scan3A_624 to %scan3A_626 step %scan3A_627  : i32 {
      %mul3A_1000 = arith.constant 1 : i32
      %mul3A_1001 = arith.muli %scan3A_999, %mul3A_1000 : i32
      %add3A_1002 = arith.constant 0 : i32
      %add3A_1003 = arith.addi %add3A_1002, %mul3A_1001 : i32
      %get3A = arith.constant 0 : i32
      %get3A_1004 = arith.index_cast %get3A : i32 to index
      %get3A_1005 = arith.index_cast %add3A_1003 : i32 to index
      %get3A_1006 = arith.constant 0 : index
      %get3A_1007 = tpu.vector_load %arg6[%get3A_1004, %get3A_1005, %get3A_1006] {strides = array<i32>} : memref<2x64x64xf32, #tpu.memory_space<vmem>>, vector<1x1x16xf32>,
      %get3A_1008 = vector.shape_cast %get3A_1007 : vector<1x1x16xf32> to vector<16xf32>
      %get3A_1009 = arith.constant 0 : i32
      %get3A_1010 = arith.index_cast %get3A_1009 : i32 to index
      %get3A_1011 = arith.index_cast %add3A_1003 : i32 to index
      %get3A_1012 = arith.constant 16 : index
      %get3A_1013 = tpu.vector_load %arg6[%get3A_1010, %get3A_1011, %get3A_1012] {strides = array<i32>} : memref<2x64x64xf32, #tpu.memory_space<vmem>>, vector<1x1x16xf32>,
      %get3A_1014 = vector.shape_cast %get3A_1013 : vector<1x1x16xf32> to vector<16xf32>
      %add3A_1015 = arith.addf %get3A_1008, %get3A_1014 : vector<16xf32>
      %get3A_1016 = arith.constant 0 : i32
      %get3A_1017 = arith.index_cast %get3A_1016 : i32 to index
      %get3A_1018 = arith.index_cast %add3A_1003 : i32 to index
      %get3A_1019 = arith.constant 32 : index
      %get3A_1020 = tpu.vector_load %arg6[%get3A_1017, %get3A_1018, %get3A_1019] {strides = array<i32>} : memref<2x64x64xf32, #tpu.memory_space<vmem>>, vector<1x1x16xf32>,
      %get3A_1021 = vector.shape_cast %get3A_1020 : vector<1x1x16xf32> to vector<16xf32>
      %add3A_1022 = arith.addf %add3A_1015, %get3A_1021 : vector<16xf32>
      %get3A_1023 = arith.constant 0 : i32
      %get3A_1024 = arith.index_cast %get3A_1023 : i32 to index
      %get3A_1025 = arith.index_cast %add3A_1003 : i32 to index
      %get3A_1026 = arith.constant 48 : index
      %get3A_1027 = tpu.vector_load %arg6[%get3A_1024, %get3A_1025, %get3A_1026] {strides = array<i32>} : memref<2x64x64xf32, #tpu.memory_space<vmem>>, vector<1x1x16xf32>,
      %get3A_1028 = vector.shape_cast %get3A_1027 : vector<1x1x16xf32> to vector<16xf32>
      %add3A_1029 = arith.addf %add3A_1022, %get3A_1028 : vector<16xf32>
      %get3A_1030 = arith.constant 0 : index
      %get3A_1031 = tpu.vector_load %arg8[%get3A_1030] {strides = array<i32>} : memref<16xf32, #tpu.memory_space<vmem>>, vector<16xf32>,
      %get3A_1032 = vector.shape_cast %get3A_1031 : vector<16xf32> to vector<16xf32>
      %add3A_1033 = arith.addf %get3A_1032, %add3A_1029 : vector<16xf32>
      %swap3A_1034 = arith.constant 0 : index
      %swap3A_1035 = tpu.vector_load %arg8[%swap3A_1034] {strides = array<i32>} : memref<16xf32, #tpu.memory_space<vmem>>, vector<16xf32>,
      %swap3A_1036 = vector.shape_cast %swap3A_1035 : vector<16xf32> to vector<16xf32>
      %swap3A_1037 = vector.shape_cast %add3A_1033 : vector<16xf32> to vector<16xf32>
      tpu.vector_store %arg8[%swap3A_1034], %swap3A_1037 {strides = array<i32>} : memref<16xf32, #tpu.memory_space<vmem>>, vector<16xf32>,
    }
    %scan3A_628 = arith.constant 64 : i32
    %scan3A_629 = arith.constant 0 : i32
    %scan3A_630 = arith.constant 64 : i32
    %scan3A_631 = arith.addi %scan3A_629, %scan3A_630 : i32
    %scan3A_632 = arith.constant 1 : i32
    scf.for %scan3A_999 = %scan3A_629 to %scan3A_631 step %scan3A_632  : i32 {
      %mul3A_1000 = arith.constant 1 : i32
      %mul3A_1001 = arith.muli %scan3A_999, %mul3A_1000 : i32
      %add3A_1002 = arith.constant 0 : i32
      %add3A_1003 = arith.addi %add3A_1002, %mul3A_1001 : i32
      %get3A = arith.constant 1 : i32
      %get3A_1004 = arith.index_cast %get3A : i32 to index
      %get3A_1005 = arith.index_cast %add3A_1003 : i32 to index
      %get3A_1006 = arith.constant 0 : index
      %get3A_1007 = tpu.vector_load %arg6[%get3A_1004, %get3A_1005, %get3A_1006] {strides = array<i32>} : memref<2x64x64xf32, #tpu.memory_space<vmem>>, vector<1x1x16xf32>,
      %get3A_1008 = vector.shape_cast %get3A_1007 : vector<1x1x16xf32> to vector<16xf32>
      %get3A_1009 = arith.constant 1 : i32
      %get3A_1010 = arith.index_cast %get3A_1009 : i32 to index
      %get3A_1011 = arith.index_cast %add3A_1003 : i32 to index
      %get3A_1012 = arith.constant 16 : index
      %get3A_1013 = tpu.vector_load %arg6[%get3A_1010, %get3A_1011, %get3A_1012] {strides = array<i32>} : memref<2x64x64xf32, #tpu.memory_space<vmem>>, vector<1x1x16xf32>,
      %get3A_1014 = vector.shape_cast %get3A_1013 : vector<1x1x16xf32> to vector<16xf32>
      %add3A_1015 = arith.addf %get3A_1008, %get3A_1014 : vector<16xf32>
      %get3A_1016 = arith.constant 1 : i32
      %get3A_1017 = arith.index_cast %get3A_1016 : i32 to index
      %get3A_1018 = arith.index_cast %add3A_1003 : i32 to index
      %get3A_1019 = arith.constant 32 : index
      %get3A_1020 = tpu.vector_load %arg6[%get3A_1017, %get3A_1018, %get3A_1019] {strides = array<i32>} : memref<2x64x64xf32, #tpu.memory_space<vmem>>, vector<1x1x16xf32>,
      %get3A_1021 = vector.shape_cast %get3A_1020 : vector<1x1x16xf32> to vector<16xf32>
      %add3A_1022 = arith.addf %add3A_1015, %get3A_1021 : vector<16xf32>
      %get3A_1023 = arith.constant 1 : i32
      %get3A_1024 = arith.index_cast %get3A_1023 : i32 to index
      %get3A_1025 = arith.index_cast %add3A_1003 : i32 to index
      %get3A_1026 = arith.constant 48 : index
      %get3A_1027 = tpu.vector_load %arg6[%get3A_1024, %get3A_1025, %get3A_1026] {strides = array<i32>} : memref<2x64x64xf32, #tpu.memory_space<vmem>>, vector<1x1x16xf32>,
      %get3A_1028 = vector.shape_cast %get3A_1027 : vector<1x1x16xf32> to vector<16xf32>
      %add3A_1029 = arith.addf %add3A_1022, %get3A_1028 : vector<16xf32>
      %get3A_1030 = arith.constant 0 : index
      %get3A_1031 = tpu.vector_load %arg8[%get3A_1030] {strides = array<i32>} : memref<16xf32, #tpu.memory_space<vmem>>, vector<16xf32>,
      %get3A_1032 = vector.shape_cast %get3A_1031 : vector<16xf32> to vector<16xf32>
      %add3A_1033 = arith.addf %get3A_1032, %add3A_1029 : vector<16xf32>
      %swap3A_1034 = arith.constant 0 : index
      %swap3A_1035 = tpu.vector_load %arg8[%swap3A_1034] {strides = array<i32>} : memref<16xf32, #tpu.memory_space<vmem>>, vector<16xf32>,
      %swap3A_1036 = vector.shape_cast %swap3A_1035 : vector<16xf32> to vector<16xf32>
      %swap3A_1037 = vector.shape_cast %add3A_1033 : vector<16xf32> to vector<16xf32>
      tpu.vector_store %arg8[%swap3A_1034], %swap3A_1037 {strides = array<i32>} : memref<16xf32, #tpu.memory_space<vmem>>, vector<16xf32>,
    }
    %scan3A_633 = arith.constant 64 : i32
    %dma_start3A_634 = arith.constant 44 : i32
    %dma_start3A_635 = arith.constant 0 : i32
    %dma_start3A_636 = arith.constant 0 : i32
    %dma_start3A_637 = tpu.memref_slice %arg2[%select_n3A, %select_n3A_32, %dma_start3A_634, %dma_start3A_635, %dma_start3A_636] : memref<4x32x64x64x64xf32, #tpu.memory_space<hbm>> -> memref<1x1x2x64x64xf32, #tpu.memory_space<hbm>>
    %dma_start3A_638 = tpu.memref_squeeze %dma_start3A_637 : memref<1x1x2x64x64xf32, #tpu.memory_space<hbm>> -> memref<2x64x64xf32, #tpu.memory_space<hbm>>
    %dma_start3A_639 = arith.constant 44 : i32
    %dma_start3A_640 = arith.constant 0 : i32
    %dma_start3A_641 = arith.constant 0 : i32
    %dma_start3A_642 = tpu.memref_slice %arg2[%select_n3A, %select_n3A_32, %dma_start3A_639, %dma_start3A_640, %dma_start3A_641] : memref<4x32x64x64x64xf32, #tpu.memory_space<hbm>> -> memref<1x1x2x64x64xf32, #tpu.memory_space<hbm>>
    %dma_start3A_643 = tpu.memref_squeeze %dma_start3A_642 : memref<1x1x2x64x64xf32, #tpu.memory_space<hbm>> -> memref<2x64x64xf32, #tpu.memory_space<hbm>>
    tpu.enqueue_dma source(%dma_start3A_643 : memref<2x64x64xf32, #tpu.memory_space<hbm>>) target(%arg6 : memref<2x64x64xf32, #tpu.memory_space<vmem>>) target_semaphore(%arg12 : memref<!tpu.dma_semaphore, #tpu.memory_space<semaphore_mem>>)
    %dma_wait3A_644 = arith.constant 38 : i32
    %dma_wait3A_645 = arith.constant 0 : i32
    %dma_wait3A_646 = arith.constant 0 : i32
    %dma_wait3A_647 = tpu.memref_slice %arg2[%select_n3A, %select_n3A_32, %dma_wait3A_644, %dma_wait3A_645, %dma_wait3A_646] : memref<4x32x64x64x64xf32, #tpu.memory_space<hbm>> -> memref<1x1x2x64x64xf32, #tpu.memory_space<hbm>>
    %dma_wait3A_648 = tpu.memref_squeeze %dma_wait3A_647 : memref<1x1x2x64x64xf32, #tpu.memory_space<hbm>> -> memref<2x64x64xf32, #tpu.memory_space<hbm>>
    %dma_wait3A_649 = arith.constant 38 : i32
    %dma_wait3A_650 = arith.constant 0 : i32
    %dma_wait3A_651 = arith.constant 0 : i32
    %dma_wait3A_652 = tpu.memref_slice %arg2[%select_n3A, %select_n3A_32, %dma_wait3A_649, %dma_wait3A_650, %dma_wait3A_651] : memref<4x32x64x64x64xf32, #tpu.memory_space<hbm>> -> memref<1x1x2x64x64xf32, #tpu.memory_space<hbm>>
    %dma_wait3A_653 = tpu.memref_squeeze %dma_wait3A_652 : memref<1x1x2x64x64xf32, #tpu.memory_space<hbm>> -> memref<2x64x64xf32, #tpu.memory_space<hbm>>
    tpu.wait_dma2 semaphore(%arg13 : memref<!tpu.dma_semaphore, #tpu.memory_space<semaphore_mem>>) src(%dma_wait3A_653 : memref<2x64x64xf32, #tpu.memory_space<hbm>>) dst(%arg7 : memref<2x64x64xf32, #tpu.memory_space<vmem>>)
    %scan3A_654 = arith.constant 0 : i32
    %scan3A_655 = arith.constant 64 : i32
    %scan3A_656 = arith.addi %scan3A_654, %scan3A_655 : i32
    %scan3A_657 = arith.constant 1 : i32
    scf.for %scan3A_999 = %scan3A_654 to %scan3A_656 step %scan3A_657  : i32 {
      %mul3A_1000 = arith.constant 1 : i32
      %mul3A_1001 = arith.muli %scan3A_999, %mul3A_1000 : i32
      %add3A_1002 = arith.constant 0 : i32
      %add3A_1003 = arith.addi %add3A_1002, %mul3A_1001 : i32
      %get3A = arith.constant 0 : i32
      %get3A_1004 = arith.index_cast %get3A : i32 to index
      %get3A_1005 = arith.index_cast %add3A_1003 : i32 to index
      %get3A_1006 = arith.constant 0 : index
      %get3A_1007 = tpu.vector_load %arg7[%get3A_1004, %get3A_1005, %get3A_1006] {strides = array<i32>} : memref<2x64x64xf32, #tpu.memory_space<vmem>>, vector<1x1x16xf32>,
      %get3A_1008 = vector.shape_cast %get3A_1007 : vector<1x1x16xf32> to vector<16xf32>
      %get3A_1009 = arith.constant 0 : i32
      %get3A_1010 = arith.index_cast %get3A_1009 : i32 to index
      %get3A_1011 = arith.index_cast %add3A_1003 : i32 to index
      %get3A_1012 = arith.constant 16 : index
      %get3A_1013 = tpu.vector_load %arg7[%get3A_1010, %get3A_1011, %get3A_1012] {strides = array<i32>} : memref<2x64x64xf32, #tpu.memory_space<vmem>>, vector<1x1x16xf32>,
      %get3A_1014 = vector.shape_cast %get3A_1013 : vector<1x1x16xf32> to vector<16xf32>
      %add3A_1015 = arith.addf %get3A_1008, %get3A_1014 : vector<16xf32>
      %get3A_1016 = arith.constant 0 : i32
      %get3A_1017 = arith.index_cast %get3A_1016 : i32 to index
      %get3A_1018 = arith.index_cast %add3A_1003 : i32 to index
      %get3A_1019 = arith.constant 32 : index
      %get3A_1020 = tpu.vector_load %arg7[%get3A_1017, %get3A_1018, %get3A_1019] {strides = array<i32>} : memref<2x64x64xf32, #tpu.memory_space<vmem>>, vector<1x1x16xf32>,
      %get3A_1021 = vector.shape_cast %get3A_1020 : vector<1x1x16xf32> to vector<16xf32>
      %add3A_1022 = arith.addf %add3A_1015, %get3A_1021 : vector<16xf32>
      %get3A_1023 = arith.constant 0 : i32
      %get3A_1024 = arith.index_cast %get3A_1023 : i32 to index
      %get3A_1025 = arith.index_cast %add3A_1003 : i32 to index
      %get3A_1026 = arith.constant 48 : index
      %get3A_1027 = tpu.vector_load %arg7[%get3A_1024, %get3A_1025, %get3A_1026] {strides = array<i32>} : memref<2x64x64xf32, #tpu.memory_space<vmem>>, vector<1x1x16xf32>,
      %get3A_1028 = vector.shape_cast %get3A_1027 : vector<1x1x16xf32> to vector<16xf32>
      %add3A_1029 = arith.addf %add3A_1022, %get3A_1028 : vector<16xf32>
      %get3A_1030 = arith.constant 0 : index
      %get3A_1031 = tpu.vector_load %arg8[%get3A_1030] {strides = array<i32>} : memref<16xf32, #tpu.memory_space<vmem>>, vector<16xf32>,
      %get3A_1032 = vector.shape_cast %get3A_1031 : vector<16xf32> to vector<16xf32>
      %add3A_1033 = arith.addf %get3A_1032, %add3A_1029 : vector<16xf32>
      %swap3A_1034 = arith.constant 0 : index
      %swap3A_1035 = tpu.vector_load %arg8[%swap3A_1034] {strides = array<i32>} : memref<16xf32, #tpu.memory_space<vmem>>, vector<16xf32>,
      %swap3A_1036 = vector.shape_cast %swap3A_1035 : vector<16xf32> to vector<16xf32>
      %swap3A_1037 = vector.shape_cast %add3A_1033 : vector<16xf32> to vector<16xf32>
      tpu.vector_store %arg8[%swap3A_1034], %swap3A_1037 {strides = array<i32>} : memref<16xf32, #tpu.memory_space<vmem>>, vector<16xf32>,
    }
    %scan3A_658 = arith.constant 64 : i32
    %scan3A_659 = arith.constant 0 : i32
    %scan3A_660 = arith.constant 64 : i32
    %scan3A_661 = arith.addi %scan3A_659, %scan3A_660 : i32
    %scan3A_662 = arith.constant 1 : i32
    scf.for %scan3A_999 = %scan3A_659 to %scan3A_661 step %scan3A_662  : i32 {
      %mul3A_1000 = arith.constant 1 : i32
      %mul3A_1001 = arith.muli %scan3A_999, %mul3A_1000 : i32
      %add3A_1002 = arith.constant 0 : i32
      %add3A_1003 = arith.addi %add3A_1002, %mul3A_1001 : i32
      %get3A = arith.constant 1 : i32
      %get3A_1004 = arith.index_cast %get3A : i32 to index
      %get3A_1005 = arith.index_cast %add3A_1003 : i32 to index
      %get3A_1006 = arith.constant 0 : index
      %get3A_1007 = tpu.vector_load %arg7[%get3A_1004, %get3A_1005, %get3A_1006] {strides = array<i32>} : memref<2x64x64xf32, #tpu.memory_space<vmem>>, vector<1x1x16xf32>,
      %get3A_1008 = vector.shape_cast %get3A_1007 : vector<1x1x16xf32> to vector<16xf32>
      %get3A_1009 = arith.constant 1 : i32
      %get3A_1010 = arith.index_cast %get3A_1009 : i32 to index
      %get3A_1011 = arith.index_cast %add3A_1003 : i32 to index
      %get3A_1012 = arith.constant 16 : index
      %get3A_1013 = tpu.vector_load %arg7[%get3A_1010, %get3A_1011, %get3A_1012] {strides = array<i32>} : memref<2x64x64xf32, #tpu.memory_space<vmem>>, vector<1x1x16xf32>,
      %get3A_1014 = vector.shape_cast %get3A_1013 : vector<1x1x16xf32> to vector<16xf32>
      %add3A_1015 = arith.addf %get3A_1008, %get3A_1014 : vector<16xf32>
      %get3A_1016 = arith.constant 1 : i32
      %get3A_1017 = arith.index_cast %get3A_1016 : i32 to index
      %get3A_1018 = arith.index_cast %add3A_1003 : i32 to index
      %get3A_1019 = arith.constant 32 : index
      %get3A_1020 = tpu.vector_load %arg7[%get3A_1017, %get3A_1018, %get3A_1019] {strides = array<i32>} : memref<2x64x64xf32, #tpu.memory_space<vmem>>, vector<1x1x16xf32>,
      %get3A_1021 = vector.shape_cast %get3A_1020 : vector<1x1x16xf32> to vector<16xf32>
      %add3A_1022 = arith.addf %add3A_1015, %get3A_1021 : vector<16xf32>
      %get3A_1023 = arith.constant 1 : i32
      %get3A_1024 = arith.index_cast %get3A_1023 : i32 to index
      %get3A_1025 = arith.index_cast %add3A_1003 : i32 to index
      %get3A_1026 = arith.constant 48 : index
      %get3A_1027 = tpu.vector_load %arg7[%get3A_1024, %get3A_1025, %get3A_1026] {strides = array<i32>} : memref<2x64x64xf32, #tpu.memory_space<vmem>>, vector<1x1x16xf32>,
      %get3A_1028 = vector.shape_cast %get3A_1027 : vector<1x1x16xf32> to vector<16xf32>
      %add3A_1029 = arith.addf %add3A_1022, %get3A_1028 : vector<16xf32>
      %get3A_1030 = arith.constant 0 : index
      %get3A_1031 = tpu.vector_load %arg8[%get3A_1030] {strides = array<i32>} : memref<16xf32, #tpu.memory_space<vmem>>, vector<16xf32>,
      %get3A_1032 = vector.shape_cast %get3A_1031 : vector<16xf32> to vector<16xf32>
      %add3A_1033 = arith.addf %get3A_1032, %add3A_1029 : vector<16xf32>
      %swap3A_1034 = arith.constant 0 : index
      %swap3A_1035 = tpu.vector_load %arg8[%swap3A_1034] {strides = array<i32>} : memref<16xf32, #tpu.memory_space<vmem>>, vector<16xf32>,
      %swap3A_1036 = vector.shape_cast %swap3A_1035 : vector<16xf32> to vector<16xf32>
      %swap3A_1037 = vector.shape_cast %add3A_1033 : vector<16xf32> to vector<16xf32>
      tpu.vector_store %arg8[%swap3A_1034], %swap3A_1037 {strides = array<i32>} : memref<16xf32, #tpu.memory_space<vmem>>, vector<16xf32>,
    }
    %scan3A_663 = arith.constant 64 : i32
    %dma_start3A_664 = arith.constant 46 : i32
    %dma_start3A_665 = arith.constant 0 : i32
    %dma_start3A_666 = arith.constant 0 : i32
    %dma_start3A_667 = tpu.memref_slice %arg2[%select_n3A, %select_n3A_32, %dma_start3A_664, %dma_start3A_665, %dma_start3A_666] : memref<4x32x64x64x64xf32, #tpu.memory_space<hbm>> -> memref<1x1x2x64x64xf32, #tpu.memory_space<hbm>>
    %dma_start3A_668 = tpu.memref_squeeze %dma_start3A_667 : memref<1x1x2x64x64xf32, #tpu.memory_space<hbm>> -> memref<2x64x64xf32, #tpu.memory_space<hbm>>
    %dma_start3A_669 = arith.constant 46 : i32
    %dma_start3A_670 = arith.constant 0 : i32
    %dma_start3A_671 = arith.constant 0 : i32
    %dma_start3A_672 = tpu.memref_slice %arg2[%select_n3A, %select_n3A_32, %dma_start3A_669, %dma_start3A_670, %dma_start3A_671] : memref<4x32x64x64x64xf32, #tpu.memory_space<hbm>> -> memref<1x1x2x64x64xf32, #tpu.memory_space<hbm>>
    %dma_start3A_673 = tpu.memref_squeeze %dma_start3A_672 : memref<1x1x2x64x64xf32, #tpu.memory_space<hbm>> -> memref<2x64x64xf32, #tpu.memory_space<hbm>>
    tpu.enqueue_dma source(%dma_start3A_673 : memref<2x64x64xf32, #tpu.memory_space<hbm>>) target(%arg7 : memref<2x64x64xf32, #tpu.memory_space<vmem>>) target_semaphore(%arg13 : memref<!tpu.dma_semaphore, #tpu.memory_space<semaphore_mem>>)
    %dma_wait3A_674 = arith.constant 40 : i32
    %dma_wait3A_675 = arith.constant 0 : i32
    %dma_wait3A_676 = arith.constant 0 : i32
    %dma_wait3A_677 = tpu.memref_slice %arg2[%select_n3A, %select_n3A_32, %dma_wait3A_674, %dma_wait3A_675, %dma_wait3A_676] : memref<4x32x64x64x64xf32, #tpu.memory_space<hbm>> -> memref<1x1x2x64x64xf32, #tpu.memory_space<hbm>>
    %dma_wait3A_678 = tpu.memref_squeeze %dma_wait3A_677 : memref<1x1x2x64x64xf32, #tpu.memory_space<hbm>> -> memref<2x64x64xf32, #tpu.memory_space<hbm>>
    %dma_wait3A_679 = arith.constant 40 : i32
    %dma_wait3A_680 = arith.constant 0 : i32
    %dma_wait3A_681 = arith.constant 0 : i32
    %dma_wait3A_682 = tpu.memref_slice %arg2[%select_n3A, %select_n3A_32, %dma_wait3A_679, %dma_wait3A_680, %dma_wait3A_681] : memref<4x32x64x64x64xf32, #tpu.memory_space<hbm>> -> memref<1x1x2x64x64xf32, #tpu.memory_space<hbm>>
    %dma_wait3A_683 = tpu.memref_squeeze %dma_wait3A_682 : memref<1x1x2x64x64xf32, #tpu.memory_space<hbm>> -> memref<2x64x64xf32, #tpu.memory_space<hbm>>
    tpu.wait_dma2 semaphore(%arg10 : memref<!tpu.dma_semaphore, #tpu.memory_space<semaphore_mem>>) src(%dma_wait3A_683 : memref<2x64x64xf32, #tpu.memory_space<hbm>>) dst(%arg4 : memref<2x64x64xf32, #tpu.memory_space<vmem>>)
    %scan3A_684 = arith.constant 0 : i32
    %scan3A_685 = arith.constant 64 : i32
    %scan3A_686 = arith.addi %scan3A_684, %scan3A_685 : i32
    %scan3A_687 = arith.constant 1 : i32
    scf.for %scan3A_999 = %scan3A_684 to %scan3A_686 step %scan3A_687  : i32 {
      %mul3A_1000 = arith.constant 1 : i32
      %mul3A_1001 = arith.muli %scan3A_999, %mul3A_1000 : i32
      %add3A_1002 = arith.constant 0 : i32
      %add3A_1003 = arith.addi %add3A_1002, %mul3A_1001 : i32
      %get3A = arith.constant 0 : i32
      %get3A_1004 = arith.index_cast %get3A : i32 to index
      %get3A_1005 = arith.index_cast %add3A_1003 : i32 to index
      %get3A_1006 = arith.constant 0 : index
      %get3A_1007 = tpu.vector_load %arg4[%get3A_1004, %get3A_1005, %get3A_1006] {strides = array<i32>} : memref<2x64x64xf32, #tpu.memory_space<vmem>>, vector<1x1x16xf32>,
      %get3A_1008 = vector.shape_cast %get3A_1007 : vector<1x1x16xf32> to vector<16xf32>
      %get3A_1009 = arith.constant 0 : i32
      %get3A_1010 = arith.index_cast %get3A_1009 : i32 to index
      %get3A_1011 = arith.index_cast %add3A_1003 : i32 to index
      %get3A_1012 = arith.constant 16 : index
      %get3A_1013 = tpu.vector_load %arg4[%get3A_1010, %get3A_1011, %get3A_1012] {strides = array<i32>} : memref<2x64x64xf32, #tpu.memory_space<vmem>>, vector<1x1x16xf32>,
      %get3A_1014 = vector.shape_cast %get3A_1013 : vector<1x1x16xf32> to vector<16xf32>
      %add3A_1015 = arith.addf %get3A_1008, %get3A_1014 : vector<16xf32>
      %get3A_1016 = arith.constant 0 : i32
      %get3A_1017 = arith.index_cast %get3A_1016 : i32 to index
      %get3A_1018 = arith.index_cast %add3A_1003 : i32 to index
      %get3A_1019 = arith.constant 32 : index
      %get3A_1020 = tpu.vector_load %arg4[%get3A_1017, %get3A_1018, %get3A_1019] {strides = array<i32>} : memref<2x64x64xf32, #tpu.memory_space<vmem>>, vector<1x1x16xf32>,
      %get3A_1021 = vector.shape_cast %get3A_1020 : vector<1x1x16xf32> to vector<16xf32>
      %add3A_1022 = arith.addf %add3A_1015, %get3A_1021 : vector<16xf32>
      %get3A_1023 = arith.constant 0 : i32
      %get3A_1024 = arith.index_cast %get3A_1023 : i32 to index
      %get3A_1025 = arith.index_cast %add3A_1003 : i32 to index
      %get3A_1026 = arith.constant 48 : index
      %get3A_1027 = tpu.vector_load %arg4[%get3A_1024, %get3A_1025, %get3A_1026] {strides = array<i32>} : memref<2x64x64xf32, #tpu.memory_space<vmem>>, vector<1x1x16xf32>,
      %get3A_1028 = vector.shape_cast %get3A_1027 : vector<1x1x16xf32> to vector<16xf32>
      %add3A_1029 = arith.addf %add3A_1022, %get3A_1028 : vector<16xf32>
      %get3A_1030 = arith.constant 0 : index
      %get3A_1031 = tpu.vector_load %arg8[%get3A_1030] {strides = array<i32>} : memref<16xf32, #tpu.memory_space<vmem>>, vector<16xf32>,
      %get3A_1032 = vector.shape_cast %get3A_1031 : vector<16xf32> to vector<16xf32>
      %add3A_1033 = arith.addf %get3A_1032, %add3A_1029 : vector<16xf32>
      %swap3A_1034 = arith.constant 0 : index
      %swap3A_1035 = tpu.vector_load %arg8[%swap3A_1034] {strides = array<i32>} : memref<16xf32, #tpu.memory_space<vmem>>, vector<16xf32>,
      %swap3A_1036 = vector.shape_cast %swap3A_1035 : vector<16xf32> to vector<16xf32>
      %swap3A_1037 = vector.shape_cast %add3A_1033 : vector<16xf32> to vector<16xf32>
      tpu.vector_store %arg8[%swap3A_1034], %swap3A_1037 {strides = array<i32>} : memref<16xf32, #tpu.memory_space<vmem>>, vector<16xf32>,
    }
    %scan3A_688 = arith.constant 64 : i32
    %scan3A_689 = arith.constant 0 : i32
    %scan3A_690 = arith.constant 64 : i32
    %scan3A_691 = arith.addi %scan3A_689, %scan3A_690 : i32
    %scan3A_692 = arith.constant 1 : i32
    scf.for %scan3A_999 = %scan3A_689 to %scan3A_691 step %scan3A_692  : i32 {
      %mul3A_1000 = arith.constant 1 : i32
      %mul3A_1001 = arith.muli %scan3A_999, %mul3A_1000 : i32
      %add3A_1002 = arith.constant 0 : i32
      %add3A_1003 = arith.addi %add3A_1002, %mul3A_1001 : i32
      %get3A = arith.constant 1 : i32
      %get3A_1004 = arith.index_cast %get3A : i32 to index
      %get3A_1005 = arith.index_cast %add3A_1003 : i32 to index
      %get3A_1006 = arith.constant 0 : index
      %get3A_1007 = tpu.vector_load %arg4[%get3A_1004, %get3A_1005, %get3A_1006] {strides = array<i32>} : memref<2x64x64xf32, #tpu.memory_space<vmem>>, vector<1x1x16xf32>,
      %get3A_1008 = vector.shape_cast %get3A_1007 : vector<1x1x16xf32> to vector<16xf32>
      %get3A_1009 = arith.constant 1 : i32
      %get3A_1010 = arith.index_cast %get3A_1009 : i32 to index
      %get3A_1011 = arith.index_cast %add3A_1003 : i32 to index
      %get3A_1012 = arith.constant 16 : index
      %get3A_1013 = tpu.vector_load %arg4[%get3A_1010, %get3A_1011, %get3A_1012] {strides = array<i32>} : memref<2x64x64xf32, #tpu.memory_space<vmem>>, vector<1x1x16xf32>,
      %get3A_1014 = vector.shape_cast %get3A_1013 : vector<1x1x16xf32> to vector<16xf32>
      %add3A_1015 = arith.addf %get3A_1008, %get3A_1014 : vector<16xf32>
      %get3A_1016 = arith.constant 1 : i32
      %get3A_1017 = arith.index_cast %get3A_1016 : i32 to index
      %get3A_1018 = arith.index_cast %add3A_1003 : i32 to index
      %get3A_1019 = arith.constant 32 : index
      %get3A_1020 = tpu.vector_load %arg4[%get3A_1017, %get3A_1018, %get3A_1019] {strides = array<i32>} : memref<2x64x64xf32, #tpu.memory_space<vmem>>, vector<1x1x16xf32>,
      %get3A_1021 = vector.shape_cast %get3A_1020 : vector<1x1x16xf32> to vector<16xf32>
      %add3A_1022 = arith.addf %add3A_1015, %get3A_1021 : vector<16xf32>
      %get3A_1023 = arith.constant 1 : i32
      %get3A_1024 = arith.index_cast %get3A_1023 : i32 to index
      %get3A_1025 = arith.index_cast %add3A_1003 : i32 to index
      %get3A_1026 = arith.constant 48 : index
      %get3A_1027 = tpu.vector_load %arg4[%get3A_1024, %get3A_1025, %get3A_1026] {strides = array<i32>} : memref<2x64x64xf32, #tpu.memory_space<vmem>>, vector<1x1x16xf32>,
      %get3A_1028 = vector.shape_cast %get3A_1027 : vector<1x1x16xf32> to vector<16xf32>
      %add3A_1029 = arith.addf %add3A_1022, %get3A_1028 : vector<16xf32>
      %get3A_1030 = arith.constant 0 : index
      %get3A_1031 = tpu.vector_load %arg8[%get3A_1030] {strides = array<i32>} : memref<16xf32, #tpu.memory_space<vmem>>, vector<16xf32>,
      %get3A_1032 = vector.shape_cast %get3A_1031 : vector<16xf32> to vector<16xf32>
      %add3A_1033 = arith.addf %get3A_1032, %add3A_1029 : vector<16xf32>
      %swap3A_1034 = arith.constant 0 : index
      %swap3A_1035 = tpu.vector_load %arg8[%swap3A_1034] {strides = array<i32>} : memref<16xf32, #tpu.memory_space<vmem>>, vector<16xf32>,
      %swap3A_1036 = vector.shape_cast %swap3A_1035 : vector<16xf32> to vector<16xf32>
      %swap3A_1037 = vector.shape_cast %add3A_1033 : vector<16xf32> to vector<16xf32>
      tpu.vector_store %arg8[%swap3A_1034], %swap3A_1037 {strides = array<i32>} : memref<16xf32, #tpu.memory_space<vmem>>, vector<16xf32>,
    }
    %scan3A_693 = arith.constant 64 : i32
    %dma_start3A_694 = arith.constant 48 : i32
    %dma_start3A_695 = arith.constant 0 : i32
    %dma_start3A_696 = arith.constant 0 : i32
    %dma_start3A_697 = tpu.memref_slice %arg2[%select_n3A, %select_n3A_32, %dma_start3A_694, %dma_start3A_695, %dma_start3A_696] : memref<4x32x64x64x64xf32, #tpu.memory_space<hbm>> -> memref<1x1x2x64x64xf32, #tpu.memory_space<hbm>>
    %dma_start3A_698 = tpu.memref_squeeze %dma_start3A_697 : memref<1x1x2x64x64xf32, #tpu.memory_space<hbm>> -> memref<2x64x64xf32, #tpu.memory_space<hbm>>
    %dma_start3A_699 = arith.constant 48 : i32
    %dma_start3A_700 = arith.constant 0 : i32
    %dma_start3A_701 = arith.constant 0 : i32
    %dma_start3A_702 = tpu.memref_slice %arg2[%select_n3A, %select_n3A_32, %dma_start3A_699, %dma_start3A_700, %dma_start3A_701] : memref<4x32x64x64x64xf32, #tpu.memory_space<hbm>> -> memref<1x1x2x64x64xf32, #tpu.memory_space<hbm>>
    %dma_start3A_703 = tpu.memref_squeeze %dma_start3A_702 : memref<1x1x2x64x64xf32, #tpu.memory_space<hbm>> -> memref<2x64x64xf32, #tpu.memory_space<hbm>>
    tpu.enqueue_dma source(%dma_start3A_703 : memref<2x64x64xf32, #tpu.memory_space<hbm>>) target(%arg4 : memref<2x64x64xf32, #tpu.memory_space<vmem>>) target_semaphore(%arg10 : memref<!tpu.dma_semaphore, #tpu.memory_space<semaphore_mem>>)
    %dma_wait3A_704 = arith.constant 42 : i32
    %dma_wait3A_705 = arith.constant 0 : i32
    %dma_wait3A_706 = arith.constant 0 : i32
    %dma_wait3A_707 = tpu.memref_slice %arg2[%select_n3A, %select_n3A_32, %dma_wait3A_704, %dma_wait3A_705, %dma_wait3A_706] : memref<4x32x64x64x64xf32, #tpu.memory_space<hbm>> -> memref<1x1x2x64x64xf32, #tpu.memory_space<hbm>>
    %dma_wait3A_708 = tpu.memref_squeeze %dma_wait3A_707 : memref<1x1x2x64x64xf32, #tpu.memory_space<hbm>> -> memref<2x64x64xf32, #tpu.memory_space<hbm>>
    %dma_wait3A_709 = arith.constant 42 : i32
    %dma_wait3A_710 = arith.constant 0 : i32
    %dma_wait3A_711 = arith.constant 0 : i32
    %dma_wait3A_712 = tpu.memref_slice %arg2[%select_n3A, %select_n3A_32, %dma_wait3A_709, %dma_wait3A_710, %dma_wait3A_711] : memref<4x32x64x64x64xf32, #tpu.memory_space<hbm>> -> memref<1x1x2x64x64xf32, #tpu.memory_space<hbm>>
    %dma_wait3A_713 = tpu.memref_squeeze %dma_wait3A_712 : memref<1x1x2x64x64xf32, #tpu.memory_space<hbm>> -> memref<2x64x64xf32, #tpu.memory_space<hbm>>
    tpu.wait_dma2 semaphore(%arg11 : memref<!tpu.dma_semaphore, #tpu.memory_space<semaphore_mem>>) src(%dma_wait3A_713 : memref<2x64x64xf32, #tpu.memory_space<hbm>>) dst(%arg5 : memref<2x64x64xf32, #tpu.memory_space<vmem>>)
    %scan3A_714 = arith.constant 0 : i32
    %scan3A_715 = arith.constant 64 : i32
    %scan3A_716 = arith.addi %scan3A_714, %scan3A_715 : i32
    %scan3A_717 = arith.constant 1 : i32
    scf.for %scan3A_999 = %scan3A_714 to %scan3A_716 step %scan3A_717  : i32 {
      %mul3A_1000 = arith.constant 1 : i32
      %mul3A_1001 = arith.muli %scan3A_999, %mul3A_1000 : i32
      %add3A_1002 = arith.constant 0 : i32
      %add3A_1003 = arith.addi %add3A_1002, %mul3A_1001 : i32
      %get3A = arith.constant 0 : i32
      %get3A_1004 = arith.index_cast %get3A : i32 to index
      %get3A_1005 = arith.index_cast %add3A_1003 : i32 to index
      %get3A_1006 = arith.constant 0 : index
      %get3A_1007 = tpu.vector_load %arg5[%get3A_1004, %get3A_1005, %get3A_1006] {strides = array<i32>} : memref<2x64x64xf32, #tpu.memory_space<vmem>>, vector<1x1x16xf32>,
      %get3A_1008 = vector.shape_cast %get3A_1007 : vector<1x1x16xf32> to vector<16xf32>
      %get3A_1009 = arith.constant 0 : i32
      %get3A_1010 = arith.index_cast %get3A_1009 : i32 to index
      %get3A_1011 = arith.index_cast %add3A_1003 : i32 to index
      %get3A_1012 = arith.constant 16 : index
      %get3A_1013 = tpu.vector_load %arg5[%get3A_1010, %get3A_1011, %get3A_1012] {strides = array<i32>} : memref<2x64x64xf32, #tpu.memory_space<vmem>>, vector<1x1x16xf32>,
      %get3A_1014 = vector.shape_cast %get3A_1013 : vector<1x1x16xf32> to vector<16xf32>
      %add3A_1015 = arith.addf %get3A_1008, %get3A_1014 : vector<16xf32>
      %get3A_1016 = arith.constant 0 : i32
      %get3A_1017 = arith.index_cast %get3A_1016 : i32 to index
      %get3A_1018 = arith.index_cast %add3A_1003 : i32 to index
      %get3A_1019 = arith.constant 32 : index
      %get3A_1020 = tpu.vector_load %arg5[%get3A_1017, %get3A_1018, %get3A_1019] {strides = array<i32>} : memref<2x64x64xf32, #tpu.memory_space<vmem>>, vector<1x1x16xf32>,
      %get3A_1021 = vector.shape_cast %get3A_1020 : vector<1x1x16xf32> to vector<16xf32>
      %add3A_1022 = arith.addf %add3A_1015, %get3A_1021 : vector<16xf32>
      %get3A_1023 = arith.constant 0 : i32
      %get3A_1024 = arith.index_cast %get3A_1023 : i32 to index
      %get3A_1025 = arith.index_cast %add3A_1003 : i32 to index
      %get3A_1026 = arith.constant 48 : index
      %get3A_1027 = tpu.vector_load %arg5[%get3A_1024, %get3A_1025, %get3A_1026] {strides = array<i32>} : memref<2x64x64xf32, #tpu.memory_space<vmem>>, vector<1x1x16xf32>,
      %get3A_1028 = vector.shape_cast %get3A_1027 : vector<1x1x16xf32> to vector<16xf32>
      %add3A_1029 = arith.addf %add3A_1022, %get3A_1028 : vector<16xf32>
      %get3A_1030 = arith.constant 0 : index
      %get3A_1031 = tpu.vector_load %arg8[%get3A_1030] {strides = array<i32>} : memref<16xf32, #tpu.memory_space<vmem>>, vector<16xf32>,
      %get3A_1032 = vector.shape_cast %get3A_1031 : vector<16xf32> to vector<16xf32>
      %add3A_1033 = arith.addf %get3A_1032, %add3A_1029 : vector<16xf32>
      %swap3A_1034 = arith.constant 0 : index
      %swap3A_1035 = tpu.vector_load %arg8[%swap3A_1034] {strides = array<i32>} : memref<16xf32, #tpu.memory_space<vmem>>, vector<16xf32>,
      %swap3A_1036 = vector.shape_cast %swap3A_1035 : vector<16xf32> to vector<16xf32>
      %swap3A_1037 = vector.shape_cast %add3A_1033 : vector<16xf32> to vector<16xf32>
      tpu.vector_store %arg8[%swap3A_1034], %swap3A_1037 {strides = array<i32>} : memref<16xf32, #tpu.memory_space<vmem>>, vector<16xf32>,
    }
    %scan3A_718 = arith.constant 64 : i32
    %scan3A_719 = arith.constant 0 : i32
    %scan3A_720 = arith.constant 64 : i32
    %scan3A_721 = arith.addi %scan3A_719, %scan3A_720 : i32
    %scan3A_722 = arith.constant 1 : i32
    scf.for %scan3A_999 = %scan3A_719 to %scan3A_721 step %scan3A_722  : i32 {
      %mul3A_1000 = arith.constant 1 : i32
      %mul3A_1001 = arith.muli %scan3A_999, %mul3A_1000 : i32
      %add3A_1002 = arith.constant 0 : i32
      %add3A_1003 = arith.addi %add3A_1002, %mul3A_1001 : i32
      %get3A = arith.constant 1 : i32
      %get3A_1004 = arith.index_cast %get3A : i32 to index
      %get3A_1005 = arith.index_cast %add3A_1003 : i32 to index
      %get3A_1006 = arith.constant 0 : index
      %get3A_1007 = tpu.vector_load %arg5[%get3A_1004, %get3A_1005, %get3A_1006] {strides = array<i32>} : memref<2x64x64xf32, #tpu.memory_space<vmem>>, vector<1x1x16xf32>,
      %get3A_1008 = vector.shape_cast %get3A_1007 : vector<1x1x16xf32> to vector<16xf32>
      %get3A_1009 = arith.constant 1 : i32
      %get3A_1010 = arith.index_cast %get3A_1009 : i32 to index
      %get3A_1011 = arith.index_cast %add3A_1003 : i32 to index
      %get3A_1012 = arith.constant 16 : index
      %get3A_1013 = tpu.vector_load %arg5[%get3A_1010, %get3A_1011, %get3A_1012] {strides = array<i32>} : memref<2x64x64xf32, #tpu.memory_space<vmem>>, vector<1x1x16xf32>,
      %get3A_1014 = vector.shape_cast %get3A_1013 : vector<1x1x16xf32> to vector<16xf32>
      %add3A_1015 = arith.addf %get3A_1008, %get3A_1014 : vector<16xf32>
      %get3A_1016 = arith.constant 1 : i32
      %get3A_1017 = arith.index_cast %get3A_1016 : i32 to index
      %get3A_1018 = arith.index_cast %add3A_1003 : i32 to index
      %get3A_1019 = arith.constant 32 : index
      %get3A_1020 = tpu.vector_load %arg5[%get3A_1017, %get3A_1018, %get3A_1019] {strides = array<i32>} : memref<2x64x64xf32, #tpu.memory_space<vmem>>, vector<1x1x16xf32>,
      %get3A_1021 = vector.shape_cast %get3A_1020 : vector<1x1x16xf32> to vector<16xf32>
      %add3A_1022 = arith.addf %add3A_1015, %get3A_1021 : vector<16xf32>
      %get3A_1023 = arith.constant 1 : i32
      %get3A_1024 = arith.index_cast %get3A_1023 : i32 to index
      %get3A_1025 = arith.index_cast %add3A_1003 : i32 to index
      %get3A_1026 = arith.constant 48 : index
      %get3A_1027 = tpu.vector_load %arg5[%get3A_1024, %get3A_1025, %get3A_1026] {strides = array<i32>} : memref<2x64x64xf32, #tpu.memory_space<vmem>>, vector<1x1x16xf32>,
      %get3A_1028 = vector.shape_cast %get3A_1027 : vector<1x1x16xf32> to vector<16xf32>
      %add3A_1029 = arith.addf %add3A_1022, %get3A_1028 : vector<16xf32>
      %get3A_1030 = arith.constant 0 : index
      %get3A_1031 = tpu.vector_load %arg8[%get3A_1030] {strides = array<i32>} : memref<16xf32, #tpu.memory_space<vmem>>, vector<16xf32>,
      %get3A_1032 = vector.shape_cast %get3A_1031 : vector<16xf32> to vector<16xf32>
      %add3A_1033 = arith.addf %get3A_1032, %add3A_1029 : vector<16xf32>
      %swap3A_1034 = arith.constant 0 : index
      %swap3A_1035 = tpu.vector_load %arg8[%swap3A_1034] {strides = array<i32>} : memref<16xf32, #tpu.memory_space<vmem>>, vector<16xf32>,
      %swap3A_1036 = vector.shape_cast %swap3A_1035 : vector<16xf32> to vector<16xf32>
      %swap3A_1037 = vector.shape_cast %add3A_1033 : vector<16xf32> to vector<16xf32>
      tpu.vector_store %arg8[%swap3A_1034], %swap3A_1037 {strides = array<i32>} : memref<16xf32, #tpu.memory_space<vmem>>, vector<16xf32>,
    }
    %scan3A_723 = arith.constant 64 : i32
    %dma_start3A_724 = arith.constant 50 : i32
    %dma_start3A_725 = arith.constant 0 : i32
    %dma_start3A_726 = arith.constant 0 : i32
    %dma_start3A_727 = tpu.memref_slice %arg2[%select_n3A, %select_n3A_32, %dma_start3A_724, %dma_start3A_725, %dma_start3A_726] : memref<4x32x64x64x64xf32, #tpu.memory_space<hbm>> -> memref<1x1x2x64x64xf32, #tpu.memory_space<hbm>>
    %dma_start3A_728 = tpu.memref_squeeze %dma_start3A_727 : memref<1x1x2x64x64xf32, #tpu.memory_space<hbm>> -> memref<2x64x64xf32, #tpu.memory_space<hbm>>
    %dma_start3A_729 = arith.constant 50 : i32
    %dma_start3A_730 = arith.constant 0 : i32
    %dma_start3A_731 = arith.constant 0 : i32
    %dma_start3A_732 = tpu.memref_slice %arg2[%select_n3A, %select_n3A_32, %dma_start3A_729, %dma_start3A_730, %dma_start3A_731] : memref<4x32x64x64x64xf32, #tpu.memory_space<hbm>> -> memref<1x1x2x64x64xf32, #tpu.memory_space<hbm>>
    %dma_start3A_733 = tpu.memref_squeeze %dma_start3A_732 : memref<1x1x2x64x64xf32, #tpu.memory_space<hbm>> -> memref<2x64x64xf32, #tpu.memory_space<hbm>>
    tpu.enqueue_dma source(%dma_start3A_733 : memref<2x64x64xf32, #tpu.memory_space<hbm>>) target(%arg5 : memref<2x64x64xf32, #tpu.memory_space<vmem>>) target_semaphore(%arg11 : memref<!tpu.dma_semaphore, #tpu.memory_space<semaphore_mem>>)
    %dma_wait3A_734 = arith.constant 44 : i32
    %dma_wait3A_735 = arith.constant 0 : i32
    %dma_wait3A_736 = arith.constant 0 : i32
    %dma_wait3A_737 = tpu.memref_slice %arg2[%select_n3A, %select_n3A_32, %dma_wait3A_734, %dma_wait3A_735, %dma_wait3A_736] : memref<4x32x64x64x64xf32, #tpu.memory_space<hbm>> -> memref<1x1x2x64x64xf32, #tpu.memory_space<hbm>>
    %dma_wait3A_738 = tpu.memref_squeeze %dma_wait3A_737 : memref<1x1x2x64x64xf32, #tpu.memory_space<hbm>> -> memref<2x64x64xf32, #tpu.memory_space<hbm>>
    %dma_wait3A_739 = arith.constant 44 : i32
    %dma_wait3A_740 = arith.constant 0 : i32
    %dma_wait3A_741 = arith.constant 0 : i32
    %dma_wait3A_742 = tpu.memref_slice %arg2[%select_n3A, %select_n3A_32, %dma_wait3A_739, %dma_wait3A_740, %dma_wait3A_741] : memref<4x32x64x64x64xf32, #tpu.memory_space<hbm>> -> memref<1x1x2x64x64xf32, #tpu.memory_space<hbm>>
    %dma_wait3A_743 = tpu.memref_squeeze %dma_wait3A_742 : memref<1x1x2x64x64xf32, #tpu.memory_space<hbm>> -> memref<2x64x64xf32, #tpu.memory_space<hbm>>
    tpu.wait_dma2 semaphore(%arg12 : memref<!tpu.dma_semaphore, #tpu.memory_space<semaphore_mem>>) src(%dma_wait3A_743 : memref<2x64x64xf32, #tpu.memory_space<hbm>>) dst(%arg6 : memref<2x64x64xf32, #tpu.memory_space<vmem>>)
    %scan3A_744 = arith.constant 0 : i32
    %scan3A_745 = arith.constant 64 : i32
    %scan3A_746 = arith.addi %scan3A_744, %scan3A_745 : i32
    %scan3A_747 = arith.constant 1 : i32
    scf.for %scan3A_999 = %scan3A_744 to %scan3A_746 step %scan3A_747  : i32 {
      %mul3A_1000 = arith.constant 1 : i32
      %mul3A_1001 = arith.muli %scan3A_999, %mul3A_1000 : i32
      %add3A_1002 = arith.constant 0 : i32
      %add3A_1003 = arith.addi %add3A_1002, %mul3A_1001 : i32
      %get3A = arith.constant 0 : i32
      %get3A_1004 = arith.index_cast %get3A : i32 to index
      %get3A_1005 = arith.index_cast %add3A_1003 : i32 to index
      %get3A_1006 = arith.constant 0 : index
      %get3A_1007 = tpu.vector_load %arg6[%get3A_1004, %get3A_1005, %get3A_1006] {strides = array<i32>} : memref<2x64x64xf32, #tpu.memory_space<vmem>>, vector<1x1x16xf32>,
      %get3A_1008 = vector.shape_cast %get3A_1007 : vector<1x1x16xf32> to vector<16xf32>
      %get3A_1009 = arith.constant 0 : i32
      %get3A_1010 = arith.index_cast %get3A_1009 : i32 to index
      %get3A_1011 = arith.index_cast %add3A_1003 : i32 to index
      %get3A_1012 = arith.constant 16 : index
      %get3A_1013 = tpu.vector_load %arg6[%get3A_1010, %get3A_1011, %get3A_1012] {strides = array<i32>} : memref<2x64x64xf32, #tpu.memory_space<vmem>>, vector<1x1x16xf32>,
      %get3A_1014 = vector.shape_cast %get3A_1013 : vector<1x1x16xf32> to vector<16xf32>
      %add3A_1015 = arith.addf %get3A_1008, %get3A_1014 : vector<16xf32>
      %get3A_1016 = arith.constant 0 : i32
      %get3A_1017 = arith.index_cast %get3A_1016 : i32 to index
      %get3A_1018 = arith.index_cast %add3A_1003 : i32 to index
      %get3A_1019 = arith.constant 32 : index
      %get3A_1020 = tpu.vector_load %arg6[%get3A_1017, %get3A_1018, %get3A_1019] {strides = array<i32>} : memref<2x64x64xf32, #tpu.memory_space<vmem>>, vector<1x1x16xf32>,
      %get3A_1021 = vector.shape_cast %get3A_1020 : vector<1x1x16xf32> to vector<16xf32>
      %add3A_1022 = arith.addf %add3A_1015, %get3A_1021 : vector<16xf32>
      %get3A_1023 = arith.constant 0 : i32
      %get3A_1024 = arith.index_cast %get3A_1023 : i32 to index
      %get3A_1025 = arith.index_cast %add3A_1003 : i32 to index
      %get3A_1026 = arith.constant 48 : index
      %get3A_1027 = tpu.vector_load %arg6[%get3A_1024, %get3A_1025, %get3A_1026] {strides = array<i32>} : memref<2x64x64xf32, #tpu.memory_space<vmem>>, vector<1x1x16xf32>,
      %get3A_1028 = vector.shape_cast %get3A_1027 : vector<1x1x16xf32> to vector<16xf32>
      %add3A_1029 = arith.addf %add3A_1022, %get3A_1028 : vector<16xf32>
      %get3A_1030 = arith.constant 0 : index
      %get3A_1031 = tpu.vector_load %arg8[%get3A_1030] {strides = array<i32>} : memref<16xf32, #tpu.memory_space<vmem>>, vector<16xf32>,
      %get3A_1032 = vector.shape_cast %get3A_1031 : vector<16xf32> to vector<16xf32>
      %add3A_1033 = arith.addf %get3A_1032, %add3A_1029 : vector<16xf32>
      %swap3A_1034 = arith.constant 0 : index
      %swap3A_1035 = tpu.vector_load %arg8[%swap3A_1034] {strides = array<i32>} : memref<16xf32, #tpu.memory_space<vmem>>, vector<16xf32>,
      %swap3A_1036 = vector.shape_cast %swap3A_1035 : vector<16xf32> to vector<16xf32>
      %swap3A_1037 = vector.shape_cast %add3A_1033 : vector<16xf32> to vector<16xf32>
      tpu.vector_store %arg8[%swap3A_1034], %swap3A_1037 {strides = array<i32>} : memref<16xf32, #tpu.memory_space<vmem>>, vector<16xf32>,
    }
    %scan3A_748 = arith.constant 64 : i32
    %scan3A_749 = arith.constant 0 : i32
    %scan3A_750 = arith.constant 64 : i32
    %scan3A_751 = arith.addi %scan3A_749, %scan3A_750 : i32
    %scan3A_752 = arith.constant 1 : i32
    scf.for %scan3A_999 = %scan3A_749 to %scan3A_751 step %scan3A_752  : i32 {
      %mul3A_1000 = arith.constant 1 : i32
      %mul3A_1001 = arith.muli %scan3A_999, %mul3A_1000 : i32
      %add3A_1002 = arith.constant 0 : i32
      %add3A_1003 = arith.addi %add3A_1002, %mul3A_1001 : i32
      %get3A = arith.constant 1 : i32
      %get3A_1004 = arith.index_cast %get3A : i32 to index
      %get3A_1005 = arith.index_cast %add3A_1003 : i32 to index
      %get3A_1006 = arith.constant 0 : index
      %get3A_1007 = tpu.vector_load %arg6[%get3A_1004, %get3A_1005, %get3A_1006] {strides = array<i32>} : memref<2x64x64xf32, #tpu.memory_space<vmem>>, vector<1x1x16xf32>,
      %get3A_1008 = vector.shape_cast %get3A_1007 : vector<1x1x16xf32> to vector<16xf32>
      %get3A_1009 = arith.constant 1 : i32
      %get3A_1010 = arith.index_cast %get3A_1009 : i32 to index
      %get3A_1011 = arith.index_cast %add3A_1003 : i32 to index
      %get3A_1012 = arith.constant 16 : index
      %get3A_1013 = tpu.vector_load %arg6[%get3A_1010, %get3A_1011, %get3A_1012] {strides = array<i32>} : memref<2x64x64xf32, #tpu.memory_space<vmem>>, vector<1x1x16xf32>,
      %get3A_1014 = vector.shape_cast %get3A_1013 : vector<1x1x16xf32> to vector<16xf32>
      %add3A_1015 = arith.addf %get3A_1008, %get3A_1014 : vector<16xf32>
      %get3A_1016 = arith.constant 1 : i32
      %get3A_1017 = arith.index_cast %get3A_1016 : i32 to index
      %get3A_1018 = arith.index_cast %add3A_1003 : i32 to index
      %get3A_1019 = arith.constant 32 : index
      %get3A_1020 = tpu.vector_load %arg6[%get3A_1017, %get3A_1018, %get3A_1019] {strides = array<i32>} : memref<2x64x64xf32, #tpu.memory_space<vmem>>, vector<1x1x16xf32>,
      %get3A_1021 = vector.shape_cast %get3A_1020 : vector<1x1x16xf32> to vector<16xf32>
      %add3A_1022 = arith.addf %add3A_1015, %get3A_1021 : vector<16xf32>
      %get3A_1023 = arith.constant 1 : i32
      %get3A_1024 = arith.index_cast %get3A_1023 : i32 to index
      %get3A_1025 = arith.index_cast %add3A_1003 : i32 to index
      %get3A_1026 = arith.constant 48 : index
      %get3A_1027 = tpu.vector_load %arg6[%get3A_1024, %get3A_1025, %get3A_1026] {strides = array<i32>} : memref<2x64x64xf32, #tpu.memory_space<vmem>>, vector<1x1x16xf32>,
      %get3A_1028 = vector.shape_cast %get3A_1027 : vector<1x1x16xf32> to vector<16xf32>
      %add3A_1029 = arith.addf %add3A_1022, %get3A_1028 : vector<16xf32>
      %get3A_1030 = arith.constant 0 : index
      %get3A_1031 = tpu.vector_load %arg8[%get3A_1030] {strides = array<i32>} : memref<16xf32, #tpu.memory_space<vmem>>, vector<16xf32>,
      %get3A_1032 = vector.shape_cast %get3A_1031 : vector<16xf32> to vector<16xf32>
      %add3A_1033 = arith.addf %get3A_1032, %add3A_1029 : vector<16xf32>
      %swap3A_1034 = arith.constant 0 : index
      %swap3A_1035 = tpu.vector_load %arg8[%swap3A_1034] {strides = array<i32>} : memref<16xf32, #tpu.memory_space<vmem>>, vector<16xf32>,
      %swap3A_1036 = vector.shape_cast %swap3A_1035 : vector<16xf32> to vector<16xf32>
      %swap3A_1037 = vector.shape_cast %add3A_1033 : vector<16xf32> to vector<16xf32>
      tpu.vector_store %arg8[%swap3A_1034], %swap3A_1037 {strides = array<i32>} : memref<16xf32, #tpu.memory_space<vmem>>, vector<16xf32>,
    }
    %scan3A_753 = arith.constant 64 : i32
    %dma_start3A_754 = arith.constant 52 : i32
    %dma_start3A_755 = arith.constant 0 : i32
    %dma_start3A_756 = arith.constant 0 : i32
    %dma_start3A_757 = tpu.memref_slice %arg2[%select_n3A, %select_n3A_32, %dma_start3A_754, %dma_start3A_755, %dma_start3A_756] : memref<4x32x64x64x64xf32, #tpu.memory_space<hbm>> -> memref<1x1x2x64x64xf32, #tpu.memory_space<hbm>>
    %dma_start3A_758 = tpu.memref_squeeze %dma_start3A_757 : memref<1x1x2x64x64xf32, #tpu.memory_space<hbm>> -> memref<2x64x64xf32, #tpu.memory_space<hbm>>
    %dma_start3A_759 = arith.constant 52 : i32
    %dma_start3A_760 = arith.constant 0 : i32
    %dma_start3A_761 = arith.constant 0 : i32
    %dma_start3A_762 = tpu.memref_slice %arg2[%select_n3A, %select_n3A_32, %dma_start3A_759, %dma_start3A_760, %dma_start3A_761] : memref<4x32x64x64x64xf32, #tpu.memory_space<hbm>> -> memref<1x1x2x64x64xf32, #tpu.memory_space<hbm>>
    %dma_start3A_763 = tpu.memref_squeeze %dma_start3A_762 : memref<1x1x2x64x64xf32, #tpu.memory_space<hbm>> -> memref<2x64x64xf32, #tpu.memory_space<hbm>>
    tpu.enqueue_dma source(%dma_start3A_763 : memref<2x64x64xf32, #tpu.memory_space<hbm>>) target(%arg6 : memref<2x64x64xf32, #tpu.memory_space<vmem>>) target_semaphore(%arg12 : memref<!tpu.dma_semaphore, #tpu.memory_space<semaphore_mem>>)
    %dma_wait3A_764 = arith.constant 46 : i32
    %dma_wait3A_765 = arith.constant 0 : i32
    %dma_wait3A_766 = arith.constant 0 : i32
    %dma_wait3A_767 = tpu.memref_slice %arg2[%select_n3A, %select_n3A_32, %dma_wait3A_764, %dma_wait3A_765, %dma_wait3A_766] : memref<4x32x64x64x64xf32, #tpu.memory_space<hbm>> -> memref<1x1x2x64x64xf32, #tpu.memory_space<hbm>>
    %dma_wait3A_768 = tpu.memref_squeeze %dma_wait3A_767 : memref<1x1x2x64x64xf32, #tpu.memory_space<hbm>> -> memref<2x64x64xf32, #tpu.memory_space<hbm>>
    %dma_wait3A_769 = arith.constant 46 : i32
    %dma_wait3A_770 = arith.constant 0 : i32
    %dma_wait3A_771 = arith.constant 0 : i32
    %dma_wait3A_772 = tpu.memref_slice %arg2[%select_n3A, %select_n3A_32, %dma_wait3A_769, %dma_wait3A_770, %dma_wait3A_771] : memref<4x32x64x64x64xf32, #tpu.memory_space<hbm>> -> memref<1x1x2x64x64xf32, #tpu.memory_space<hbm>>
    %dma_wait3A_773 = tpu.memref_squeeze %dma_wait3A_772 : memref<1x1x2x64x64xf32, #tpu.memory_space<hbm>> -> memref<2x64x64xf32, #tpu.memory_space<hbm>>
    tpu.wait_dma2 semaphore(%arg13 : memref<!tpu.dma_semaphore, #tpu.memory_space<semaphore_mem>>) src(%dma_wait3A_773 : memref<2x64x64xf32, #tpu.memory_space<hbm>>) dst(%arg7 : memref<2x64x64xf32, #tpu.memory_space<vmem>>)
    %scan3A_774 = arith.constant 0 : i32
    %scan3A_775 = arith.constant 64 : i32
    %scan3A_776 = arith.addi %scan3A_774, %scan3A_775 : i32
    %scan3A_777 = arith.constant 1 : i32
    scf.for %scan3A_999 = %scan3A_774 to %scan3A_776 step %scan3A_777  : i32 {
      %mul3A_1000 = arith.constant 1 : i32
      %mul3A_1001 = arith.muli %scan3A_999, %mul3A_1000 : i32
      %add3A_1002 = arith.constant 0 : i32
      %add3A_1003 = arith.addi %add3A_1002, %mul3A_1001 : i32
      %get3A = arith.constant 0 : i32
      %get3A_1004 = arith.index_cast %get3A : i32 to index
      %get3A_1005 = arith.index_cast %add3A_1003 : i32 to index
      %get3A_1006 = arith.constant 0 : index
      %get3A_1007 = tpu.vector_load %arg7[%get3A_1004, %get3A_1005, %get3A_1006] {strides = array<i32>} : memref<2x64x64xf32, #tpu.memory_space<vmem>>, vector<1x1x16xf32>,
      %get3A_1008 = vector.shape_cast %get3A_1007 : vector<1x1x16xf32> to vector<16xf32>
      %get3A_1009 = arith.constant 0 : i32
      %get3A_1010 = arith.index_cast %get3A_1009 : i32 to index
      %get3A_1011 = arith.index_cast %add3A_1003 : i32 to index
      %get3A_1012 = arith.constant 16 : index
      %get3A_1013 = tpu.vector_load %arg7[%get3A_1010, %get3A_1011, %get3A_1012] {strides = array<i32>} : memref<2x64x64xf32, #tpu.memory_space<vmem>>, vector<1x1x16xf32>,
      %get3A_1014 = vector.shape_cast %get3A_1013 : vector<1x1x16xf32> to vector<16xf32>
      %add3A_1015 = arith.addf %get3A_1008, %get3A_1014 : vector<16xf32>
      %get3A_1016 = arith.constant 0 : i32
      %get3A_1017 = arith.index_cast %get3A_1016 : i32 to index
      %get3A_1018 = arith.index_cast %add3A_1003 : i32 to index
      %get3A_1019 = arith.constant 32 : index
      %get3A_1020 = tpu.vector_load %arg7[%get3A_1017, %get3A_1018, %get3A_1019] {strides = array<i32>} : memref<2x64x64xf32, #tpu.memory_space<vmem>>, vector<1x1x16xf32>,
      %get3A_1021 = vector.shape_cast %get3A_1020 : vector<1x1x16xf32> to vector<16xf32>
      %add3A_1022 = arith.addf %add3A_1015, %get3A_1021 : vector<16xf32>
      %get3A_1023 = arith.constant 0 : i32
      %get3A_1024 = arith.index_cast %get3A_1023 : i32 to index
      %get3A_1025 = arith.index_cast %add3A_1003 : i32 to index
      %get3A_1026 = arith.constant 48 : index
      %get3A_1027 = tpu.vector_load %arg7[%get3A_1024, %get3A_1025, %get3A_1026] {strides = array<i32>} : memref<2x64x64xf32, #tpu.memory_space<vmem>>, vector<1x1x16xf32>,
      %get3A_1028 = vector.shape_cast %get3A_1027 : vector<1x1x16xf32> to vector<16xf32>
      %add3A_1029 = arith.addf %add3A_1022, %get3A_1028 : vector<16xf32>
      %get3A_1030 = arith.constant 0 : index
      %get3A_1031 = tpu.vector_load %arg8[%get3A_1030] {strides = array<i32>} : memref<16xf32, #tpu.memory_space<vmem>>, vector<16xf32>,
      %get3A_1032 = vector.shape_cast %get3A_1031 : vector<16xf32> to vector<16xf32>
      %add3A_1033 = arith.addf %get3A_1032, %add3A_1029 : vector<16xf32>
      %swap3A_1034 = arith.constant 0 : index
      %swap3A_1035 = tpu.vector_load %arg8[%swap3A_1034] {strides = array<i32>} : memref<16xf32, #tpu.memory_space<vmem>>, vector<16xf32>,
      %swap3A_1036 = vector.shape_cast %swap3A_1035 : vector<16xf32> to vector<16xf32>
      %swap3A_1037 = vector.shape_cast %add3A_1033 : vector<16xf32> to vector<16xf32>
      tpu.vector_store %arg8[%swap3A_1034], %swap3A_1037 {strides = array<i32>} : memref<16xf32, #tpu.memory_space<vmem>>, vector<16xf32>,
    }
    %scan3A_778 = arith.constant 64 : i32
    %scan3A_779 = arith.constant 0 : i32
    %scan3A_780 = arith.constant 64 : i32
    %scan3A_781 = arith.addi %scan3A_779, %scan3A_780 : i32
    %scan3A_782 = arith.constant 1 : i32
    scf.for %scan3A_999 = %scan3A_779 to %scan3A_781 step %scan3A_782  : i32 {
      %mul3A_1000 = arith.constant 1 : i32
      %mul3A_1001 = arith.muli %scan3A_999, %mul3A_1000 : i32
      %add3A_1002 = arith.constant 0 : i32
      %add3A_1003 = arith.addi %add3A_1002, %mul3A_1001 : i32
      %get3A = arith.constant 1 : i32
      %get3A_1004 = arith.index_cast %get3A : i32 to index
      %get3A_1005 = arith.index_cast %add3A_1003 : i32 to index
      %get3A_1006 = arith.constant 0 : index
      %get3A_1007 = tpu.vector_load %arg7[%get3A_1004, %get3A_1005, %get3A_1006] {strides = array<i32>} : memref<2x64x64xf32, #tpu.memory_space<vmem>>, vector<1x1x16xf32>,
      %get3A_1008 = vector.shape_cast %get3A_1007 : vector<1x1x16xf32> to vector<16xf32>
      %get3A_1009 = arith.constant 1 : i32
      %get3A_1010 = arith.index_cast %get3A_1009 : i32 to index
      %get3A_1011 = arith.index_cast %add3A_1003 : i32 to index
      %get3A_1012 = arith.constant 16 : index
      %get3A_1013 = tpu.vector_load %arg7[%get3A_1010, %get3A_1011, %get3A_1012] {strides = array<i32>} : memref<2x64x64xf32, #tpu.memory_space<vmem>>, vector<1x1x16xf32>,
      %get3A_1014 = vector.shape_cast %get3A_1013 : vector<1x1x16xf32> to vector<16xf32>
      %add3A_1015 = arith.addf %get3A_1008, %get3A_1014 : vector<16xf32>
      %get3A_1016 = arith.constant 1 : i32
      %get3A_1017 = arith.index_cast %get3A_1016 : i32 to index
      %get3A_1018 = arith.index_cast %add3A_1003 : i32 to index
      %get3A_1019 = arith.constant 32 : index
      %get3A_1020 = tpu.vector_load %arg7[%get3A_1017, %get3A_1018, %get3A_1019] {strides = array<i32>} : memref<2x64x64xf32, #tpu.memory_space<vmem>>, vector<1x1x16xf32>,
      %get3A_1021 = vector.shape_cast %get3A_1020 : vector<1x1x16xf32> to vector<16xf32>
      %add3A_1022 = arith.addf %add3A_1015, %get3A_1021 : vector<16xf32>
      %get3A_1023 = arith.constant 1 : i32
      %get3A_1024 = arith.index_cast %get3A_1023 : i32 to index
      %get3A_1025 = arith.index_cast %add3A_1003 : i32 to index
      %get3A_1026 = arith.constant 48 : index
      %get3A_1027 = tpu.vector_load %arg7[%get3A_1024, %get3A_1025, %get3A_1026] {strides = array<i32>} : memref<2x64x64xf32, #tpu.memory_space<vmem>>, vector<1x1x16xf32>,
      %get3A_1028 = vector.shape_cast %get3A_1027 : vector<1x1x16xf32> to vector<16xf32>
      %add3A_1029 = arith.addf %add3A_1022, %get3A_1028 : vector<16xf32>
      %get3A_1030 = arith.constant 0 : index
      %get3A_1031 = tpu.vector_load %arg8[%get3A_1030] {strides = array<i32>} : memref<16xf32, #tpu.memory_space<vmem>>, vector<16xf32>,
      %get3A_1032 = vector.shape_cast %get3A_1031 : vector<16xf32> to vector<16xf32>
      %add3A_1033 = arith.addf %get3A_1032, %add3A_1029 : vector<16xf32>
      %swap3A_1034 = arith.constant 0 : index
      %swap3A_1035 = tpu.vector_load %arg8[%swap3A_1034] {strides = array<i32>} : memref<16xf32, #tpu.memory_space<vmem>>, vector<16xf32>,
      %swap3A_1036 = vector.shape_cast %swap3A_1035 : vector<16xf32> to vector<16xf32>
      %swap3A_1037 = vector.shape_cast %add3A_1033 : vector<16xf32> to vector<16xf32>
      tpu.vector_store %arg8[%swap3A_1034], %swap3A_1037 {strides = array<i32>} : memref<16xf32, #tpu.memory_space<vmem>>, vector<16xf32>,
    }
    %scan3A_783 = arith.constant 64 : i32
    %dma_start3A_784 = arith.constant 54 : i32
    %dma_start3A_785 = arith.constant 0 : i32
    %dma_start3A_786 = arith.constant 0 : i32
    %dma_start3A_787 = tpu.memref_slice %arg2[%select_n3A, %select_n3A_32, %dma_start3A_784, %dma_start3A_785, %dma_start3A_786] : memref<4x32x64x64x64xf32, #tpu.memory_space<hbm>> -> memref<1x1x2x64x64xf32, #tpu.memory_space<hbm>>
    %dma_start3A_788 = tpu.memref_squeeze %dma_start3A_787 : memref<1x1x2x64x64xf32, #tpu.memory_space<hbm>> -> memref<2x64x64xf32, #tpu.memory_space<hbm>>
    %dma_start3A_789 = arith.constant 54 : i32
    %dma_start3A_790 = arith.constant 0 : i32
    %dma_start3A_791 = arith.constant 0 : i32
    %dma_start3A_792 = tpu.memref_slice %arg2[%select_n3A, %select_n3A_32, %dma_start3A_789, %dma_start3A_790, %dma_start3A_791] : memref<4x32x64x64x64xf32, #tpu.memory_space<hbm>> -> memref<1x1x2x64x64xf32, #tpu.memory_space<hbm>>
    %dma_start3A_793 = tpu.memref_squeeze %dma_start3A_792 : memref<1x1x2x64x64xf32, #tpu.memory_space<hbm>> -> memref<2x64x64xf32, #tpu.memory_space<hbm>>
    tpu.enqueue_dma source(%dma_start3A_793 : memref<2x64x64xf32, #tpu.memory_space<hbm>>) target(%arg7 : memref<2x64x64xf32, #tpu.memory_space<vmem>>) target_semaphore(%arg13 : memref<!tpu.dma_semaphore, #tpu.memory_space<semaphore_mem>>)
    %dma_wait3A_794 = arith.constant 48 : i32
    %dma_wait3A_795 = arith.constant 0 : i32
    %dma_wait3A_796 = arith.constant 0 : i32
    %dma_wait3A_797 = tpu.memref_slice %arg2[%select_n3A, %select_n3A_32, %dma_wait3A_794, %dma_wait3A_795, %dma_wait3A_796] : memref<4x32x64x64x64xf32, #tpu.memory_space<hbm>> -> memref<1x1x2x64x64xf32, #tpu.memory_space<hbm>>
    %dma_wait3A_798 = tpu.memref_squeeze %dma_wait3A_797 : memref<1x1x2x64x64xf32, #tpu.memory_space<hbm>> -> memref<2x64x64xf32, #tpu.memory_space<hbm>>
    %dma_wait3A_799 = arith.constant 48 : i32
    %dma_wait3A_800 = arith.constant 0 : i32
    %dma_wait3A_801 = arith.constant 0 : i32
    %dma_wait3A_802 = tpu.memref_slice %arg2[%select_n3A, %select_n3A_32, %dma_wait3A_799, %dma_wait3A_800, %dma_wait3A_801] : memref<4x32x64x64x64xf32, #tpu.memory_space<hbm>> -> memref<1x1x2x64x64xf32, #tpu.memory_space<hbm>>
    %dma_wait3A_803 = tpu.memref_squeeze %dma_wait3A_802 : memref<1x1x2x64x64xf32, #tpu.memory_space<hbm>> -> memref<2x64x64xf32, #tpu.memory_space<hbm>>
    tpu.wait_dma2 semaphore(%arg10 : memref<!tpu.dma_semaphore, #tpu.memory_space<semaphore_mem>>) src(%dma_wait3A_803 : memref<2x64x64xf32, #tpu.memory_space<hbm>>) dst(%arg4 : memref<2x64x64xf32, #tpu.memory_space<vmem>>)
    %scan3A_804 = arith.constant 0 : i32
    %scan3A_805 = arith.constant 64 : i32
    %scan3A_806 = arith.addi %scan3A_804, %scan3A_805 : i32
    %scan3A_807 = arith.constant 1 : i32
    scf.for %scan3A_999 = %scan3A_804 to %scan3A_806 step %scan3A_807  : i32 {
      %mul3A_1000 = arith.constant 1 : i32
      %mul3A_1001 = arith.muli %scan3A_999, %mul3A_1000 : i32
      %add3A_1002 = arith.constant 0 : i32
      %add3A_1003 = arith.addi %add3A_1002, %mul3A_1001 : i32
      %get3A = arith.constant 0 : i32
      %get3A_1004 = arith.index_cast %get3A : i32 to index
      %get3A_1005 = arith.index_cast %add3A_1003 : i32 to index
      %get3A_1006 = arith.constant 0 : index
      %get3A_1007 = tpu.vector_load %arg4[%get3A_1004, %get3A_1005, %get3A_1006] {strides = array<i32>} : memref<2x64x64xf32, #tpu.memory_space<vmem>>, vector<1x1x16xf32>,
      %get3A_1008 = vector.shape_cast %get3A_1007 : vector<1x1x16xf32> to vector<16xf32>
      %get3A_1009 = arith.constant 0 : i32
      %get3A_1010 = arith.index_cast %get3A_1009 : i32 to index
      %get3A_1011 = arith.index_cast %add3A_1003 : i32 to index
      %get3A_1012 = arith.constant 16 : index
      %get3A_1013 = tpu.vector_load %arg4[%get3A_1010, %get3A_1011, %get3A_1012] {strides = array<i32>} : memref<2x64x64xf32, #tpu.memory_space<vmem>>, vector<1x1x16xf32>,
      %get3A_1014 = vector.shape_cast %get3A_1013 : vector<1x1x16xf32> to vector<16xf32>
      %add3A_1015 = arith.addf %get3A_1008, %get3A_1014 : vector<16xf32>
      %get3A_1016 = arith.constant 0 : i32
      %get3A_1017 = arith.index_cast %get3A_1016 : i32 to index
      %get3A_1018 = arith.index_cast %add3A_1003 : i32 to index
      %get3A_1019 = arith.constant 32 : index
      %get3A_1020 = tpu.vector_load %arg4[%get3A_1017, %get3A_1018, %get3A_1019] {strides = array<i32>} : memref<2x64x64xf32, #tpu.memory_space<vmem>>, vector<1x1x16xf32>,
      %get3A_1021 = vector.shape_cast %get3A_1020 : vector<1x1x16xf32> to vector<16xf32>
      %add3A_1022 = arith.addf %add3A_1015, %get3A_1021 : vector<16xf32>
      %get3A_1023 = arith.constant 0 : i32
      %get3A_1024 = arith.index_cast %get3A_1023 : i32 to index
      %get3A_1025 = arith.index_cast %add3A_1003 : i32 to index
      %get3A_1026 = arith.constant 48 : index
      %get3A_1027 = tpu.vector_load %arg4[%get3A_1024, %get3A_1025, %get3A_1026] {strides = array<i32>} : memref<2x64x64xf32, #tpu.memory_space<vmem>>, vector<1x1x16xf32>,
      %get3A_1028 = vector.shape_cast %get3A_1027 : vector<1x1x16xf32> to vector<16xf32>
      %add3A_1029 = arith.addf %add3A_1022, %get3A_1028 : vector<16xf32>
      %get3A_1030 = arith.constant 0 : index
      %get3A_1031 = tpu.vector_load %arg8[%get3A_1030] {strides = array<i32>} : memref<16xf32, #tpu.memory_space<vmem>>, vector<16xf32>,
      %get3A_1032 = vector.shape_cast %get3A_1031 : vector<16xf32> to vector<16xf32>
      %add3A_1033 = arith.addf %get3A_1032, %add3A_1029 : vector<16xf32>
      %swap3A_1034 = arith.constant 0 : index
      %swap3A_1035 = tpu.vector_load %arg8[%swap3A_1034] {strides = array<i32>} : memref<16xf32, #tpu.memory_space<vmem>>, vector<16xf32>,
      %swap3A_1036 = vector.shape_cast %swap3A_1035 : vector<16xf32> to vector<16xf32>
      %swap3A_1037 = vector.shape_cast %add3A_1033 : vector<16xf32> to vector<16xf32>
      tpu.vector_store %arg8[%swap3A_1034], %swap3A_1037 {strides = array<i32>} : memref<16xf32, #tpu.memory_space<vmem>>, vector<16xf32>,
    }
    %scan3A_808 = arith.constant 64 : i32
    %scan3A_809 = arith.constant 0 : i32
    %scan3A_810 = arith.constant 64 : i32
    %scan3A_811 = arith.addi %scan3A_809, %scan3A_810 : i32
    %scan3A_812 = arith.constant 1 : i32
    scf.for %scan3A_999 = %scan3A_809 to %scan3A_811 step %scan3A_812  : i32 {
      %mul3A_1000 = arith.constant 1 : i32
      %mul3A_1001 = arith.muli %scan3A_999, %mul3A_1000 : i32
      %add3A_1002 = arith.constant 0 : i32
      %add3A_1003 = arith.addi %add3A_1002, %mul3A_1001 : i32
      %get3A = arith.constant 1 : i32
      %get3A_1004 = arith.index_cast %get3A : i32 to index
      %get3A_1005 = arith.index_cast %add3A_1003 : i32 to index
      %get3A_1006 = arith.constant 0 : index
      %get3A_1007 = tpu.vector_load %arg4[%get3A_1004, %get3A_1005, %get3A_1006] {strides = array<i32>} : memref<2x64x64xf32, #tpu.memory_space<vmem>>, vector<1x1x16xf32>,
      %get3A_1008 = vector.shape_cast %get3A_1007 : vector<1x1x16xf32> to vector<16xf32>
      %get3A_1009 = arith.constant 1 : i32
      %get3A_1010 = arith.index_cast %get3A_1009 : i32 to index
      %get3A_1011 = arith.index_cast %add3A_1003 : i32 to index
      %get3A_1012 = arith.constant 16 : index
      %get3A_1013 = tpu.vector_load %arg4[%get3A_1010, %get3A_1011, %get3A_1012] {strides = array<i32>} : memref<2x64x64xf32, #tpu.memory_space<vmem>>, vector<1x1x16xf32>,
      %get3A_1014 = vector.shape_cast %get3A_1013 : vector<1x1x16xf32> to vector<16xf32>
      %add3A_1015 = arith.addf %get3A_1008, %get3A_1014 : vector<16xf32>
      %get3A_1016 = arith.constant 1 : i32
      %get3A_1017 = arith.index_cast %get3A_1016 : i32 to index
      %get3A_1018 = arith.index_cast %add3A_1003 : i32 to index
      %get3A_1019 = arith.constant 32 : index
      %get3A_1020 = tpu.vector_load %arg4[%get3A_1017, %get3A_1018, %get3A_1019] {strides = array<i32>} : memref<2x64x64xf32, #tpu.memory_space<vmem>>, vector<1x1x16xf32>,
      %get3A_1021 = vector.shape_cast %get3A_1020 : vector<1x1x16xf32> to vector<16xf32>
      %add3A_1022 = arith.addf %add3A_1015, %get3A_1021 : vector<16xf32>
      %get3A_1023 = arith.constant 1 : i32
      %get3A_1024 = arith.index_cast %get3A_1023 : i32 to index
      %get3A_1025 = arith.index_cast %add3A_1003 : i32 to index
      %get3A_1026 = arith.constant 48 : index
      %get3A_1027 = tpu.vector_load %arg4[%get3A_1024, %get3A_1025, %get3A_1026] {strides = array<i32>} : memref<2x64x64xf32, #tpu.memory_space<vmem>>, vector<1x1x16xf32>,
      %get3A_1028 = vector.shape_cast %get3A_1027 : vector<1x1x16xf32> to vector<16xf32>
      %add3A_1029 = arith.addf %add3A_1022, %get3A_1028 : vector<16xf32>
      %get3A_1030 = arith.constant 0 : index
      %get3A_1031 = tpu.vector_load %arg8[%get3A_1030] {strides = array<i32>} : memref<16xf32, #tpu.memory_space<vmem>>, vector<16xf32>,
      %get3A_1032 = vector.shape_cast %get3A_1031 : vector<16xf32> to vector<16xf32>
      %add3A_1033 = arith.addf %get3A_1032, %add3A_1029 : vector<16xf32>
      %swap3A_1034 = arith.constant 0 : index
      %swap3A_1035 = tpu.vector_load %arg8[%swap3A_1034] {strides = array<i32>} : memref<16xf32, #tpu.memory_space<vmem>>, vector<16xf32>,
      %swap3A_1036 = vector.shape_cast %swap3A_1035 : vector<16xf32> to vector<16xf32>
      %swap3A_1037 = vector.shape_cast %add3A_1033 : vector<16xf32> to vector<16xf32>
      tpu.vector_store %arg8[%swap3A_1034], %swap3A_1037 {strides = array<i32>} : memref<16xf32, #tpu.memory_space<vmem>>, vector<16xf32>,
    }
    %scan3A_813 = arith.constant 64 : i32
    %dma_start3A_814 = arith.constant 56 : i32
    %dma_start3A_815 = arith.constant 0 : i32
    %dma_start3A_816 = arith.constant 0 : i32
    %dma_start3A_817 = tpu.memref_slice %arg2[%select_n3A, %select_n3A_32, %dma_start3A_814, %dma_start3A_815, %dma_start3A_816] : memref<4x32x64x64x64xf32, #tpu.memory_space<hbm>> -> memref<1x1x2x64x64xf32, #tpu.memory_space<hbm>>
    %dma_start3A_818 = tpu.memref_squeeze %dma_start3A_817 : memref<1x1x2x64x64xf32, #tpu.memory_space<hbm>> -> memref<2x64x64xf32, #tpu.memory_space<hbm>>
    %dma_start3A_819 = arith.constant 56 : i32
    %dma_start3A_820 = arith.constant 0 : i32
    %dma_start3A_821 = arith.constant 0 : i32
    %dma_start3A_822 = tpu.memref_slice %arg2[%select_n3A, %select_n3A_32, %dma_start3A_819, %dma_start3A_820, %dma_start3A_821] : memref<4x32x64x64x64xf32, #tpu.memory_space<hbm>> -> memref<1x1x2x64x64xf32, #tpu.memory_space<hbm>>
    %dma_start3A_823 = tpu.memref_squeeze %dma_start3A_822 : memref<1x1x2x64x64xf32, #tpu.memory_space<hbm>> -> memref<2x64x64xf32, #tpu.memory_space<hbm>>
    tpu.enqueue_dma source(%dma_start3A_823 : memref<2x64x64xf32, #tpu.memory_space<hbm>>) target(%arg4 : memref<2x64x64xf32, #tpu.memory_space<vmem>>) target_semaphore(%arg10 : memref<!tpu.dma_semaphore, #tpu.memory_space<semaphore_mem>>)
    %dma_wait3A_824 = arith.constant 50 : i32
    %dma_wait3A_825 = arith.constant 0 : i32
    %dma_wait3A_826 = arith.constant 0 : i32
    %dma_wait3A_827 = tpu.memref_slice %arg2[%select_n3A, %select_n3A_32, %dma_wait3A_824, %dma_wait3A_825, %dma_wait3A_826] : memref<4x32x64x64x64xf32, #tpu.memory_space<hbm>> -> memref<1x1x2x64x64xf32, #tpu.memory_space<hbm>>
    %dma_wait3A_828 = tpu.memref_squeeze %dma_wait3A_827 : memref<1x1x2x64x64xf32, #tpu.memory_space<hbm>> -> memref<2x64x64xf32, #tpu.memory_space<hbm>>
    %dma_wait3A_829 = arith.constant 50 : i32
    %dma_wait3A_830 = arith.constant 0 : i32
    %dma_wait3A_831 = arith.constant 0 : i32
    %dma_wait3A_832 = tpu.memref_slice %arg2[%select_n3A, %select_n3A_32, %dma_wait3A_829, %dma_wait3A_830, %dma_wait3A_831] : memref<4x32x64x64x64xf32, #tpu.memory_space<hbm>> -> memref<1x1x2x64x64xf32, #tpu.memory_space<hbm>>
    %dma_wait3A_833 = tpu.memref_squeeze %dma_wait3A_832 : memref<1x1x2x64x64xf32, #tpu.memory_space<hbm>> -> memref<2x64x64xf32, #tpu.memory_space<hbm>>
    tpu.wait_dma2 semaphore(%arg11 : memref<!tpu.dma_semaphore, #tpu.memory_space<semaphore_mem>>) src(%dma_wait3A_833 : memref<2x64x64xf32, #tpu.memory_space<hbm>>) dst(%arg5 : memref<2x64x64xf32, #tpu.memory_space<vmem>>)
    %scan3A_834 = arith.constant 0 : i32
    %scan3A_835 = arith.constant 64 : i32
    %scan3A_836 = arith.addi %scan3A_834, %scan3A_835 : i32
    %scan3A_837 = arith.constant 1 : i32
    scf.for %scan3A_999 = %scan3A_834 to %scan3A_836 step %scan3A_837  : i32 {
      %mul3A_1000 = arith.constant 1 : i32
      %mul3A_1001 = arith.muli %scan3A_999, %mul3A_1000 : i32
      %add3A_1002 = arith.constant 0 : i32
      %add3A_1003 = arith.addi %add3A_1002, %mul3A_1001 : i32
      %get3A = arith.constant 0 : i32
      %get3A_1004 = arith.index_cast %get3A : i32 to index
      %get3A_1005 = arith.index_cast %add3A_1003 : i32 to index
      %get3A_1006 = arith.constant 0 : index
      %get3A_1007 = tpu.vector_load %arg5[%get3A_1004, %get3A_1005, %get3A_1006] {strides = array<i32>} : memref<2x64x64xf32, #tpu.memory_space<vmem>>, vector<1x1x16xf32>,
      %get3A_1008 = vector.shape_cast %get3A_1007 : vector<1x1x16xf32> to vector<16xf32>
      %get3A_1009 = arith.constant 0 : i32
      %get3A_1010 = arith.index_cast %get3A_1009 : i32 to index
      %get3A_1011 = arith.index_cast %add3A_1003 : i32 to index
      %get3A_1012 = arith.constant 16 : index
      %get3A_1013 = tpu.vector_load %arg5[%get3A_1010, %get3A_1011, %get3A_1012] {strides = array<i32>} : memref<2x64x64xf32, #tpu.memory_space<vmem>>, vector<1x1x16xf32>,
      %get3A_1014 = vector.shape_cast %get3A_1013 : vector<1x1x16xf32> to vector<16xf32>
      %add3A_1015 = arith.addf %get3A_1008, %get3A_1014 : vector<16xf32>
      %get3A_1016 = arith.constant 0 : i32
      %get3A_1017 = arith.index_cast %get3A_1016 : i32 to index
      %get3A_1018 = arith.index_cast %add3A_1003 : i32 to index
      %get3A_1019 = arith.constant 32 : index
      %get3A_1020 = tpu.vector_load %arg5[%get3A_1017, %get3A_1018, %get3A_1019] {strides = array<i32>} : memref<2x64x64xf32, #tpu.memory_space<vmem>>, vector<1x1x16xf32>,
      %get3A_1021 = vector.shape_cast %get3A_1020 : vector<1x1x16xf32> to vector<16xf32>
      %add3A_1022 = arith.addf %add3A_1015, %get3A_1021 : vector<16xf32>
      %get3A_1023 = arith.constant 0 : i32
      %get3A_1024 = arith.index_cast %get3A_1023 : i32 to index
      %get3A_1025 = arith.index_cast %add3A_1003 : i32 to index
      %get3A_1026 = arith.constant 48 : index
      %get3A_1027 = tpu.vector_load %arg5[%get3A_1024, %get3A_1025, %get3A_1026] {strides = array<i32>} : memref<2x64x64xf32, #tpu.memory_space<vmem>>, vector<1x1x16xf32>,
      %get3A_1028 = vector.shape_cast %get3A_1027 : vector<1x1x16xf32> to vector<16xf32>
      %add3A_1029 = arith.addf %add3A_1022, %get3A_1028 : vector<16xf32>
      %get3A_1030 = arith.constant 0 : index
      %get3A_1031 = tpu.vector_load %arg8[%get3A_1030] {strides = array<i32>} : memref<16xf32, #tpu.memory_space<vmem>>, vector<16xf32>,
      %get3A_1032 = vector.shape_cast %get3A_1031 : vector<16xf32> to vector<16xf32>
      %add3A_1033 = arith.addf %get3A_1032, %add3A_1029 : vector<16xf32>
      %swap3A_1034 = arith.constant 0 : index
      %swap3A_1035 = tpu.vector_load %arg8[%swap3A_1034] {strides = array<i32>} : memref<16xf32, #tpu.memory_space<vmem>>, vector<16xf32>,
      %swap3A_1036 = vector.shape_cast %swap3A_1035 : vector<16xf32> to vector<16xf32>
      %swap3A_1037 = vector.shape_cast %add3A_1033 : vector<16xf32> to vector<16xf32>
      tpu.vector_store %arg8[%swap3A_1034], %swap3A_1037 {strides = array<i32>} : memref<16xf32, #tpu.memory_space<vmem>>, vector<16xf32>,
    }
    %scan3A_838 = arith.constant 64 : i32
    %scan3A_839 = arith.constant 0 : i32
    %scan3A_840 = arith.constant 64 : i32
    %scan3A_841 = arith.addi %scan3A_839, %scan3A_840 : i32
    %scan3A_842 = arith.constant 1 : i32
    scf.for %scan3A_999 = %scan3A_839 to %scan3A_841 step %scan3A_842  : i32 {
      %mul3A_1000 = arith.constant 1 : i32
      %mul3A_1001 = arith.muli %scan3A_999, %mul3A_1000 : i32
      %add3A_1002 = arith.constant 0 : i32
      %add3A_1003 = arith.addi %add3A_1002, %mul3A_1001 : i32
      %get3A = arith.constant 1 : i32
      %get3A_1004 = arith.index_cast %get3A : i32 to index
      %get3A_1005 = arith.index_cast %add3A_1003 : i32 to index
      %get3A_1006 = arith.constant 0 : index
      %get3A_1007 = tpu.vector_load %arg5[%get3A_1004, %get3A_1005, %get3A_1006] {strides = array<i32>} : memref<2x64x64xf32, #tpu.memory_space<vmem>>, vector<1x1x16xf32>,
      %get3A_1008 = vector.shape_cast %get3A_1007 : vector<1x1x16xf32> to vector<16xf32>
      %get3A_1009 = arith.constant 1 : i32
      %get3A_1010 = arith.index_cast %get3A_1009 : i32 to index
      %get3A_1011 = arith.index_cast %add3A_1003 : i32 to index
      %get3A_1012 = arith.constant 16 : index
      %get3A_1013 = tpu.vector_load %arg5[%get3A_1010, %get3A_1011, %get3A_1012] {strides = array<i32>} : memref<2x64x64xf32, #tpu.memory_space<vmem>>, vector<1x1x16xf32>,
      %get3A_1014 = vector.shape_cast %get3A_1013 : vector<1x1x16xf32> to vector<16xf32>
      %add3A_1015 = arith.addf %get3A_1008, %get3A_1014 : vector<16xf32>
      %get3A_1016 = arith.constant 1 : i32
      %get3A_1017 = arith.index_cast %get3A_1016 : i32 to index
      %get3A_1018 = arith.index_cast %add3A_1003 : i32 to index
      %get3A_1019 = arith.constant 32 : index
      %get3A_1020 = tpu.vector_load %arg5[%get3A_1017, %get3A_1018, %get3A_1019] {strides = array<i32>} : memref<2x64x64xf32, #tpu.memory_space<vmem>>, vector<1x1x16xf32>,
      %get3A_1021 = vector.shape_cast %get3A_1020 : vector<1x1x16xf32> to vector<16xf32>
      %add3A_1022 = arith.addf %add3A_1015, %get3A_1021 : vector<16xf32>
      %get3A_1023 = arith.constant 1 : i32
      %get3A_1024 = arith.index_cast %get3A_1023 : i32 to index
      %get3A_1025 = arith.index_cast %add3A_1003 : i32 to index
      %get3A_1026 = arith.constant 48 : index
      %get3A_1027 = tpu.vector_load %arg5[%get3A_1024, %get3A_1025, %get3A_1026] {strides = array<i32>} : memref<2x64x64xf32, #tpu.memory_space<vmem>>, vector<1x1x16xf32>,
      %get3A_1028 = vector.shape_cast %get3A_1027 : vector<1x1x16xf32> to vector<16xf32>
      %add3A_1029 = arith.addf %add3A_1022, %get3A_1028 : vector<16xf32>
      %get3A_1030 = arith.constant 0 : index
      %get3A_1031 = tpu.vector_load %arg8[%get3A_1030] {strides = array<i32>} : memref<16xf32, #tpu.memory_space<vmem>>, vector<16xf32>,
      %get3A_1032 = vector.shape_cast %get3A_1031 : vector<16xf32> to vector<16xf32>
      %add3A_1033 = arith.addf %get3A_1032, %add3A_1029 : vector<16xf32>
      %swap3A_1034 = arith.constant 0 : index
      %swap3A_1035 = tpu.vector_load %arg8[%swap3A_1034] {strides = array<i32>} : memref<16xf32, #tpu.memory_space<vmem>>, vector<16xf32>,
      %swap3A_1036 = vector.shape_cast %swap3A_1035 : vector<16xf32> to vector<16xf32>
      %swap3A_1037 = vector.shape_cast %add3A_1033 : vector<16xf32> to vector<16xf32>
      tpu.vector_store %arg8[%swap3A_1034], %swap3A_1037 {strides = array<i32>} : memref<16xf32, #tpu.memory_space<vmem>>, vector<16xf32>,
    }
    %scan3A_843 = arith.constant 64 : i32
    %dma_start3A_844 = arith.constant 58 : i32
    %dma_start3A_845 = arith.constant 0 : i32
    %dma_start3A_846 = arith.constant 0 : i32
    %dma_start3A_847 = tpu.memref_slice %arg2[%select_n3A, %select_n3A_32, %dma_start3A_844, %dma_start3A_845, %dma_start3A_846] : memref<4x32x64x64x64xf32, #tpu.memory_space<hbm>> -> memref<1x1x2x64x64xf32, #tpu.memory_space<hbm>>
    %dma_start3A_848 = tpu.memref_squeeze %dma_start3A_847 : memref<1x1x2x64x64xf32, #tpu.memory_space<hbm>> -> memref<2x64x64xf32, #tpu.memory_space<hbm>>
    %dma_start3A_849 = arith.constant 58 : i32
    %dma_start3A_850 = arith.constant 0 : i32
    %dma_start3A_851 = arith.constant 0 : i32
    %dma_start3A_852 = tpu.memref_slice %arg2[%select_n3A, %select_n3A_32, %dma_start3A_849, %dma_start3A_850, %dma_start3A_851] : memref<4x32x64x64x64xf32, #tpu.memory_space<hbm>> -> memref<1x1x2x64x64xf32, #tpu.memory_space<hbm>>
    %dma_start3A_853 = tpu.memref_squeeze %dma_start3A_852 : memref<1x1x2x64x64xf32, #tpu.memory_space<hbm>> -> memref<2x64x64xf32, #tpu.memory_space<hbm>>
    tpu.enqueue_dma source(%dma_start3A_853 : memref<2x64x64xf32, #tpu.memory_space<hbm>>) target(%arg5 : memref<2x64x64xf32, #tpu.memory_space<vmem>>) target_semaphore(%arg11 : memref<!tpu.dma_semaphore, #tpu.memory_space<semaphore_mem>>)
    %dma_wait3A_854 = arith.constant 52 : i32
    %dma_wait3A_855 = arith.constant 0 : i32
    %dma_wait3A_856 = arith.constant 0 : i32
    %dma_wait3A_857 = tpu.memref_slice %arg2[%select_n3A, %select_n3A_32, %dma_wait3A_854, %dma_wait3A_855, %dma_wait3A_856] : memref<4x32x64x64x64xf32, #tpu.memory_space<hbm>> -> memref<1x1x2x64x64xf32, #tpu.memory_space<hbm>>
    %dma_wait3A_858 = tpu.memref_squeeze %dma_wait3A_857 : memref<1x1x2x64x64xf32, #tpu.memory_space<hbm>> -> memref<2x64x64xf32, #tpu.memory_space<hbm>>
    %dma_wait3A_859 = arith.constant 52 : i32
    %dma_wait3A_860 = arith.constant 0 : i32
    %dma_wait3A_861 = arith.constant 0 : i32
    %dma_wait3A_862 = tpu.memref_slice %arg2[%select_n3A, %select_n3A_32, %dma_wait3A_859, %dma_wait3A_860, %dma_wait3A_861] : memref<4x32x64x64x64xf32, #tpu.memory_space<hbm>> -> memref<1x1x2x64x64xf32, #tpu.memory_space<hbm>>
    %dma_wait3A_863 = tpu.memref_squeeze %dma_wait3A_862 : memref<1x1x2x64x64xf32, #tpu.memory_space<hbm>> -> memref<2x64x64xf32, #tpu.memory_space<hbm>>
    tpu.wait_dma2 semaphore(%arg12 : memref<!tpu.dma_semaphore, #tpu.memory_space<semaphore_mem>>) src(%dma_wait3A_863 : memref<2x64x64xf32, #tpu.memory_space<hbm>>) dst(%arg6 : memref<2x64x64xf32, #tpu.memory_space<vmem>>)
    %scan3A_864 = arith.constant 0 : i32
    %scan3A_865 = arith.constant 64 : i32
    %scan3A_866 = arith.addi %scan3A_864, %scan3A_865 : i32
    %scan3A_867 = arith.constant 1 : i32
    scf.for %scan3A_999 = %scan3A_864 to %scan3A_866 step %scan3A_867  : i32 {
      %mul3A_1000 = arith.constant 1 : i32
      %mul3A_1001 = arith.muli %scan3A_999, %mul3A_1000 : i32
      %add3A_1002 = arith.constant 0 : i32
      %add3A_1003 = arith.addi %add3A_1002, %mul3A_1001 : i32
      %get3A = arith.constant 0 : i32
      %get3A_1004 = arith.index_cast %get3A : i32 to index
      %get3A_1005 = arith.index_cast %add3A_1003 : i32 to index
      %get3A_1006 = arith.constant 0 : index
      %get3A_1007 = tpu.vector_load %arg6[%get3A_1004, %get3A_1005, %get3A_1006] {strides = array<i32>} : memref<2x64x64xf32, #tpu.memory_space<vmem>>, vector<1x1x16xf32>,
      %get3A_1008 = vector.shape_cast %get3A_1007 : vector<1x1x16xf32> to vector<16xf32>
      %get3A_1009 = arith.constant 0 : i32
      %get3A_1010 = arith.index_cast %get3A_1009 : i32 to index
      %get3A_1011 = arith.index_cast %add3A_1003 : i32 to index
      %get3A_1012 = arith.constant 16 : index
      %get3A_1013 = tpu.vector_load %arg6[%get3A_1010, %get3A_1011, %get3A_1012] {strides = array<i32>} : memref<2x64x64xf32, #tpu.memory_space<vmem>>, vector<1x1x16xf32>,
      %get3A_1014 = vector.shape_cast %get3A_1013 : vector<1x1x16xf32> to vector<16xf32>
      %add3A_1015 = arith.addf %get3A_1008, %get3A_1014 : vector<16xf32>
      %get3A_1016 = arith.constant 0 : i32
      %get3A_1017 = arith.index_cast %get3A_1016 : i32 to index
      %get3A_1018 = arith.index_cast %add3A_1003 : i32 to index
      %get3A_1019 = arith.constant 32 : index
      %get3A_1020 = tpu.vector_load %arg6[%get3A_1017, %get3A_1018, %get3A_1019] {strides = array<i32>} : memref<2x64x64xf32, #tpu.memory_space<vmem>>, vector<1x1x16xf32>,
      %get3A_1021 = vector.shape_cast %get3A_1020 : vector<1x1x16xf32> to vector<16xf32>
      %add3A_1022 = arith.addf %add3A_1015, %get3A_1021 : vector<16xf32>
      %get3A_1023 = arith.constant 0 : i32
      %get3A_1024 = arith.index_cast %get3A_1023 : i32 to index
      %get3A_1025 = arith.index_cast %add3A_1003 : i32 to index
      %get3A_1026 = arith.constant 48 : index
      %get3A_1027 = tpu.vector_load %arg6[%get3A_1024, %get3A_1025, %get3A_1026] {strides = array<i32>} : memref<2x64x64xf32, #tpu.memory_space<vmem>>, vector<1x1x16xf32>,
      %get3A_1028 = vector.shape_cast %get3A_1027 : vector<1x1x16xf32> to vector<16xf32>
      %add3A_1029 = arith.addf %add3A_1022, %get3A_1028 : vector<16xf32>
      %get3A_1030 = arith.constant 0 : index
      %get3A_1031 = tpu.vector_load %arg8[%get3A_1030] {strides = array<i32>} : memref<16xf32, #tpu.memory_space<vmem>>, vector<16xf32>,
      %get3A_1032 = vector.shape_cast %get3A_1031 : vector<16xf32> to vector<16xf32>
      %add3A_1033 = arith.addf %get3A_1032, %add3A_1029 : vector<16xf32>
      %swap3A_1034 = arith.constant 0 : index
      %swap3A_1035 = tpu.vector_load %arg8[%swap3A_1034] {strides = array<i32>} : memref<16xf32, #tpu.memory_space<vmem>>, vector<16xf32>,
      %swap3A_1036 = vector.shape_cast %swap3A_1035 : vector<16xf32> to vector<16xf32>
      %swap3A_1037 = vector.shape_cast %add3A_1033 : vector<16xf32> to vector<16xf32>
      tpu.vector_store %arg8[%swap3A_1034], %swap3A_1037 {strides = array<i32>} : memref<16xf32, #tpu.memory_space<vmem>>, vector<16xf32>,
    }
    %scan3A_868 = arith.constant 64 : i32
    %scan3A_869 = arith.constant 0 : i32
    %scan3A_870 = arith.constant 64 : i32
    %scan3A_871 = arith.addi %scan3A_869, %scan3A_870 : i32
    %scan3A_872 = arith.constant 1 : i32
    scf.for %scan3A_999 = %scan3A_869 to %scan3A_871 step %scan3A_872  : i32 {
      %mul3A_1000 = arith.constant 1 : i32
      %mul3A_1001 = arith.muli %scan3A_999, %mul3A_1000 : i32
      %add3A_1002 = arith.constant 0 : i32
      %add3A_1003 = arith.addi %add3A_1002, %mul3A_1001 : i32
      %get3A = arith.constant 1 : i32
      %get3A_1004 = arith.index_cast %get3A : i32 to index
      %get3A_1005 = arith.index_cast %add3A_1003 : i32 to index
      %get3A_1006 = arith.constant 0 : index
      %get3A_1007 = tpu.vector_load %arg6[%get3A_1004, %get3A_1005, %get3A_1006] {strides = array<i32>} : memref<2x64x64xf32, #tpu.memory_space<vmem>>, vector<1x1x16xf32>,
      %get3A_1008 = vector.shape_cast %get3A_1007 : vector<1x1x16xf32> to vector<16xf32>
      %get3A_1009 = arith.constant 1 : i32
      %get3A_1010 = arith.index_cast %get3A_1009 : i32 to index
      %get3A_1011 = arith.index_cast %add3A_1003 : i32 to index
      %get3A_1012 = arith.constant 16 : index
      %get3A_1013 = tpu.vector_load %arg6[%get3A_1010, %get3A_1011, %get3A_1012] {strides = array<i32>} : memref<2x64x64xf32, #tpu.memory_space<vmem>>, vector<1x1x16xf32>,
      %get3A_1014 = vector.shape_cast %get3A_1013 : vector<1x1x16xf32> to vector<16xf32>
      %add3A_1015 = arith.addf %get3A_1008, %get3A_1014 : vector<16xf32>
      %get3A_1016 = arith.constant 1 : i32
      %get3A_1017 = arith.index_cast %get3A_1016 : i32 to index
      %get3A_1018 = arith.index_cast %add3A_1003 : i32 to index
      %get3A_1019 = arith.constant 32 : index
      %get3A_1020 = tpu.vector_load %arg6[%get3A_1017, %get3A_1018, %get3A_1019] {strides = array<i32>} : memref<2x64x64xf32, #tpu.memory_space<vmem>>, vector<1x1x16xf32>,
      %get3A_1021 = vector.shape_cast %get3A_1020 : vector<1x1x16xf32> to vector<16xf32>
      %add3A_1022 = arith.addf %add3A_1015, %get3A_1021 : vector<16xf32>
      %get3A_1023 = arith.constant 1 : i32
      %get3A_1024 = arith.index_cast %get3A_1023 : i32 to index
      %get3A_1025 = arith.index_cast %add3A_1003 : i32 to index
      %get3A_1026 = arith.constant 48 : index
      %get3A_1027 = tpu.vector_load %arg6[%get3A_1024, %get3A_1025, %get3A_1026] {strides = array<i32>} : memref<2x64x64xf32, #tpu.memory_space<vmem>>, vector<1x1x16xf32>,
      %get3A_1028 = vector.shape_cast %get3A_1027 : vector<1x1x16xf32> to vector<16xf32>
      %add3A_1029 = arith.addf %add3A_1022, %get3A_1028 : vector<16xf32>
      %get3A_1030 = arith.constant 0 : index
      %get3A_1031 = tpu.vector_load %arg8[%get3A_1030] {strides = array<i32>} : memref<16xf32, #tpu.memory_space<vmem>>, vector<16xf32>,
      %get3A_1032 = vector.shape_cast %get3A_1031 : vector<16xf32> to vector<16xf32>
      %add3A_1033 = arith.addf %get3A_1032, %add3A_1029 : vector<16xf32>
      %swap3A_1034 = arith.constant 0 : index
      %swap3A_1035 = tpu.vector_load %arg8[%swap3A_1034] {strides = array<i32>} : memref<16xf32, #tpu.memory_space<vmem>>, vector<16xf32>,
      %swap3A_1036 = vector.shape_cast %swap3A_1035 : vector<16xf32> to vector<16xf32>
      %swap3A_1037 = vector.shape_cast %add3A_1033 : vector<16xf32> to vector<16xf32>
      tpu.vector_store %arg8[%swap3A_1034], %swap3A_1037 {strides = array<i32>} : memref<16xf32, #tpu.memory_space<vmem>>, vector<16xf32>,
    }
    %scan3A_873 = arith.constant 64 : i32
    %dma_start3A_874 = arith.constant 60 : i32
    %dma_start3A_875 = arith.constant 0 : i32
    %dma_start3A_876 = arith.constant 0 : i32
    %dma_start3A_877 = tpu.memref_slice %arg2[%select_n3A, %select_n3A_32, %dma_start3A_874, %dma_start3A_875, %dma_start3A_876] : memref<4x32x64x64x64xf32, #tpu.memory_space<hbm>> -> memref<1x1x2x64x64xf32, #tpu.memory_space<hbm>>
    %dma_start3A_878 = tpu.memref_squeeze %dma_start3A_877 : memref<1x1x2x64x64xf32, #tpu.memory_space<hbm>> -> memref<2x64x64xf32, #tpu.memory_space<hbm>>
    %dma_start3A_879 = arith.constant 60 : i32
    %dma_start3A_880 = arith.constant 0 : i32
    %dma_start3A_881 = arith.constant 0 : i32
    %dma_start3A_882 = tpu.memref_slice %arg2[%select_n3A, %select_n3A_32, %dma_start3A_879, %dma_start3A_880, %dma_start3A_881] : memref<4x32x64x64x64xf32, #tpu.memory_space<hbm>> -> memref<1x1x2x64x64xf32, #tpu.memory_space<hbm>>
    %dma_start3A_883 = tpu.memref_squeeze %dma_start3A_882 : memref<1x1x2x64x64xf32, #tpu.memory_space<hbm>> -> memref<2x64x64xf32, #tpu.memory_space<hbm>>
    tpu.enqueue_dma source(%dma_start3A_883 : memref<2x64x64xf32, #tpu.memory_space<hbm>>) target(%arg6 : memref<2x64x64xf32, #tpu.memory_space<vmem>>) target_semaphore(%arg12 : memref<!tpu.dma_semaphore, #tpu.memory_space<semaphore_mem>>)
    %dma_wait3A_884 = arith.constant 54 : i32
    %dma_wait3A_885 = arith.constant 0 : i32
    %dma_wait3A_886 = arith.constant 0 : i32
    %dma_wait3A_887 = tpu.memref_slice %arg2[%select_n3A, %select_n3A_32, %dma_wait3A_884, %dma_wait3A_885, %dma_wait3A_886] : memref<4x32x64x64x64xf32, #tpu.memory_space<hbm>> -> memref<1x1x2x64x64xf32, #tpu.memory_space<hbm>>
    %dma_wait3A_888 = tpu.memref_squeeze %dma_wait3A_887 : memref<1x1x2x64x64xf32, #tpu.memory_space<hbm>> -> memref<2x64x64xf32, #tpu.memory_space<hbm>>
    %dma_wait3A_889 = arith.constant 54 : i32
    %dma_wait3A_890 = arith.constant 0 : i32
    %dma_wait3A_891 = arith.constant 0 : i32
    %dma_wait3A_892 = tpu.memref_slice %arg2[%select_n3A, %select_n3A_32, %dma_wait3A_889, %dma_wait3A_890, %dma_wait3A_891] : memref<4x32x64x64x64xf32, #tpu.memory_space<hbm>> -> memref<1x1x2x64x64xf32, #tpu.memory_space<hbm>>
    %dma_wait3A_893 = tpu.memref_squeeze %dma_wait3A_892 : memref<1x1x2x64x64xf32, #tpu.memory_space<hbm>> -> memref<2x64x64xf32, #tpu.memory_space<hbm>>
    tpu.wait_dma2 semaphore(%arg13 : memref<!tpu.dma_semaphore, #tpu.memory_space<semaphore_mem>>) src(%dma_wait3A_893 : memref<2x64x64xf32, #tpu.memory_space<hbm>>) dst(%arg7 : memref<2x64x64xf32, #tpu.memory_space<vmem>>)
    %scan3A_894 = arith.constant 0 : i32
    %scan3A_895 = arith.constant 64 : i32
    %scan3A_896 = arith.addi %scan3A_894, %scan3A_895 : i32
    %scan3A_897 = arith.constant 1 : i32
    scf.for %scan3A_999 = %scan3A_894 to %scan3A_896 step %scan3A_897  : i32 {
      %mul3A_1000 = arith.constant 1 : i32
      %mul3A_1001 = arith.muli %scan3A_999, %mul3A_1000 : i32
      %add3A_1002 = arith.constant 0 : i32
      %add3A_1003 = arith.addi %add3A_1002, %mul3A_1001 : i32
      %get3A = arith.constant 0 : i32
      %get3A_1004 = arith.index_cast %get3A : i32 to index
      %get3A_1005 = arith.index_cast %add3A_1003 : i32 to index
      %get3A_1006 = arith.constant 0 : index
      %get3A_1007 = tpu.vector_load %arg7[%get3A_1004, %get3A_1005, %get3A_1006] {strides = array<i32>} : memref<2x64x64xf32, #tpu.memory_space<vmem>>, vector<1x1x16xf32>,
      %get3A_1008 = vector.shape_cast %get3A_1007 : vector<1x1x16xf32> to vector<16xf32>
      %get3A_1009 = arith.constant 0 : i32
      %get3A_1010 = arith.index_cast %get3A_1009 : i32 to index
      %get3A_1011 = arith.index_cast %add3A_1003 : i32 to index
      %get3A_1012 = arith.constant 16 : index
      %get3A_1013 = tpu.vector_load %arg7[%get3A_1010, %get3A_1011, %get3A_1012] {strides = array<i32>} : memref<2x64x64xf32, #tpu.memory_space<vmem>>, vector<1x1x16xf32>,
      %get3A_1014 = vector.shape_cast %get3A_1013 : vector<1x1x16xf32> to vector<16xf32>
      %add3A_1015 = arith.addf %get3A_1008, %get3A_1014 : vector<16xf32>
      %get3A_1016 = arith.constant 0 : i32
      %get3A_1017 = arith.index_cast %get3A_1016 : i32 to index
      %get3A_1018 = arith.index_cast %add3A_1003 : i32 to index
      %get3A_1019 = arith.constant 32 : index
      %get3A_1020 = tpu.vector_load %arg7[%get3A_1017, %get3A_1018, %get3A_1019] {strides = array<i32>} : memref<2x64x64xf32, #tpu.memory_space<vmem>>, vector<1x1x16xf32>,
      %get3A_1021 = vector.shape_cast %get3A_1020 : vector<1x1x16xf32> to vector<16xf32>
      %add3A_1022 = arith.addf %add3A_1015, %get3A_1021 : vector<16xf32>
      %get3A_1023 = arith.constant 0 : i32
      %get3A_1024 = arith.index_cast %get3A_1023 : i32 to index
      %get3A_1025 = arith.index_cast %add3A_1003 : i32 to index
      %get3A_1026 = arith.constant 48 : index
      %get3A_1027 = tpu.vector_load %arg7[%get3A_1024, %get3A_1025, %get3A_1026] {strides = array<i32>} : memref<2x64x64xf32, #tpu.memory_space<vmem>>, vector<1x1x16xf32>,
      %get3A_1028 = vector.shape_cast %get3A_1027 : vector<1x1x16xf32> to vector<16xf32>
      %add3A_1029 = arith.addf %add3A_1022, %get3A_1028 : vector<16xf32>
      %get3A_1030 = arith.constant 0 : index
      %get3A_1031 = tpu.vector_load %arg8[%get3A_1030] {strides = array<i32>} : memref<16xf32, #tpu.memory_space<vmem>>, vector<16xf32>,
      %get3A_1032 = vector.shape_cast %get3A_1031 : vector<16xf32> to vector<16xf32>
      %add3A_1033 = arith.addf %get3A_1032, %add3A_1029 : vector<16xf32>
      %swap3A_1034 = arith.constant 0 : index
      %swap3A_1035 = tpu.vector_load %arg8[%swap3A_1034] {strides = array<i32>} : memref<16xf32, #tpu.memory_space<vmem>>, vector<16xf32>,
      %swap3A_1036 = vector.shape_cast %swap3A_1035 : vector<16xf32> to vector<16xf32>
      %swap3A_1037 = vector.shape_cast %add3A_1033 : vector<16xf32> to vector<16xf32>
      tpu.vector_store %arg8[%swap3A_1034], %swap3A_1037 {strides = array<i32>} : memref<16xf32, #tpu.memory_space<vmem>>, vector<16xf32>,
    }
    %scan3A_898 = arith.constant 64 : i32
    %scan3A_899 = arith.constant 0 : i32
    %scan3A_900 = arith.constant 64 : i32
    %scan3A_901 = arith.addi %scan3A_899, %scan3A_900 : i32
    %scan3A_902 = arith.constant 1 : i32
    scf.for %scan3A_999 = %scan3A_899 to %scan3A_901 step %scan3A_902  : i32 {
      %mul3A_1000 = arith.constant 1 : i32
      %mul3A_1001 = arith.muli %scan3A_999, %mul3A_1000 : i32
      %add3A_1002 = arith.constant 0 : i32
      %add3A_1003 = arith.addi %add3A_1002, %mul3A_1001 : i32
      %get3A = arith.constant 1 : i32
      %get3A_1004 = arith.index_cast %get3A : i32 to index
      %get3A_1005 = arith.index_cast %add3A_1003 : i32 to index
      %get3A_1006 = arith.constant 0 : index
      %get3A_1007 = tpu.vector_load %arg7[%get3A_1004, %get3A_1005, %get3A_1006] {strides = array<i32>} : memref<2x64x64xf32, #tpu.memory_space<vmem>>, vector<1x1x16xf32>,
      %get3A_1008 = vector.shape_cast %get3A_1007 : vector<1x1x16xf32> to vector<16xf32>
      %get3A_1009 = arith.constant 1 : i32
      %get3A_1010 = arith.index_cast %get3A_1009 : i32 to index
      %get3A_1011 = arith.index_cast %add3A_1003 : i32 to index
      %get3A_1012 = arith.constant 16 : index
      %get3A_1013 = tpu.vector_load %arg7[%get3A_1010, %get3A_1011, %get3A_1012] {strides = array<i32>} : memref<2x64x64xf32, #tpu.memory_space<vmem>>, vector<1x1x16xf32>,
      %get3A_1014 = vector.shape_cast %get3A_1013 : vector<1x1x16xf32> to vector<16xf32>
      %add3A_1015 = arith.addf %get3A_1008, %get3A_1014 : vector<16xf32>
      %get3A_1016 = arith.constant 1 : i32
      %get3A_1017 = arith.index_cast %get3A_1016 : i32 to index
      %get3A_1018 = arith.index_cast %add3A_1003 : i32 to index
      %get3A_1019 = arith.constant 32 : index
      %get3A_1020 = tpu.vector_load %arg7[%get3A_1017, %get3A_1018, %get3A_1019] {strides = array<i32>} : memref<2x64x64xf32, #tpu.memory_space<vmem>>, vector<1x1x16xf32>,
      %get3A_1021 = vector.shape_cast %get3A_1020 : vector<1x1x16xf32> to vector<16xf32>
      %add3A_1022 = arith.addf %add3A_1015, %get3A_1021 : vector<16xf32>
      %get3A_1023 = arith.constant 1 : i32
      %get3A_1024 = arith.index_cast %get3A_1023 : i32 to index
      %get3A_1025 = arith.index_cast %add3A_1003 : i32 to index
      %get3A_1026 = arith.constant 48 : index
      %get3A_1027 = tpu.vector_load %arg7[%get3A_1024, %get3A_1025, %get3A_1026] {strides = array<i32>} : memref<2x64x64xf32, #tpu.memory_space<vmem>>, vector<1x1x16xf32>,
      %get3A_1028 = vector.shape_cast %get3A_1027 : vector<1x1x16xf32> to vector<16xf32>
      %add3A_1029 = arith.addf %add3A_1022, %get3A_1028 : vector<16xf32>
      %get3A_1030 = arith.constant 0 : index
      %get3A_1031 = tpu.vector_load %arg8[%get3A_1030] {strides = array<i32>} : memref<16xf32, #tpu.memory_space<vmem>>, vector<16xf32>,
      %get3A_1032 = vector.shape_cast %get3A_1031 : vector<16xf32> to vector<16xf32>
      %add3A_1033 = arith.addf %get3A_1032, %add3A_1029 : vector<16xf32>
      %swap3A_1034 = arith.constant 0 : index
      %swap3A_1035 = tpu.vector_load %arg8[%swap3A_1034] {strides = array<i32>} : memref<16xf32, #tpu.memory_space<vmem>>, vector<16xf32>,
      %swap3A_1036 = vector.shape_cast %swap3A_1035 : vector<16xf32> to vector<16xf32>
      %swap3A_1037 = vector.shape_cast %add3A_1033 : vector<16xf32> to vector<16xf32>
      tpu.vector_store %arg8[%swap3A_1034], %swap3A_1037 {strides = array<i32>} : memref<16xf32, #tpu.memory_space<vmem>>, vector<16xf32>,
    }
    %scan3A_903 = arith.constant 64 : i32
    %dma_start3A_904 = arith.constant 62 : i32
    %dma_start3A_905 = arith.constant 0 : i32
    %dma_start3A_906 = arith.constant 0 : i32
    %dma_start3A_907 = tpu.memref_slice %arg2[%select_n3A, %select_n3A_32, %dma_start3A_904, %dma_start3A_905, %dma_start3A_906] : memref<4x32x64x64x64xf32, #tpu.memory_space<hbm>> -> memref<1x1x2x64x64xf32, #tpu.memory_space<hbm>>
    %dma_start3A_908 = tpu.memref_squeeze %dma_start3A_907 : memref<1x1x2x64x64xf32, #tpu.memory_space<hbm>> -> memref<2x64x64xf32, #tpu.memory_space<hbm>>
    %dma_start3A_909 = arith.constant 62 : i32
    %dma_start3A_910 = arith.constant 0 : i32
    %dma_start3A_911 = arith.constant 0 : i32
    %dma_start3A_912 = tpu.memref_slice %arg2[%select_n3A, %select_n3A_32, %dma_start3A_909, %dma_start3A_910, %dma_start3A_911] : memref<4x32x64x64x64xf32, #tpu.memory_space<hbm>> -> memref<1x1x2x64x64xf32, #tpu.memory_space<hbm>>
    %dma_start3A_913 = tpu.memref_squeeze %dma_start3A_912 : memref<1x1x2x64x64xf32, #tpu.memory_space<hbm>> -> memref<2x64x64xf32, #tpu.memory_space<hbm>>
    tpu.enqueue_dma source(%dma_start3A_913 : memref<2x64x64xf32, #tpu.memory_space<hbm>>) target(%arg7 : memref<2x64x64xf32, #tpu.memory_space<vmem>>) target_semaphore(%arg13 : memref<!tpu.dma_semaphore, #tpu.memory_space<semaphore_mem>>)
    %dma_wait3A_914 = arith.constant 56 : i32
    %dma_wait3A_915 = arith.constant 0 : i32
    %dma_wait3A_916 = arith.constant 0 : i32
    %dma_wait3A_917 = tpu.memref_slice %arg2[%select_n3A, %select_n3A_32, %dma_wait3A_914, %dma_wait3A_915, %dma_wait3A_916] : memref<4x32x64x64x64xf32, #tpu.memory_space<hbm>> -> memref<1x1x2x64x64xf32, #tpu.memory_space<hbm>>
    %dma_wait3A_918 = tpu.memref_squeeze %dma_wait3A_917 : memref<1x1x2x64x64xf32, #tpu.memory_space<hbm>> -> memref<2x64x64xf32, #tpu.memory_space<hbm>>
    %dma_wait3A_919 = arith.constant 56 : i32
    %dma_wait3A_920 = arith.constant 0 : i32
    %dma_wait3A_921 = arith.constant 0 : i32
    %dma_wait3A_922 = tpu.memref_slice %arg2[%select_n3A, %select_n3A_32, %dma_wait3A_919, %dma_wait3A_920, %dma_wait3A_921] : memref<4x32x64x64x64xf32, #tpu.memory_space<hbm>> -> memref<1x1x2x64x64xf32, #tpu.memory_space<hbm>>
    %dma_wait3A_923 = tpu.memref_squeeze %dma_wait3A_922 : memref<1x1x2x64x64xf32, #tpu.memory_space<hbm>> -> memref<2x64x64xf32, #tpu.memory_space<hbm>>
    tpu.wait_dma2 semaphore(%arg10 : memref<!tpu.dma_semaphore, #tpu.memory_space<semaphore_mem>>) src(%dma_wait3A_923 : memref<2x64x64xf32, #tpu.memory_space<hbm>>) dst(%arg4 : memref<2x64x64xf32, #tpu.memory_space<vmem>>)
    %scan3A_924 = arith.constant 0 : i32
    %scan3A_925 = arith.constant 64 : i32
    %scan3A_926 = arith.addi %scan3A_924, %scan3A_925 : i32
    %scan3A_927 = arith.constant 1 : i32
    scf.for %scan3A_999 = %scan3A_924 to %scan3A_926 step %scan3A_927  : i32 {
      %mul3A_1000 = arith.constant 1 : i32
      %mul3A_1001 = arith.muli %scan3A_999, %mul3A_1000 : i32
      %add3A_1002 = arith.constant 0 : i32
      %add3A_1003 = arith.addi %add3A_1002, %mul3A_1001 : i32
      %get3A = arith.constant 0 : i32
      %get3A_1004 = arith.index_cast %get3A : i32 to index
      %get3A_1005 = arith.index_cast %add3A_1003 : i32 to index
      %get3A_1006 = arith.constant 0 : index
      %get3A_1007 = tpu.vector_load %arg4[%get3A_1004, %get3A_1005, %get3A_1006] {strides = array<i32>} : memref<2x64x64xf32, #tpu.memory_space<vmem>>, vector<1x1x16xf32>,
      %get3A_1008 = vector.shape_cast %get3A_1007 : vector<1x1x16xf32> to vector<16xf32>
      %get3A_1009 = arith.constant 0 : i32
      %get3A_1010 = arith.index_cast %get3A_1009 : i32 to index
      %get3A_1011 = arith.index_cast %add3A_1003 : i32 to index
      %get3A_1012 = arith.constant 16 : index
      %get3A_1013 = tpu.vector_load %arg4[%get3A_1010, %get3A_1011, %get3A_1012] {strides = array<i32>} : memref<2x64x64xf32, #tpu.memory_space<vmem>>, vector<1x1x16xf32>,
      %get3A_1014 = vector.shape_cast %get3A_1013 : vector<1x1x16xf32> to vector<16xf32>
      %add3A_1015 = arith.addf %get3A_1008, %get3A_1014 : vector<16xf32>
      %get3A_1016 = arith.constant 0 : i32
      %get3A_1017 = arith.index_cast %get3A_1016 : i32 to index
      %get3A_1018 = arith.index_cast %add3A_1003 : i32 to index
      %get3A_1019 = arith.constant 32 : index
      %get3A_1020 = tpu.vector_load %arg4[%get3A_1017, %get3A_1018, %get3A_1019] {strides = array<i32>} : memref<2x64x64xf32, #tpu.memory_space<vmem>>, vector<1x1x16xf32>,
      %get3A_1021 = vector.shape_cast %get3A_1020 : vector<1x1x16xf32> to vector<16xf32>
      %add3A_1022 = arith.addf %add3A_1015, %get3A_1021 : vector<16xf32>
      %get3A_1023 = arith.constant 0 : i32
      %get3A_1024 = arith.index_cast %get3A_1023 : i32 to index
      %get3A_1025 = arith.index_cast %add3A_1003 : i32 to index
      %get3A_1026 = arith.constant 48 : index
      %get3A_1027 = tpu.vector_load %arg4[%get3A_1024, %get3A_1025, %get3A_1026] {strides = array<i32>} : memref<2x64x64xf32, #tpu.memory_space<vmem>>, vector<1x1x16xf32>,
      %get3A_1028 = vector.shape_cast %get3A_1027 : vector<1x1x16xf32> to vector<16xf32>
      %add3A_1029 = arith.addf %add3A_1022, %get3A_1028 : vector<16xf32>
      %get3A_1030 = arith.constant 0 : index
      %get3A_1031 = tpu.vector_load %arg8[%get3A_1030] {strides = array<i32>} : memref<16xf32, #tpu.memory_space<vmem>>, vector<16xf32>,
      %get3A_1032 = vector.shape_cast %get3A_1031 : vector<16xf32> to vector<16xf32>
      %add3A_1033 = arith.addf %get3A_1032, %add3A_1029 : vector<16xf32>
      %swap3A_1034 = arith.constant 0 : index
      %swap3A_1035 = tpu.vector_load %arg8[%swap3A_1034] {strides = array<i32>} : memref<16xf32, #tpu.memory_space<vmem>>, vector<16xf32>,
      %swap3A_1036 = vector.shape_cast %swap3A_1035 : vector<16xf32> to vector<16xf32>
      %swap3A_1037 = vector.shape_cast %add3A_1033 : vector<16xf32> to vector<16xf32>
      tpu.vector_store %arg8[%swap3A_1034], %swap3A_1037 {strides = array<i32>} : memref<16xf32, #tpu.memory_space<vmem>>, vector<16xf32>,
    }
    %scan3A_928 = arith.constant 64 : i32
    %scan3A_929 = arith.constant 0 : i32
    %scan3A_930 = arith.constant 64 : i32
    %scan3A_931 = arith.addi %scan3A_929, %scan3A_930 : i32
    %scan3A_932 = arith.constant 1 : i32
    scf.for %scan3A_999 = %scan3A_929 to %scan3A_931 step %scan3A_932  : i32 {
      %mul3A_1000 = arith.constant 1 : i32
      %mul3A_1001 = arith.muli %scan3A_999, %mul3A_1000 : i32
      %add3A_1002 = arith.constant 0 : i32
      %add3A_1003 = arith.addi %add3A_1002, %mul3A_1001 : i32
      %get3A = arith.constant 1 : i32
      %get3A_1004 = arith.index_cast %get3A : i32 to index
      %get3A_1005 = arith.index_cast %add3A_1003 : i32 to index
      %get3A_1006 = arith.constant 0 : index
      %get3A_1007 = tpu.vector_load %arg4[%get3A_1004, %get3A_1005, %get3A_1006] {strides = array<i32>} : memref<2x64x64xf32, #tpu.memory_space<vmem>>, vector<1x1x16xf32>,
      %get3A_1008 = vector.shape_cast %get3A_1007 : vector<1x1x16xf32> to vector<16xf32>
      %get3A_1009 = arith.constant 1 : i32
      %get3A_1010 = arith.index_cast %get3A_1009 : i32 to index
      %get3A_1011 = arith.index_cast %add3A_1003 : i32 to index
      %get3A_1012 = arith.constant 16 : index
      %get3A_1013 = tpu.vector_load %arg4[%get3A_1010, %get3A_1011, %get3A_1012] {strides = array<i32>} : memref<2x64x64xf32, #tpu.memory_space<vmem>>, vector<1x1x16xf32>,
      %get3A_1014 = vector.shape_cast %get3A_1013 : vector<1x1x16xf32> to vector<16xf32>
      %add3A_1015 = arith.addf %get3A_1008, %get3A_1014 : vector<16xf32>
      %get3A_1016 = arith.constant 1 : i32
      %get3A_1017 = arith.index_cast %get3A_1016 : i32 to index
      %get3A_1018 = arith.index_cast %add3A_1003 : i32 to index
      %get3A_1019 = arith.constant 32 : index
      %get3A_1020 = tpu.vector_load %arg4[%get3A_1017, %get3A_1018, %get3A_1019] {strides = array<i32>} : memref<2x64x64xf32, #tpu.memory_space<vmem>>, vector<1x1x16xf32>,
      %get3A_1021 = vector.shape_cast %get3A_1020 : vector<1x1x16xf32> to vector<16xf32>
      %add3A_1022 = arith.addf %add3A_1015, %get3A_1021 : vector<16xf32>
      %get3A_1023 = arith.constant 1 : i32
      %get3A_1024 = arith.index_cast %get3A_1023 : i32 to index
      %get3A_1025 = arith.index_cast %add3A_1003 : i32 to index
      %get3A_1026 = arith.constant 48 : index
      %get3A_1027 = tpu.vector_load %arg4[%get3A_1024, %get3A_1025, %get3A_1026] {strides = array<i32>} : memref<2x64x64xf32, #tpu.memory_space<vmem>>, vector<1x1x16xf32>,
      %get3A_1028 = vector.shape_cast %get3A_1027 : vector<1x1x16xf32> to vector<16xf32>
      %add3A_1029 = arith.addf %add3A_1022, %get3A_1028 : vector<16xf32>
      %get3A_1030 = arith.constant 0 : index
      %get3A_1031 = tpu.vector_load %arg8[%get3A_1030] {strides = array<i32>} : memref<16xf32, #tpu.memory_space<vmem>>, vector<16xf32>,
      %get3A_1032 = vector.shape_cast %get3A_1031 : vector<16xf32> to vector<16xf32>
      %add3A_1033 = arith.addf %get3A_1032, %add3A_1029 : vector<16xf32>
      %swap3A_1034 = arith.constant 0 : index
      %swap3A_1035 = tpu.vector_load %arg8[%swap3A_1034] {strides = array<i32>} : memref<16xf32, #tpu.memory_space<vmem>>, vector<16xf32>,
      %swap3A_1036 = vector.shape_cast %swap3A_1035 : vector<16xf32> to vector<16xf32>
      %swap3A_1037 = vector.shape_cast %add3A_1033 : vector<16xf32> to vector<16xf32>
      tpu.vector_store %arg8[%swap3A_1034], %swap3A_1037 {strides = array<i32>} : memref<16xf32, #tpu.memory_space<vmem>>, vector<16xf32>,
    }
    %scan3A_933 = arith.constant 64 : i32
    %dma_wait3A_934 = arith.constant 58 : i32
    %dma_wait3A_935 = arith.constant 0 : i32
    %dma_wait3A_936 = arith.constant 0 : i32
    %dma_wait3A_937 = tpu.memref_slice %arg2[%select_n3A, %select_n3A_32, %dma_wait3A_934, %dma_wait3A_935, %dma_wait3A_936] : memref<4x32x64x64x64xf32, #tpu.memory_space<hbm>> -> memref<1x1x2x64x64xf32, #tpu.memory_space<hbm>>
    %dma_wait3A_938 = tpu.memref_squeeze %dma_wait3A_937 : memref<1x1x2x64x64xf32, #tpu.memory_space<hbm>> -> memref<2x64x64xf32, #tpu.memory_space<hbm>>
    %dma_wait3A_939 = arith.constant 58 : i32
    %dma_wait3A_940 = arith.constant 0 : i32
    %dma_wait3A_941 = arith.constant 0 : i32
    %dma_wait3A_942 = tpu.memref_slice %arg2[%select_n3A, %select_n3A_32, %dma_wait3A_939, %dma_wait3A_940, %dma_wait3A_941] : memref<4x32x64x64x64xf32, #tpu.memory_space<hbm>> -> memref<1x1x2x64x64xf32, #tpu.memory_space<hbm>>
    %dma_wait3A_943 = tpu.memref_squeeze %dma_wait3A_942 : memref<1x1x2x64x64xf32, #tpu.memory_space<hbm>> -> memref<2x64x64xf32, #tpu.memory_space<hbm>>
    tpu.wait_dma2 semaphore(%arg11 : memref<!tpu.dma_semaphore, #tpu.memory_space<semaphore_mem>>) src(%dma_wait3A_943 : memref<2x64x64xf32, #tpu.memory_space<hbm>>) dst(%arg5 : memref<2x64x64xf32, #tpu.memory_space<vmem>>)
    %scan3A_944 = arith.constant 0 : i32
    %scan3A_945 = arith.constant 64 : i32
    %scan3A_946 = arith.addi %scan3A_944, %scan3A_945 : i32
    %scan3A_947 = arith.constant 1 : i32
    scf.for %scan3A_999 = %scan3A_944 to %scan3A_946 step %scan3A_947  : i32 {
      %mul3A_1000 = arith.constant 1 : i32
      %mul3A_1001 = arith.muli %scan3A_999, %mul3A_1000 : i32
      %add3A_1002 = arith.constant 0 : i32
      %add3A_1003 = arith.addi %add3A_1002, %mul3A_1001 : i32
      %get3A = arith.constant 0 : i32
      %get3A_1004 = arith.index_cast %get3A : i32 to index
      %get3A_1005 = arith.index_cast %add3A_1003 : i32 to index
      %get3A_1006 = arith.constant 0 : index
      %get3A_1007 = tpu.vector_load %arg5[%get3A_1004, %get3A_1005, %get3A_1006] {strides = array<i32>} : memref<2x64x64xf32, #tpu.memory_space<vmem>>, vector<1x1x16xf32>,
      %get3A_1008 = vector.shape_cast %get3A_1007 : vector<1x1x16xf32> to vector<16xf32>
      %get3A_1009 = arith.constant 0 : i32
      %get3A_1010 = arith.index_cast %get3A_1009 : i32 to index
      %get3A_1011 = arith.index_cast %add3A_1003 : i32 to index
      %get3A_1012 = arith.constant 16 : index
      %get3A_1013 = tpu.vector_load %arg5[%get3A_1010, %get3A_1011, %get3A_1012] {strides = array<i32>} : memref<2x64x64xf32, #tpu.memory_space<vmem>>, vector<1x1x16xf32>,
      %get3A_1014 = vector.shape_cast %get3A_1013 : vector<1x1x16xf32> to vector<16xf32>
      %add3A_1015 = arith.addf %get3A_1008, %get3A_1014 : vector<16xf32>
      %get3A_1016 = arith.constant 0 : i32
      %get3A_1017 = arith.index_cast %get3A_1016 : i32 to index
      %get3A_1018 = arith.index_cast %add3A_1003 : i32 to index
      %get3A_1019 = arith.constant 32 : index
      %get3A_1020 = tpu.vector_load %arg5[%get3A_1017, %get3A_1018, %get3A_1019] {strides = array<i32>} : memref<2x64x64xf32, #tpu.memory_space<vmem>>, vector<1x1x16xf32>,
      %get3A_1021 = vector.shape_cast %get3A_1020 : vector<1x1x16xf32> to vector<16xf32>
      %add3A_1022 = arith.addf %add3A_1015, %get3A_1021 : vector<16xf32>
      %get3A_1023 = arith.constant 0 : i32
      %get3A_1024 = arith.index_cast %get3A_1023 : i32 to index
      %get3A_1025 = arith.index_cast %add3A_1003 : i32 to index
      %get3A_1026 = arith.constant 48 : index
      %get3A_1027 = tpu.vector_load %arg5[%get3A_1024, %get3A_1025, %get3A_1026] {strides = array<i32>} : memref<2x64x64xf32, #tpu.memory_space<vmem>>, vector<1x1x16xf32>,
      %get3A_1028 = vector.shape_cast %get3A_1027 : vector<1x1x16xf32> to vector<16xf32>
      %add3A_1029 = arith.addf %add3A_1022, %get3A_1028 : vector<16xf32>
      %get3A_1030 = arith.constant 0 : index
      %get3A_1031 = tpu.vector_load %arg8[%get3A_1030] {strides = array<i32>} : memref<16xf32, #tpu.memory_space<vmem>>, vector<16xf32>,
      %get3A_1032 = vector.shape_cast %get3A_1031 : vector<16xf32> to vector<16xf32>
      %add3A_1033 = arith.addf %get3A_1032, %add3A_1029 : vector<16xf32>
      %swap3A_1034 = arith.constant 0 : index
      %swap3A_1035 = tpu.vector_load %arg8[%swap3A_1034] {strides = array<i32>} : memref<16xf32, #tpu.memory_space<vmem>>, vector<16xf32>,
      %swap3A_1036 = vector.shape_cast %swap3A_1035 : vector<16xf32> to vector<16xf32>
      %swap3A_1037 = vector.shape_cast %add3A_1033 : vector<16xf32> to vector<16xf32>
      tpu.vector_store %arg8[%swap3A_1034], %swap3A_1037 {strides = array<i32>} : memref<16xf32, #tpu.memory_space<vmem>>, vector<16xf32>,
    }
    %scan3A_948 = arith.constant 64 : i32
    %scan3A_949 = arith.constant 0 : i32
    %scan3A_950 = arith.constant 64 : i32
    %scan3A_951 = arith.addi %scan3A_949, %scan3A_950 : i32
    %scan3A_952 = arith.constant 1 : i32
    scf.for %scan3A_999 = %scan3A_949 to %scan3A_951 step %scan3A_952  : i32 {
      %mul3A_1000 = arith.constant 1 : i32
      %mul3A_1001 = arith.muli %scan3A_999, %mul3A_1000 : i32
      %add3A_1002 = arith.constant 0 : i32
      %add3A_1003 = arith.addi %add3A_1002, %mul3A_1001 : i32
      %get3A = arith.constant 1 : i32
      %get3A_1004 = arith.index_cast %get3A : i32 to index
      %get3A_1005 = arith.index_cast %add3A_1003 : i32 to index
      %get3A_1006 = arith.constant 0 : index
      %get3A_1007 = tpu.vector_load %arg5[%get3A_1004, %get3A_1005, %get3A_1006] {strides = array<i32>} : memref<2x64x64xf32, #tpu.memory_space<vmem>>, vector<1x1x16xf32>,
      %get3A_1008 = vector.shape_cast %get3A_1007 : vector<1x1x16xf32> to vector<16xf32>
      %get3A_1009 = arith.constant 1 : i32
      %get3A_1010 = arith.index_cast %get3A_1009 : i32 to index
      %get3A_1011 = arith.index_cast %add3A_1003 : i32 to index
      %get3A_1012 = arith.constant 16 : index
      %get3A_1013 = tpu.vector_load %arg5[%get3A_1010, %get3A_1011, %get3A_1012] {strides = array<i32>} : memref<2x64x64xf32, #tpu.memory_space<vmem>>, vector<1x1x16xf32>,
      %get3A_1014 = vector.shape_cast %get3A_1013 : vector<1x1x16xf32> to vector<16xf32>
      %add3A_1015 = arith.addf %get3A_1008, %get3A_1014 : vector<16xf32>
      %get3A_1016 = arith.constant 1 : i32
      %get3A_1017 = arith.index_cast %get3A_1016 : i32 to index
      %get3A_1018 = arith.index_cast %add3A_1003 : i32 to index
      %get3A_1019 = arith.constant 32 : index
      %get3A_1020 = tpu.vector_load %arg5[%get3A_1017, %get3A_1018, %get3A_1019] {strides = array<i32>} : memref<2x64x64xf32, #tpu.memory_space<vmem>>, vector<1x1x16xf32>,
      %get3A_1021 = vector.shape_cast %get3A_1020 : vector<1x1x16xf32> to vector<16xf32>
      %add3A_1022 = arith.addf %add3A_1015, %get3A_1021 : vector<16xf32>
      %get3A_1023 = arith.constant 1 : i32
      %get3A_1024 = arith.index_cast %get3A_1023 : i32 to index
      %get3A_1025 = arith.index_cast %add3A_1003 : i32 to index
      %get3A_1026 = arith.constant 48 : index
      %get3A_1027 = tpu.vector_load %arg5[%get3A_1024, %get3A_1025, %get3A_1026] {strides = array<i32>} : memref<2x64x64xf32, #tpu.memory_space<vmem>>, vector<1x1x16xf32>,
      %get3A_1028 = vector.shape_cast %get3A_1027 : vector<1x1x16xf32> to vector<16xf32>
      %add3A_1029 = arith.addf %add3A_1022, %get3A_1028 : vector<16xf32>
      %get3A_1030 = arith.constant 0 : index
      %get3A_1031 = tpu.vector_load %arg8[%get3A_1030] {strides = array<i32>} : memref<16xf32, #tpu.memory_space<vmem>>, vector<16xf32>,
      %get3A_1032 = vector.shape_cast %get3A_1031 : vector<16xf32> to vector<16xf32>
      %add3A_1033 = arith.addf %get3A_1032, %add3A_1029 : vector<16xf32>
      %swap3A_1034 = arith.constant 0 : index
      %swap3A_1035 = tpu.vector_load %arg8[%swap3A_1034] {strides = array<i32>} : memref<16xf32, #tpu.memory_space<vmem>>, vector<16xf32>,
      %swap3A_1036 = vector.shape_cast %swap3A_1035 : vector<16xf32> to vector<16xf32>
      %swap3A_1037 = vector.shape_cast %add3A_1033 : vector<16xf32> to vector<16xf32>
      tpu.vector_store %arg8[%swap3A_1034], %swap3A_1037 {strides = array<i32>} : memref<16xf32, #tpu.memory_space<vmem>>, vector<16xf32>,
    }
    %scan3A_953 = arith.constant 64 : i32
    %dma_wait3A_954 = arith.constant 60 : i32
    %dma_wait3A_955 = arith.constant 0 : i32
    %dma_wait3A_956 = arith.constant 0 : i32
    %dma_wait3A_957 = tpu.memref_slice %arg2[%select_n3A, %select_n3A_32, %dma_wait3A_954, %dma_wait3A_955, %dma_wait3A_956] : memref<4x32x64x64x64xf32, #tpu.memory_space<hbm>> -> memref<1x1x2x64x64xf32, #tpu.memory_space<hbm>>
    %dma_wait3A_958 = tpu.memref_squeeze %dma_wait3A_957 : memref<1x1x2x64x64xf32, #tpu.memory_space<hbm>> -> memref<2x64x64xf32, #tpu.memory_space<hbm>>
    %dma_wait3A_959 = arith.constant 60 : i32
    %dma_wait3A_960 = arith.constant 0 : i32
    %dma_wait3A_961 = arith.constant 0 : i32
    %dma_wait3A_962 = tpu.memref_slice %arg2[%select_n3A, %select_n3A_32, %dma_wait3A_959, %dma_wait3A_960, %dma_wait3A_961] : memref<4x32x64x64x64xf32, #tpu.memory_space<hbm>> -> memref<1x1x2x64x64xf32, #tpu.memory_space<hbm>>
    %dma_wait3A_963 = tpu.memref_squeeze %dma_wait3A_962 : memref<1x1x2x64x64xf32, #tpu.memory_space<hbm>> -> memref<2x64x64xf32, #tpu.memory_space<hbm>>
    tpu.wait_dma2 semaphore(%arg12 : memref<!tpu.dma_semaphore, #tpu.memory_space<semaphore_mem>>) src(%dma_wait3A_963 : memref<2x64x64xf32, #tpu.memory_space<hbm>>) dst(%arg6 : memref<2x64x64xf32, #tpu.memory_space<vmem>>)
    %scan3A_964 = arith.constant 0 : i32
    %scan3A_965 = arith.constant 64 : i32
    %scan3A_966 = arith.addi %scan3A_964, %scan3A_965 : i32
    %scan3A_967 = arith.constant 1 : i32
    scf.for %scan3A_999 = %scan3A_964 to %scan3A_966 step %scan3A_967  : i32 {
      %mul3A_1000 = arith.constant 1 : i32
      %mul3A_1001 = arith.muli %scan3A_999, %mul3A_1000 : i32
      %add3A_1002 = arith.constant 0 : i32
      %add3A_1003 = arith.addi %add3A_1002, %mul3A_1001 : i32
      %get3A = arith.constant 0 : i32
      %get3A_1004 = arith.index_cast %get3A : i32 to index
      %get3A_1005 = arith.index_cast %add3A_1003 : i32 to index
      %get3A_1006 = arith.constant 0 : index
      %get3A_1007 = tpu.vector_load %arg6[%get3A_1004, %get3A_1005, %get3A_1006] {strides = array<i32>} : memref<2x64x64xf32, #tpu.memory_space<vmem>>, vector<1x1x16xf32>,
      %get3A_1008 = vector.shape_cast %get3A_1007 : vector<1x1x16xf32> to vector<16xf32>
      %get3A_1009 = arith.constant 0 : i32
      %get3A_1010 = arith.index_cast %get3A_1009 : i32 to index
      %get3A_1011 = arith.index_cast %add3A_1003 : i32 to index
      %get3A_1012 = arith.constant 16 : index
      %get3A_1013 = tpu.vector_load %arg6[%get3A_1010, %get3A_1011, %get3A_1012] {strides = array<i32>} : memref<2x64x64xf32, #tpu.memory_space<vmem>>, vector<1x1x16xf32>,
      %get3A_1014 = vector.shape_cast %get3A_1013 : vector<1x1x16xf32> to vector<16xf32>
      %add3A_1015 = arith.addf %get3A_1008, %get3A_1014 : vector<16xf32>
      %get3A_1016 = arith.constant 0 : i32
      %get3A_1017 = arith.index_cast %get3A_1016 : i32 to index
      %get3A_1018 = arith.index_cast %add3A_1003 : i32 to index
      %get3A_1019 = arith.constant 32 : index
      %get3A_1020 = tpu.vector_load %arg6[%get3A_1017, %get3A_1018, %get3A_1019] {strides = array<i32>} : memref<2x64x64xf32, #tpu.memory_space<vmem>>, vector<1x1x16xf32>,
      %get3A_1021 = vector.shape_cast %get3A_1020 : vector<1x1x16xf32> to vector<16xf32>
      %add3A_1022 = arith.addf %add3A_1015, %get3A_1021 : vector<16xf32>
      %get3A_1023 = arith.constant 0 : i32
      %get3A_1024 = arith.index_cast %get3A_1023 : i32 to index
      %get3A_1025 = arith.index_cast %add3A_1003 : i32 to index
      %get3A_1026 = arith.constant 48 : index
      %get3A_1027 = tpu.vector_load %arg6[%get3A_1024, %get3A_1025, %get3A_1026] {strides = array<i32>} : memref<2x64x64xf32, #tpu.memory_space<vmem>>, vector<1x1x16xf32>,
      %get3A_1028 = vector.shape_cast %get3A_1027 : vector<1x1x16xf32> to vector<16xf32>
      %add3A_1029 = arith.addf %add3A_1022, %get3A_1028 : vector<16xf32>
      %get3A_1030 = arith.constant 0 : index
      %get3A_1031 = tpu.vector_load %arg8[%get3A_1030] {strides = array<i32>} : memref<16xf32, #tpu.memory_space<vmem>>, vector<16xf32>,
      %get3A_1032 = vector.shape_cast %get3A_1031 : vector<16xf32> to vector<16xf32>
      %add3A_1033 = arith.addf %get3A_1032, %add3A_1029 : vector<16xf32>
      %swap3A_1034 = arith.constant 0 : index
      %swap3A_1035 = tpu.vector_load %arg8[%swap3A_1034] {strides = array<i32>} : memref<16xf32, #tpu.memory_space<vmem>>, vector<16xf32>,
      %swap3A_1036 = vector.shape_cast %swap3A_1035 : vector<16xf32> to vector<16xf32>
      %swap3A_1037 = vector.shape_cast %add3A_1033 : vector<16xf32> to vector<16xf32>
      tpu.vector_store %arg8[%swap3A_1034], %swap3A_1037 {strides = array<i32>} : memref<16xf32, #tpu.memory_space<vmem>>, vector<16xf32>,
    }
    %scan3A_968 = arith.constant 64 : i32
    %scan3A_969 = arith.constant 0 : i32
    %scan3A_970 = arith.constant 64 : i32
    %scan3A_971 = arith.addi %scan3A_969, %scan3A_970 : i32
    %scan3A_972 = arith.constant 1 : i32
    scf.for %scan3A_999 = %scan3A_969 to %scan3A_971 step %scan3A_972  : i32 {
      %mul3A_1000 = arith.constant 1 : i32
      %mul3A_1001 = arith.muli %scan3A_999, %mul3A_1000 : i32
      %add3A_1002 = arith.constant 0 : i32
      %add3A_1003 = arith.addi %add3A_1002, %mul3A_1001 : i32
      %get3A = arith.constant 1 : i32
      %get3A_1004 = arith.index_cast %get3A : i32 to index
      %get3A_1005 = arith.index_cast %add3A_1003 : i32 to index
      %get3A_1006 = arith.constant 0 : index
      %get3A_1007 = tpu.vector_load %arg6[%get3A_1004, %get3A_1005, %get3A_1006] {strides = array<i32>} : memref<2x64x64xf32, #tpu.memory_space<vmem>>, vector<1x1x16xf32>,
      %get3A_1008 = vector.shape_cast %get3A_1007 : vector<1x1x16xf32> to vector<16xf32>
      %get3A_1009 = arith.constant 1 : i32
      %get3A_1010 = arith.index_cast %get3A_1009 : i32 to index
      %get3A_1011 = arith.index_cast %add3A_1003 : i32 to index
      %get3A_1012 = arith.constant 16 : index
      %get3A_1013 = tpu.vector_load %arg6[%get3A_1010, %get3A_1011, %get3A_1012] {strides = array<i32>} : memref<2x64x64xf32, #tpu.memory_space<vmem>>, vector<1x1x16xf32>,
      %get3A_1014 = vector.shape_cast %get3A_1013 : vector<1x1x16xf32> to vector<16xf32>
      %add3A_1015 = arith.addf %get3A_1008, %get3A_1014 : vector<16xf32>
      %get3A_1016 = arith.constant 1 : i32
      %get3A_1017 = arith.index_cast %get3A_1016 : i32 to index
      %get3A_1018 = arith.index_cast %add3A_1003 : i32 to index
      %get3A_1019 = arith.constant 32 : index
      %get3A_1020 = tpu.vector_load %arg6[%get3A_1017, %get3A_1018, %get3A_1019] {strides = array<i32>} : memref<2x64x64xf32, #tpu.memory_space<vmem>>, vector<1x1x16xf32>,
      %get3A_1021 = vector.shape_cast %get3A_1020 : vector<1x1x16xf32> to vector<16xf32>
      %add3A_1022 = arith.addf %add3A_1015, %get3A_1021 : vector<16xf32>
      %get3A_1023 = arith.constant 1 : i32
      %get3A_1024 = arith.index_cast %get3A_1023 : i32 to index
      %get3A_1025 = arith.index_cast %add3A_1003 : i32 to index
      %get3A_1026 = arith.constant 48 : index
      %get3A_1027 = tpu.vector_load %arg6[%get3A_1024, %get3A_1025, %get3A_1026] {strides = array<i32>} : memref<2x64x64xf32, #tpu.memory_space<vmem>>, vector<1x1x16xf32>,
      %get3A_1028 = vector.shape_cast %get3A_1027 : vector<1x1x16xf32> to vector<16xf32>
      %add3A_1029 = arith.addf %add3A_1022, %get3A_1028 : vector<16xf32>
      %get3A_1030 = arith.constant 0 : index
      %get3A_1031 = tpu.vector_load %arg8[%get3A_1030] {strides = array<i32>} : memref<16xf32, #tpu.memory_space<vmem>>, vector<16xf32>,
      %get3A_1032 = vector.shape_cast %get3A_1031 : vector<16xf32> to vector<16xf32>
      %add3A_1033 = arith.addf %get3A_1032, %add3A_1029 : vector<16xf32>
      %swap3A_1034 = arith.constant 0 : index
      %swap3A_1035 = tpu.vector_load %arg8[%swap3A_1034] {strides = array<i32>} : memref<16xf32, #tpu.memory_space<vmem>>, vector<16xf32>,
      %swap3A_1036 = vector.shape_cast %swap3A_1035 : vector<16xf32> to vector<16xf32>
      %swap3A_1037 = vector.shape_cast %add3A_1033 : vector<16xf32> to vector<16xf32>
      tpu.vector_store %arg8[%swap3A_1034], %swap3A_1037 {strides = array<i32>} : memref<16xf32, #tpu.memory_space<vmem>>, vector<16xf32>,
    }
    %scan3A_973 = arith.constant 64 : i32
    %dma_wait3A_974 = arith.constant 62 : i32
    %dma_wait3A_975 = arith.constant 0 : i32
    %dma_wait3A_976 = arith.constant 0 : i32
    %dma_wait3A_977 = tpu.memref_slice %arg2[%select_n3A, %select_n3A_32, %dma_wait3A_974, %dma_wait3A_975, %dma_wait3A_976] : memref<4x32x64x64x64xf32, #tpu.memory_space<hbm>> -> memref<1x1x2x64x64xf32, #tpu.memory_space<hbm>>
    %dma_wait3A_978 = tpu.memref_squeeze %dma_wait3A_977 : memref<1x1x2x64x64xf32, #tpu.memory_space<hbm>> -> memref<2x64x64xf32, #tpu.memory_space<hbm>>
    %dma_wait3A_979 = arith.constant 62 : i32
    %dma_wait3A_980 = arith.constant 0 : i32
    %dma_wait3A_981 = arith.constant 0 : i32
    %dma_wait3A_982 = tpu.memref_slice %arg2[%select_n3A, %select_n3A_32, %dma_wait3A_979, %dma_wait3A_980, %dma_wait3A_981] : memref<4x32x64x64x64xf32, #tpu.memory_space<hbm>> -> memref<1x1x2x64x64xf32, #tpu.memory_space<hbm>>
    %dma_wait3A_983 = tpu.memref_squeeze %dma_wait3A_982 : memref<1x1x2x64x64xf32, #tpu.memory_space<hbm>> -> memref<2x64x64xf32, #tpu.memory_space<hbm>>
    tpu.wait_dma2 semaphore(%arg13 : memref<!tpu.dma_semaphore, #tpu.memory_space<semaphore_mem>>) src(%dma_wait3A_983 : memref<2x64x64xf32, #tpu.memory_space<hbm>>) dst(%arg7 : memref<2x64x64xf32, #tpu.memory_space<vmem>>)
    %scan3A_984 = arith.constant 0 : i32
    %scan3A_985 = arith.constant 64 : i32
    %scan3A_986 = arith.addi %scan3A_984, %scan3A_985 : i32
    %scan3A_987 = arith.constant 1 : i32
    scf.for %scan3A_999 = %scan3A_984 to %scan3A_986 step %scan3A_987  : i32 {
      %mul3A_1000 = arith.constant 1 : i32
      %mul3A_1001 = arith.muli %scan3A_999, %mul3A_1000 : i32
      %add3A_1002 = arith.constant 0 : i32
      %add3A_1003 = arith.addi %add3A_1002, %mul3A_1001 : i32
      %get3A = arith.constant 0 : i32
      %get3A_1004 = arith.index_cast %get3A : i32 to index
      %get3A_1005 = arith.index_cast %add3A_1003 : i32 to index
      %get3A_1006 = arith.constant 0 : index
      %get3A_1007 = tpu.vector_load %arg7[%get3A_1004, %get3A_1005, %get3A_1006] {strides = array<i32>} : memref<2x64x64xf32, #tpu.memory_space<vmem>>, vector<1x1x16xf32>,
      %get3A_1008 = vector.shape_cast %get3A_1007 : vector<1x1x16xf32> to vector<16xf32>
      %get3A_1009 = arith.constant 0 : i32
      %get3A_1010 = arith.index_cast %get3A_1009 : i32 to index
      %get3A_1011 = arith.index_cast %add3A_1003 : i32 to index
      %get3A_1012 = arith.constant 16 : index
      %get3A_1013 = tpu.vector_load %arg7[%get3A_1010, %get3A_1011, %get3A_1012] {strides = array<i32>} : memref<2x64x64xf32, #tpu.memory_space<vmem>>, vector<1x1x16xf32>,
      %get3A_1014 = vector.shape_cast %get3A_1013 : vector<1x1x16xf32> to vector<16xf32>
      %add3A_1015 = arith.addf %get3A_1008, %get3A_1014 : vector<16xf32>
      %get3A_1016 = arith.constant 0 : i32
      %get3A_1017 = arith.index_cast %get3A_1016 : i32 to index
      %get3A_1018 = arith.index_cast %add3A_1003 : i32 to index
      %get3A_1019 = arith.constant 32 : index
      %get3A_1020 = tpu.vector_load %arg7[%get3A_1017, %get3A_1018, %get3A_1019] {strides = array<i32>} : memref<2x64x64xf32, #tpu.memory_space<vmem>>, vector<1x1x16xf32>,
      %get3A_1021 = vector.shape_cast %get3A_1020 : vector<1x1x16xf32> to vector<16xf32>
      %add3A_1022 = arith.addf %add3A_1015, %get3A_1021 : vector<16xf32>
      %get3A_1023 = arith.constant 0 : i32
      %get3A_1024 = arith.index_cast %get3A_1023 : i32 to index
      %get3A_1025 = arith.index_cast %add3A_1003 : i32 to index
      %get3A_1026 = arith.constant 48 : index
      %get3A_1027 = tpu.vector_load %arg7[%get3A_1024, %get3A_1025, %get3A_1026] {strides = array<i32>} : memref<2x64x64xf32, #tpu.memory_space<vmem>>, vector<1x1x16xf32>,
      %get3A_1028 = vector.shape_cast %get3A_1027 : vector<1x1x16xf32> to vector<16xf32>
      %add3A_1029 = arith.addf %add3A_1022, %get3A_1028 : vector<16xf32>
      %get3A_1030 = arith.constant 0 : index
      %get3A_1031 = tpu.vector_load %arg8[%get3A_1030] {strides = array<i32>} : memref<16xf32, #tpu.memory_space<vmem>>, vector<16xf32>,
      %get3A_1032 = vector.shape_cast %get3A_1031 : vector<16xf32> to vector<16xf32>
      %add3A_1033 = arith.addf %get3A_1032, %add3A_1029 : vector<16xf32>
      %swap3A_1034 = arith.constant 0 : index
      %swap3A_1035 = tpu.vector_load %arg8[%swap3A_1034] {strides = array<i32>} : memref<16xf32, #tpu.memory_space<vmem>>, vector<16xf32>,
      %swap3A_1036 = vector.shape_cast %swap3A_1035 : vector<16xf32> to vector<16xf32>
      %swap3A_1037 = vector.shape_cast %add3A_1033 : vector<16xf32> to vector<16xf32>
      tpu.vector_store %arg8[%swap3A_1034], %swap3A_1037 {strides = array<i32>} : memref<16xf32, #tpu.memory_space<vmem>>, vector<16xf32>,
    }
    %scan3A_988 = arith.constant 64 : i32
    %scan3A_989 = arith.constant 0 : i32
    %scan3A_990 = arith.constant 64 : i32
    %scan3A_991 = arith.addi %scan3A_989, %scan3A_990 : i32
    %scan3A_992 = arith.constant 1 : i32
    scf.for %scan3A_999 = %scan3A_989 to %scan3A_991 step %scan3A_992  : i32 {
      %mul3A_1000 = arith.constant 1 : i32
      %mul3A_1001 = arith.muli %scan3A_999, %mul3A_1000 : i32
      %add3A_1002 = arith.constant 0 : i32
      %add3A_1003 = arith.addi %add3A_1002, %mul3A_1001 : i32
      %get3A = arith.constant 1 : i32
      %get3A_1004 = arith.index_cast %get3A : i32 to index
      %get3A_1005 = arith.index_cast %add3A_1003 : i32 to index
      %get3A_1006 = arith.constant 0 : index
      %get3A_1007 = tpu.vector_load %arg7[%get3A_1004, %get3A_1005, %get3A_1006] {strides = array<i32>} : memref<2x64x64xf32, #tpu.memory_space<vmem>>, vector<1x1x16xf32>,
      %get3A_1008 = vector.shape_cast %get3A_1007 : vector<1x1x16xf32> to vector<16xf32>
      %get3A_1009 = arith.constant 1 : i32
      %get3A_1010 = arith.index_cast %get3A_1009 : i32 to index
      %get3A_1011 = arith.index_cast %add3A_1003 : i32 to index
      %get3A_1012 = arith.constant 16 : index
      %get3A_1013 = tpu.vector_load %arg7[%get3A_1010, %get3A_1011, %get3A_1012] {strides = array<i32>} : memref<2x64x64xf32, #tpu.memory_space<vmem>>, vector<1x1x16xf32>,
      %get3A_1014 = vector.shape_cast %get3A_1013 : vector<1x1x16xf32> to vector<16xf32>
      %add3A_1015 = arith.addf %get3A_1008, %get3A_1014 : vector<16xf32>
      %get3A_1016 = arith.constant 1 : i32
      %get3A_1017 = arith.index_cast %get3A_1016 : i32 to index
      %get3A_1018 = arith.index_cast %add3A_1003 : i32 to index
      %get3A_1019 = arith.constant 32 : index
      %get3A_1020 = tpu.vector_load %arg7[%get3A_1017, %get3A_1018, %get3A_1019] {strides = array<i32>} : memref<2x64x64xf32, #tpu.memory_space<vmem>>, vector<1x1x16xf32>,
      %get3A_1021 = vector.shape_cast %get3A_1020 : vector<1x1x16xf32> to vector<16xf32>
      %add3A_1022 = arith.addf %add3A_1015, %get3A_1021 : vector<16xf32>
      %get3A_1023 = arith.constant 1 : i32
      %get3A_1024 = arith.index_cast %get3A_1023 : i32 to index
      %get3A_1025 = arith.index_cast %add3A_1003 : i32 to index
      %get3A_1026 = arith.constant 48 : index
      %get3A_1027 = tpu.vector_load %arg7[%get3A_1024, %get3A_1025, %get3A_1026] {strides = array<i32>} : memref<2x64x64xf32, #tpu.memory_space<vmem>>, vector<1x1x16xf32>,
      %get3A_1028 = vector.shape_cast %get3A_1027 : vector<1x1x16xf32> to vector<16xf32>
      %add3A_1029 = arith.addf %add3A_1022, %get3A_1028 : vector<16xf32>
      %get3A_1030 = arith.constant 0 : index
      %get3A_1031 = tpu.vector_load %arg8[%get3A_1030] {strides = array<i32>} : memref<16xf32, #tpu.memory_space<vmem>>, vector<16xf32>,
      %get3A_1032 = vector.shape_cast %get3A_1031 : vector<16xf32> to vector<16xf32>
      %add3A_1033 = arith.addf %get3A_1032, %add3A_1029 : vector<16xf32>
      %swap3A_1034 = arith.constant 0 : index
      %swap3A_1035 = tpu.vector_load %arg8[%swap3A_1034] {strides = array<i32>} : memref<16xf32, #tpu.memory_space<vmem>>, vector<16xf32>,
      %swap3A_1036 = vector.shape_cast %swap3A_1035 : vector<16xf32> to vector<16xf32>
      %swap3A_1037 = vector.shape_cast %add3A_1033 : vector<16xf32> to vector<16xf32>
      tpu.vector_store %arg8[%swap3A_1034], %swap3A_1037 {strides = array<i32>} : memref<16xf32, #tpu.memory_space<vmem>>, vector<16xf32>,
    }
    %scan3A_993 = arith.constant 64 : i32
    %mul3A_994 = arith.constant 32 : i32
    %mul3A_995 = arith.muli %add3A, %mul3A_994 : i32
    "tpu.region"() ({
      %run_scoped3A_999 = tpu.sem_alloc : memref<!tpu.dma_semaphore, #tpu.memory_space<semaphore_mem>>
      %dma_start3A_1000 = tpu.memref_slice %arg3[%mul3A_995] : memref<1024xf32, #tpu.memory_space<hbm>> -> memref<16xf32, #tpu.memory_space<hbm>>
      %dma_start3A_1001 = tpu.memref_slice %arg3[%mul3A_995] : memref<1024xf32, #tpu.memory_space<hbm>> -> memref<16xf32, #tpu.memory_space<hbm>>
      tpu.enqueue_dma source(%arg8 : memref<16xf32, #tpu.memory_space<vmem>>) target(%dma_start3A_1001 : memref<16xf32, #tpu.memory_space<hbm>>) target_semaphore(%run_scoped3A_999 : memref<!tpu.dma_semaphore, #tpu.memory_space<semaphore_mem>>)
      %dma_wait3A_1002 = tpu.memref_slice %arg3[%mul3A_995] : memref<1024xf32, #tpu.memory_space<hbm>> -> memref<16xf32, #tpu.memory_space<hbm>>
      %dma_wait3A_1003 = tpu.memref_slice %arg3[%mul3A_995] : memref<1024xf32, #tpu.memory_space<hbm>> -> memref<16xf32, #tpu.memory_space<hbm>>
      tpu.wait_dma2 semaphore(%run_scoped3A_999 : memref<!tpu.dma_semaphore, #tpu.memory_space<semaphore_mem>>) src(%arg8 : memref<16xf32, #tpu.memory_space<vmem>>) dst(%dma_wait3A_1003 : memref<16xf32, #tpu.memory_space<hbm>>)
      tpu.yield
    }) : () -> ()
    %run_scoped3A = arith.constant 32 : i32
    %run_scoped3A_996 = arith.constant 0 : i32
    "tpu.region"() ({
      %run_scoped3A_999 = tpu.sem_alloc : memref<!tpu.dma_semaphore, #tpu.memory_space<semaphore_mem>>
      %dma_start3A_1000 = arith.constant 0 : i32
      %dma_start3A_1001 = tpu.memref_slice %arg2[%select_n3A, %select_n3A_32, %run_scoped3A, %run_scoped3A_996, %dma_start3A_1000] : memref<4x32x64x64x64xf32, #tpu.memory_space<hbm>> -> memref<1x1x1x1x16xf32, #tpu.memory_space<hbm>>
      %dma_start3A_1002 = tpu.memref_squeeze %dma_start3A_1001 : memref<1x1x1x1x16xf32, #tpu.memory_space<hbm>> -> memref<16xf32, #tpu.memory_space<hbm>>
      %dma_start3A_1003 = arith.constant 0 : i32
      %dma_start3A_1004 = tpu.memref_slice %arg2[%select_n3A, %select_n3A_32, %run_scoped3A, %run_scoped3A_996, %dma_start3A_1003] : memref<4x32x64x64x64xf32, #tpu.memory_space<hbm>> -> memref<1x1x1x1x16xf32, #tpu.memory_space<hbm>>
      %dma_start3A_1005 = tpu.memref_squeeze %dma_start3A_1004 : memref<1x1x1x1x16xf32, #tpu.memory_space<hbm>> -> memref<16xf32, #tpu.memory_space<hbm>>
      tpu.enqueue_dma source(%dma_start3A_1005 : memref<16xf32, #tpu.memory_space<hbm>>) target(%arg9 : memref<16xf32, #tpu.memory_space<vmem>>) target_semaphore(%run_scoped3A_999 : memref<!tpu.dma_semaphore, #tpu.memory_space<semaphore_mem>>)
      %dma_wait3A_1006 = arith.constant 0 : i32
      %dma_wait3A_1007 = tpu.memref_slice %arg2[%select_n3A, %select_n3A_32, %run_scoped3A, %run_scoped3A_996, %dma_wait3A_1006] : memref<4x32x64x64x64xf32, #tpu.memory_space<hbm>> -> memref<1x1x1x1x16xf32, #tpu.memory_space<hbm>>
      %dma_wait3A_1008 = tpu.memref_squeeze %dma_wait3A_1007 : memref<1x1x1x1x16xf32, #tpu.memory_space<hbm>> -> memref<16xf32, #tpu.memory_space<hbm>>
      %dma_wait3A_1009 = arith.constant 0 : i32
      %dma_wait3A_1010 = tpu.memref_slice %arg2[%select_n3A, %select_n3A_32, %run_scoped3A, %run_scoped3A_996, %dma_wait3A_1009] : memref<4x32x64x64x64xf32, #tpu.memory_space<hbm>> -> memref<1x1x1x1x16xf32, #tpu.memory_space<hbm>>
      %dma_wait3A_1011 = tpu.memref_squeeze %dma_wait3A_1010 : memref<1x1x1x1x16xf32, #tpu.memory_space<hbm>> -> memref<16xf32, #tpu.memory_space<hbm>>
      tpu.wait_dma2 semaphore(%run_scoped3A_999 : memref<!tpu.dma_semaphore, #tpu.memory_space<semaphore_mem>>) src(%dma_wait3A_1011 : memref<16xf32, #tpu.memory_space<hbm>>) dst(%arg9 : memref<16xf32, #tpu.memory_space<vmem>>)
      tpu.yield
    }) : () -> ()
    %add3A_997 = arith.constant 16 : i32
    %add3A_998 = arith.addi %mul3A_995, %add3A_997 : i32
    "tpu.region"() ({
      %run_scoped3A_999 = tpu.sem_alloc : memref<!tpu.dma_semaphore, #tpu.memory_space<semaphore_mem>>
      %dma_start3A_1000 = tpu.memref_slice %arg3[%add3A_998] : memref<1024xf32, #tpu.memory_space<hbm>> -> memref<16xf32, #tpu.memory_space<hbm>>
      %dma_start3A_1001 = tpu.memref_slice %arg3[%add3A_998] : memref<1024xf32, #tpu.memory_space<hbm>> -> memref<16xf32, #tpu.memory_space<hbm>>
      tpu.enqueue_dma source(%arg9 : memref<16xf32, #tpu.memory_space<vmem>>) target(%dma_start3A_1001 : memref<16xf32, #tpu.memory_space<hbm>>) target_semaphore(%run_scoped3A_999 : memref<!tpu.dma_semaphore, #tpu.memory_space<semaphore_mem>>)
      %dma_wait3A_1002 = tpu.memref_slice %arg3[%add3A_998] : memref<1024xf32, #tpu.memory_space<hbm>> -> memref<16xf32, #tpu.memory_space<hbm>>
      %dma_wait3A_1003 = tpu.memref_slice %arg3[%add3A_998] : memref<1024xf32, #tpu.memory_space<hbm>> -> memref<16xf32, #tpu.memory_space<hbm>>
      tpu.wait_dma2 semaphore(%run_scoped3A_999 : memref<!tpu.dma_semaphore, #tpu.memory_space<semaphore_mem>>) src(%arg9 : memref<16xf32, #tpu.memory_space<vmem>>) dst(%dma_wait3A_1003 : memref<16xf32, #tpu.memory_space<hbm>>)
      tpu.yield
    }) : () -> ()
    return
  }
}

module attributes {stable_mosaic.version = 14 : i64} {
  func.func @_tc_body(%arg0: i32, %arg1: memref<1x1x64x64x64xf32, #tpu.memory_space<vmem>>, %arg2: memref<1x1x64x64x64xf32, #tpu.memory_space<vmem>>, %arg3: memref<1x1x64x64x64xf32, #tpu.memory_space<vmem>>, %arg4: memref<1x1x64x64x64xf32, #tpu.memory_space<vmem>>, %arg5: memref<96x64xf32, #tpu.memory_space<vmem>>, %arg6: memref<96x1xf32, #tpu.memory_space<vmem>>) attributes {dimension_semantics = [#tpu.dimension_semantics<arbitrary>], iteration_bounds = array<i64: 24>, scalar_prefetch = 0 : i64, scratch_operands = 0 : i64, tpu.core_type = #tpu.core_type<tc>, window_params = [{transform_indices = @transform_0, window_bounds = array<i64: 1, 1, 64, 64, 64>}, {transform_indices = @transform_1, window_bounds = array<i64: 1, 1, 64, 64, 64>}, {transform_indices = @transform_2, window_bounds = array<i64: 1, 1, 64, 64, 64>}, {transform_indices = @transform_3, window_bounds = array<i64: 1, 1, 64, 64, 64>}, {pipeline_mode = #tpu.pipeline_mode<synchronous>, transform_indices = @transform_4, window_bounds = array<i64: 96, 64>}, {pipeline_mode = #tpu.pipeline_mode<synchronous>, transform_indices = @transform_5, window_bounds = array<i64: 96, 1>}]} {
    %add3A = arith.constant 0 : i32
    %add3A_0 = arith.addi %arg0, %add3A : i32
    %get3A = arith.constant 0 : index
    %get3A_1 = arith.constant 0 : index
    %get3A_2 = arith.constant 0 : index
    %get3A_3 = arith.constant 0 : index
    %get3A_4 = arith.constant 0 : index
    %get3A_5 = vector.load %arg1[%get3A, %get3A_1, %get3A_2, %get3A_3, %get3A_4] : memref<1x1x64x64x64xf32, #tpu.memory_space<vmem>>, vector<1x1x64x64x64xf32>
    %get3A_6 = vector.shape_cast %get3A_5 : vector<1x1x64x64x64xf32> to vector<64x64x64xf32>
    %reduce_sum3A = arith.constant dense<0.000000e+00> : vector<64x64xf32>
    %reduce_sum3A_7 = vector.multi_reduction <add>, %get3A_6, %reduce_sum3A [0] : vector<64x64x64xf32> to vector<64x64xf32>
    %reduce_sum3A_8 = arith.constant dense<0.000000e+00> : vector<64xf32>
    %reduce_sum3A_9 = vector.multi_reduction <add>, %reduce_sum3A_7, %reduce_sum3A_8 [0] : vector<64x64xf32> to vector<64xf32>
    %broadcast_in_dim3A = vector.shape_cast %reduce_sum3A_9 : vector<64xf32> to vector<1x64xf32>
    %swap3A = arith.index_cast %add3A_0 : i32 to index
    %swap3A_10 = arith.constant 0 : index
    %swap3A_11 = vector.load %arg5[%swap3A, %swap3A_10] : memref<96x64xf32, #tpu.memory_space<vmem>>, vector<1x64xf32>
    tpu.vector_store %arg5[%swap3A, %swap3A_10], %broadcast_in_dim3A {strides = array<i32>} : memref<96x64xf32, #tpu.memory_space<vmem>>, vector<1x64xf32>,
    %slice3A = vector.extract_strided_slice %get3A_6 {offsets = [32, 0, 0], sizes = [1, 1, 1], strides = [1, 1, 1]} : vector<64x64x64xf32> to vector<1x1x1xf32>
    %squeeze3A = vector.shape_cast %slice3A : vector<1x1x1xf32> to vector<1x1xf32>
    %swap3A_12 = arith.index_cast %add3A_0 : i32 to index
    %swap3A_13 = arith.constant 0 : index
    %swap3A_14 = vector.load %arg6[%swap3A_12, %swap3A_13] : memref<96x1xf32, #tpu.memory_space<vmem>>, vector<1x1xf32>
    tpu.vector_store %arg6[%swap3A_12, %swap3A_13], %squeeze3A {strides = array<i32>} : memref<96x1xf32, #tpu.memory_space<vmem>>, vector<1x1xf32>,
    %add3A_15 = arith.constant 24 : i32
    %add3A_16 = arith.addi %arg0, %add3A_15 : i32
    %get3A_17 = arith.constant 0 : index
    %get3A_18 = arith.constant 0 : index
    %get3A_19 = arith.constant 0 : index
    %get3A_20 = arith.constant 0 : index
    %get3A_21 = arith.constant 0 : index
    %get3A_22 = vector.load %arg2[%get3A_17, %get3A_18, %get3A_19, %get3A_20, %get3A_21] : memref<1x1x64x64x64xf32, #tpu.memory_space<vmem>>, vector<1x1x64x64x64xf32>
    %get3A_23 = vector.shape_cast %get3A_22 : vector<1x1x64x64x64xf32> to vector<64x64x64xf32>
    %reduce_sum3A_24 = arith.constant dense<0.000000e+00> : vector<64x64xf32>
    %reduce_sum3A_25 = vector.multi_reduction <add>, %get3A_23, %reduce_sum3A_24 [0] : vector<64x64x64xf32> to vector<64x64xf32>
    %reduce_sum3A_26 = arith.constant dense<0.000000e+00> : vector<64xf32>
    %reduce_sum3A_27 = vector.multi_reduction <add>, %reduce_sum3A_25, %reduce_sum3A_26 [0] : vector<64x64xf32> to vector<64xf32>
    %broadcast_in_dim3A_28 = vector.shape_cast %reduce_sum3A_27 : vector<64xf32> to vector<1x64xf32>
    %swap3A_29 = arith.index_cast %add3A_16 : i32 to index
    %swap3A_30 = arith.constant 0 : index
    %swap3A_31 = vector.load %arg5[%swap3A_29, %swap3A_30] : memref<96x64xf32, #tpu.memory_space<vmem>>, vector<1x64xf32>
    tpu.vector_store %arg5[%swap3A_29, %swap3A_30], %broadcast_in_dim3A_28 {strides = array<i32>} : memref<96x64xf32, #tpu.memory_space<vmem>>, vector<1x64xf32>,
    %slice3A_32 = vector.extract_strided_slice %get3A_23 {offsets = [32, 0, 0], sizes = [1, 1, 1], strides = [1, 1, 1]} : vector<64x64x64xf32> to vector<1x1x1xf32>
    %squeeze3A_33 = vector.shape_cast %slice3A_32 : vector<1x1x1xf32> to vector<1x1xf32>
    %swap3A_34 = arith.index_cast %add3A_16 : i32 to index
    %swap3A_35 = arith.constant 0 : index
    %swap3A_36 = vector.load %arg6[%swap3A_34, %swap3A_35] : memref<96x1xf32, #tpu.memory_space<vmem>>, vector<1x1xf32>
    tpu.vector_store %arg6[%swap3A_34, %swap3A_35], %squeeze3A_33 {strides = array<i32>} : memref<96x1xf32, #tpu.memory_space<vmem>>, vector<1x1xf32>,
    %add3A_37 = arith.constant 48 : i32
    %add3A_38 = arith.addi %arg0, %add3A_37 : i32
    %get3A_39 = arith.constant 0 : index
    %get3A_40 = arith.constant 0 : index
    %get3A_41 = arith.constant 0 : index
    %get3A_42 = arith.constant 0 : index
    %get3A_43 = arith.constant 0 : index
    %get3A_44 = vector.load %arg3[%get3A_39, %get3A_40, %get3A_41, %get3A_42, %get3A_43] : memref<1x1x64x64x64xf32, #tpu.memory_space<vmem>>, vector<1x1x64x64x64xf32>
    %get3A_45 = vector.shape_cast %get3A_44 : vector<1x1x64x64x64xf32> to vector<64x64x64xf32>
    %reduce_sum3A_46 = arith.constant dense<0.000000e+00> : vector<64x64xf32>
    %reduce_sum3A_47 = vector.multi_reduction <add>, %get3A_45, %reduce_sum3A_46 [0] : vector<64x64x64xf32> to vector<64x64xf32>
    %reduce_sum3A_48 = arith.constant dense<0.000000e+00> : vector<64xf32>
    %reduce_sum3A_49 = vector.multi_reduction <add>, %reduce_sum3A_47, %reduce_sum3A_48 [0] : vector<64x64xf32> to vector<64xf32>
    %broadcast_in_dim3A_50 = vector.shape_cast %reduce_sum3A_49 : vector<64xf32> to vector<1x64xf32>
    %swap3A_51 = arith.index_cast %add3A_38 : i32 to index
    %swap3A_52 = arith.constant 0 : index
    %swap3A_53 = vector.load %arg5[%swap3A_51, %swap3A_52] : memref<96x64xf32, #tpu.memory_space<vmem>>, vector<1x64xf32>
    tpu.vector_store %arg5[%swap3A_51, %swap3A_52], %broadcast_in_dim3A_50 {strides = array<i32>} : memref<96x64xf32, #tpu.memory_space<vmem>>, vector<1x64xf32>,
    %slice3A_54 = vector.extract_strided_slice %get3A_45 {offsets = [32, 0, 0], sizes = [1, 1, 1], strides = [1, 1, 1]} : vector<64x64x64xf32> to vector<1x1x1xf32>
    %squeeze3A_55 = vector.shape_cast %slice3A_54 : vector<1x1x1xf32> to vector<1x1xf32>
    %swap3A_56 = arith.index_cast %add3A_38 : i32 to index
    %swap3A_57 = arith.constant 0 : index
    %swap3A_58 = vector.load %arg6[%swap3A_56, %swap3A_57] : memref<96x1xf32, #tpu.memory_space<vmem>>, vector<1x1xf32>
    tpu.vector_store %arg6[%swap3A_56, %swap3A_57], %squeeze3A_55 {strides = array<i32>} : memref<96x1xf32, #tpu.memory_space<vmem>>, vector<1x1xf32>,
    %add3A_59 = arith.constant 72 : i32
    %add3A_60 = arith.addi %arg0, %add3A_59 : i32
    %get3A_61 = arith.constant 0 : index
    %get3A_62 = arith.constant 0 : index
    %get3A_63 = arith.constant 0 : index
    %get3A_64 = arith.constant 0 : index
    %get3A_65 = arith.constant 0 : index
    %get3A_66 = vector.load %arg4[%get3A_61, %get3A_62, %get3A_63, %get3A_64, %get3A_65] : memref<1x1x64x64x64xf32, #tpu.memory_space<vmem>>, vector<1x1x64x64x64xf32>
    %get3A_67 = vector.shape_cast %get3A_66 : vector<1x1x64x64x64xf32> to vector<64x64x64xf32>
    %reduce_sum3A_68 = arith.constant dense<0.000000e+00> : vector<64x64xf32>
    %reduce_sum3A_69 = vector.multi_reduction <add>, %get3A_67, %reduce_sum3A_68 [0] : vector<64x64x64xf32> to vector<64x64xf32>
    %reduce_sum3A_70 = arith.constant dense<0.000000e+00> : vector<64xf32>
    %reduce_sum3A_71 = vector.multi_reduction <add>, %reduce_sum3A_69, %reduce_sum3A_70 [0] : vector<64x64xf32> to vector<64xf32>
    %broadcast_in_dim3A_72 = vector.shape_cast %reduce_sum3A_71 : vector<64xf32> to vector<1x64xf32>
    %swap3A_73 = arith.index_cast %add3A_60 : i32 to index
    %swap3A_74 = arith.constant 0 : index
    %swap3A_75 = vector.load %arg5[%swap3A_73, %swap3A_74] : memref<96x64xf32, #tpu.memory_space<vmem>>, vector<1x64xf32>
    tpu.vector_store %arg5[%swap3A_73, %swap3A_74], %broadcast_in_dim3A_72 {strides = array<i32>} : memref<96x64xf32, #tpu.memory_space<vmem>>, vector<1x64xf32>,
    %slice3A_76 = vector.extract_strided_slice %get3A_67 {offsets = [32, 0, 0], sizes = [1, 1, 1], strides = [1, 1, 1]} : vector<64x64x64xf32> to vector<1x1x1xf32>
    %squeeze3A_77 = vector.shape_cast %slice3A_76 : vector<1x1x1xf32> to vector<1x1xf32>
    %swap3A_78 = arith.index_cast %add3A_60 : i32 to index
    %swap3A_79 = arith.constant 0 : index
    %swap3A_80 = vector.load %arg6[%swap3A_78, %swap3A_79] : memref<96x1xf32, #tpu.memory_space<vmem>>, vector<1x1xf32>
    tpu.vector_store %arg6[%swap3A_78, %swap3A_79], %squeeze3A_77 {strides = array<i32>} : memref<96x1xf32, #tpu.memory_space<vmem>>, vector<1x1xf32>,
    return
  }
  func.func @transform_0(%arg0: i32) -> (i32, i32, i32, i32, i32) {
    %add3A = arith.constant 0 : i32
    %add3A_0 = arith.addi %arg0, %add3A : i32
    %jit3A = arith.constant 32 : i32
    %div3A = arith.divsi %add3A_0, %jit3A : i32
    %sign3A = arith.constant 0 : i32
    %sign3A_1 = arith.cmpi sgt, %add3A_0, %sign3A : i32
    %sign3A_2 = arith.extui %sign3A_1 : i1 to i32
    %sign3A_3 = arith.constant 0 : i32
    %sign3A_4 = arith.cmpi slt, %add3A_0, %sign3A_3 : i32
    %sign3A_5 = arith.extui %sign3A_4 : i1 to i32
    %sign3A_6 = arith.subi %sign3A_2, %sign3A_5 : i32
    %sign3A_7 = arith.constant 0 : i32
    %sign3A_8 = arith.cmpi sgt, %jit3A, %sign3A_7 : i32
    %sign3A_9 = arith.extui %sign3A_8 : i1 to i32
    %sign3A_10 = arith.constant 0 : i32
    %sign3A_11 = arith.cmpi slt, %jit3A, %sign3A_10 : i32
    %sign3A_12 = arith.extui %sign3A_11 : i1 to i32
    %sign3A_13 = arith.subi %sign3A_9, %sign3A_12 : i32
    %ne3A = arith.cmpi ne, %sign3A_6, %sign3A_13 : i32
    %rem3A = arith.remsi %add3A_0, %jit3A : i32
    %ne3A_14 = arith.constant 0 : i32
    %ne3A_15 = arith.cmpi ne, %rem3A, %ne3A_14 : i32
    %and3A = arith.andi %ne3A, %ne3A_15 : i1
    %sub3A = arith.constant 1 : i32
    %sub3A_16 = arith.subi %div3A, %sub3A : i32
    %select_n3A = arith.select %and3A, %sub3A_16, %div3A : i32
    %add3A_17 = arith.constant 0 : i32
    %add3A_18 = arith.addi %arg0, %add3A_17 : i32
    %jit3A_19 = arith.constant 32 : i32
    %eq3A = arith.constant 0 : i32
    %eq3A_20 = arith.cmpi eq, %jit3A_19, %eq3A : i32
    %jit3A_21 = arith.constant 1 : i32
    %select_n3A_22 = arith.select %eq3A_20, %jit3A_21, %jit3A_19 : i32
    %rem3A_23 = arith.remsi %add3A_18, %select_n3A_22 : i32
    %ne3A_24 = arith.constant 0 : i32
    %ne3A_25 = arith.cmpi ne, %rem3A_23, %ne3A_24 : i32
    %lt3A = arith.constant 0 : i32
    %lt3A_26 = arith.cmpi slt, %rem3A_23, %lt3A : i32
    %lt3A_27 = arith.constant 0 : i32
    %lt3A_28 = arith.cmpi slt, %select_n3A_22, %lt3A_27 : i32
    %ne3A_29 = arith.xori %lt3A_26, %lt3A_28 : i1
    %and3A_30 = arith.andi %ne3A_29, %ne3A_25 : i1
    %add3A_31 = arith.addi %rem3A_23, %select_n3A_22 : i32
    %select_n3A_32 = arith.select %and3A_30, %add3A_31, %rem3A_23 : i32
    %c0_i32 = arith.constant 0 : i32
    %c0_i32_33 = arith.constant 0 : i32
    %c0_i32_34 = arith.constant 0 : i32
    %c0_i32_35 = arith.constant 0 : i32
    return %select_n3A, %select_n3A_32, %c0_i32, %c0_i32_33, %c0_i32_34 : i32, i32, i32, i32, i32
  }
  func.func @transform_1(%arg0: i32) -> (i32, i32, i32, i32, i32) {
    %add3A = arith.constant 24 : i32
    %add3A_0 = arith.addi %arg0, %add3A : i32
    %jit3A = arith.constant 32 : i32
    %div3A = arith.divsi %add3A_0, %jit3A : i32
    %sign3A = arith.constant 0 : i32
    %sign3A_1 = arith.cmpi sgt, %add3A_0, %sign3A : i32
    %sign3A_2 = arith.extui %sign3A_1 : i1 to i32
    %sign3A_3 = arith.constant 0 : i32
    %sign3A_4 = arith.cmpi slt, %add3A_0, %sign3A_3 : i32
    %sign3A_5 = arith.extui %sign3A_4 : i1 to i32
    %sign3A_6 = arith.subi %sign3A_2, %sign3A_5 : i32
    %sign3A_7 = arith.constant 0 : i32
    %sign3A_8 = arith.cmpi sgt, %jit3A, %sign3A_7 : i32
    %sign3A_9 = arith.extui %sign3A_8 : i1 to i32
    %sign3A_10 = arith.constant 0 : i32
    %sign3A_11 = arith.cmpi slt, %jit3A, %sign3A_10 : i32
    %sign3A_12 = arith.extui %sign3A_11 : i1 to i32
    %sign3A_13 = arith.subi %sign3A_9, %sign3A_12 : i32
    %ne3A = arith.cmpi ne, %sign3A_6, %sign3A_13 : i32
    %rem3A = arith.remsi %add3A_0, %jit3A : i32
    %ne3A_14 = arith.constant 0 : i32
    %ne3A_15 = arith.cmpi ne, %rem3A, %ne3A_14 : i32
    %and3A = arith.andi %ne3A, %ne3A_15 : i1
    %sub3A = arith.constant 1 : i32
    %sub3A_16 = arith.subi %div3A, %sub3A : i32
    %select_n3A = arith.select %and3A, %sub3A_16, %div3A : i32
    %add3A_17 = arith.constant 24 : i32
    %add3A_18 = arith.addi %arg0, %add3A_17 : i32
    %jit3A_19 = arith.constant 32 : i32
    %eq3A = arith.constant 0 : i32
    %eq3A_20 = arith.cmpi eq, %jit3A_19, %eq3A : i32
    %jit3A_21 = arith.constant 1 : i32
    %select_n3A_22 = arith.select %eq3A_20, %jit3A_21, %jit3A_19 : i32
    %rem3A_23 = arith.remsi %add3A_18, %select_n3A_22 : i32
    %ne3A_24 = arith.constant 0 : i32
    %ne3A_25 = arith.cmpi ne, %rem3A_23, %ne3A_24 : i32
    %lt3A = arith.constant 0 : i32
    %lt3A_26 = arith.cmpi slt, %rem3A_23, %lt3A : i32
    %lt3A_27 = arith.constant 0 : i32
    %lt3A_28 = arith.cmpi slt, %select_n3A_22, %lt3A_27 : i32
    %ne3A_29 = arith.xori %lt3A_26, %lt3A_28 : i1
    %and3A_30 = arith.andi %ne3A_29, %ne3A_25 : i1
    %add3A_31 = arith.addi %rem3A_23, %select_n3A_22 : i32
    %select_n3A_32 = arith.select %and3A_30, %add3A_31, %rem3A_23 : i32
    %c0_i32 = arith.constant 0 : i32
    %c0_i32_33 = arith.constant 0 : i32
    %c0_i32_34 = arith.constant 0 : i32
    %c0_i32_35 = arith.constant 0 : i32
    return %select_n3A, %select_n3A_32, %c0_i32, %c0_i32_33, %c0_i32_34 : i32, i32, i32, i32, i32
  }
  func.func @transform_2(%arg0: i32) -> (i32, i32, i32, i32, i32) {
    %add3A = arith.constant 48 : i32
    %add3A_0 = arith.addi %arg0, %add3A : i32
    %jit3A = arith.constant 32 : i32
    %div3A = arith.divsi %add3A_0, %jit3A : i32
    %sign3A = arith.constant 0 : i32
    %sign3A_1 = arith.cmpi sgt, %add3A_0, %sign3A : i32
    %sign3A_2 = arith.extui %sign3A_1 : i1 to i32
    %sign3A_3 = arith.constant 0 : i32
    %sign3A_4 = arith.cmpi slt, %add3A_0, %sign3A_3 : i32
    %sign3A_5 = arith.extui %sign3A_4 : i1 to i32
    %sign3A_6 = arith.subi %sign3A_2, %sign3A_5 : i32
    %sign3A_7 = arith.constant 0 : i32
    %sign3A_8 = arith.cmpi sgt, %jit3A, %sign3A_7 : i32
    %sign3A_9 = arith.extui %sign3A_8 : i1 to i32
    %sign3A_10 = arith.constant 0 : i32
    %sign3A_11 = arith.cmpi slt, %jit3A, %sign3A_10 : i32
    %sign3A_12 = arith.extui %sign3A_11 : i1 to i32
    %sign3A_13 = arith.subi %sign3A_9, %sign3A_12 : i32
    %ne3A = arith.cmpi ne, %sign3A_6, %sign3A_13 : i32
    %rem3A = arith.remsi %add3A_0, %jit3A : i32
    %ne3A_14 = arith.constant 0 : i32
    %ne3A_15 = arith.cmpi ne, %rem3A, %ne3A_14 : i32
    %and3A = arith.andi %ne3A, %ne3A_15 : i1
    %sub3A = arith.constant 1 : i32
    %sub3A_16 = arith.subi %div3A, %sub3A : i32
    %select_n3A = arith.select %and3A, %sub3A_16, %div3A : i32
    %add3A_17 = arith.constant 48 : i32
    %add3A_18 = arith.addi %arg0, %add3A_17 : i32
    %jit3A_19 = arith.constant 32 : i32
    %eq3A = arith.constant 0 : i32
    %eq3A_20 = arith.cmpi eq, %jit3A_19, %eq3A : i32
    %jit3A_21 = arith.constant 1 : i32
    %select_n3A_22 = arith.select %eq3A_20, %jit3A_21, %jit3A_19 : i32
    %rem3A_23 = arith.remsi %add3A_18, %select_n3A_22 : i32
    %ne3A_24 = arith.constant 0 : i32
    %ne3A_25 = arith.cmpi ne, %rem3A_23, %ne3A_24 : i32
    %lt3A = arith.constant 0 : i32
    %lt3A_26 = arith.cmpi slt, %rem3A_23, %lt3A : i32
    %lt3A_27 = arith.constant 0 : i32
    %lt3A_28 = arith.cmpi slt, %select_n3A_22, %lt3A_27 : i32
    %ne3A_29 = arith.xori %lt3A_26, %lt3A_28 : i1
    %and3A_30 = arith.andi %ne3A_29, %ne3A_25 : i1
    %add3A_31 = arith.addi %rem3A_23, %select_n3A_22 : i32
    %select_n3A_32 = arith.select %and3A_30, %add3A_31, %rem3A_23 : i32
    %c0_i32 = arith.constant 0 : i32
    %c0_i32_33 = arith.constant 0 : i32
    %c0_i32_34 = arith.constant 0 : i32
    %c0_i32_35 = arith.constant 0 : i32
    return %select_n3A, %select_n3A_32, %c0_i32, %c0_i32_33, %c0_i32_34 : i32, i32, i32, i32, i32
  }
  func.func @transform_3(%arg0: i32) -> (i32, i32, i32, i32, i32) {
    %add3A = arith.constant 72 : i32
    %add3A_0 = arith.addi %arg0, %add3A : i32
    %jit3A = arith.constant 32 : i32
    %div3A = arith.divsi %add3A_0, %jit3A : i32
    %sign3A = arith.constant 0 : i32
    %sign3A_1 = arith.cmpi sgt, %add3A_0, %sign3A : i32
    %sign3A_2 = arith.extui %sign3A_1 : i1 to i32
    %sign3A_3 = arith.constant 0 : i32
    %sign3A_4 = arith.cmpi slt, %add3A_0, %sign3A_3 : i32
    %sign3A_5 = arith.extui %sign3A_4 : i1 to i32
    %sign3A_6 = arith.subi %sign3A_2, %sign3A_5 : i32
    %sign3A_7 = arith.constant 0 : i32
    %sign3A_8 = arith.cmpi sgt, %jit3A, %sign3A_7 : i32
    %sign3A_9 = arith.extui %sign3A_8 : i1 to i32
    %sign3A_10 = arith.constant 0 : i32
    %sign3A_11 = arith.cmpi slt, %jit3A, %sign3A_10 : i32
    %sign3A_12 = arith.extui %sign3A_11 : i1 to i32
    %sign3A_13 = arith.subi %sign3A_9, %sign3A_12 : i32
    %ne3A = arith.cmpi ne, %sign3A_6, %sign3A_13 : i32
    %rem3A = arith.remsi %add3A_0, %jit3A : i32
    %ne3A_14 = arith.constant 0 : i32
    %ne3A_15 = arith.cmpi ne, %rem3A, %ne3A_14 : i32
    %and3A = arith.andi %ne3A, %ne3A_15 : i1
    %sub3A = arith.constant 1 : i32
    %sub3A_16 = arith.subi %div3A, %sub3A : i32
    %select_n3A = arith.select %and3A, %sub3A_16, %div3A : i32
    %add3A_17 = arith.constant 72 : i32
    %add3A_18 = arith.addi %arg0, %add3A_17 : i32
    %jit3A_19 = arith.constant 32 : i32
    %eq3A = arith.constant 0 : i32
    %eq3A_20 = arith.cmpi eq, %jit3A_19, %eq3A : i32
    %jit3A_21 = arith.constant 1 : i32
    %select_n3A_22 = arith.select %eq3A_20, %jit3A_21, %jit3A_19 : i32
    %rem3A_23 = arith.remsi %add3A_18, %select_n3A_22 : i32
    %ne3A_24 = arith.constant 0 : i32
    %ne3A_25 = arith.cmpi ne, %rem3A_23, %ne3A_24 : i32
    %lt3A = arith.constant 0 : i32
    %lt3A_26 = arith.cmpi slt, %rem3A_23, %lt3A : i32
    %lt3A_27 = arith.constant 0 : i32
    %lt3A_28 = arith.cmpi slt, %select_n3A_22, %lt3A_27 : i32
    %ne3A_29 = arith.xori %lt3A_26, %lt3A_28 : i1
    %and3A_30 = arith.andi %ne3A_29, %ne3A_25 : i1
    %add3A_31 = arith.addi %rem3A_23, %select_n3A_22 : i32
    %select_n3A_32 = arith.select %and3A_30, %add3A_31, %rem3A_23 : i32
    %c0_i32 = arith.constant 0 : i32
    %c0_i32_33 = arith.constant 0 : i32
    %c0_i32_34 = arith.constant 0 : i32
    %c0_i32_35 = arith.constant 0 : i32
    return %select_n3A, %select_n3A_32, %c0_i32, %c0_i32_33, %c0_i32_34 : i32, i32, i32, i32, i32
  }
  func.func @transform_4(%arg0: i32) -> (i32, i32) {
    %c0_i32 = arith.constant 0 : i32
    %c0_i32_0 = arith.constant 0 : i32
    %c0_i32_1 = arith.constant 0 : i32
    return %c0_i32, %c0_i32_0 : i32, i32
  }
  func.func @transform_5(%arg0: i32) -> (i32, i32) {
    %c0_i32 = arith.constant 0 : i32
    %c0_i32_0 = arith.constant 0 : i32
    %c0_i32_1 = arith.constant 0 : i32
    return %c0_i32, %c0_i32_0 : i32, i32
  }
}

module attributes {stable_mosaic.version = 14 : i64} {
  func.func @_finish_body(%arg0: i32, %arg1: memref<96x64xf32, #tpu.memory_space<vmem>>, %arg2: memref<96x1xf32, #tpu.memory_space<vmem>>, %arg3: memref<32x32xf32, #tpu.memory_space<vmem>>, %arg4: memref<1x1xf32, #tpu.memory_space<vmem>>) attributes {dimension_semantics = [#tpu.dimension_semantics<arbitrary>], iteration_bounds = array<i64: 1>, scalar_prefetch = 0 : i64, scratch_operands = 0 : i64, tpu.core_type = #tpu.core_type<tc>, window_params = [{pipeline_mode = #tpu.pipeline_mode<synchronous>, transform_indices = @transform_0, window_bounds = array<i64: 96, 64>}, {pipeline_mode = #tpu.pipeline_mode<synchronous>, transform_indices = @transform_1, window_bounds = array<i64: 96, 1>}, {pipeline_mode = #tpu.pipeline_mode<synchronous>, transform_indices = @transform_2, window_bounds = array<i64: 32, 32>}, {pipeline_mode = #tpu.pipeline_mode<synchronous>, transform_indices = @transform_3, window_bounds = array<i64: 1, 1>}]} {
    %get3A = arith.constant 0 : index
    %get3A_0 = arith.constant 0 : index
    %get3A_1 = vector.load %arg1[%get3A, %get3A_0] : memref<96x64xf32, #tpu.memory_space<vmem>>, vector<96x64xf32>
    %reduce_sum3A = arith.constant dense<0.000000e+00> : vector<96xf32>
    %reduce_sum3A_2 = vector.multi_reduction <add>, %get3A_1, %reduce_sum3A [1] : vector<96x64xf32> to vector<96xf32>
    %broadcast_in_dim3A = vector.shape_cast %reduce_sum3A_2 : vector<96xf32> to vector<96x1xf32>
    %get3A_3 = arith.constant 0 : index
    %get3A_4 = arith.constant 0 : index
    %get3A_5 = vector.load %arg2[%get3A_3, %get3A_4] : memref<96x1xf32, #tpu.memory_space<vmem>>, vector<96x1xf32>
    %get3A_6 = arith.constant 0 : index
    %get3A_7 = arith.constant 0 : index
    %get3A_8 = vector.load %arg3[%get3A_6, %get3A_7] : memref<32x32xf32, #tpu.memory_space<vmem>>, vector<32x32xf32>
    %slice3A = vector.extract_strided_slice %get3A_8 {offsets = [0, 0], sizes = [32, 16], strides = [1, 1]} : vector<32x32xf32> to vector<32x16xf32>
    %reduce_sum3A_9 = arith.constant dense<0.000000e+00> : vector<32xf32>
    %reduce_sum3A_10 = vector.multi_reduction <add>, %slice3A, %reduce_sum3A_9 [1] : vector<32x16xf32> to vector<32xf32>
    %broadcast_in_dim3A_11 = vector.shape_cast %reduce_sum3A_10 : vector<32xf32> to vector<32x1xf32>
    %slice3A_12 = vector.extract_strided_slice %get3A_8 {offsets = [0, 16], sizes = [32, 1], strides = [1, 1]} : vector<32x32xf32> to vector<32x1xf32>
    %concatenate3A = tpu.concatenate %broadcast_in_dim3A, %broadcast_in_dim3A_11 in 0 : vector<96x1xf32>, vector<32x1xf32> -> vector<128x1xf32>
    %concatenate3A_13 = tpu.concatenate %get3A_5, %slice3A_12 in 0 : vector<96x1xf32>, vector<32x1xf32> -> vector<128x1xf32>
    %sub3A = arith.subf %concatenate3A, %concatenate3A_13 : vector<128x1xf32>
    %mul3A = arith.constant 3.81471182E-6 : f32
    %mul3A_14 = vector.broadcast %mul3A : f32 to vector<128x1xf32>
    %mul3A_15 = arith.mulf %sub3A, %mul3A_14 : vector<128x1xf32>
    %concatenate3A_16 = tpu.concatenate %concatenate3A_13, %mul3A_15 in 0 : vector<128x1xf32>, vector<128x1xf32> -> vector<256x1xf32>
    %mul3A_17 = arith.constant 2.560000e+02 : f32
    %mul3A_18 = vector.broadcast %mul3A_17 : f32 to vector<256x1xf32>
    %mul3A_19 = arith.mulf %concatenate3A_16, %mul3A_18 : vector<256x1xf32>
    %floor3A = math.floor %mul3A_19 : vector<256x1xf32>
    %convert_element_type3A = arith.fptosi %floor3A : vector<256x1xf32> to vector<256x1xi32>
    %ge3A = arith.constant 0.000000e+00 : f32
    %ge3A_20 = vector.broadcast %ge3A : f32 to vector<256x1xf32>
    %ge3A_21 = arith.cmpf oge, %concatenate3A_16, %ge3A_20 : vector<256x1xf32>
    %le3A = arith.constant 1.000000e+00 : f32
    %le3A_22 = vector.broadcast %le3A : f32 to vector<256x1xf32>
    %le3A_23 = arith.cmpf ole, %concatenate3A_16, %le3A_22 : vector<256x1xf32>
    %and3A = arith.andi %ge3A_21, %le3A_23 : vector<256x1xi1>
    %min3A = arith.constant 255 : i32
    %min3A_24 = vector.broadcast %min3A : i32 to vector<256x1xi32>
    %min3A_25 = arith.minsi %convert_element_type3A, %min3A_24 : vector<256x1xi32>
    %iota3A = tpu.iota {dimensions = array<i32: 1>} : vector<256x256xi32>
    %eq3A = vector.broadcast %min3A_25 : vector<256x1xi32> to vector<256x256xi32>
    %eq3A_26 = arith.cmpi eq, %eq3A, %iota3A : vector<256x256xi32>
    %and3A_27 = vector.broadcast %and3A : vector<256x1xi1> to vector<256x256xi1>
    %and3A_28 = arith.andi %eq3A_26, %and3A_27 : vector<256x256xi1>
    %convert_element_type3A_29 = arith.extui %and3A_28 : vector<256x256xi1> to vector<256x256xi32>
    %convert_element_type3A_30 = arith.sitofp %convert_element_type3A_29 : vector<256x256xi32> to vector<256x256xf32>
    %reduce_sum3A_31 = arith.constant dense<0.000000e+00> : vector<256xf32>
    %reduce_sum3A_32 = vector.multi_reduction <add>, %convert_element_type3A_30, %reduce_sum3A_31 [0] : vector<256x256xf32> to vector<256xf32>
    %broadcast_in_dim3A_33 = vector.shape_cast %reduce_sum3A_32 : vector<256xf32> to vector<1x256xf32>
    %mul3A_34 = arith.constant 3.64132916E-6 : f32
    %mul3A_35 = vector.broadcast %mul3A_34 : f32 to vector<1x256xf32>
    %mul3A_36 = arith.mulf %broadcast_in_dim3A_33, %mul3A_35 : vector<1x256xf32>
    %add3A = arith.constant 1.000000e-10 : f32
    %add3A_37 = vector.broadcast %add3A : f32 to vector<1x256xf32>
    %add3A_38 = arith.addf %mul3A_36, %add3A_37 : vector<1x256xf32>
    %log3A = math.log %add3A_38 : vector<1x256xf32>
    %mul3A_39 = arith.constant 1.44269502 : f32
    %mul3A_40 = vector.broadcast %mul3A_39 : f32 to vector<1x256xf32>
    %mul3A_41 = arith.mulf %log3A, %mul3A_40 : vector<1x256xf32>
    %mul3A_42 = arith.mulf %mul3A_36, %mul3A_41 : vector<1x256xf32>
    %reduce_sum3A_43 = arith.constant dense<0.000000e+00> : vector<1xf32>
    %reduce_sum3A_44 = vector.multi_reduction <add>, %mul3A_42, %reduce_sum3A_43 [1] : vector<1x256xf32> to vector<1xf32>
    %broadcast_in_dim3A_45 = vector.shape_cast %reduce_sum3A_44 : vector<1xf32> to vector<1x1xf32>
    %neg3A = arith.constant 0.000000e+00 : f32
    %neg3A_46 = vector.broadcast %neg3A : f32 to vector<1x1xf32>
    %neg3A_47 = arith.subf %neg3A_46, %broadcast_in_dim3A_45 : vector<1x1xf32>
    %swap3A = arith.constant 0 : index
    %swap3A_48 = arith.constant 0 : index
    %swap3A_49 = vector.load %arg4[%swap3A, %swap3A_48] : memref<1x1xf32, #tpu.memory_space<vmem>>, vector<1x1xf32>
    tpu.vector_store %arg4[%swap3A, %swap3A_48], %neg3A_47 {strides = array<i32>} : memref<1x1xf32, #tpu.memory_space<vmem>>, vector<1x1xf32>,
    return
  }
  func.func @transform_0(%arg0: i32) -> (i32, i32) {
    %c0_i32 = arith.constant 0 : i32
    %c0_i32_0 = arith.constant 0 : i32
    %c0_i32_1 = arith.constant 0 : i32
    return %c0_i32, %c0_i32_0 : i32, i32
  }
  func.func @transform_1(%arg0: i32) -> (i32, i32) {
    %c0_i32 = arith.constant 0 : i32
    %c0_i32_0 = arith.constant 0 : i32
    %c0_i32_1 = arith.constant 0 : i32
    return %c0_i32, %c0_i32_0 : i32, i32
  }
  func.func @transform_2(%arg0: i32) -> (i32, i32) {
    %c0_i32 = arith.constant 0 : i32
    %c0_i32_0 = arith.constant 0 : i32
    %c0_i32_1 = arith.constant 0 : i32
    return %c0_i32, %c0_i32_0 : i32, i32
  }
  func.func @transform_3(%arg0: i32) -> (i32, i32) {
    %c0_i32 = arith.constant 0 : i32
    %c0_i32_0 = arith.constant 0 : i32
    %c0_i32_1 = arith.constant 0 : i32
    return %c0_i32, %c0_i32_0 : i32, i32
  }
}

</mosaic_0001>

<sc_bundles>
// kernel: kernel.5.cloned.1.call-start
scs
__scs_entry_jumppad:
0x0: {  	(pc) =	sbr.rel $0x88, $3  }
0x1: {  	(tag) =	ssettag $0x0;
	lr =	simm.s32 $0x1  }
0x2: {  	[smem:$0x3FA0] =	sst lr;
	_ =	strace $0xD0000000  }
0x3: {  	_ = 	snop  }
0x4: {  	_ = 	snop  }
0x5: {  	_ = 	snop  }
0x6: {  	_ = 	snop  }
0x7: {  	_ = 	snop  }
__scs_overlays_trampoline_lowered:
0x8: {  	[smem:$0x3FAF] =	sst s0  }
0x9: {  	[smem:$0x3FB0] =	sst s1  }
0xa: {  	[smem:$0x3FB1] =	sst s2  }
0xb: {  	[smem:$0x3FB2] =	sst s3  }
0xc: {  	[smem:$0x3FB3] =	sst s4  }
0xd: {  	[smem:$0x3FB4] =	sst s5  }
0xe: {  	[smem:$0x3FB5] =	sst s6  }
0xf: {  	[smem:$0x3FB6] =	sst s7  }
0x10: {  	[smem:$0x3FB7] =	sst s8  }
0x11: {  	[smem:$0x3FB8] =	sst s9;
	s0 =	simm.s32 @!p0 $0x0  }
0x12: {  	s1 =	sld [smem:$0x3F9E];
	s0 =	simm.s32 @p0 $0x1  }
0x13: {  	[smem:$0x3FB9] =	sst s0;
	s0 =	simm.s32 @!p1 $0x0  }
0x14: {  	s2 =	sld [smem:$0x3F9D];
	s0 =	simm.s32 @p1 $0x1  }
0x15: {  	[smem:$0x3FBA] =	sst s0;
	s0 =	simm.s32 @!p2 $0x0  }
0x16: {  	s3 =	sld [smem:$0x3FDB];
	s0 =	simm.s32 @p2 $0x1  }
0x17: {  	s4 =	simm.s32 $0x1BF5;
	[smem:$0x3FBC] =	sst s0  }
0x18: {  	s0 =	sld [smem:$0x3F9F];
	_ =	swait.ge [sflag:s4], $0x0  }
0x19: {  	s7 =	sld [smem:$0x3FA0]  }
0x1a: {  	s8 =	sadd.s32 $0xFFFFE003, lr  }
0x1b: {  	s9 =	sadd.s32 $0xFFFFFEF7, lr;
	s5 =	simm.s32 $0xFFFFFFFF;
	p2 =	slt.u32 s8, $0xFFFFF086  }
0x1c: {  	p1 =	slt.u32 s9, $0xF7A;
	s5 =	simm.s32 @!p2 $0x0  }
0x1d: {  	s5 =	simm.s32 @p1 $0x1;
	p0 =	seq.s32 s7, s2  }
0x1e: {  	s7 =	smul.u32 @!p0 $0xF7A, s2;
	p2 =	seq.s32 @!p0 s5, $0x0  }
0x1f: {  	s9 =	smul.u32 $0xF7A, s1;
	s8 =	simm.s32 @!p0 $0x1BF5;
	p2 =	por !p2, p0  }
0x20: {  	[sflag:s8] =	ssyncset.s32 @!p0 $0xFFFFF086;
	s6 =	sadd.s32 @!p0 s3, s7;
	s7 =	simm.s32 @!p0 $0x108  }
0x21: {  	s3 =	sadd.s32 s3, s9;
	s6 =	sadd.s32 @!p0 $0x88, s6;
	s7 =	simm.s32 @p2 $0x1082  }
0x22: {  	[simem:s7], [sflag:s8] =	dma.local @!p0 [hbm:s6], $0xF7A  }
0x23: {  	s9 =	sor.u32 $0xD0000000, s2;
	s6 =	simm.s32 $0x108;
	_ =	swait.ge @!p0 [sflag:s8], $0x0  }
0x24: {  	s3 =	sadd.s32 $0x88, s3;
	s6 =	simm.s32 @!p1 $0x1082;
	[sflag:s4] =	ssyncset.s32 $0xFFFFF086  }
0x25: {  	[simem:s6], [sflag:s4] =	dma.local [hbm:s3], $0xF7A  }
0x26: {  	[smem:$0x3FA0] =	sst s1;
	(tag) =	ssettag s2;
	_ =	strace s9  }
0x27: {  	s1 =	sld [smem:$0x3FB0]  }
0x28: {  	s2 =	sld [smem:$0x3FB1]  }
0x29: {  	s4 =	sld [smem:$0x3FB3]  }
0x2a: {  	p0 =	seq.s32 s5, $0x0;
	s5 =	sld [smem:$0x3FB4]  }
0x2b: {  	s6 =	sld [smem:$0x3FB5]  }
0x2c: {  	s7 =	sld [smem:$0x3FB6]  }
0x2d: {  	s3 =	simm.s32 $0x108;
	s8 =	sld [smem:$0x3FB7]  }
0x2e: {  	s3 =	simm.s32 @!p0 $0x1082;
	s9 =	sld [smem:$0x3FB8]  }
0x2f: {  	lr =	sadd.s32 s0, s3;
	s0 =	sld [smem:$0x3FAF]  }
0x30: {  	s3 =	sld [smem:$0x3FB2]  }
0x31: {  	[smem:$0x3FBB] =	sst s10  }
0x32: {  	s10 =	sld [smem:$0x3FB9];
	_ =	sdelay $0x3  }
0x33: {  	p0 =	seq.s32 s10, $0x1;
	s10 =	sld [smem:$0x3FBB];
	_ =	sdelay $0x3  }
0x34: {  	[smem:$0x3FBB] =	sst s10  }
0x35: {  	s10 =	sld [smem:$0x3FBA];
	_ =	sdelay $0x3  }
0x36: {  	p1 =	seq.s32 s10, $0x1;
	s10 =	sld [smem:$0x3FBB];
	_ =	sdelay $0x3  }
0x37: {  	[smem:$0x3FBB] =	sst s10  }
0x38: {  	s10 =	sld [smem:$0x3FBC]  }
0x39: {  	_ = 	snop;
	(pc) =	sbr.ind lr, $3  }
0x3a: {  	_ = 	snop  }
0x3b: {  	_ = 	snop  }
0x3c: {  	p2 =	seq.s32 s10, $0x1;
	s10 =	sld [smem:$0x3FBB]  }
0x3d: {  	_ =	shalt  }
0x3e: {  	_ =	shalt  }
0x3f: {  	_ =	shalt  }
0x40: {  	_ =	shalt  }
0x41: {  	_ =	shalt  }
0x42: {  	_ =	shalt  }
0x43: {  	_ =	shalt  }
0x44: {  	_ =	shalt  }
0x45: {  	_ =	shalt  }
0x46: {  	_ =	shalt  }
0x47: {  	_ =	shalt  }
0x48: {  	_ =	shalt  }
0x49: {  	_ =	shalt  }
0x4a: {  	_ =	shalt  }
0x4b: {  	_ =	shalt  }
0x4c: {  	_ =	shalt  }
0x4d: {  	_ =	shalt  }
0x4e: {  	_ =	shalt  }
0x4f: {  	_ =	shalt  }
0x50: {  	_ =	shalt  }
0x51: {  	_ =	shalt  }
0x52: {  	_ =	shalt  }
0x53: {  	_ =	shalt  }
0x54: {  	_ =	shalt  }
0x55: {  	_ =	shalt  }
0x56: {  	_ =	shalt  }
0x57: {  	_ =	shalt  }
0x58: {  	_ =	shalt  }
0x59: {  	_ =	shalt  }
0x5a: {  	_ =	shalt  }
0x5b: {  	_ =	shalt  }
0x5c: {  	_ =	shalt  }
0x5d: {  	_ =	shalt  }
0x5e: {  	_ =	shalt  }
0x5f: {  	_ =	shalt  }
0x60: {  	_ =	shalt  }
0x61: {  	_ =	shalt  }
0x62: {  	_ =	shalt  }
0x63: {  	_ =	shalt  }
0x64: {  	_ =	shalt  }
0x65: {  	_ =	shalt  }
0x66: {  	_ =	shalt  }
0x67: {  	_ =	shalt  }
0x68: {  	_ =	shalt  }
0x69: {  	_ =	shalt  }
0x6a: {  	_ =	shalt  }
0x6b: {  	_ =	shalt  }
0x6c: {  	_ =	shalt  }
0x6d: {  	_ =	shalt  }
0x6e: {  	_ =	shalt  }
0x6f: {  	_ =	shalt  }
0x70: {  	_ =	shalt  }
0x71: {  	_ =	shalt  }
0x72: {  	_ =	shalt  }
0x73: {  	_ =	shalt  }
0x74: {  	_ =	shalt  }
0x75: {  	_ =	shalt  }
0x76: {  	_ =	shalt  }
0x77: {  	_ =	shalt  }
0x78: {  	_ =	shalt  }
0x79: {  	_ =	shalt  }
0x7a: {  	_ =	shalt  }
0x7b: {  	_ =	shalt  }
0x7c: {  	_ =	shalt  }
0x7d: {  	_ =	shalt  }
0x7e: {  	_ =	shalt  }
0x7f: {  	_ =	shalt  }
0x80: {  	_ =	shalt  }
0x81: {  	_ =	shalt  }
0x82: {  	_ =	shalt  }
0x83: {  	_ =	shalt  }
0x84: {  	_ =	shalt  }
0x85: {  	_ =	shalt  }
0x86: {  	_ =	shalt  }
0x87: {  	_ =	shalt  }
.Lfunc_end0:
.L_simem_size_0:
called_computation_lowered:
.L_overlay_start_0:
0x88: {  	s2 =	sld [smem:$0x3FD9]  }
0x89: {  	s3 =	sld [smem:$0x3FFE];
	_ =	sdelay $0x1  }
0x8a: {  	s1 =	srdreg.scid  }
0x8b: {  	s0 =	sand.u32 $0x1, s1  }
0x8c: {  	s17 =	sshll.u32 s0, $0xA;
	s2 =	sadd.s32 s3, s2  }
0x8d: {  	s2 =	sadd.s32 s2, s17  }
0x8e: {  	[smem:$0x3FC7] =	sst s2  }
0x8f: {  	_ = 	snop  }
0x90: {  	s2 =	sld [smem:$0x3FC9];
	(tm) =	ssettm $0x1  }
0x91: {  	s18 =	sld [smem:$0x3FFB];
	_ =	sdelay $0x3  }
0x92: {  	_ =	strace s18  }
0x93: {  	s3 =	sld [smem:$0x3FFC];
	_ =	sdelay $0x3  }
0x94: {  	_ =	strace s3  }
0x95: {  	s3 =	sld [smem:$0x3FFD];
	_ =	sdelay $0x3  }
0x96: {  	_ =	strace s3  }
0x97: {  	_ =	strace $0x8FFFFFFF  }
0x98: {  	s19 =	sld [smem:$0x3FDB];
	_ =	sdelay $0x1  }
0x99: {  	s4 =	simm.s32 $_scs_section_size  }
0x9a: {  	s5 =	simm.s32 $_size__tile_overlayer_lowered;
	s6 =	simm.s32 $_tile_overlayer_lowered  }
0x9b: {  	s22 =	simm.s32 $0x1BFF;
	s21 =	sshll.u32 s6, $0x1;
	s3 =	sadd.s32 s4, s19  }
0x9c: {  	s7 =	simm.s32 $0x0;
	s20 =	sshll.u32 s5, $0x1;
	s5 =	sadd.s32 s21, s3  }
0x9d: {  	[timem:s7], [sflag:s22] =	dma.local [hbm:s5], s20  }
0x9e: {  	_ =	swait.ge [sflag:s22], s20  }
0x9f: {  	s4 =	ssub.s32 $0x0, s20;
	[sflag:s22] =	ssyncset.done $0x0  }
0xa0: {  	[sflag:s22] =	ssyncadd.s32 s4;
	_ =	sdelay $0x1  }
0xa1: {  	s23 =	simm.s32 $0x1B8B  }
0xa2: {  	_ =	swait.ge [sflag:s23], $0x1  }
0xa3: {  	[sflag:s23] =	ssyncset.done $0x0  }
0xa4: {  	s25 =	simm.s32 $0x1B8E;
	s24 =	sld [smem:$0x3FFE];
	[sflag:s23] =	ssyncadd.s32 $0xFFFFFFFF  }
0xa5: {  	s26 =	simm.s32 $execute0_lowered;
	[smem:$0x3FD2] =	sst s25  }
0xa6: {  	s5 =	sshll.u32 s26, $0x1;
	_ =	strace $0x80000046;
	[dreg:$0x1] =	wrdreg $0xFFFFFFFF  }
0xa7: {  	s28 =	simm.s32 $_size_execute0_lowered;
	s3 =	sadd.s32 s3, s5;
	[dreg:$0x0] =	wrdreg $0x0  }
0xa8: {  	s5 =	sshll.u32 s28, $0x1;
	[dreg:$0x2] =	wrdreg s3  }
0xa9: {  	[dreg:$0x3] =	wrdreg s5  }
0xaa: {  	[dreg:$0x4] =	wrdreg $0xC0  }
0xab: {  	_ =	task [dreg:s7], $0x5FFFF  }
0xac: {  	[dreg:$0x1] =	wrdreg $0xFFFFFFFF  }
0xad: {  	[dreg:$0x0] =	wrdreg $0x60  }
0xae: {  	[dreg:$0x2] =	wrdreg s2  }
0xaf: {  	[dreg:$0x3] =	wrdreg s24  }
0xb0: {  	[dreg:$0x4] =	wrdreg $0x9  }
0xb1: {  	_ =	task.clear_ibuf [dreg:s7], $0x5FFFF;
	_ =	strace $0x90000046  }
0xb2: {  	s29 =	simm.s32 $0x9;
	_ =	strace $0x80000048  }
0xb3: {  	_ =	swait.ge [sflag:s29], $0x1  }
0xb4: {  	[sflag:s29] =	ssyncadd.s32 $0xFFFFFFFF  }
0xb5: {  	_ =	strace $0x90000048  }
0xb6: {  	_ =	sfence  }
0xb7: {  	s30 =	sld [smem:$0x0];
	_ =	sdelay $0x2  }
0xb8: {  	s31 =	sshll.u32 s1, $0xD;
	s1 =	sshrl.u32 s1, $0x2  }
0xb9: {  	s3 =	sand.u32 $0x4000, s31;
	s1 =	sadd.s32 s1, s30  }
0xba: {  	s0 =	sor.u32 s3, s0;
	s1 =	sshll.u32 s1, $0x11  }
0xbb: {  	s0 =	sor.u32 s1, s0  }
0xbc: {  	s0 =	sadd.s32 $0x8F2B, s0  }
0xbd: {  	[sflag:s0] =	ssyncadd.remote.s32 $0x1  }
0xbe: {  	_ =	sfence.sel $0xFFFF  }
0xbf: {  	[dreg:$0x0] =	wrdreg $0xFFFFFFFF;
	(pc) =	sbr.abs _section_cstart, $3  }
0xc0: {  	[dreg:$0x1] =	wrdreg $0xFFFFFFFF  }
0xc1: {  	_ =	task.clear_ibuf [dreg:s7], $0x2FFFF;
	_ =	strace $0x9FFFFFFF  }
0xc2: {  	(tm) =	ssettm $0x7FFFFFFF  }
0xc3: {  	_ =	shalt  }
tec
execute0_lowered:
.L_overlay_start_1:
0x0: {  	(tag) =	ssettag $0x1  }
0x1: {  	s0 =	srdreg.scid  }
0x2: {  	s0 =	sand.u32 $0x1, s0  }
0x3: {  	s4 =	stileid.u32;
	s2 =	sshll.u32 s0, $0x4  }
0x4: {  	s1 =	rddreg [dreg:$0x0];
	s4 =	sor.u32 s4, s2  }
0x5: {  	s3 =	rddreg [dreg:$0x1];
	s5 =	sshll.u32 s4, $0x10  }
0x6: {  	s0 =	ssub.s32 $0x2, s0;
	s2 =	simm.s32 $0x0;
	s5 =	sadd.s32 s5, s1  }
0x7: {  	[smem:$0x7FF] =	sst s2;
	s4 =	sshll.u32 s4, $0x2;
	s1 =	sadd.s32 $0x600800, s5  }
0x8: {  	_ =	strace $0x80000047;
	s26 =	sadd.s32 $0x600000, s5;
	[dreg:$0x3] =	wrdreg s1  }
0x9: {  	s6 =	sadd.s32 s4, s3;
	s3 =	sadd.s32 $0x601000, s5;
	[dreg:$0x4] =	wrdreg s26  }
0xa: {  	s18 =	sshrl.u32 s0, $0x1;
	s4 =	sadd.s32 $0x601800, s5;
	[dreg:$0x5] =	wrdreg s3  }
0xb: {  	s7 =	sadd.s32 $0x602000, s5;
	s8 =	sadd.s32 $0x602800, s5;
	[dreg:$0x6] =	wrdreg s4  }
0xc: {  	s9 =	sadd.s32 $0x603000, s5;
	s10 =	sadd.s32 $0x603800, s5;
	[dreg:$0x7] =	wrdreg s7  }
0xd: {  	s11 =	sadd.s32 $0x604800, s5;
	s12 =	sadd.s32 $0x604000, s5;
	[dreg:$0x8] =	wrdreg s8  }
0xe: {  	s13 =	sadd.s32 $0x605000, s5;
	s14 =	sadd.s32 $0x605800, s5;
	[dreg:$0x9] =	wrdreg s9  }
0xf: {  	s15 =	sadd.s32 $0x606000, s5;
	s16 =	sadd.s32 $0x606800, s5;
	[dreg:$0xa] =	wrdreg s10  }
0x10: {  	s17 =	sadd.s32 $0x607000, s5;
	s19 =	sadd.s32 $0x608800, s5;
	[dreg:$0xb] =	wrdreg s11  }
0x11: {  	s20 =	sadd.s32 $0x608000, s5;
	s21 =	sadd.s32 $0x609000, s5;
	[dreg:$0xc] =	wrdreg s12  }
0x12: {  	s22 =	sadd.s32 $0x609800, s5;
	s23 =	sadd.s32 $0x60A000, s5;
	[dreg:$0xd] =	wrdreg s13  }
0x13: {  	s24 =	sadd.s32 $0x60A800, s5;
	s25 =	sadd.s32 $0x60B000, s5;
	[dreg:$0xe] =	wrdreg s14  }
0x14: {  	s28 =	sadd.s32 $0x60C800, s5;
	s29 =	sadd.s32 $0x60C000, s5;
	[dreg:$0xf] =	wrdreg s15  }
0x15: {  	s30 =	sadd.s32 $0x60D000, s5;
	s31 =	sadd.s32 $0x60D800, s5;
	[dreg:$0x10] =	wrdreg s16  }
0x16: {  	[dreg:$0x11] =	wrdreg s17;
	s26 =	sadd.s32 $0x607800, s5;
	s7 =	ssub.s32 s0, s18  }
0x17: {  	s1 =	sadd.s32 $0x60E000, s5;
	s0 =	sadd.s32 $0x60E800, s5;
	s3 =	sadd.s32 $0x60F000, s5  }
0x18: {  	s4 =	sadd.s32 $0x60F800, s5;
	s8 =	simm.s32 $0x4000;
	s9 =	simm.s32 $0x8000  }
0x19: {  	s10 =	simm.s32 $0xC000;
	s11 =	simm.s32 $0x1;
	s12 =	simm.s32 $0x2  }
0x1a: {  	s13 =	simm.s32 $0x3;
	s14 =	simm.s32 $0x4;
	s15 =	simm.s32 $0x5  }
0x1b: {  	s16 =	simm.s32 $0x0;
	[dreg:$0x12] =	wrdreg s26;
	s26 =	sadd.s32 $0x60B800, s5  }
0x1c: {  	v0 =	vimm.f32 $0.0e+00;
	s5 =	sadd.s32 $0x600, s6;
	s6 =	sadd.s32 $0x602, s6;
	s7 =	smax.u32 s7, $0x1  }
.LBB2_1:
0x1d: {  	[tilespmem:$0x10000] =	vst v0;
	s17 =	rddreg [dreg:$0x4]  }
0x1e: {  	[tilespmem:s2], [sflag:$0x1] =	stream.linear.gather [hbm4b:s17+s2], $0x4000, $0x38;
	[tilespmem:$0x10100] =	vst v63  }
0x1f: {  	s18 =	rddreg [dreg:$0x3]  }
0x20: {  	[tilespmem:s8], [sflag:$0x2] =	stream.linear.gather [hbm4b:s18+s2], $0x4000, $0x38;
	[tilespmem:$0x10100] =	vst v63  }
0x21: {  	s18 =	rddreg [dreg:$0x5]  }
0x22: {  	[tilespmem:s9], [sflag:$0x3] =	stream.linear.gather [hbm4b:s18+s2], $0x4000, $0x38;
	[tilespmem:$0x10100] =	vst v63  }
0x23: {  	s18 =	rddreg [dreg:$0x6]  }
0x24: {  	[tilespmem:s10], [sflag:$0x4] =	stream.linear.gather [hbm4b:s18+s2], $0x4000, $0x38;
	[tilespmem:$0x10100] =	vst v63  }
0x25: {  	_ =	swait.ge [sflag:s11], $0x4000  }
0x26: {  	[sflag:s11] =	ssyncset.done $0x0  }
0x27: {  	[sflag:s11] =	ssyncadd.s32 $0xFFFFC000  }
0x28: {  	s18 =	simm.s32 $0x0;
	v1 =	vld [tilespmem:$0x10000]  }
0x29: {  	s17 =	simm.s32 $0x200;
	v2 =	vld [tilespmem:s18+$0x10]  }
.LBB2_2:
0x2a: {  	p0 =	sne.s32 s17, $0x7E00;
	v3 =	vld [tilespmem:s18+$0x0];
	_ =	sdelay $0x1  }
0x2b: {  	v4 =	vld [tilespmem:s18+$0x20];
	_ =	sdelay $0x1  }
0x2c: {  	v5 =	vld [tilespmem:s18+$0x30]  }
0x2d: {  	v2 =	vadd.f32 v2, v3;
	_ =	sdelay $0x1  }
0x2e: {  	v2 =	vadd.f32 v4, v2;
	_ =	sdelay $0x1  }
0x2f: {  	v2 =	vadd.f32 v5, v2  }
.Ltmp0:
0x30: {  	(pc) =	sbr.rel @p0 .LBB2_2-.Ltmp0, $3  }
0x31: {  	v1 =	vadd.f32 v2, v1;
	_ =	sdelay $0x1  }
0x32: {  	s18 =	sshra.s32 s17, $0x2;
	[tilespmem:$0x10000] =	vst v1  }
0x33: {  	s17 =	sadd.s32 $0x200, s17;
	v2 =	vld [tilespmem:s18+$0x10]  }
0x34: {  	v3 =	vld [tilespmem:s18+$0x0];
	_ =	sdelay $0x1  }
0x35: {  	v4 =	vld [tilespmem:s18+$0x20];
	_ =	sdelay $0x1  }
0x36: {  	v5 =	vld [tilespmem:s18+$0x30]  }
0x37: {  	v2 =	vadd.f32 v2, v3;
	_ =	sdelay $0x1  }
0x38: {  	v2 =	vadd.f32 v4, v2;
	_ =	sdelay $0x1  }
0x39: {  	v2 =	vadd.f32 v5, v2;
	_ =	sdelay $0x1  }
0x3a: {  	v1 =	vadd.f32 v2, v1;
	_ =	sdelay $0x1  }
0x3b: {  	s18 =	simm.s32 $0x0;
	[tilespmem:$0x10000] =	vst v1  }
0x3c: {  	s17 =	simm.s32 $0x200;
	v2 =	vld [tilespmem:s18+$0x2010]  }
.LBB2_4:
0x3d: {  	p0 =	sne.s32 s17, $0x7E00;
	v3 =	vld [tilespmem:s18+$0x2000];
	_ =	sdelay $0x1  }
0x3e: {  	v4 =	vld [tilespmem:s18+$0x2020];
	_ =	sdelay $0x1  }
0x3f: {  	v5 =	vld [tilespmem:s18+$0x2030]  }
0x40: {  	v2 =	vadd.f32 v2, v3;
	_ =	sdelay $0x1  }
0x41: {  	v2 =	vadd.f32 v4, v2;
	_ =	sdelay $0x1  }
0x42: {  	v2 =	vadd.f32 v5, v2  }
.Ltmp1:
0x43: {  	(pc) =	sbr.rel @p0 .LBB2_4-.Ltmp1, $3  }
0x44: {  	v1 =	vadd.f32 v2, v1;
	_ =	sdelay $0x1  }
0x45: {  	s18 =	sshra.s32 s17, $0x2;
	[tilespmem:$0x10000] =	vst v1  }
0x46: {  	s17 =	sadd.s32 $0x200, s17;
	v2 =	vld [tilespmem:s18+$0x2010]  }
0x47: {  	v3 =	vld [tilespmem:s18+$0x2000];
	_ =	sdelay $0x1  }
0x48: {  	v4 =	vld [tilespmem:s18+$0x2020];
	_ =	sdelay $0x1  }
0x49: {  	v5 =	vld [tilespmem:s18+$0x2030]  }
0x4a: {  	v2 =	vadd.f32 v2, v3;
	_ =	sdelay $0x1  }
0x4b: {  	v2 =	vadd.f32 v4, v2;
	_ =	sdelay $0x1  }
0x4c: {  	v2 =	vadd.f32 v5, v2;
	_ =	sdelay $0x1  }
0x4d: {  	v1 =	vadd.f32 v2, v1;
	_ =	sdelay $0x1  }
0x4e: {  	s17 =	simm.s32 $0x0;
	s18 =	rddreg [dreg:$0x7];
	[tilespmem:$0x10000] =	vst v1  }
0x4f: {  	[tilespmem:s17], [sflag:$0x1] =	stream.linear.gather [hbm4b:s18+s17], $0x4000, $0x38;
	[tilespmem:$0x10100] =	vst v63  }
0x50: {  	_ =	swait.ge [sflag:s12], $0x4000  }
0x51: {  	[sflag:s12] =	ssyncset.done $0x0  }
0x52: {  	[sflag:s12] =	ssyncadd.s32 $0xFFFFC000  }
0x53: {  	s18 =	simm.s32 $0x0;
	v1 =	vld [tilespmem:$0x10000]  }
0x54: {  	s17 =	simm.s32 $0x200;
	v2 =	vld [tilespmem:s18+$0x4010]  }
.LBB2_6:
0x55: {  	p0 =	sne.s32 s17, $0x7E00;
	v3 =	vld [tilespmem:s18+$0x4000];
	_ =	sdelay $0x1  }
0x56: {  	v4 =	vld [tilespmem:s18+$0x4020];
	_ =	sdelay $0x1  }
0x57: {  	v5 =	vld [tilespmem:s18+$0x4030]  }
0x58: {  	v2 =	vadd.f32 v2, v3;
	_ =	sdelay $0x1  }
0x59: {  	v2 =	vadd.f32 v4, v2;
	_ =	sdelay $0x1  }
0x5a: {  	v2 =	vadd.f32 v5, v2  }
.Ltmp2:
0x5b: {  	(pc) =	sbr.rel @p0 .LBB2_6-.Ltmp2, $3  }
0x5c: {  	v1 =	vadd.f32 v2, v1;
	_ =	sdelay $0x1  }
0x5d: {  	s18 =	sshra.s32 s17, $0x2;
	[tilespmem:$0x10000] =	vst v1  }
0x5e: {  	s17 =	sadd.s32 $0x200, s17;
	v2 =	vld [tilespmem:s18+$0x4010]  }
0x5f: {  	v3 =	vld [tilespmem:s18+$0x4000];
	_ =	sdelay $0x1  }
0x60: {  	v4 =	vld [tilespmem:s18+$0x4020];
	_ =	sdelay $0x1  }
0x61: {  	v5 =	vld [tilespmem:s18+$0x4030]  }
0x62: {  	v2 =	vadd.f32 v2, v3;
	_ =	sdelay $0x1  }
0x63: {  	v2 =	vadd.f32 v4, v2;
	_ =	sdelay $0x1  }
0x64: {  	v2 =	vadd.f32 v5, v2;
	_ =	sdelay $0x1  }
0x65: {  	v1 =	vadd.f32 v2, v1;
	_ =	sdelay $0x1  }
0x66: {  	s18 =	simm.s32 $0x0;
	[tilespmem:$0x10000] =	vst v1  }
0x67: {  	s17 =	simm.s32 $0x200;
	v2 =	vld [tilespmem:s18+$0x6010]  }
.LBB2_8:
0x68: {  	p0 =	sne.s32 s17, $0x7E00;
	v3 =	vld [tilespmem:s18+$0x6000];
	_ =	sdelay $0x1  }
0x69: {  	v4 =	vld [tilespmem:s18+$0x6020];
	_ =	sdelay $0x1  }
0x6a: {  	v5 =	vld [tilespmem:s18+$0x6030]  }
0x6b: {  	v2 =	vadd.f32 v2, v3;
	_ =	sdelay $0x1  }
0x6c: {  	v2 =	vadd.f32 v4, v2;
	_ =	sdelay $0x1  }
0x6d: {  	v2 =	vadd.f32 v5, v2  }
.Ltmp3:
0x6e: {  	(pc) =	sbr.rel @p0 .LBB2_8-.Ltmp3, $3  }
0x6f: {  	v1 =	vadd.f32 v2, v1;
	_ =	sdelay $0x1  }
0x70: {  	s18 =	sshra.s32 s17, $0x2;
	[tilespmem:$0x10000] =	vst v1  }
0x71: {  	s17 =	sadd.s32 $0x200, s17;
	v2 =	vld [tilespmem:s18+$0x6010]  }
0x72: {  	v3 =	vld [tilespmem:s18+$0x6000];
	_ =	sdelay $0x1  }
0x73: {  	v4 =	vld [tilespmem:s18+$0x6020];
	_ =	sdelay $0x1  }
0x74: {  	v5 =	vld [tilespmem:s18+$0x6030]  }
0x75: {  	v2 =	vadd.f32 v2, v3;
	_ =	sdelay $0x1  }
0x76: {  	v2 =	vadd.f32 v4, v2;
	_ =	sdelay $0x1  }
0x77: {  	v2 =	vadd.f32 v5, v2;
	_ =	sdelay $0x1  }
0x78: {  	v1 =	vadd.f32 v2, v1;
	_ =	sdelay $0x1  }
0x79: {  	s17 =	simm.s32 $0x0;
	s18 =	rddreg [dreg:$0x8];
	[tilespmem:$0x10000] =	vst v1  }
0x7a: {  	[tilespmem:s8], [sflag:$0x2] =	stream.linear.gather [hbm4b:s18+s17], $0x4000, $0x38;
	[tilespmem:$0x10100] =	vst v63  }
0x7b: {  	_ =	swait.ge [sflag:s13], $0x4000  }
0x7c: {  	[sflag:s13] =	ssyncset.done $0x0  }
0x7d: {  	[sflag:s13] =	ssyncadd.s32 $0xFFFFC000  }
0x7e: {  	s18 =	simm.s32 $0x0;
	v1 =	vld [tilespmem:$0x10000]  }
0x7f: {  	s17 =	simm.s32 $0x200;
	v2 =	vld [tilespmem:s18+$0x8010]  }
.LBB2_10:
0x80: {  	p0 =	sne.s32 s17, $0x7E00;
	v3 =	vld [tilespmem:s18+$0x8000];
	_ =	sdelay $0x1  }
0x81: {  	v4 =	vld [tilespmem:s18+$0x8020];
	_ =	sdelay $0x1  }
0x82: {  	v5 =	vld [tilespmem:s18+$0x8030]  }
0x83: {  	v2 =	vadd.f32 v2, v3;
	_ =	sdelay $0x1  }
0x84: {  	v2 =	vadd.f32 v4, v2;
	_ =	sdelay $0x1  }
0x85: {  	v2 =	vadd.f32 v5, v2  }
.Ltmp4:
0x86: {  	(pc) =	sbr.rel @p0 .LBB2_10-.Ltmp4, $3  }
0x87: {  	v1 =	vadd.f32 v2, v1;
	_ =	sdelay $0x1  }
0x88: {  	s18 =	sshra.s32 s17, $0x2;
	[tilespmem:$0x10000] =	vst v1  }
0x89: {  	s17 =	sadd.s32 $0x200, s17;
	v2 =	vld [tilespmem:s18+$0x8010]  }
0x8a: {  	v3 =	vld [tilespmem:s18+$0x8000];
	_ =	sdelay $0x1  }
0x8b: {  	v4 =	vld [tilespmem:s18+$0x8020];
	_ =	sdelay $0x1  }
0x8c: {  	v5 =	vld [tilespmem:s18+$0x8030]  }
0x8d: {  	v2 =	vadd.f32 v2, v3;
	_ =	sdelay $0x1  }
0x8e: {  	v2 =	vadd.f32 v4, v2;
	_ =	sdelay $0x1  }
0x8f: {  	v2 =	vadd.f32 v5, v2;
	_ =	sdelay $0x1  }
0x90: {  	v1 =	vadd.f32 v2, v1;
	_ =	sdelay $0x1  }
0x91: {  	s18 =	simm.s32 $0x0;
	[tilespmem:$0x10000] =	vst v1  }
0x92: {  	s17 =	simm.s32 $0x200;
	v2 =	vld [tilespmem:s18+$0xA010]  }
.LBB2_12:
0x93: {  	p0 =	sne.s32 s17, $0x7E00;
	v3 =	vld [tilespmem:s18+$0xA000];
	_ =	sdelay $0x1  }
0x94: {  	v4 =	vld [tilespmem:s18+$0xA020];
	_ =	sdelay $0x1  }
0x95: {  	v5 =	vld [tilespmem:s18+$0xA030]  }
0x96: {  	v2 =	vadd.f32 v2, v3;
	_ =	sdelay $0x1  }
0x97: {  	v2 =	vadd.f32 v4, v2;
	_ =	sdelay $0x1  }
0x98: {  	v2 =	vadd.f32 v5, v2  }
.Ltmp5:
0x99: {  	(pc) =	sbr.rel @p0 .LBB2_12-.Ltmp5, $3  }
0x9a: {  	v1 =	vadd.f32 v2, v1;
	_ =	sdelay $0x1  }
0x9b: {  	s18 =	sshra.s32 s17, $0x2;
	[tilespmem:$0x10000] =	vst v1  }
0x9c: {  	s17 =	sadd.s32 $0x200, s17;
	v2 =	vld [tilespmem:s18+$0xA010]  }
0x9d: {  	v3 =	vld [tilespmem:s18+$0xA000];
	_ =	sdelay $0x1  }
0x9e: {  	v4 =	vld [tilespmem:s18+$0xA020];
	_ =	sdelay $0x1  }
0x9f: {  	v5 =	vld [tilespmem:s18+$0xA030]  }
0xa0: {  	v2 =	vadd.f32 v2, v3;
	_ =	sdelay $0x1  }
0xa1: {  	v2 =	vadd.f32 v4, v2;
	_ =	sdelay $0x1  }
0xa2: {  	v2 =	vadd.f32 v5, v2;
	_ =	sdelay $0x1  }
0xa3: {  	v1 =	vadd.f32 v2, v1;
	_ =	sdelay $0x1  }
0xa4: {  	s17 =	simm.s32 $0x0;
	s18 =	rddreg [dreg:$0x9];
	[tilespmem:$0x10000] =	vst v1  }
0xa5: {  	[tilespmem:s9], [sflag:$0x3] =	stream.linear.gather [hbm4b:s18+s17], $0x4000, $0x38;
	[tilespmem:$0x10100] =	vst v63  }
0xa6: {  	_ =	swait.ge [sflag:s14], $0x4000  }
0xa7: {  	[sflag:s14] =	ssyncset.done $0x0  }
0xa8: {  	[sflag:s14] =	ssyncadd.s32 $0xFFFFC000  }
0xa9: {  	s18 =	simm.s32 $0x0;
	v1 =	vld [tilespmem:$0x10000]  }
0xaa: {  	s17 =	simm.s32 $0x200;
	v2 =	vld [tilespmem:s18+$0xC010]  }
.LBB2_14:
0xab: {  	p0 =	sne.s32 s17, $0x7E00;
	v3 =	vld [tilespmem:s18+$0xC000];
	_ =	sdelay $0x1  }
0xac: {  	v4 =	vld [tilespmem:s18+$0xC020];
	_ =	sdelay $0x1  }
0xad: {  	v5 =	vld [tilespmem:s18+$0xC030]  }
0xae: {  	v2 =	vadd.f32 v2, v3;
	_ =	sdelay $0x1  }
0xaf: {  	v2 =	vadd.f32 v4, v2;
	_ =	sdelay $0x1  }
0xb0: {  	v2 =	vadd.f32 v5, v2  }
.Ltmp6:
0xb1: {  	(pc) =	sbr.rel @p0 .LBB2_14-.Ltmp6, $3  }
0xb2: {  	v1 =	vadd.f32 v2, v1;
	_ =	sdelay $0x1  }
0xb3: {  	s18 =	sshra.s32 s17, $0x2;
	[tilespmem:$0x10000] =	vst v1  }
0xb4: {  	s17 =	sadd.s32 $0x200, s17;
	v2 =	vld [tilespmem:s18+$0xC010]  }
0xb5: {  	v3 =	vld [tilespmem:s18+$0xC000];
	_ =	sdelay $0x1  }
0xb6: {  	v4 =	vld [tilespmem:s18+$0xC020];
	_ =	sdelay $0x1  }
0xb7: {  	v5 =	vld [tilespmem:s18+$0xC030]  }
0xb8: {  	v2 =	vadd.f32 v2, v3;
	_ =	sdelay $0x1  }
0xb9: {  	v2 =	vadd.f32 v4, v2;
	_ =	sdelay $0x1  }
0xba: {  	v2 =	vadd.f32 v5, v2;
	_ =	sdelay $0x1  }
0xbb: {  	v1 =	vadd.f32 v2, v1;
	_ =	sdelay $0x1  }
0xbc: {  	s18 =	simm.s32 $0x0;
	[tilespmem:$0x10000] =	vst v1  }
0xbd: {  	s17 =	simm.s32 $0x200;
	v2 =	vld [tilespmem:s18+$0xE010]  }
.LBB2_16:
0xbe: {  	p0 =	sne.s32 s17, $0x7E00;
	v3 =	vld [tilespmem:s18+$0xE000];
	_ =	sdelay $0x1  }
0xbf: {  	v4 =	vld [tilespmem:s18+$0xE020];
	_ =	sdelay $0x1  }
0xc0: {  	v5 =	vld [tilespmem:s18+$0xE030]  }
0xc1: {  	v2 =	vadd.f32 v2, v3;
	_ =	sdelay $0x1  }
0xc2: {  	v2 =	vadd.f32 v4, v2;
	_ =	sdelay $0x1  }
0xc3: {  	v2 =	vadd.f32 v5, v2  }
.Ltmp7:
0xc4: {  	(pc) =	sbr.rel @p0 .LBB2_16-.Ltmp7, $3  }
0xc5: {  	v1 =	vadd.f32 v2, v1;
	_ =	sdelay $0x1  }
0xc6: {  	s18 =	sshra.s32 s17, $0x2;
	[tilespmem:$0x10000] =	vst v1  }
0xc7: {  	s17 =	sadd.s32 $0x200, s17;
	v2 =	vld [tilespmem:s18+$0xE010]  }
0xc8: {  	v3 =	vld [tilespmem:s18+$0xE000];
	_ =	sdelay $0x1  }
0xc9: {  	v4 =	vld [tilespmem:s18+$0xE020];
	_ =	sdelay $0x1  }
0xca: {  	v5 =	vld [tilespmem:s18+$0xE030]  }
0xcb: {  	v2 =	vadd.f32 v2, v3;
	_ =	sdelay $0x1  }
0xcc: {  	v2 =	vadd.f32 v4, v2;
	_ =	sdelay $0x1  }
0xcd: {  	v2 =	vadd.f32 v5, v2;
	_ =	sdelay $0x1  }
0xce: {  	v1 =	vadd.f32 v2, v1;
	_ =	sdelay $0x1  }
0xcf: {  	s17 =	simm.s32 $0x0;
	s18 =	rddreg [dreg:$0xa];
	[tilespmem:$0x10000] =	vst v1  }
0xd0: {  	[tilespmem:s10], [sflag:$0x4] =	stream.linear.gather [hbm4b:s18+s17], $0x4000, $0x38;
	[tilespmem:$0x10100] =	vst v63  }
0xd1: {  	_ =	swait.ge [sflag:s11], $0x4000  }
0xd2: {  	[sflag:s11] =	ssyncset.done $0x0  }
0xd3: {  	[sflag:s11] =	ssyncadd.s32 $0xFFFFC000  }
0xd4: {  	s18 =	simm.s32 $0x0;
	v1 =	vld [tilespmem:$0x10000]  }
0xd5: {  	s17 =	simm.s32 $0x200;
	v2 =	vld [tilespmem:s18+$0x10]  }
.LBB2_18:
0xd6: {  	p0 =	sne.s32 s17, $0x7E00;
	v3 =	vld [tilespmem:s18+$0x0];
	_ =	sdelay $0x1  }
0xd7: {  	v4 =	vld [tilespmem:s18+$0x20];
	_ =	sdelay $0x1  }
0xd8: {  	v5 =	vld [tilespmem:s18+$0x30]  }
0xd9: {  	v2 =	vadd.f32 v2, v3;
	_ =	sdelay $0x1  }
0xda: {  	v2 =	vadd.f32 v4, v2;
	_ =	sdelay $0x1  }
0xdb: {  	v2 =	vadd.f32 v5, v2  }
.Ltmp8:
0xdc: {  	(pc) =	sbr.rel @p0 .LBB2_18-.Ltmp8, $3  }
0xdd: {  	v1 =	vadd.f32 v2, v1;
	_ =	sdelay $0x1  }
0xde: {  	s18 =	sshra.s32 s17, $0x2;
	[tilespmem:$0x10000] =	vst v1  }
0xdf: {  	s17 =	sadd.s32 $0x200, s17;
	v2 =	vld [tilespmem:s18+$0x10]  }
0xe0: {  	v3 =	vld [tilespmem:s18+$0x0];
	_ =	sdelay $0x1  }
0xe1: {  	v4 =	vld [tilespmem:s18+$0x20];
	_ =	sdelay $0x1  }
0xe2: {  	v5 =	vld [tilespmem:s18+$0x30]  }
0xe3: {  	v2 =	vadd.f32 v2, v3;
	_ =	sdelay $0x1  }
0xe4: {  	v2 =	vadd.f32 v4, v2;
	_ =	sdelay $0x1  }
0xe5: {  	v2 =	vadd.f32 v5, v2;
	_ =	sdelay $0x1  }
0xe6: {  	v1 =	vadd.f32 v2, v1;
	_ =	sdelay $0x1  }
0xe7: {  	s18 =	simm.s32 $0x0;
	[tilespmem:$0x10000] =	vst v1  }
0xe8: {  	s17 =	simm.s32 $0x200;
	v2 =	vld [tilespmem:s18+$0x2010]  }
.LBB2_20:
0xe9: {  	p0 =	sne.s32 s17, $0x7E00;
	v3 =	vld [tilespmem:s18+$0x2000];
	_ =	sdelay $0x1  }
0xea: {  	v4 =	vld [tilespmem:s18+$0x2020];
	_ =	sdelay $0x1  }
0xeb: {  	v5 =	vld [tilespmem:s18+$0x2030]  }
0xec: {  	v2 =	vadd.f32 v2, v3;
	_ =	sdelay $0x1  }
0xed: {  	v2 =	vadd.f32 v4, v2;
	_ =	sdelay $0x1  }
0xee: {  	v2 =	vadd.f32 v5, v2  }
.Ltmp9:
0xef: {  	(pc) =	sbr.rel @p0 .LBB2_20-.Ltmp9, $3  }
0xf0: {  	v1 =	vadd.f32 v2, v1;
	_ =	sdelay $0x1  }
0xf1: {  	s18 =	sshra.s32 s17, $0x2;
	[tilespmem:$0x10000] =	vst v1  }
0xf2: {  	s17 =	sadd.s32 $0x200, s17;
	v2 =	vld [tilespmem:s18+$0x2010]  }
0xf3: {  	v3 =	vld [tilespmem:s18+$0x2000];
	_ =	sdelay $0x1  }
0xf4: {  	v4 =	vld [tilespmem:s18+$0x2020];
	_ =	sdelay $0x1  }
0xf5: {  	v5 =	vld [tilespmem:s18+$0x2030]  }
0xf6: {  	v2 =	vadd.f32 v2, v3;
	_ =	sdelay $0x1  }
0xf7: {  	v2 =	vadd.f32 v4, v2;
	_ =	sdelay $0x1  }
0xf8: {  	v2 =	vadd.f32 v5, v2;
	_ =	sdelay $0x1  }
0xf9: {  	v1 =	vadd.f32 v2, v1;
	_ =	sdelay $0x1  }
0xfa: {  	s17 =	simm.s32 $0x0;
	s18 =	rddreg [dreg:$0xc];
	[tilespmem:$0x10000] =	vst v1  }
0xfb: {  	[tilespmem:s17], [sflag:$0x1] =	stream.linear.gather [hbm4b:s18+s17], $0x4000, $0x38;
	[tilespmem:$0x10100] =	vst v63  }
0xfc: {  	_ =	swait.ge [sflag:s12], $0x4000  }
0xfd: {  	[sflag:s12] =	ssyncset.done $0x0  }
0xfe: {  	[sflag:s12] =	ssyncadd.s32 $0xFFFFC000  }
0xff: {  	s18 =	simm.s32 $0x0;
	v1 =	vld [tilespmem:$0x10000]  }
0x100: {  	s17 =	simm.s32 $0x200;
	v2 =	vld [tilespmem:s18+$0x4010]  }
.LBB2_22:
0x101: {  	p0 =	sne.s32 s17, $0x7E00;
	v3 =	vld [tilespmem:s18+$0x4000];
	_ =	sdelay $0x1  }
0x102: {  	v4 =	vld [tilespmem:s18+$0x4020];
	_ =	sdelay $0x1  }
0x103: {  	v5 =	vld [tilespmem:s18+$0x4030]  }
0x104: {  	v2 =	vadd.f32 v2, v3;
	_ =	sdelay $0x1  }
0x105: {  	v2 =	vadd.f32 v4, v2;
	_ =	sdelay $0x1  }
0x106: {  	v2 =	vadd.f32 v5, v2  }
.Ltmp10:
0x107: {  	(pc) =	sbr.rel @p0 .LBB2_22-.Ltmp10, $3  }
0x108: {  	v1 =	vadd.f32 v2, v1;
	_ =	sdelay $0x1  }
0x109: {  	s18 =	sshra.s32 s17, $0x2;
	[tilespmem:$0x10000] =	vst v1  }
0x10a: {  	s17 =	sadd.s32 $0x200, s17;
	v2 =	vld [tilespmem:s18+$0x4010]  }
0x10b: {  	v3 =	vld [tilespmem:s18+$0x4000];
	_ =	sdelay $0x1  }
0x10c: {  	v4 =	vld [tilespmem:s18+$0x4020];
	_ =	sdelay $0x1  }
0x10d: {  	v5 =	vld [tilespmem:s18+$0x4030]  }
0x10e: {  	v2 =	vadd.f32 v2, v3;
	_ =	sdelay $0x1  }
0x10f: {  	v2 =	vadd.f32 v4, v2;
	_ =	sdelay $0x1  }
0x110: {  	v2 =	vadd.f32 v5, v2;
	_ =	sdelay $0x1  }
0x111: {  	v1 =	vadd.f32 v2, v1;
	_ =	sdelay $0x1  }
0x112: {  	s18 =	simm.s32 $0x0;
	[tilespmem:$0x10000] =	vst v1  }
0x113: {  	s17 =	simm.s32 $0x200;
	v2 =	vld [tilespmem:s18+$0x6010]  }
.LBB2_24:
0x114: {  	p0 =	sne.s32 s17, $0x7E00;
	v3 =	vld [tilespmem:s18+$0x6000];
	_ =	sdelay $0x1  }
0x115: {  	v4 =	vld [tilespmem:s18+$0x6020];
	_ =	sdelay $0x1  }
0x116: {  	v5 =	vld [tilespmem:s18+$0x6030]  }
0x117: {  	v2 =	vadd.f32 v2, v3;
	_ =	sdelay $0x1  }
0x118: {  	v2 =	vadd.f32 v4, v2;
	_ =	sdelay $0x1  }
0x119: {  	v2 =	vadd.f32 v5, v2  }
.Ltmp11:
0x11a: {  	(pc) =	sbr.rel @p0 .LBB2_24-.Ltmp11, $3  }
0x11b: {  	v1 =	vadd.f32 v2, v1;
	_ =	sdelay $0x1  }
0x11c: {  	s18 =	sshra.s32 s17, $0x2;
	[tilespmem:$0x10000] =	vst v1  }
0x11d: {  	s17 =	sadd.s32 $0x200, s17;
	v2 =	vld [tilespmem:s18+$0x6010]  }
0x11e: {  	v3 =	vld [tilespmem:s18+$0x6000];
	_ =	sdelay $0x1  }
0x11f: {  	v4 =	vld [tilespmem:s18+$0x6020];
	_ =	sdelay $0x1  }
0x120: {  	v5 =	vld [tilespmem:s18+$0x6030]  }
0x121: {  	v2 =	vadd.f32 v2, v3;
	_ =	sdelay $0x1  }
0x122: {  	v2 =	vadd.f32 v4, v2;
	_ =	sdelay $0x1  }
0x123: {  	v2 =	vadd.f32 v5, v2;
	_ =	sdelay $0x1  }
0x124: {  	v1 =	vadd.f32 v2, v1;
	_ =	sdelay $0x1  }
0x125: {  	s17 =	simm.s32 $0x0;
	s18 =	rddreg [dreg:$0xb];
	[tilespmem:$0x10000] =	vst v1  }
0x126: {  	[tilespmem:s8], [sflag:$0x2] =	stream.linear.gather [hbm4b:s18+s17], $0x4000, $0x38;
	[tilespmem:$0x10100] =	vst v63  }
0x127: {  	_ =	swait.ge [sflag:s13], $0x4000  }
0x128: {  	[sflag:s13] =	ssyncset.done $0x0  }
0x129: {  	[sflag:s13] =	ssyncadd.s32 $0xFFFFC000  }
0x12a: {  	s18 =	simm.s32 $0x0;
	v1 =	vld [tilespmem:$0x10000]  }
0x12b: {  	s17 =	simm.s32 $0x200;
	v2 =	vld [tilespmem:s18+$0x8010]  }
.LBB2_26:
0x12c: {  	p0 =	sne.s32 s17, $0x7E00;
	v3 =	vld [tilespmem:s18+$0x8000];
	_ =	sdelay $0x1  }
0x12d: {  	v4 =	vld [tilespmem:s18+$0x8020];
	_ =	sdelay $0x1  }
0x12e: {  	v5 =	vld [tilespmem:s18+$0x8030]  }
0x12f: {  	v2 =	vadd.f32 v2, v3;
	_ =	sdelay $0x1  }
0x130: {  	v2 =	vadd.f32 v4, v2;
	_ =	sdelay $0x1  }
0x131: {  	v2 =	vadd.f32 v5, v2  }
.Ltmp12:
0x132: {  	(pc) =	sbr.rel @p0 .LBB2_26-.Ltmp12, $3  }
0x133: {  	v1 =	vadd.f32 v2, v1;
	_ =	sdelay $0x1  }
0x134: {  	s18 =	sshra.s32 s17, $0x2;
	[tilespmem:$0x10000] =	vst v1  }
0x135: {  	s17 =	sadd.s32 $0x200, s17;
	v2 =	vld [tilespmem:s18+$0x8010]  }
0x136: {  	v3 =	vld [tilespmem:s18+$0x8000];
	_ =	sdelay $0x1  }
0x137: {  	v4 =	vld [tilespmem:s18+$0x8020];
	_ =	sdelay $0x1  }
0x138: {  	v5 =	vld [tilespmem:s18+$0x8030]  }
0x139: {  	v2 =	vadd.f32 v2, v3;
	_ =	sdelay $0x1  }
0x13a: {  	v2 =	vadd.f32 v4, v2;
	_ =	sdelay $0x1  }
0x13b: {  	v2 =	vadd.f32 v5, v2;
	_ =	sdelay $0x1  }
0x13c: {  	v1 =	vadd.f32 v2, v1;
	_ =	sdelay $0x1  }
0x13d: {  	s18 =	simm.s32 $0x0;
	[tilespmem:$0x10000] =	vst v1  }
0x13e: {  	s17 =	simm.s32 $0x200;
	v2 =	vld [tilespmem:s18+$0xA010]  }
.LBB2_28:
0x13f: {  	p0 =	sne.s32 s17, $0x7E00;
	v3 =	vld [tilespmem:s18+$0xA000];
	_ =	sdelay $0x1  }
0x140: {  	v4 =	vld [tilespmem:s18+$0xA020];
	_ =	sdelay $0x1  }
0x141: {  	v5 =	vld [tilespmem:s18+$0xA030]  }
0x142: {  	v2 =	vadd.f32 v2, v3;
	_ =	sdelay $0x1  }
0x143: {  	v2 =	vadd.f32 v4, v2;
	_ =	sdelay $0x1  }
0x144: {  	v2 =	vadd.f32 v5, v2  }
.Ltmp13:
0x145: {  	(pc) =	sbr.rel @p0 .LBB2_28-.Ltmp13, $3  }
0x146: {  	v1 =	vadd.f32 v2, v1;
	_ =	sdelay $0x1  }
0x147: {  	s18 =	sshra.s32 s17, $0x2;
	[tilespmem:$0x10000] =	vst v1  }
0x148: {  	s17 =	sadd.s32 $0x200, s17;
	v2 =	vld [tilespmem:s18+$0xA010]  }
0x149: {  	v3 =	vld [tilespmem:s18+$0xA000];
	_ =	sdelay $0x1  }
0x14a: {  	v4 =	vld [tilespmem:s18+$0xA020];
	_ =	sdelay $0x1  }
0x14b: {  	v5 =	vld [tilespmem:s18+$0xA030]  }
0x14c: {  	v2 =	vadd.f32 v2, v3;
	_ =	sdelay $0x1  }
0x14d: {  	v2 =	vadd.f32 v4, v2;
	_ =	sdelay $0x1  }
0x14e: {  	v2 =	vadd.f32 v5, v2;
	_ =	sdelay $0x1  }
0x14f: {  	v1 =	vadd.f32 v2, v1;
	_ =	sdelay $0x1  }
0x150: {  	s17 =	simm.s32 $0x0;
	s18 =	rddreg [dreg:$0xd];
	[tilespmem:$0x10000] =	vst v1  }
0x151: {  	[tilespmem:s9], [sflag:$0x3] =	stream.linear.gather [hbm4b:s18+s17], $0x4000, $0x38;
	[tilespmem:$0x10100] =	vst v63  }
0x152: {  	_ =	swait.ge [sflag:s14], $0x4000  }
0x153: {  	[sflag:s14] =	ssyncset.done $0x0  }
0x154: {  	[sflag:s14] =	ssyncadd.s32 $0xFFFFC000  }
0x155: {  	s18 =	simm.s32 $0x0;
	v1 =	vld [tilespmem:$0x10000]  }
0x156: {  	s17 =	simm.s32 $0x200;
	v2 =	vld [tilespmem:s18+$0xC010]  }
.LBB2_30:
0x157: {  	p0 =	sne.s32 s17, $0x7E00;
	v3 =	vld [tilespmem:s18+$0xC000];
	_ =	sdelay $0x1  }
0x158: {  	v4 =	vld [tilespmem:s18+$0xC020];
	_ =	sdelay $0x1  }
0x159: {  	v5 =	vld [tilespmem:s18+$0xC030]  }
0x15a: {  	v2 =	vadd.f32 v2, v3;
	_ =	sdelay $0x1  }
0x15b: {  	v2 =	vadd.f32 v4, v2;
	_ =	sdelay $0x1  }
0x15c: {  	v2 =	vadd.f32 v5, v2  }
.Ltmp14:
0x15d: {  	(pc) =	sbr.rel @p0 .LBB2_30-.Ltmp14, $3  }
0x15e: {  	v1 =	vadd.f32 v2, v1;
	_ =	sdelay $0x1  }
0x15f: {  	s18 =	sshra.s32 s17, $0x2;
	[tilespmem:$0x10000] =	vst v1  }
0x160: {  	s17 =	sadd.s32 $0x200, s17;
	v2 =	vld [tilespmem:s18+$0xC010]  }
0x161: {  	v3 =	vld [tilespmem:s18+$0xC000];
	_ =	sdelay $0x1  }
0x162: {  	v4 =	vld [tilespmem:s18+$0xC020];
	_ =	sdelay $0x1  }
0x163: {  	v5 =	vld [tilespmem:s18+$0xC030]  }
0x164: {  	v2 =	vadd.f32 v2, v3;
	_ =	sdelay $0x1  }
0x165: {  	v2 =	vadd.f32 v4, v2;
	_ =	sdelay $0x1  }
0x166: {  	v2 =	vadd.f32 v5, v2;
	_ =	sdelay $0x1  }
0x167: {  	v1 =	vadd.f32 v2, v1;
	_ =	sdelay $0x1  }
0x168: {  	s18 =	simm.s32 $0x0;
	[tilespmem:$0x10000] =	vst v1  }
0x169: {  	s17 =	simm.s32 $0x200;
	v2 =	vld [tilespmem:s18+$0xE010]  }
.LBB2_32:
0x16a: {  	p0 =	sne.s32 s17, $0x7E00;
	v3 =	vld [tilespmem:s18+$0xE000];
	_ =	sdelay $0x1  }
0x16b: {  	v4 =	vld [tilespmem:s18+$0xE020];
	_ =	sdelay $0x1  }
0x16c: {  	v5 =	vld [tilespmem:s18+$0xE030]  }
0x16d: {  	v2 =	vadd.f32 v2, v3;
	_ =	sdelay $0x1  }
0x16e: {  	v2 =	vadd.f32 v4, v2;
	_ =	sdelay $0x1  }
0x16f: {  	v2 =	vadd.f32 v5, v2  }
.Ltmp15:
0x170: {  	(pc) =	sbr.rel @p0 .LBB2_32-.Ltmp15, $3  }
0x171: {  	v1 =	vadd.f32 v2, v1;
	_ =	sdelay $0x1  }
0x172: {  	s18 =	sshra.s32 s17, $0x2;
	[tilespmem:$0x10000] =	vst v1  }
0x173: {  	s17 =	sadd.s32 $0x200, s17;
	v2 =	vld [tilespmem:s18+$0xE010]  }
0x174: {  	v3 =	vld [tilespmem:s18+$0xE000];
	_ =	sdelay $0x1  }
0x175: {  	v4 =	vld [tilespmem:s18+$0xE020];
	_ =	sdelay $0x1  }
0x176: {  	v5 =	vld [tilespmem:s18+$0xE030]  }
0x177: {  	v2 =	vadd.f32 v2, v3;
	_ =	sdelay $0x1  }
0x178: {  	v2 =	vadd.f32 v4, v2;
	_ =	sdelay $0x1  }
0x179: {  	v2 =	vadd.f32 v5, v2;
	_ =	sdelay $0x1  }
0x17a: {  	v1 =	vadd.f32 v2, v1;
	_ =	sdelay $0x1  }
0x17b: {  	s17 =	simm.s32 $0x0;
	s18 =	rddreg [dreg:$0xe];
	[tilespmem:$0x10000] =	vst v1  }
0x17c: {  	[tilespmem:s10], [sflag:$0x4] =	stream.linear.gather [hbm4b:s18+s17], $0x4000, $0x38;
	[tilespmem:$0x10100] =	vst v63  }
0x17d: {  	_ =	swait.ge [sflag:s11], $0x4000  }
0x17e: {  	[sflag:s11] =	ssyncset.done $0x0  }
0x17f: {  	[sflag:s11] =	ssyncadd.s32 $0xFFFFC000  }
0x180: {  	s18 =	simm.s32 $0x0;
	v1 =	vld [tilespmem:$0x10000]  }
0x181: {  	s17 =	simm.s32 $0x200;
	v2 =	vld [tilespmem:s18+$0x10]  }
.LBB2_34:
0x182: {  	p0 =	sne.s32 s17, $0x7E00;
	v3 =	vld [tilespmem:s18+$0x0];
	_ =	sdelay $0x1  }
0x183: {  	v4 =	vld [tilespmem:s18+$0x20];
	_ =	sdelay $0x1  }
0x184: {  	v5 =	vld [tilespmem:s18+$0x30]  }
0x185: {  	v2 =	vadd.f32 v2, v3;
	_ =	sdelay $0x1  }
0x186: {  	v2 =	vadd.f32 v4, v2;
	_ =	sdelay $0x1  }
0x187: {  	v2 =	vadd.f32 v5, v2  }
.Ltmp16:
0x188: {  	(pc) =	sbr.rel @p0 .LBB2_34-.Ltmp16, $3  }
0x189: {  	v1 =	vadd.f32 v2, v1;
	_ =	sdelay $0x1  }
0x18a: {  	s18 =	sshra.s32 s17, $0x2;
	[tilespmem:$0x10000] =	vst v1  }
0x18b: {  	s17 =	sadd.s32 $0x200, s17;
	v2 =	vld [tilespmem:s18+$0x10]  }
0x18c: {  	v3 =	vld [tilespmem:s18+$0x0];
	_ =	sdelay $0x1  }
0x18d: {  	v4 =	vld [tilespmem:s18+$0x20];
	_ =	sdelay $0x1  }
0x18e: {  	v5 =	vld [tilespmem:s18+$0x30]  }
0x18f: {  	v2 =	vadd.f32 v2, v3;
	_ =	sdelay $0x1  }
0x190: {  	v2 =	vadd.f32 v4, v2;
	_ =	sdelay $0x1  }
0x191: {  	v2 =	vadd.f32 v5, v2;
	_ =	sdelay $0x1  }
0x192: {  	v1 =	vadd.f32 v2, v1;
	_ =	sdelay $0x1  }
0x193: {  	s18 =	simm.s32 $0x0;
	[tilespmem:$0x10000] =	vst v1  }
0x194: {  	s17 =	simm.s32 $0x200;
	v2 =	vld [tilespmem:s18+$0x2010]  }
.LBB2_36:
0x195: {  	p0 =	sne.s32 s17, $0x7E00;
	v3 =	vld [tilespmem:s18+$0x2000];
	_ =	sdelay $0x1  }
0x196: {  	v4 =	vld [tilespmem:s18+$0x2020];
	_ =	sdelay $0x1  }
0x197: {  	v5 =	vld [tilespmem:s18+$0x2030]  }
0x198: {  	v2 =	vadd.f32 v2, v3;
	_ =	sdelay $0x1  }
0x199: {  	v2 =	vadd.f32 v4, v2;
	_ =	sdelay $0x1  }
0x19a: {  	v2 =	vadd.f32 v5, v2  }
.Ltmp17:
0x19b: {  	(pc) =	sbr.rel @p0 .LBB2_36-.Ltmp17, $3  }
0x19c: {  	v1 =	vadd.f32 v2, v1;
	_ =	sdelay $0x1  }
0x19d: {  	s18 =	sshra.s32 s17, $0x2;
	[tilespmem:$0x10000] =	vst v1  }
0x19e: {  	s17 =	sadd.s32 $0x200, s17;
	v2 =	vld [tilespmem:s18+$0x2010]  }
0x19f: {  	v3 =	vld [tilespmem:s18+$0x2000];
	_ =	sdelay $0x1  }
0x1a0: {  	v4 =	vld [tilespmem:s18+$0x2020];
	_ =	sdelay $0x1  }
0x1a1: {  	v5 =	vld [tilespmem:s18+$0x2030]  }
0x1a2: {  	v2 =	vadd.f32 v2, v3;
	_ =	sdelay $0x1  }
0x1a3: {  	v2 =	vadd.f32 v4, v2;
	_ =	sdelay $0x1  }
0x1a4: {  	v2 =	vadd.f32 v5, v2;
	_ =	sdelay $0x1  }
0x1a5: {  	v1 =	vadd.f32 v2, v1;
	_ =	sdelay $0x1  }
0x1a6: {  	s17 =	simm.s32 $0x0;
	s18 =	rddreg [dreg:$0xf];
	[tilespmem:$0x10000] =	vst v1  }
0x1a7: {  	[tilespmem:s17], [sflag:$0x1] =	stream.linear.gather [hbm4b:s18+s17], $0x4000, $0x38;
	[tilespmem:$0x10100] =	vst v63  }
0x1a8: {  	_ =	swait.ge [sflag:s12], $0x4000  }
0x1a9: {  	[sflag:s12] =	ssyncset.done $0x0  }
0x1aa: {  	[sflag:s12] =	ssyncadd.s32 $0xFFFFC000  }
0x1ab: {  	s18 =	simm.s32 $0x0;
	v1 =	vld [tilespmem:$0x10000]  }
0x1ac: {  	s17 =	simm.s32 $0x200;
	v2 =	vld [tilespmem:s18+$0x4010]  }
.LBB2_38:
0x1ad: {  	p0 =	sne.s32 s17, $0x7E00;
	v3 =	vld [tilespmem:s18+$0x4000];
	_ =	sdelay $0x1  }
0x1ae: {  	v4 =	vld [tilespmem:s18+$0x4020];
	_ =	sdelay $0x1  }
0x1af: {  	v5 =	vld [tilespmem:s18+$0x4030]  }
0x1b0: {  	v2 =	vadd.f32 v2, v3;
	_ =	sdelay $0x1  }
0x1b1: {  	v2 =	vadd.f32 v4, v2;
	_ =	sdelay $0x1  }
0x1b2: {  	v2 =	vadd.f32 v5, v2  }
.Ltmp18:
0x1b3: {  	(pc) =	sbr.rel @p0 .LBB2_38-.Ltmp18, $3  }
0x1b4: {  	v1 =	vadd.f32 v2, v1;
	_ =	sdelay $0x1  }
0x1b5: {  	s18 =	sshra.s32 s17, $0x2;
	[tilespmem:$0x10000] =	vst v1  }
0x1b6: {  	s17 =	sadd.s32 $0x200, s17;
	v2 =	vld [tilespmem:s18+$0x4010]  }
0x1b7: {  	v3 =	vld [tilespmem:s18+$0x4000];
	_ =	sdelay $0x1  }
0x1b8: {  	v4 =	vld [tilespmem:s18+$0x4020];
	_ =	sdelay $0x1  }
0x1b9: {  	v5 =	vld [tilespmem:s18+$0x4030]  }
0x1ba: {  	v2 =	vadd.f32 v2, v3;
	_ =	sdelay $0x1  }
0x1bb: {  	v2 =	vadd.f32 v4, v2;
	_ =	sdelay $0x1  }
0x1bc: {  	v2 =	vadd.f32 v5, v2;
	_ =	sdelay $0x1  }
0x1bd: {  	v1 =	vadd.f32 v2, v1;
	_ =	sdelay $0x1  }
0x1be: {  	s18 =	simm.s32 $0x0;
	[tilespmem:$0x10000] =	vst v1  }
0x1bf: {  	s17 =	simm.s32 $0x200;
	v2 =	vld [tilespmem:s18+$0x6010]  }
.LBB2_40:
0x1c0: {  	p0 =	sne.s32 s17, $0x7E00;
	v3 =	vld [tilespmem:s18+$0x6000];
	_ =	sdelay $0x1  }
0x1c1: {  	v4 =	vld [tilespmem:s18+$0x6020];
	_ =	sdelay $0x1  }
0x1c2: {  	v5 =	vld [tilespmem:s18+$0x6030]  }
0x1c3: {  	v2 =	vadd.f32 v2, v3;
	_ =	sdelay $0x1  }
0x1c4: {  	v2 =	vadd.f32 v4, v2;
	_ =	sdelay $0x1  }
0x1c5: {  	v2 =	vadd.f32 v5, v2  }
.Ltmp19:
0x1c6: {  	(pc) =	sbr.rel @p0 .LBB2_40-.Ltmp19, $3  }
0x1c7: {  	v1 =	vadd.f32 v2, v1;
	_ =	sdelay $0x1  }
0x1c8: {  	s18 =	sshra.s32 s17, $0x2;
	[tilespmem:$0x10000] =	vst v1  }
0x1c9: {  	s17 =	sadd.s32 $0x200, s17;
	v2 =	vld [tilespmem:s18+$0x6010]  }
0x1ca: {  	v3 =	vld [tilespmem:s18+$0x6000];
	_ =	sdelay $0x1  }
0x1cb: {  	v4 =	vld [tilespmem:s18+$0x6020];
	_ =	sdelay $0x1  }
0x1cc: {  	v5 =	vld [tilespmem:s18+$0x6030]  }
0x1cd: {  	v2 =	vadd.f32 v2, v3;
	_ =	sdelay $0x1  }
0x1ce: {  	v2 =	vadd.f32 v4, v2;
	_ =	sdelay $0x1  }
0x1cf: {  	v2 =	vadd.f32 v5, v2;
	_ =	sdelay $0x1  }
0x1d0: {  	v1 =	vadd.f32 v2, v1;
	_ =	sdelay $0x1  }
0x1d1: {  	s17 =	simm.s32 $0x0;
	s18 =	rddreg [dreg:$0x10];
	[tilespmem:$0x10000] =	vst v1  }
0x1d2: {  	[tilespmem:s8], [sflag:$0x2] =	stream.linear.gather [hbm4b:s18+s17], $0x4000, $0x38;
	[tilespmem:$0x10100] =	vst v63  }
0x1d3: {  	_ =	swait.ge [sflag:s13], $0x4000  }
0x1d4: {  	[sflag:s13] =	ssyncset.done $0x0  }
0x1d5: {  	[sflag:s13] =	ssyncadd.s32 $0xFFFFC000  }
0x1d6: {  	s18 =	simm.s32 $0x0;
	v1 =	vld [tilespmem:$0x10000]  }
0x1d7: {  	s17 =	simm.s32 $0x200;
	v2 =	vld [tilespmem:s18+$0x8010]  }
.LBB2_42:
0x1d8: {  	p0 =	sne.s32 s17, $0x7E00;
	v3 =	vld [tilespmem:s18+$0x8000];
	_ =	sdelay $0x1  }
0x1d9: {  	v4 =	vld [tilespmem:s18+$0x8020];
	_ =	sdelay $0x1  }
0x1da: {  	v5 =	vld [tilespmem:s18+$0x8030]  }
0x1db: {  	v2 =	vadd.f32 v2, v3;
	_ =	sdelay $0x1  }
0x1dc: {  	v2 =	vadd.f32 v4, v2;
	_ =	sdelay $0x1  }
0x1dd: {  	v2 =	vadd.f32 v5, v2  }
.Ltmp20:
0x1de: {  	(pc) =	sbr.rel @p0 .LBB2_42-.Ltmp20, $3  }
0x1df: {  	v1 =	vadd.f32 v2, v1;
	_ =	sdelay $0x1  }
0x1e0: {  	s18 =	sshra.s32 s17, $0x2;
	[tilespmem:$0x10000] =	vst v1  }
0x1e1: {  	s17 =	sadd.s32 $0x200, s17;
	v2 =	vld [tilespmem:s18+$0x8010]  }
0x1e2: {  	v3 =	vld [tilespmem:s18+$0x8000];
	_ =	sdelay $0x1  }
0x1e3: {  	v4 =	vld [tilespmem:s18+$0x8020];
	_ =	sdelay $0x1  }
0x1e4: {  	v5 =	vld [tilespmem:s18+$0x8030]  }
0x1e5: {  	v2 =	vadd.f32 v2, v3;
	_ =	sdelay $0x1  }
0x1e6: {  	v2 =	vadd.f32 v4, v2;
	_ =	sdelay $0x1  }
0x1e7: {  	v2 =	vadd.f32 v5, v2;
	_ =	sdelay $0x1  }
0x1e8: {  	v1 =	vadd.f32 v2, v1;
	_ =	sdelay $0x1  }
0x1e9: {  	s18 =	simm.s32 $0x0;
	[tilespmem:$0x10000] =	vst v1  }
0x1ea: {  	s17 =	simm.s32 $0x200;
	v2 =	vld [tilespmem:s18+$0xA010]  }
.LBB2_44:
0x1eb: {  	p0 =	sne.s32 s17, $0x7E00;
	v3 =	vld [tilespmem:s18+$0xA000];
	_ =	sdelay $0x1  }
0x1ec: {  	v4 =	vld [tilespmem:s18+$0xA020];
	_ =	sdelay $0x1  }
0x1ed: {  	v5 =	vld [tilespmem:s18+$0xA030]  }
0x1ee: {  	v2 =	vadd.f32 v2, v3;
	_ =	sdelay $0x1  }
0x1ef: {  	v2 =	vadd.f32 v4, v2;
	_ =	sdelay $0x1  }
0x1f0: {  	v2 =	vadd.f32 v5, v2  }
.Ltmp21:
0x1f1: {  	(pc) =	sbr.rel @p0 .LBB2_44-.Ltmp21, $3  }
0x1f2: {  	v1 =	vadd.f32 v2, v1;
	_ =	sdelay $0x1  }
0x1f3: {  	s18 =	sshra.s32 s17, $0x2;
	[tilespmem:$0x10000] =	vst v1  }
0x1f4: {  	s17 =	sadd.s32 $0x200, s17;
	v2 =	vld [tilespmem:s18+$0xA010]  }
0x1f5: {  	v3 =	vld [tilespmem:s18+$0xA000];
	_ =	sdelay $0x1  }
0x1f6: {  	v4 =	vld [tilespmem:s18+$0xA020];
	_ =	sdelay $0x1  }
0x1f7: {  	v5 =	vld [tilespmem:s18+$0xA030]  }
0x1f8: {  	v2 =	vadd.f32 v2, v3;
	_ =	sdelay $0x1  }
0x1f9: {  	v2 =	vadd.f32 v4, v2;
	_ =	sdelay $0x1  }
0x1fa: {  	v2 =	vadd.f32 v5, v2;
	_ =	sdelay $0x1  }
0x1fb: {  	v1 =	vadd.f32 v2, v1;
	_ =	sdelay $0x1  }
0x1fc: {  	s17 =	simm.s32 $0x0;
	s18 =	rddreg [dreg:$0x11];
	[tilespmem:$0x10000] =	vst v1  }
0x1fd: {  	[tilespmem:s9], [sflag:$0x3] =	stream.linear.gather [hbm4b:s18+s17], $0x4000, $0x38;
	[tilespmem:$0x10100] =	vst v63  }
0x1fe: {  	_ =	swait.ge [sflag:s14], $0x4000  }
0x1ff: {  	[sflag:s14] =	ssyncset.done $0x0  }
0x200: {  	[sflag:s14] =	ssyncadd.s32 $0xFFFFC000  }
0x201: {  	s18 =	simm.s32 $0x0;
	v1 =	vld [tilespmem:$0x10000]  }
0x202: {  	s17 =	simm.s32 $0x200;
	v2 =	vld [tilespmem:s18+$0xC010]  }
.LBB2_46:
0x203: {  	p0 =	sne.s32 s17, $0x7E00;
	v3 =	vld [tilespmem:s18+$0xC000];
	_ =	sdelay $0x1  }
0x204: {  	v4 =	vld [tilespmem:s18+$0xC020];
	_ =	sdelay $0x1  }
0x205: {  	v5 =	vld [tilespmem:s18+$0xC030]  }
0x206: {  	v2 =	vadd.f32 v2, v3;
	_ =	sdelay $0x1  }
0x207: {  	v2 =	vadd.f32 v4, v2;
	_ =	sdelay $0x1  }
0x208: {  	v2 =	vadd.f32 v5, v2  }
.Ltmp22:
0x209: {  	(pc) =	sbr.rel @p0 .LBB2_46-.Ltmp22, $3  }
0x20a: {  	v1 =	vadd.f32 v2, v1;
	_ =	sdelay $0x1  }
0x20b: {  	s18 =	sshra.s32 s17, $0x2;
	[tilespmem:$0x10000] =	vst v1  }
0x20c: {  	s17 =	sadd.s32 $0x200, s17;
	v2 =	vld [tilespmem:s18+$0xC010]  }
0x20d: {  	v3 =	vld [tilespmem:s18+$0xC000];
	_ =	sdelay $0x1  }
0x20e: {  	v4 =	vld [tilespmem:s18+$0xC020];
	_ =	sdelay $0x1  }
0x20f: {  	v5 =	vld [tilespmem:s18+$0xC030]  }
0x210: {  	v2 =	vadd.f32 v2, v3;
	_ =	sdelay $0x1  }
0x211: {  	v2 =	vadd.f32 v4, v2;
	_ =	sdelay $0x1  }
0x212: {  	v2 =	vadd.f32 v5, v2;
	_ =	sdelay $0x1  }
0x213: {  	v1 =	vadd.f32 v2, v1;
	_ =	sdelay $0x1  }
0x214: {  	s18 =	simm.s32 $0x0;
	[tilespmem:$0x10000] =	vst v1  }
0x215: {  	s17 =	simm.s32 $0x200;
	v2 =	vld [tilespmem:s18+$0xE010]  }
.LBB2_48:
0x216: {  	p0 =	sne.s32 s17, $0x7E00;
	v3 =	vld [tilespmem:s18+$0xE000];
	_ =	sdelay $0x1  }
0x217: {  	v4 =	vld [tilespmem:s18+$0xE020];
	_ =	sdelay $0x1  }
0x218: {  	v5 =	vld [tilespmem:s18+$0xE030]  }
0x219: {  	v2 =	vadd.f32 v2, v3;
	_ =	sdelay $0x1  }
0x21a: {  	v2 =	vadd.f32 v4, v2;
	_ =	sdelay $0x1  }
0x21b: {  	v2 =	vadd.f32 v5, v2  }
.Ltmp23:
0x21c: {  	(pc) =	sbr.rel @p0 .LBB2_48-.Ltmp23, $3  }
0x21d: {  	v1 =	vadd.f32 v2, v1;
	_ =	sdelay $0x1  }
0x21e: {  	s18 =	sshra.s32 s17, $0x2;
	[tilespmem:$0x10000] =	vst v1  }
0x21f: {  	s17 =	sadd.s32 $0x200, s17;
	v2 =	vld [tilespmem:s18+$0xE010]  }
0x220: {  	v3 =	vld [tilespmem:s18+$0xE000];
	_ =	sdelay $0x1  }
0x221: {  	v4 =	vld [tilespmem:s18+$0xE020];
	_ =	sdelay $0x1  }
0x222: {  	v5 =	vld [tilespmem:s18+$0xE030]  }
0x223: {  	v2 =	vadd.f32 v2, v3;
	_ =	sdelay $0x1  }
0x224: {  	v2 =	vadd.f32 v4, v2;
	_ =	sdelay $0x1  }
0x225: {  	v2 =	vadd.f32 v5, v2;
	_ =	sdelay $0x1  }
0x226: {  	v1 =	vadd.f32 v2, v1;
	_ =	sdelay $0x1  }
0x227: {  	s17 =	simm.s32 $0x0;
	s18 =	rddreg [dreg:$0x12];
	[tilespmem:$0x10000] =	vst v1  }
0x228: {  	[tilespmem:s10], [sflag:$0x4] =	stream.linear.gather [hbm4b:s18+s17], $0x4000, $0x38;
	[tilespmem:$0x10100] =	vst v63  }
0x229: {  	_ =	swait.ge [sflag:s11], $0x4000  }
0x22a: {  	[sflag:s11] =	ssyncset.done $0x0  }
0x22b: {  	[sflag:s11] =	ssyncadd.s32 $0xFFFFC000  }
0x22c: {  	s18 =	simm.s32 $0x0;
	v1 =	vld [tilespmem:$0x10000]  }
0x22d: {  	s17 =	simm.s32 $0x200;
	v2 =	vld [tilespmem:s18+$0x10]  }
.LBB2_50:
0x22e: {  	p0 =	sne.s32 s17, $0x7E00;
	v3 =	vld [tilespmem:s18+$0x0];
	_ =	sdelay $0x1  }
0x22f: {  	v4 =	vld [tilespmem:s18+$0x20];
	_ =	sdelay $0x1  }
0x230: {  	v5 =	vld [tilespmem:s18+$0x30]  }
0x231: {  	v2 =	vadd.f32 v2, v3;
	_ =	sdelay $0x1  }
0x232: {  	v2 =	vadd.f32 v4, v2;
	_ =	sdelay $0x1  }
0x233: {  	v2 =	vadd.f32 v5, v2  }
.Ltmp24:
0x234: {  	(pc) =	sbr.rel @p0 .LBB2_50-.Ltmp24, $3  }
0x235: {  	v1 =	vadd.f32 v2, v1;
	_ =	sdelay $0x1  }
0x236: {  	s18 =	sshra.s32 s17, $0x2;
	[tilespmem:$0x10000] =	vst v1  }
0x237: {  	s17 =	sadd.s32 $0x200, s17;
	v2 =	vld [tilespmem:s18+$0x10]  }
0x238: {  	v3 =	vld [tilespmem:s18+$0x0];
	_ =	sdelay $0x1  }
0x239: {  	v4 =	vld [tilespmem:s18+$0x20];
	_ =	sdelay $0x1  }
0x23a: {  	v5 =	vld [tilespmem:s18+$0x30]  }
0x23b: {  	v2 =	vadd.f32 v2, v3;
	_ =	sdelay $0x1  }
0x23c: {  	v2 =	vadd.f32 v4, v2;
	_ =	sdelay $0x1  }
0x23d: {  	v2 =	vadd.f32 v5, v2;
	_ =	sdelay $0x1  }
0x23e: {  	v1 =	vadd.f32 v2, v1;
	_ =	sdelay $0x1  }
0x23f: {  	s18 =	simm.s32 $0x0;
	[tilespmem:$0x10000] =	vst v1  }
0x240: {  	s17 =	simm.s32 $0x200;
	v2 =	vld [tilespmem:s18+$0x2010]  }
.LBB2_52:
0x241: {  	p0 =	sne.s32 s17, $0x7E00;
	v3 =	vld [tilespmem:s18+$0x2000];
	_ =	sdelay $0x1  }
0x242: {  	v4 =	vld [tilespmem:s18+$0x2020];
	_ =	sdelay $0x1  }
0x243: {  	v5 =	vld [tilespmem:s18+$0x2030]  }
0x244: {  	v2 =	vadd.f32 v2, v3;
	_ =	sdelay $0x1  }
0x245: {  	v2 =	vadd.f32 v4, v2;
	_ =	sdelay $0x1  }
0x246: {  	v2 =	vadd.f32 v5, v2  }
.Ltmp25:
0x247: {  	(pc) =	sbr.rel @p0 .LBB2_52-.Ltmp25, $3  }
0x248: {  	v1 =	vadd.f32 v2, v1;
	_ =	sdelay $0x1  }
0x249: {  	s18 =	sshra.s32 s17, $0x2;
	[tilespmem:$0x10000] =	vst v1  }
0x24a: {  	s17 =	sadd.s32 $0x200, s17;
	v2 =	vld [tilespmem:s18+$0x2010]  }
0x24b: {  	v3 =	vld [tilespmem:s18+$0x2000];
	_ =	sdelay $0x1  }
0x24c: {  	v4 =	vld [tilespmem:s18+$0x2020];
	_ =	sdelay $0x1  }
0x24d: {  	v5 =	vld [tilespmem:s18+$0x2030]  }
0x24e: {  	v2 =	vadd.f32 v2, v3;
	_ =	sdelay $0x1  }
0x24f: {  	v2 =	vadd.f32 v4, v2;
	_ =	sdelay $0x1  }
0x250: {  	v2 =	vadd.f32 v5, v2;
	_ =	sdelay $0x1  }
0x251: {  	v1 =	vadd.f32 v2, v1;
	_ =	sdelay $0x1  }
0x252: {  	s17 =	simm.s32 $0x0;
	[tilespmem:$0x10000] =	vst v1  }
0x253: {  	[tilespmem:s17], [sflag:$0x1] =	stream.linear.gather [hbm4b:s20+s17], $0x4000, $0x38;
	[tilespmem:$0x10100] =	vst v63  }
0x254: {  	_ =	swait.ge [sflag:s12], $0x4000  }
0x255: {  	[sflag:s12] =	ssyncset.done $0x0  }
0x256: {  	[sflag:s12] =	ssyncadd.s32 $0xFFFFC000  }
0x257: {  	s18 =	simm.s32 $0x0;
	v1 =	vld [tilespmem:$0x10000]  }
0x258: {  	s17 =	simm.s32 $0x200;
	v2 =	vld [tilespmem:s18+$0x4010]  }
.LBB2_54:
0x259: {  	p0 =	sne.s32 s17, $0x7E00;
	v3 =	vld [tilespmem:s18+$0x4000];
	_ =	sdelay $0x1  }
0x25a: {  	v4 =	vld [tilespmem:s18+$0x4020];
	_ =	sdelay $0x1  }
0x25b: {  	v5 =	vld [tilespmem:s18+$0x4030]  }
0x25c: {  	v2 =	vadd.f32 v2, v3;
	_ =	sdelay $0x1  }
0x25d: {  	v2 =	vadd.f32 v4, v2;
	_ =	sdelay $0x1  }
0x25e: {  	v2 =	vadd.f32 v5, v2  }
.Ltmp26:
0x25f: {  	(pc) =	sbr.rel @p0 .LBB2_54-.Ltmp26, $3  }
0x260: {  	v1 =	vadd.f32 v2, v1;
	_ =	sdelay $0x1  }
0x261: {  	s18 =	sshra.s32 s17, $0x2;
	[tilespmem:$0x10000] =	vst v1  }
0x262: {  	s17 =	sadd.s32 $0x200, s17;
	v2 =	vld [tilespmem:s18+$0x4010]  }
0x263: {  	v3 =	vld [tilespmem:s18+$0x4000];
	_ =	sdelay $0x1  }
0x264: {  	v4 =	vld [tilespmem:s18+$0x4020];
	_ =	sdelay $0x1  }
0x265: {  	v5 =	vld [tilespmem:s18+$0x4030]  }
0x266: {  	v2 =	vadd.f32 v2, v3;
	_ =	sdelay $0x1  }
0x267: {  	v2 =	vadd.f32 v4, v2;
	_ =	sdelay $0x1  }
0x268: {  	v2 =	vadd.f32 v5, v2;
	_ =	sdelay $0x1  }
0x269: {  	v1 =	vadd.f32 v2, v1;
	_ =	sdelay $0x1  }
0x26a: {  	s18 =	simm.s32 $0x0;
	[tilespmem:$0x10000] =	vst v1  }
0x26b: {  	s17 =	simm.s32 $0x200;
	v2 =	vld [tilespmem:s18+$0x6010]  }
.LBB2_56:
0x26c: {  	p0 =	sne.s32 s17, $0x7E00;
	v3 =	vld [tilespmem:s18+$0x6000];
	_ =	sdelay $0x1  }
0x26d: {  	v4 =	vld [tilespmem:s18+$0x6020];
	_ =	sdelay $0x1  }
0x26e: {  	v5 =	vld [tilespmem:s18+$0x6030]  }
0x26f: {  	v2 =	vadd.f32 v2, v3;
	_ =	sdelay $0x1  }
0x270: {  	v2 =	vadd.f32 v4, v2;
	_ =	sdelay $0x1  }
0x271: {  	v2 =	vadd.f32 v5, v2  }
.Ltmp27:
0x272: {  	(pc) =	sbr.rel @p0 .LBB2_56-.Ltmp27, $3  }
0x273: {  	v1 =	vadd.f32 v2, v1;
	_ =	sdelay $0x1  }
0x274: {  	s18 =	sshra.s32 s17, $0x2;
	[tilespmem:$0x10000] =	vst v1  }
0x275: {  	s17 =	sadd.s32 $0x200, s17;
	v2 =	vld [tilespmem:s18+$0x6010]  }
0x276: {  	v3 =	vld [tilespmem:s18+$0x6000];
	_ =	sdelay $0x1  }
0x277: {  	v4 =	vld [tilespmem:s18+$0x6020];
	_ =	sdelay $0x1  }
0x278: {  	v5 =	vld [tilespmem:s18+$0x6030]  }
0x279: {  	v2 =	vadd.f32 v2, v3;
	_ =	sdelay $0x1  }
0x27a: {  	v2 =	vadd.f32 v4, v2;
	_ =	sdelay $0x1  }
0x27b: {  	v2 =	vadd.f32 v5, v2;
	_ =	sdelay $0x1  }
0x27c: {  	v1 =	vadd.f32 v2, v1;
	_ =	sdelay $0x1  }
0x27d: {  	s17 =	simm.s32 $0x0;
	[tilespmem:$0x10000] =	vst v1  }
0x27e: {  	[tilespmem:s8], [sflag:$0x2] =	stream.linear.gather [hbm4b:s19+s17], $0x4000, $0x38;
	[tilespmem:$0x10100] =	vst v63  }
0x27f: {  	_ =	swait.ge [sflag:s13], $0x4000  }
0x280: {  	[sflag:s13] =	ssyncset.done $0x0  }
0x281: {  	[sflag:s13] =	ssyncadd.s32 $0xFFFFC000  }
0x282: {  	s18 =	simm.s32 $0x0;
	v1 =	vld [tilespmem:$0x10000]  }
0x283: {  	s17 =	simm.s32 $0x200;
	v2 =	vld [tilespmem:s18+$0x8010]  }
.LBB2_58:
0x284: {  	p0 =	sne.s32 s17, $0x7E00;
	v3 =	vld [tilespmem:s18+$0x8000];
	_ =	sdelay $0x1  }
0x285: {  	v4 =	vld [tilespmem:s18+$0x8020];
	_ =	sdelay $0x1  }
0x286: {  	v5 =	vld [tilespmem:s18+$0x8030]  }
0x287: {  	v2 =	vadd.f32 v2, v3;
	_ =	sdelay $0x1  }
0x288: {  	v2 =	vadd.f32 v4, v2;
	_ =	sdelay $0x1  }
0x289: {  	v2 =	vadd.f32 v5, v2  }
.Ltmp28:
0x28a: {  	(pc) =	sbr.rel @p0 .LBB2_58-.Ltmp28, $3  }
0x28b: {  	v1 =	vadd.f32 v2, v1;
	_ =	sdelay $0x1  }
0x28c: {  	s18 =	sshra.s32 s17, $0x2;
	[tilespmem:$0x10000] =	vst v1  }
0x28d: {  	s17 =	sadd.s32 $0x200, s17;
	v2 =	vld [tilespmem:s18+$0x8010]  }
0x28e: {  	v3 =	vld [tilespmem:s18+$0x8000];
	_ =	sdelay $0x1  }
0x28f: {  	v4 =	vld [tilespmem:s18+$0x8020];
	_ =	sdelay $0x1  }
0x290: {  	v5 =	vld [tilespmem:s18+$0x8030]  }
0x291: {  	v2 =	vadd.f32 v2, v3;
	_ =	sdelay $0x1  }
0x292: {  	v2 =	vadd.f32 v4, v2;
	_ =	sdelay $0x1  }
0x293: {  	v2 =	vadd.f32 v5, v2;
	_ =	sdelay $0x1  }
0x294: {  	v1 =	vadd.f32 v2, v1;
	_ =	sdelay $0x1  }
0x295: {  	s18 =	simm.s32 $0x0;
	[tilespmem:$0x10000] =	vst v1  }
0x296: {  	s17 =	simm.s32 $0x200;
	v2 =	vld [tilespmem:s18+$0xA010]  }
.LBB2_60:
0x297: {  	p0 =	sne.s32 s17, $0x7E00;
	v3 =	vld [tilespmem:s18+$0xA000];
	_ =	sdelay $0x1  }
0x298: {  	v4 =	vld [tilespmem:s18+$0xA020];
	_ =	sdelay $0x1  }
0x299: {  	v5 =	vld [tilespmem:s18+$0xA030]  }
0x29a: {  	v2 =	vadd.f32 v2, v3;
	_ =	sdelay $0x1  }
0x29b: {  	v2 =	vadd.f32 v4, v2;
	_ =	sdelay $0x1  }
0x29c: {  	v2 =	vadd.f32 v5, v2  }
.Ltmp29:
0x29d: {  	(pc) =	sbr.rel @p0 .LBB2_60-.Ltmp29, $3  }
0x29e: {  	v1 =	vadd.f32 v2, v1;
	_ =	sdelay $0x1  }
0x29f: {  	s18 =	sshra.s32 s17, $0x2;
	[tilespmem:$0x10000] =	vst v1  }
0x2a0: {  	s17 =	sadd.s32 $0x200, s17;
	v2 =	vld [tilespmem:s18+$0xA010]  }
0x2a1: {  	v3 =	vld [tilespmem:s18+$0xA000];
	_ =	sdelay $0x1  }
0x2a2: {  	v4 =	vld [tilespmem:s18+$0xA020];
	_ =	sdelay $0x1  }
0x2a3: {  	v5 =	vld [tilespmem:s18+$0xA030]  }
0x2a4: {  	v2 =	vadd.f32 v2, v3;
	_ =	sdelay $0x1  }
0x2a5: {  	v2 =	vadd.f32 v4, v2;
	_ =	sdelay $0x1  }
0x2a6: {  	v2 =	vadd.f32 v5, v2;
	_ =	sdelay $0x1  }
0x2a7: {  	v1 =	vadd.f32 v2, v1;
	_ =	sdelay $0x1  }
0x2a8: {  	s17 =	simm.s32 $0x0;
	[tilespmem:$0x10000] =	vst v1  }
0x2a9: {  	[tilespmem:s9], [sflag:$0x3] =	stream.linear.gather [hbm4b:s21+s17], $0x4000, $0x38;
	[tilespmem:$0x10100] =	vst v63  }
0x2aa: {  	_ =	swait.ge [sflag:s14], $0x4000  }
0x2ab: {  	[sflag:s14] =	ssyncset.done $0x0  }
0x2ac: {  	[sflag:s14] =	ssyncadd.s32 $0xFFFFC000  }
0x2ad: {  	s18 =	simm.s32 $0x0;
	v1 =	vld [tilespmem:$0x10000]  }
0x2ae: {  	s17 =	simm.s32 $0x200;
	v2 =	vld [tilespmem:s18+$0xC010]  }
.LBB2_62:
0x2af: {  	p0 =	sne.s32 s17, $0x7E00;
	v3 =	vld [tilespmem:s18+$0xC000];
	_ =	sdelay $0x1  }
0x2b0: {  	v4 =	vld [tilespmem:s18+$0xC020];
	_ =	sdelay $0x1  }
0x2b1: {  	v5 =	vld [tilespmem:s18+$0xC030]  }
0x2b2: {  	v2 =	vadd.f32 v2, v3;
	_ =	sdelay $0x1  }
0x2b3: {  	v2 =	vadd.f32 v4, v2;
	_ =	sdelay $0x1  }
0x2b4: {  	v2 =	vadd.f32 v5, v2  }
.Ltmp30:
0x2b5: {  	(pc) =	sbr.rel @p0 .LBB2_62-.Ltmp30, $3  }
0x2b6: {  	v1 =	vadd.f32 v2, v1;
	_ =	sdelay $0x1  }
0x2b7: {  	s18 =	sshra.s32 s17, $0x2;
	[tilespmem:$0x10000] =	vst v1  }
0x2b8: {  	s17 =	sadd.s32 $0x200, s17;
	v2 =	vld [tilespmem:s18+$0xC010]  }
0x2b9: {  	v3 =	vld [tilespmem:s18+$0xC000];
	_ =	sdelay $0x1  }
0x2ba: {  	v4 =	vld [tilespmem:s18+$0xC020];
	_ =	sdelay $0x1  }
0x2bb: {  	v5 =	vld [tilespmem:s18+$0xC030]  }
0x2bc: {  	v2 =	vadd.f32 v2, v3;
	_ =	sdelay $0x1  }
0x2bd: {  	v2 =	vadd.f32 v4, v2;
	_ =	sdelay $0x1  }
0x2be: {  	v2 =	vadd.f32 v5, v2;
	_ =	sdelay $0x1  }
0x2bf: {  	v1 =	vadd.f32 v2, v1;
	_ =	sdelay $0x1  }
0x2c0: {  	s18 =	simm.s32 $0x0;
	[tilespmem:$0x10000] =	vst v1  }
0x2c1: {  	s17 =	simm.s32 $0x200;
	v2 =	vld [tilespmem:s18+$0xE010]  }
.LBB2_64:
0x2c2: {  	p0 =	sne.s32 s17, $0x7E00;
	v3 =	vld [tilespmem:s18+$0xE000];
	_ =	sdelay $0x1  }
0x2c3: {  	v4 =	vld [tilespmem:s18+$0xE020];
	_ =	sdelay $0x1  }
0x2c4: {  	v5 =	vld [tilespmem:s18+$0xE030]  }
0x2c5: {  	v2 =	vadd.f32 v2, v3;
	_ =	sdelay $0x1  }
0x2c6: {  	v2 =	vadd.f32 v4, v2;
	_ =	sdelay $0x1  }
0x2c7: {  	v2 =	vadd.f32 v5, v2  }
.Ltmp31:
0x2c8: {  	(pc) =	sbr.rel @p0 .LBB2_64-.Ltmp31, $3  }
0x2c9: {  	v1 =	vadd.f32 v2, v1;
	_ =	sdelay $0x1  }
0x2ca: {  	s18 =	sshra.s32 s17, $0x2;
	[tilespmem:$0x10000] =	vst v1  }
0x2cb: {  	s17 =	sadd.s32 $0x200, s17;
	v2 =	vld [tilespmem:s18+$0xE010]  }
0x2cc: {  	v3 =	vld [tilespmem:s18+$0xE000];
	_ =	sdelay $0x1  }
0x2cd: {  	v4 =	vld [tilespmem:s18+$0xE020];
	_ =	sdelay $0x1  }
0x2ce: {  	v5 =	vld [tilespmem:s18+$0xE030]  }
0x2cf: {  	v2 =	vadd.f32 v2, v3;
	_ =	sdelay $0x1  }
0x2d0: {  	v2 =	vadd.f32 v4, v2;
	_ =	sdelay $0x1  }
0x2d1: {  	v2 =	vadd.f32 v5, v2;
	_ =	sdelay $0x1  }
0x2d2: {  	v1 =	vadd.f32 v2, v1;
	_ =	sdelay $0x1  }
0x2d3: {  	s17 =	simm.s32 $0x0;
	[tilespmem:$0x10000] =	vst v1  }
0x2d4: {  	[tilespmem:s10], [sflag:$0x4] =	stream.linear.gather [hbm4b:s22+s17], $0x4000, $0x38;
	[tilespmem:$0x10100] =	vst v63  }
0x2d5: {  	_ =	swait.ge [sflag:s11], $0x4000  }
0x2d6: {  	[sflag:s11] =	ssyncset.done $0x0  }
0x2d7: {  	[sflag:s11] =	ssyncadd.s32 $0xFFFFC000  }
0x2d8: {  	s18 =	simm.s32 $0x0;
	v1 =	vld [tilespmem:$0x10000]  }
0x2d9: {  	s17 =	simm.s32 $0x200;
	v2 =	vld [tilespmem:s18+$0x10]  }
.LBB2_66:
0x2da: {  	p0 =	sne.s32 s17, $0x7E00;
	v3 =	vld [tilespmem:s18+$0x0];
	_ =	sdelay $0x1  }
0x2db: {  	v4 =	vld [tilespmem:s18+$0x20];
	_ =	sdelay $0x1  }
0x2dc: {  	v5 =	vld [tilespmem:s18+$0x30]  }
0x2dd: {  	v2 =	vadd.f32 v2, v3;
	_ =	sdelay $0x1  }
0x2de: {  	v2 =	vadd.f32 v4, v2;
	_ =	sdelay $0x1  }
0x2df: {  	v2 =	vadd.f32 v5, v2  }
.Ltmp32:
0x2e0: {  	(pc) =	sbr.rel @p0 .LBB2_66-.Ltmp32, $3  }
0x2e1: {  	v1 =	vadd.f32 v2, v1;
	_ =	sdelay $0x1  }
0x2e2: {  	s18 =	sshra.s32 s17, $0x2;
	[tilespmem:$0x10000] =	vst v1  }
0x2e3: {  	s17 =	sadd.s32 $0x200, s17;
	v2 =	vld [tilespmem:s18+$0x10]  }
0x2e4: {  	v3 =	vld [tilespmem:s18+$0x0];
	_ =	sdelay $0x1  }
0x2e5: {  	v4 =	vld [tilespmem:s18+$0x20];
	_ =	sdelay $0x1  }
0x2e6: {  	v5 =	vld [tilespmem:s18+$0x30]  }
0x2e7: {  	v2 =	vadd.f32 v2, v3;
	_ =	sdelay $0x1  }
0x2e8: {  	v2 =	vadd.f32 v4, v2;
	_ =	sdelay $0x1  }
0x2e9: {  	v2 =	vadd.f32 v5, v2;
	_ =	sdelay $0x1  }
0x2ea: {  	v1 =	vadd.f32 v2, v1;
	_ =	sdelay $0x1  }
0x2eb: {  	s18 =	simm.s32 $0x0;
	[tilespmem:$0x10000] =	vst v1  }
0x2ec: {  	s17 =	simm.s32 $0x200;
	v2 =	vld [tilespmem:s18+$0x2010]  }
.LBB2_68:
0x2ed: {  	p0 =	sne.s32 s17, $0x7E00;
	v3 =	vld [tilespmem:s18+$0x2000];
	_ =	sdelay $0x1  }
0x2ee: {  	v4 =	vld [tilespmem:s18+$0x2020];
	_ =	sdelay $0x1  }
0x2ef: {  	v5 =	vld [tilespmem:s18+$0x2030]  }
0x2f0: {  	v2 =	vadd.f32 v2, v3;
	_ =	sdelay $0x1  }
0x2f1: {  	v2 =	vadd.f32 v4, v2;
	_ =	sdelay $0x1  }
0x2f2: {  	v2 =	vadd.f32 v5, v2  }
.Ltmp33:
0x2f3: {  	(pc) =	sbr.rel @p0 .LBB2_68-.Ltmp33, $3  }
0x2f4: {  	v1 =	vadd.f32 v2, v1;
	_ =	sdelay $0x1  }
0x2f5: {  	s18 =	sshra.s32 s17, $0x2;
	[tilespmem:$0x10000] =	vst v1  }
0x2f6: {  	s17 =	sadd.s32 $0x200, s17;
	v2 =	vld [tilespmem:s18+$0x2010]  }
0x2f7: {  	v3 =	vld [tilespmem:s18+$0x2000];
	_ =	sdelay $0x1  }
0x2f8: {  	v4 =	vld [tilespmem:s18+$0x2020];
	_ =	sdelay $0x1  }
0x2f9: {  	v5 =	vld [tilespmem:s18+$0x2030]  }
0x2fa: {  	v2 =	vadd.f32 v2, v3;
	_ =	sdelay $0x1  }
0x2fb: {  	v2 =	vadd.f32 v4, v2;
	_ =	sdelay $0x1  }
0x2fc: {  	v2 =	vadd.f32 v5, v2;
	_ =	sdelay $0x1  }
0x2fd: {  	v1 =	vadd.f32 v2, v1;
	_ =	sdelay $0x1  }
0x2fe: {  	s17 =	simm.s32 $0x0;
	[tilespmem:$0x10000] =	vst v1  }
0x2ff: {  	[tilespmem:s17], [sflag:$0x1] =	stream.linear.gather [hbm4b:s23+s17], $0x4000, $0x38;
	[tilespmem:$0x10100] =	vst v63  }
0x300: {  	_ =	swait.ge [sflag:s12], $0x4000  }
0x301: {  	[sflag:s12] =	ssyncset.done $0x0  }
0x302: {  	[sflag:s12] =	ssyncadd.s32 $0xFFFFC000  }
0x303: {  	s18 =	simm.s32 $0x0;
	v1 =	vld [tilespmem:$0x10000]  }
0x304: {  	s17 =	simm.s32 $0x200;
	v2 =	vld [tilespmem:s18+$0x4010]  }
.LBB2_70:
0x305: {  	p0 =	sne.s32 s17, $0x7E00;
	v3 =	vld [tilespmem:s18+$0x4000];
	_ =	sdelay $0x1  }
0x306: {  	v4 =	vld [tilespmem:s18+$0x4020];
	_ =	sdelay $0x1  }
0x307: {  	v5 =	vld [tilespmem:s18+$0x4030]  }
0x308: {  	v2 =	vadd.f32 v2, v3;
	_ =	sdelay $0x1  }
0x309: {  	v2 =	vadd.f32 v4, v2;
	_ =	sdelay $0x1  }
0x30a: {  	v2 =	vadd.f32 v5, v2  }
.Ltmp34:
0x30b: {  	(pc) =	sbr.rel @p0 .LBB2_70-.Ltmp34, $3  }
0x30c: {  	v1 =	vadd.f32 v2, v1;
	_ =	sdelay $0x1  }
0x30d: {  	s18 =	sshra.s32 s17, $0x2;
	[tilespmem:$0x10000] =	vst v1  }
0x30e: {  	s17 =	sadd.s32 $0x200, s17;
	v2 =	vld [tilespmem:s18+$0x4010]  }
0x30f: {  	v3 =	vld [tilespmem:s18+$0x4000];
	_ =	sdelay $0x1  }
0x310: {  	v4 =	vld [tilespmem:s18+$0x4020];
	_ =	sdelay $0x1  }
0x311: {  	v5 =	vld [tilespmem:s18+$0x4030]  }
0x312: {  	v2 =	vadd.f32 v2, v3;
	_ =	sdelay $0x1  }
0x313: {  	v2 =	vadd.f32 v4, v2;
	_ =	sdelay $0x1  }
0x314: {  	v2 =	vadd.f32 v5, v2;
	_ =	sdelay $0x1  }
0x315: {  	v1 =	vadd.f32 v2, v1;
	_ =	sdelay $0x1  }
0x316: {  	s18 =	simm.s32 $0x0;
	[tilespmem:$0x10000] =	vst v1  }
0x317: {  	s17 =	simm.s32 $0x200;
	v2 =	vld [tilespmem:s18+$0x6010]  }
.LBB2_72:
0x318: {  	p0 =	sne.s32 s17, $0x7E00;
	v3 =	vld [tilespmem:s18+$0x6000];
	_ =	sdelay $0x1  }
0x319: {  	v4 =	vld [tilespmem:s18+$0x6020];
	_ =	sdelay $0x1  }
0x31a: {  	v5 =	vld [tilespmem:s18+$0x6030]  }
0x31b: {  	v2 =	vadd.f32 v2, v3;
	_ =	sdelay $0x1  }
0x31c: {  	v2 =	vadd.f32 v4, v2;
	_ =	sdelay $0x1  }
0x31d: {  	v2 =	vadd.f32 v5, v2  }
.Ltmp35:
0x31e: {  	(pc) =	sbr.rel @p0 .LBB2_72-.Ltmp35, $3  }
0x31f: {  	v1 =	vadd.f32 v2, v1;
	_ =	sdelay $0x1  }
0x320: {  	s18 =	sshra.s32 s17, $0x2;
	[tilespmem:$0x10000] =	vst v1  }
0x321: {  	s17 =	sadd.s32 $0x200, s17;
	v2 =	vld [tilespmem:s18+$0x6010]  }
0x322: {  	v3 =	vld [tilespmem:s18+$0x6000];
	_ =	sdelay $0x1  }
0x323: {  	v4 =	vld [tilespmem:s18+$0x6020];
	_ =	sdelay $0x1  }
0x324: {  	v5 =	vld [tilespmem:s18+$0x6030]  }
0x325: {  	v2 =	vadd.f32 v2, v3;
	_ =	sdelay $0x1  }
0x326: {  	v2 =	vadd.f32 v4, v2;
	_ =	sdelay $0x1  }
0x327: {  	v2 =	vadd.f32 v5, v2;
	_ =	sdelay $0x1  }
0x328: {  	v1 =	vadd.f32 v2, v1;
	_ =	sdelay $0x1  }
0x329: {  	s17 =	simm.s32 $0x0;
	[tilespmem:$0x10000] =	vst v1  }
0x32a: {  	[tilespmem:s8], [sflag:$0x2] =	stream.linear.gather [hbm4b:s24+s17], $0x4000, $0x38;
	[tilespmem:$0x10100] =	vst v63  }
0x32b: {  	_ =	swait.ge [sflag:s13], $0x4000  }
0x32c: {  	[sflag:s13] =	ssyncset.done $0x0  }
0x32d: {  	[sflag:s13] =	ssyncadd.s32 $0xFFFFC000  }
0x32e: {  	s18 =	simm.s32 $0x0;
	v1 =	vld [tilespmem:$0x10000]  }
0x32f: {  	s17 =	simm.s32 $0x200;
	v2 =	vld [tilespmem:s18+$0x8010]  }
.LBB2_74:
0x330: {  	p0 =	sne.s32 s17, $0x7E00;
	v3 =	vld [tilespmem:s18+$0x8000];
	_ =	sdelay $0x1  }
0x331: {  	v4 =	vld [tilespmem:s18+$0x8020];
	_ =	sdelay $0x1  }
0x332: {  	v5 =	vld [tilespmem:s18+$0x8030]  }
0x333: {  	v2 =	vadd.f32 v2, v3;
	_ =	sdelay $0x1  }
0x334: {  	v2 =	vadd.f32 v4, v2;
	_ =	sdelay $0x1  }
0x335: {  	v2 =	vadd.f32 v5, v2  }
.Ltmp36:
0x336: {  	(pc) =	sbr.rel @p0 .LBB2_74-.Ltmp36, $3  }
0x337: {  	v1 =	vadd.f32 v2, v1;
	_ =	sdelay $0x1  }
0x338: {  	s18 =	sshra.s32 s17, $0x2;
	[tilespmem:$0x10000] =	vst v1  }
0x339: {  	s17 =	sadd.s32 $0x200, s17;
	v2 =	vld [tilespmem:s18+$0x8010]  }
0x33a: {  	v3 =	vld [tilespmem:s18+$0x8000];
	_ =	sdelay $0x1  }
0x33b: {  	v4 =	vld [tilespmem:s18+$0x8020];
	_ =	sdelay $0x1  }
0x33c: {  	v5 =	vld [tilespmem:s18+$0x8030]  }
0x33d: {  	v2 =	vadd.f32 v2, v3;
	_ =	sdelay $0x1  }
0x33e: {  	v2 =	vadd.f32 v4, v2;
	_ =	sdelay $0x1  }
0x33f: {  	v2 =	vadd.f32 v5, v2;
	_ =	sdelay $0x1  }
0x340: {  	v1 =	vadd.f32 v2, v1;
	_ =	sdelay $0x1  }
0x341: {  	s18 =	simm.s32 $0x0;
	[tilespmem:$0x10000] =	vst v1  }
0x342: {  	s17 =	simm.s32 $0x200;
	v2 =	vld [tilespmem:s18+$0xA010]  }
.LBB2_76:
0x343: {  	p0 =	sne.s32 s17, $0x7E00;
	v3 =	vld [tilespmem:s18+$0xA000];
	_ =	sdelay $0x1  }
0x344: {  	v4 =	vld [tilespmem:s18+$0xA020];
	_ =	sdelay $0x1  }
0x345: {  	v5 =	vld [tilespmem:s18+$0xA030]  }
0x346: {  	v2 =	vadd.f32 v2, v3;
	_ =	sdelay $0x1  }
0x347: {  	v2 =	vadd.f32 v4, v2;
	_ =	sdelay $0x1  }
0x348: {  	v2 =	vadd.f32 v5, v2  }
.Ltmp37:
0x349: {  	(pc) =	sbr.rel @p0 .LBB2_76-.Ltmp37, $3  }
0x34a: {  	v1 =	vadd.f32 v2, v1;
	_ =	sdelay $0x1  }
0x34b: {  	s18 =	sshra.s32 s17, $0x2;
	[tilespmem:$0x10000] =	vst v1  }
0x34c: {  	s17 =	sadd.s32 $0x200, s17;
	v2 =	vld [tilespmem:s18+$0xA010]  }
0x34d: {  	v3 =	vld [tilespmem:s18+$0xA000];
	_ =	sdelay $0x1  }
0x34e: {  	v4 =	vld [tilespmem:s18+$0xA020];
	_ =	sdelay $0x1  }
0x34f: {  	v5 =	vld [tilespmem:s18+$0xA030]  }
0x350: {  	v2 =	vadd.f32 v2, v3;
	_ =	sdelay $0x1  }
0x351: {  	v2 =	vadd.f32 v4, v2;
	_ =	sdelay $0x1  }
0x352: {  	v2 =	vadd.f32 v5, v2;
	_ =	sdelay $0x1  }
0x353: {  	v1 =	vadd.f32 v2, v1;
	_ =	sdelay $0x1  }
0x354: {  	s17 =	simm.s32 $0x0;
	[tilespmem:$0x10000] =	vst v1  }
0x355: {  	[tilespmem:s9], [sflag:$0x3] =	stream.linear.gather [hbm4b:s25+s17], $0x4000, $0x38;
	[tilespmem:$0x10100] =	vst v63  }
0x356: {  	_ =	swait.ge [sflag:s14], $0x4000  }
0x357: {  	[sflag:s14] =	ssyncset.done $0x0  }
0x358: {  	[sflag:s14] =	ssyncadd.s32 $0xFFFFC000  }
0x359: {  	s18 =	simm.s32 $0x0;
	v1 =	vld [tilespmem:$0x10000]  }
0x35a: {  	s17 =	simm.s32 $0x200;
	v2 =	vld [tilespmem:s18+$0xC010]  }
.LBB2_78:
0x35b: {  	p0 =	sne.s32 s17, $0x7E00;
	v3 =	vld [tilespmem:s18+$0xC000];
	_ =	sdelay $0x1  }
0x35c: {  	v4 =	vld [tilespmem:s18+$0xC020];
	_ =	sdelay $0x1  }
0x35d: {  	v5 =	vld [tilespmem:s18+$0xC030]  }
0x35e: {  	v2 =	vadd.f32 v2, v3;
	_ =	sdelay $0x1  }
0x35f: {  	v2 =	vadd.f32 v4, v2;
	_ =	sdelay $0x1  }
0x360: {  	v2 =	vadd.f32 v5, v2  }
.Ltmp38:
0x361: {  	(pc) =	sbr.rel @p0 .LBB2_78-.Ltmp38, $3  }
0x362: {  	v1 =	vadd.f32 v2, v1;
	_ =	sdelay $0x1  }
0x363: {  	s18 =	sshra.s32 s17, $0x2;
	[tilespmem:$0x10000] =	vst v1  }
0x364: {  	s17 =	sadd.s32 $0x200, s17;
	v2 =	vld [tilespmem:s18+$0xC010]  }
0x365: {  	v3 =	vld [tilespmem:s18+$0xC000];
	_ =	sdelay $0x1  }
0x366: {  	v4 =	vld [tilespmem:s18+$0xC020];
	_ =	sdelay $0x1  }
0x367: {  	v5 =	vld [tilespmem:s18+$0xC030]  }
0x368: {  	v2 =	vadd.f32 v2, v3;
	_ =	sdelay $0x1  }
0x369: {  	v2 =	vadd.f32 v4, v2;
	_ =	sdelay $0x1  }
0x36a: {  	v2 =	vadd.f32 v5, v2;
	_ =	sdelay $0x1  }
0x36b: {  	v1 =	vadd.f32 v2, v1;
	_ =	sdelay $0x1  }
0x36c: {  	s18 =	simm.s32 $0x0;
	[tilespmem:$0x10000] =	vst v1  }
0x36d: {  	s17 =	simm.s32 $0x200;
	v2 =	vld [tilespmem:s18+$0xE010]  }
.LBB2_80:
0x36e: {  	p0 =	sne.s32 s17, $0x7E00;
	v3 =	vld [tilespmem:s18+$0xE000];
	_ =	sdelay $0x1  }
0x36f: {  	v4 =	vld [tilespmem:s18+$0xE020];
	_ =	sdelay $0x1  }
0x370: {  	v5 =	vld [tilespmem:s18+$0xE030]  }
0x371: {  	v2 =	vadd.f32 v2, v3;
	_ =	sdelay $0x1  }
0x372: {  	v2 =	vadd.f32 v4, v2;
	_ =	sdelay $0x1  }
0x373: {  	v2 =	vadd.f32 v5, v2  }
.Ltmp39:
0x374: {  	(pc) =	sbr.rel @p0 .LBB2_80-.Ltmp39, $3  }
0x375: {  	v1 =	vadd.f32 v2, v1;
	_ =	sdelay $0x1  }
0x376: {  	s18 =	sshra.s32 s17, $0x2;
	[tilespmem:$0x10000] =	vst v1  }
0x377: {  	s17 =	sadd.s32 $0x200, s17;
	v2 =	vld [tilespmem:s18+$0xE010]  }
0x378: {  	v3 =	vld [tilespmem:s18+$0xE000];
	_ =	sdelay $0x1  }
0x379: {  	v4 =	vld [tilespmem:s18+$0xE020];
	_ =	sdelay $0x1  }
0x37a: {  	v5 =	vld [tilespmem:s18+$0xE030]  }
0x37b: {  	v2 =	vadd.f32 v2, v3;
	_ =	sdelay $0x1  }
0x37c: {  	v2 =	vadd.f32 v4, v2;
	_ =	sdelay $0x1  }
0x37d: {  	v2 =	vadd.f32 v5, v2;
	_ =	sdelay $0x1  }
0x37e: {  	v1 =	vadd.f32 v2, v1;
	_ =	sdelay $0x1  }
0x37f: {  	s17 =	simm.s32 $0x0;
	[tilespmem:$0x10000] =	vst v1  }
0x380: {  	[tilespmem:s10], [sflag:$0x4] =	stream.linear.gather [hbm4b:s26+s17], $0x4000, $0x38;
	[tilespmem:$0x10100] =	vst v63  }
0x381: {  	_ =	swait.ge [sflag:s11], $0x4000  }
0x382: {  	[sflag:s11] =	ssyncset.done $0x0  }
0x383: {  	[sflag:s11] =	ssyncadd.s32 $0xFFFFC000  }
0x384: {  	s18 =	simm.s32 $0x0;
	v1 =	vld [tilespmem:$0x10000]  }
0x385: {  	s17 =	simm.s32 $0x200;
	v2 =	vld [tilespmem:s18+$0x10]  }
.LBB2_82:
0x386: {  	p0 =	sne.s32 s17, $0x7E00;
	v3 =	vld [tilespmem:s18+$0x0];
	_ =	sdelay $0x1  }
0x387: {  	v4 =	vld [tilespmem:s18+$0x20];
	_ =	sdelay $0x1  }
0x388: {  	v5 =	vld [tilespmem:s18+$0x30]  }
0x389: {  	v2 =	vadd.f32 v2, v3;
	_ =	sdelay $0x1  }
0x38a: {  	v2 =	vadd.f32 v4, v2;
	_ =	sdelay $0x1  }
0x38b: {  	v2 =	vadd.f32 v5, v2  }
.Ltmp40:
0x38c: {  	(pc) =	sbr.rel @p0 .LBB2_82-.Ltmp40, $3  }
0x38d: {  	v1 =	vadd.f32 v2, v1;
	_ =	sdelay $0x1  }
0x38e: {  	s18 =	sshra.s32 s17, $0x2;
	[tilespmem:$0x10000] =	vst v1  }
0x38f: {  	s17 =	sadd.s32 $0x200, s17;
	v2 =	vld [tilespmem:s18+$0x10]  }
0x390: {  	v3 =	vld [tilespmem:s18+$0x0];
	_ =	sdelay $0x1  }
0x391: {  	v4 =	vld [tilespmem:s18+$0x20];
	_ =	sdelay $0x1  }
0x392: {  	v5 =	vld [tilespmem:s18+$0x30]  }
0x393: {  	v2 =	vadd.f32 v2, v3;
	_ =	sdelay $0x1  }
0x394: {  	v2 =	vadd.f32 v4, v2;
	_ =	sdelay $0x1  }
0x395: {  	v2 =	vadd.f32 v5, v2;
	_ =	sdelay $0x1  }
0x396: {  	v1 =	vadd.f32 v2, v1;
	_ =	sdelay $0x1  }
0x397: {  	s18 =	simm.s32 $0x0;
	[tilespmem:$0x10000] =	vst v1  }
0x398: {  	s17 =	simm.s32 $0x200;
	v2 =	vld [tilespmem:s18+$0x2010]  }
.LBB2_84:
0x399: {  	p0 =	sne.s32 s17, $0x7E00;
	v3 =	vld [tilespmem:s18+$0x2000];
	_ =	sdelay $0x1  }
0x39a: {  	v4 =	vld [tilespmem:s18+$0x2020];
	_ =	sdelay $0x1  }
0x39b: {  	v5 =	vld [tilespmem:s18+$0x2030]  }
0x39c: {  	v2 =	vadd.f32 v2, v3;
	_ =	sdelay $0x1  }
0x39d: {  	v2 =	vadd.f32 v4, v2;
	_ =	sdelay $0x1  }
0x39e: {  	v2 =	vadd.f32 v5, v2  }
.Ltmp41:
0x39f: {  	(pc) =	sbr.rel @p0 .LBB2_84-.Ltmp41, $3  }
0x3a0: {  	v1 =	vadd.f32 v2, v1;
	_ =	sdelay $0x1  }
0x3a1: {  	s18 =	sshra.s32 s17, $0x2;
	[tilespmem:$0x10000] =	vst v1  }
0x3a2: {  	s17 =	sadd.s32 $0x200, s17;
	v2 =	vld [tilespmem:s18+$0x2010]  }
0x3a3: {  	v3 =	vld [tilespmem:s18+$0x2000];
	_ =	sdelay $0x1  }
0x3a4: {  	v4 =	vld [tilespmem:s18+$0x2020];
	_ =	sdelay $0x1  }
0x3a5: {  	v5 =	vld [tilespmem:s18+$0x2030]  }
0x3a6: {  	v2 =	vadd.f32 v2, v3;
	_ =	sdelay $0x1  }
0x3a7: {  	v2 =	vadd.f32 v4, v2;
	_ =	sdelay $0x1  }
0x3a8: {  	v2 =	vadd.f32 v5, v2;
	_ =	sdelay $0x1  }
0x3a9: {  	v1 =	vadd.f32 v2, v1;
	_ =	sdelay $0x1  }
0x3aa: {  	s17 =	simm.s32 $0x0;
	[tilespmem:$0x10000] =	vst v1  }
0x3ab: {  	[tilespmem:s17], [sflag:$0x1] =	stream.linear.gather [hbm4b:s29+s17], $0x4000, $0x38;
	[tilespmem:$0x10100] =	vst v63  }
0x3ac: {  	_ =	swait.ge [sflag:s12], $0x4000  }
0x3ad: {  	[sflag:s12] =	ssyncset.done $0x0  }
0x3ae: {  	[sflag:s12] =	ssyncadd.s32 $0xFFFFC000  }
0x3af: {  	s18 =	simm.s32 $0x0;
	v1 =	vld [tilespmem:$0x10000]  }
0x3b0: {  	s17 =	simm.s32 $0x200;
	v2 =	vld [tilespmem:s18+$0x4010]  }
.LBB2_86:
0x3b1: {  	p0 =	sne.s32 s17, $0x7E00;
	v3 =	vld [tilespmem:s18+$0x4000];
	_ =	sdelay $0x1  }
0x3b2: {  	v4 =	vld [tilespmem:s18+$0x4020];
	_ =	sdelay $0x1  }
0x3b3: {  	v5 =	vld [tilespmem:s18+$0x4030]  }
0x3b4: {  	v2 =	vadd.f32 v2, v3;
	_ =	sdelay $0x1  }
0x3b5: {  	v2 =	vadd.f32 v4, v2;
	_ =	sdelay $0x1  }
0x3b6: {  	v2 =	vadd.f32 v5, v2  }
.Ltmp42:
0x3b7: {  	(pc) =	sbr.rel @p0 .LBB2_86-.Ltmp42, $3  }
0x3b8: {  	v1 =	vadd.f32 v2, v1;
	_ =	sdelay $0x1  }
0x3b9: {  	s18 =	sshra.s32 s17, $0x2;
	[tilespmem:$0x10000] =	vst v1  }
0x3ba: {  	s17 =	sadd.s32 $0x200, s17;
	v2 =	vld [tilespmem:s18+$0x4010]  }
0x3bb: {  	v3 =	vld [tilespmem:s18+$0x4000];
	_ =	sdelay $0x1  }
0x3bc: {  	v4 =	vld [tilespmem:s18+$0x4020];
	_ =	sdelay $0x1  }
0x3bd: {  	v5 =	vld [tilespmem:s18+$0x4030]  }
0x3be: {  	v2 =	vadd.f32 v2, v3;
	_ =	sdelay $0x1  }
0x3bf: {  	v2 =	vadd.f32 v4, v2;
	_ =	sdelay $0x1  }
0x3c0: {  	v2 =	vadd.f32 v5, v2;
	_ =	sdelay $0x1  }
0x3c1: {  	v1 =	vadd.f32 v2, v1;
	_ =	sdelay $0x1  }
0x3c2: {  	s18 =	simm.s32 $0x0;
	[tilespmem:$0x10000] =	vst v1  }
0x3c3: {  	s17 =	simm.s32 $0x200;
	v2 =	vld [tilespmem:s18+$0x6010]  }
.LBB2_88:
0x3c4: {  	p0 =	sne.s32 s17, $0x7E00;
	v3 =	vld [tilespmem:s18+$0x6000];
	_ =	sdelay $0x1  }
0x3c5: {  	v4 =	vld [tilespmem:s18+$0x6020];
	_ =	sdelay $0x1  }
0x3c6: {  	v5 =	vld [tilespmem:s18+$0x6030]  }
0x3c7: {  	v2 =	vadd.f32 v2, v3;
	_ =	sdelay $0x1  }
0x3c8: {  	v2 =	vadd.f32 v4, v2;
	_ =	sdelay $0x1  }
0x3c9: {  	v2 =	vadd.f32 v5, v2  }
.Ltmp43:
0x3ca: {  	(pc) =	sbr.rel @p0 .LBB2_88-.Ltmp43, $3  }
0x3cb: {  	v1 =	vadd.f32 v2, v1;
	_ =	sdelay $0x1  }
0x3cc: {  	s18 =	sshra.s32 s17, $0x2;
	[tilespmem:$0x10000] =	vst v1  }
0x3cd: {  	s17 =	sadd.s32 $0x200, s17;
	v2 =	vld [tilespmem:s18+$0x6010]  }
0x3ce: {  	v3 =	vld [tilespmem:s18+$0x6000];
	_ =	sdelay $0x1  }
0x3cf: {  	v4 =	vld [tilespmem:s18+$0x6020];
	_ =	sdelay $0x1  }
0x3d0: {  	v5 =	vld [tilespmem:s18+$0x6030]  }
0x3d1: {  	v2 =	vadd.f32 v2, v3;
	_ =	sdelay $0x1  }
0x3d2: {  	v2 =	vadd.f32 v4, v2;
	_ =	sdelay $0x1  }
0x3d3: {  	v2 =	vadd.f32 v5, v2;
	_ =	sdelay $0x1  }
0x3d4: {  	v1 =	vadd.f32 v2, v1;
	_ =	sdelay $0x1  }
0x3d5: {  	s17 =	simm.s32 $0x0;
	[tilespmem:$0x10000] =	vst v1  }
0x3d6: {  	[tilespmem:s8], [sflag:$0x2] =	stream.linear.gather [hbm4b:s28+s17], $0x4000, $0x38;
	[tilespmem:$0x10100] =	vst v63  }
0x3d7: {  	_ =	swait.ge [sflag:s13], $0x4000  }
0x3d8: {  	[sflag:s13] =	ssyncset.done $0x0  }
0x3d9: {  	[sflag:s13] =	ssyncadd.s32 $0xFFFFC000  }
0x3da: {  	s18 =	simm.s32 $0x0;
	v1 =	vld [tilespmem:$0x10000]  }
0x3db: {  	s17 =	simm.s32 $0x200;
	v2 =	vld [tilespmem:s18+$0x8010]  }
.LBB2_90:
0x3dc: {  	p0 =	sne.s32 s17, $0x7E00;
	v3 =	vld [tilespmem:s18+$0x8000];
	_ =	sdelay $0x1  }
0x3dd: {  	v4 =	vld [tilespmem:s18+$0x8020];
	_ =	sdelay $0x1  }
0x3de: {  	v5 =	vld [tilespmem:s18+$0x8030]  }
0x3df: {  	v2 =	vadd.f32 v2, v3;
	_ =	sdelay $0x1  }
0x3e0: {  	v2 =	vadd.f32 v4, v2;
	_ =	sdelay $0x1  }
0x3e1: {  	v2 =	vadd.f32 v5, v2  }
.Ltmp44:
0x3e2: {  	(pc) =	sbr.rel @p0 .LBB2_90-.Ltmp44, $3  }
0x3e3: {  	v1 =	vadd.f32 v2, v1;
	_ =	sdelay $0x1  }
0x3e4: {  	s18 =	sshra.s32 s17, $0x2;
	[tilespmem:$0x10000] =	vst v1  }
0x3e5: {  	s17 =	sadd.s32 $0x200, s17;
	v2 =	vld [tilespmem:s18+$0x8010]  }
0x3e6: {  	v3 =	vld [tilespmem:s18+$0x8000];
	_ =	sdelay $0x1  }
0x3e7: {  	v4 =	vld [tilespmem:s18+$0x8020];
	_ =	sdelay $0x1  }
0x3e8: {  	v5 =	vld [tilespmem:s18+$0x8030]  }
0x3e9: {  	v2 =	vadd.f32 v2, v3;
	_ =	sdelay $0x1  }
0x3ea: {  	v2 =	vadd.f32 v4, v2;
	_ =	sdelay $0x1  }
0x3eb: {  	v2 =	vadd.f32 v5, v2;
	_ =	sdelay $0x1  }
0x3ec: {  	v1 =	vadd.f32 v2, v1;
	_ =	sdelay $0x1  }
0x3ed: {  	s18 =	simm.s32 $0x0;
	[tilespmem:$0x10000] =	vst v1  }
0x3ee: {  	s17 =	simm.s32 $0x200;
	v2 =	vld [tilespmem:s18+$0xA010]  }
.LBB2_92:
0x3ef: {  	p0 =	sne.s32 s17, $0x7E00;
	v3 =	vld [tilespmem:s18+$0xA000];
	_ =	sdelay $0x1  }
0x3f0: {  	v4 =	vld [tilespmem:s18+$0xA020];
	_ =	sdelay $0x1  }
0x3f1: {  	v5 =	vld [tilespmem:s18+$0xA030]  }
0x3f2: {  	v2 =	vadd.f32 v2, v3;
	_ =	sdelay $0x1  }
0x3f3: {  	v2 =	vadd.f32 v4, v2;
	_ =	sdelay $0x1  }
0x3f4: {  	v2 =	vadd.f32 v5, v2  }
.Ltmp45:
0x3f5: {  	(pc) =	sbr.rel @p0 .LBB2_92-.Ltmp45, $3  }
0x3f6: {  	v1 =	vadd.f32 v2, v1;
	_ =	sdelay $0x1  }
0x3f7: {  	s18 =	sshra.s32 s17, $0x2;
	[tilespmem:$0x10000] =	vst v1  }
0x3f8: {  	s17 =	sadd.s32 $0x200, s17;
	v2 =	vld [tilespmem:s18+$0xA010]  }
0x3f9: {  	v3 =	vld [tilespmem:s18+$0xA000];
	_ =	sdelay $0x1  }
0x3fa: {  	v4 =	vld [tilespmem:s18+$0xA020];
	_ =	sdelay $0x1  }
0x3fb: {  	v5 =	vld [tilespmem:s18+$0xA030]  }
0x3fc: {  	v2 =	vadd.f32 v2, v3;
	_ =	sdelay $0x1  }
0x3fd: {  	v2 =	vadd.f32 v4, v2;
	_ =	sdelay $0x1  }
0x3fe: {  	v2 =	vadd.f32 v5, v2;
	_ =	sdelay $0x1  }
0x3ff: {  	v1 =	vadd.f32 v2, v1;
	_ =	sdelay $0x1  }
0x400: {  	s17 =	simm.s32 $0x0;
	[tilespmem:$0x10000] =	vst v1  }
0x401: {  	[tilespmem:s9], [sflag:$0x3] =	stream.linear.gather [hbm4b:s30+s17], $0x4000, $0x38;
	[tilespmem:$0x10100] =	vst v63  }
0x402: {  	_ =	swait.ge [sflag:s14], $0x4000  }
0x403: {  	[sflag:s14] =	ssyncset.done $0x0  }
0x404: {  	[sflag:s14] =	ssyncadd.s32 $0xFFFFC000  }
0x405: {  	s18 =	simm.s32 $0x0;
	v1 =	vld [tilespmem:$0x10000]  }
0x406: {  	s17 =	simm.s32 $0x200;
	v2 =	vld [tilespmem:s18+$0xC010]  }
.LBB2_94:
0x407: {  	p0 =	sne.s32 s17, $0x7E00;
	v3 =	vld [tilespmem:s18+$0xC000];
	_ =	sdelay $0x1  }
0x408: {  	v4 =	vld [tilespmem:s18+$0xC020];
	_ =	sdelay $0x1  }
0x409: {  	v5 =	vld [tilespmem:s18+$0xC030]  }
0x40a: {  	v2 =	vadd.f32 v2, v3;
	_ =	sdelay $0x1  }
0x40b: {  	v2 =	vadd.f32 v4, v2;
	_ =	sdelay $0x1  }
0x40c: {  	v2 =	vadd.f32 v5, v2  }
.Ltmp46:
0x40d: {  	(pc) =	sbr.rel @p0 .LBB2_94-.Ltmp46, $3  }
0x40e: {  	v1 =	vadd.f32 v2, v1;
	_ =	sdelay $0x1  }
0x40f: {  	s18 =	sshra.s32 s17, $0x2;
	[tilespmem:$0x10000] =	vst v1  }
0x410: {  	s17 =	sadd.s32 $0x200, s17;
	v2 =	vld [tilespmem:s18+$0xC010]  }
0x411: {  	v3 =	vld [tilespmem:s18+$0xC000];
	_ =	sdelay $0x1  }
0x412: {  	v4 =	vld [tilespmem:s18+$0xC020];
	_ =	sdelay $0x1  }
0x413: {  	v5 =	vld [tilespmem:s18+$0xC030]  }
0x414: {  	v2 =	vadd.f32 v2, v3;
	_ =	sdelay $0x1  }
0x415: {  	v2 =	vadd.f32 v4, v2;
	_ =	sdelay $0x1  }
0x416: {  	v2 =	vadd.f32 v5, v2;
	_ =	sdelay $0x1  }
0x417: {  	v1 =	vadd.f32 v2, v1;
	_ =	sdelay $0x1  }
0x418: {  	s18 =	simm.s32 $0x0;
	[tilespmem:$0x10000] =	vst v1  }
0x419: {  	s17 =	simm.s32 $0x200;
	v2 =	vld [tilespmem:s18+$0xE010]  }
.LBB2_96:
0x41a: {  	p0 =	sne.s32 s17, $0x7E00;
	v3 =	vld [tilespmem:s18+$0xE000];
	_ =	sdelay $0x1  }
0x41b: {  	v4 =	vld [tilespmem:s18+$0xE020];
	_ =	sdelay $0x1  }
0x41c: {  	v5 =	vld [tilespmem:s18+$0xE030]  }
0x41d: {  	v2 =	vadd.f32 v2, v3;
	_ =	sdelay $0x1  }
0x41e: {  	v2 =	vadd.f32 v4, v2;
	_ =	sdelay $0x1  }
0x41f: {  	v2 =	vadd.f32 v5, v2  }
.Ltmp47:
0x420: {  	(pc) =	sbr.rel @p0 .LBB2_96-.Ltmp47, $3  }
0x421: {  	v1 =	vadd.f32 v2, v1;
	_ =	sdelay $0x1  }
0x422: {  	s18 =	sshra.s32 s17, $0x2;
	[tilespmem:$0x10000] =	vst v1  }
0x423: {  	s17 =	sadd.s32 $0x200, s17;
	v2 =	vld [tilespmem:s18+$0xE010]  }
0x424: {  	v3 =	vld [tilespmem:s18+$0xE000];
	_ =	sdelay $0x1  }
0x425: {  	v4 =	vld [tilespmem:s18+$0xE020];
	_ =	sdelay $0x1  }
0x426: {  	v5 =	vld [tilespmem:s18+$0xE030]  }
0x427: {  	v2 =	vadd.f32 v2, v3;
	_ =	sdelay $0x1  }
0x428: {  	v2 =	vadd.f32 v4, v2;
	_ =	sdelay $0x1  }
0x429: {  	v2 =	vadd.f32 v5, v2;
	_ =	sdelay $0x1  }
0x42a: {  	v1 =	vadd.f32 v2, v1;
	_ =	sdelay $0x1  }
0x42b: {  	s17 =	simm.s32 $0x0;
	[tilespmem:$0x10000] =	vst v1  }
0x42c: {  	[tilespmem:s10], [sflag:$0x4] =	stream.linear.gather [hbm4b:s31+s17], $0x4000, $0x38;
	[tilespmem:$0x10100] =	vst v63  }
0x42d: {  	_ =	swait.ge [sflag:s11], $0x4000  }
0x42e: {  	[sflag:s11] =	ssyncset.done $0x0  }
0x42f: {  	[sflag:s11] =	ssyncadd.s32 $0xFFFFC000  }
0x430: {  	s18 =	simm.s32 $0x0;
	v1 =	vld [tilespmem:$0x10000]  }
0x431: {  	s17 =	simm.s32 $0x200;
	v2 =	vld [tilespmem:s18+$0x10]  }
.LBB2_98:
0x432: {  	p0 =	sne.s32 s17, $0x7E00;
	v3 =	vld [tilespmem:s18+$0x0];
	_ =	sdelay $0x1  }
0x433: {  	v4 =	vld [tilespmem:s18+$0x20];
	_ =	sdelay $0x1  }
0x434: {  	v5 =	vld [tilespmem:s18+$0x30]  }
0x435: {  	v2 =	vadd.f32 v2, v3;
	_ =	sdelay $0x1  }
0x436: {  	v2 =	vadd.f32 v4, v2;
	_ =	sdelay $0x1  }
0x437: {  	v2 =	vadd.f32 v5, v2  }
.Ltmp48:
0x438: {  	(pc) =	sbr.rel @p0 .LBB2_98-.Ltmp48, $3  }
0x439: {  	v1 =	vadd.f32 v2, v1;
	_ =	sdelay $0x1  }
0x43a: {  	s18 =	sshra.s32 s17, $0x2;
	[tilespmem:$0x10000] =	vst v1  }
0x43b: {  	s17 =	sadd.s32 $0x200, s17;
	v2 =	vld [tilespmem:s18+$0x10]  }
0x43c: {  	v3 =	vld [tilespmem:s18+$0x0];
	_ =	sdelay $0x1  }
0x43d: {  	v4 =	vld [tilespmem:s18+$0x20];
	_ =	sdelay $0x1  }
0x43e: {  	v5 =	vld [tilespmem:s18+$0x30]  }
0x43f: {  	v2 =	vadd.f32 v2, v3;
	_ =	sdelay $0x1  }
0x440: {  	v2 =	vadd.f32 v4, v2;
	_ =	sdelay $0x1  }
0x441: {  	v2 =	vadd.f32 v5, v2;
	_ =	sdelay $0x1  }
0x442: {  	v1 =	vadd.f32 v2, v1;
	_ =	sdelay $0x1  }
0x443: {  	s18 =	simm.s32 $0x0;
	[tilespmem:$0x10000] =	vst v1  }
0x444: {  	s17 =	simm.s32 $0x200;
	v2 =	vld [tilespmem:s18+$0x2010]  }
.LBB2_100:
0x445: {  	p0 =	sne.s32 s17, $0x7E00;
	v3 =	vld [tilespmem:s18+$0x2000];
	_ =	sdelay $0x1  }
0x446: {  	v4 =	vld [tilespmem:s18+$0x2020];
	_ =	sdelay $0x1  }
0x447: {  	v5 =	vld [tilespmem:s18+$0x2030]  }
0x448: {  	v2 =	vadd.f32 v2, v3;
	_ =	sdelay $0x1  }
0x449: {  	v2 =	vadd.f32 v4, v2;
	_ =	sdelay $0x1  }
0x44a: {  	v2 =	vadd.f32 v5, v2  }
.Ltmp49:
0x44b: {  	(pc) =	sbr.rel @p0 .LBB2_100-.Ltmp49, $3  }
0x44c: {  	v1 =	vadd.f32 v2, v1;
	_ =	sdelay $0x1  }
0x44d: {  	s18 =	sshra.s32 s17, $0x2;
	[tilespmem:$0x10000] =	vst v1  }
0x44e: {  	s17 =	sadd.s32 $0x200, s17;
	v2 =	vld [tilespmem:s18+$0x2010]  }
0x44f: {  	v3 =	vld [tilespmem:s18+$0x2000];
	_ =	sdelay $0x1  }
0x450: {  	v4 =	vld [tilespmem:s18+$0x2020];
	_ =	sdelay $0x1  }
0x451: {  	v5 =	vld [tilespmem:s18+$0x2030]  }
0x452: {  	v2 =	vadd.f32 v2, v3;
	_ =	sdelay $0x1  }
0x453: {  	v2 =	vadd.f32 v4, v2;
	_ =	sdelay $0x1  }
0x454: {  	v2 =	vadd.f32 v5, v2;
	_ =	sdelay $0x1  }
0x455: {  	v1 =	vadd.f32 v2, v1;
	_ =	sdelay $0x1  }
0x456: {  	s17 =	simm.s32 $0x0;
	[tilespmem:$0x10000] =	vst v1  }
0x457: {  	[tilespmem:s17], [sflag:$0x1] =	stream.linear.gather [hbm4b:s1+s17], $0x4000, $0x38;
	[tilespmem:$0x10100] =	vst v63  }
0x458: {  	_ =	swait.ge [sflag:s12], $0x4000  }
0x459: {  	[sflag:s12] =	ssyncset.done $0x0  }
0x45a: {  	[sflag:s12] =	ssyncadd.s32 $0xFFFFC000  }
0x45b: {  	s18 =	simm.s32 $0x0;
	v1 =	vld [tilespmem:$0x10000]  }
0x45c: {  	s17 =	simm.s32 $0x200;
	v2 =	vld [tilespmem:s18+$0x4010]  }
.LBB2_102:
0x45d: {  	p0 =	sne.s32 s17, $0x7E00;
	v3 =	vld [tilespmem:s18+$0x4000];
	_ =	sdelay $0x1  }
0x45e: {  	v4 =	vld [tilespmem:s18+$0x4020];
	_ =	sdelay $0x1  }
0x45f: {  	v5 =	vld [tilespmem:s18+$0x4030]  }
0x460: {  	v2 =	vadd.f32 v2, v3;
	_ =	sdelay $0x1  }
0x461: {  	v2 =	vadd.f32 v4, v2;
	_ =	sdelay $0x1  }
0x462: {  	v2 =	vadd.f32 v5, v2  }
.Ltmp50:
0x463: {  	(pc) =	sbr.rel @p0 .LBB2_102-.Ltmp50, $3  }
0x464: {  	v1 =	vadd.f32 v2, v1;
	_ =	sdelay $0x1  }
0x465: {  	s18 =	sshra.s32 s17, $0x2;
	[tilespmem:$0x10000] =	vst v1  }
0x466: {  	s17 =	sadd.s32 $0x200, s17;
	v2 =	vld [tilespmem:s18+$0x4010]  }
0x467: {  	v3 =	vld [tilespmem:s18+$0x4000];
	_ =	sdelay $0x1  }
0x468: {  	v4 =	vld [tilespmem:s18+$0x4020];
	_ =	sdelay $0x1  }
0x469: {  	v5 =	vld [tilespmem:s18+$0x4030]  }
0x46a: {  	v2 =	vadd.f32 v2, v3;
	_ =	sdelay $0x1  }
0x46b: {  	v2 =	vadd.f32 v4, v2;
	_ =	sdelay $0x1  }
0x46c: {  	v2 =	vadd.f32 v5, v2;
	_ =	sdelay $0x1  }
0x46d: {  	v1 =	vadd.f32 v2, v1;
	_ =	sdelay $0x1  }
0x46e: {  	s18 =	simm.s32 $0x0;
	[tilespmem:$0x10000] =	vst v1  }
0x46f: {  	s17 =	simm.s32 $0x200;
	v2 =	vld [tilespmem:s18+$0x6010]  }
.LBB2_104:
0x470: {  	p0 =	sne.s32 s17, $0x7E00;
	v3 =	vld [tilespmem:s18+$0x6000];
	_ =	sdelay $0x1  }
0x471: {  	v4 =	vld [tilespmem:s18+$0x6020];
	_ =	sdelay $0x1  }
0x472: {  	v5 =	vld [tilespmem:s18+$0x6030]  }
0x473: {  	v2 =	vadd.f32 v2, v3;
	_ =	sdelay $0x1  }
0x474: {  	v2 =	vadd.f32 v4, v2;
	_ =	sdelay $0x1  }
0x475: {  	v2 =	vadd.f32 v5, v2  }
.Ltmp51:
0x476: {  	(pc) =	sbr.rel @p0 .LBB2_104-.Ltmp51, $3  }
0x477: {  	v1 =	vadd.f32 v2, v1;
	_ =	sdelay $0x1  }
0x478: {  	s18 =	sshra.s32 s17, $0x2;
	[tilespmem:$0x10000] =	vst v1  }
0x479: {  	s17 =	sadd.s32 $0x200, s17;
	v2 =	vld [tilespmem:s18+$0x6010]  }
0x47a: {  	v3 =	vld [tilespmem:s18+$0x6000];
	_ =	sdelay $0x1  }
0x47b: {  	v4 =	vld [tilespmem:s18+$0x6020];
	_ =	sdelay $0x1  }
0x47c: {  	v5 =	vld [tilespmem:s18+$0x6030]  }
0x47d: {  	v2 =	vadd.f32 v2, v3;
	_ =	sdelay $0x1  }
0x47e: {  	v2 =	vadd.f32 v4, v2;
	_ =	sdelay $0x1  }
0x47f: {  	v2 =	vadd.f32 v5, v2;
	_ =	sdelay $0x1  }
0x480: {  	v1 =	vadd.f32 v2, v1;
	_ =	sdelay $0x1  }
0x481: {  	s17 =	simm.s32 $0x0;
	[tilespmem:$0x10000] =	vst v1  }
0x482: {  	[tilespmem:s8], [sflag:$0x2] =	stream.linear.gather [hbm4b:s0+s17], $0x4000, $0x38;
	[tilespmem:$0x10100] =	vst v63  }
0x483: {  	_ =	swait.ge [sflag:s13], $0x4000  }
0x484: {  	[sflag:s13] =	ssyncset.done $0x0  }
0x485: {  	[sflag:s13] =	ssyncadd.s32 $0xFFFFC000  }
0x486: {  	s18 =	simm.s32 $0x0;
	v1 =	vld [tilespmem:$0x10000]  }
0x487: {  	s17 =	simm.s32 $0x200;
	v2 =	vld [tilespmem:s18+$0x8010]  }
.LBB2_106:
0x488: {  	p0 =	sne.s32 s17, $0x7E00;
	v3 =	vld [tilespmem:s18+$0x8000];
	_ =	sdelay $0x1  }
0x489: {  	v4 =	vld [tilespmem:s18+$0x8020];
	_ =	sdelay $0x1  }
0x48a: {  	v5 =	vld [tilespmem:s18+$0x8030]  }
0x48b: {  	v2 =	vadd.f32 v2, v3;
	_ =	sdelay $0x1  }
0x48c: {  	v2 =	vadd.f32 v4, v2;
	_ =	sdelay $0x1  }
0x48d: {  	v2 =	vadd.f32 v5, v2  }
.Ltmp52:
0x48e: {  	(pc) =	sbr.rel @p0 .LBB2_106-.Ltmp52, $3  }
0x48f: {  	v1 =	vadd.f32 v2, v1;
	_ =	sdelay $0x1  }
0x490: {  	s18 =	sshra.s32 s17, $0x2;
	[tilespmem:$0x10000] =	vst v1  }
0x491: {  	s17 =	sadd.s32 $0x200, s17;
	v2 =	vld [tilespmem:s18+$0x8010]  }
0x492: {  	v3 =	vld [tilespmem:s18+$0x8000];
	_ =	sdelay $0x1  }
0x493: {  	v4 =	vld [tilespmem:s18+$0x8020];
	_ =	sdelay $0x1  }
0x494: {  	v5 =	vld [tilespmem:s18+$0x8030]  }
0x495: {  	v2 =	vadd.f32 v2, v3;
	_ =	sdelay $0x1  }
0x496: {  	v2 =	vadd.f32 v4, v2;
	_ =	sdelay $0x1  }
0x497: {  	v2 =	vadd.f32 v5, v2;
	_ =	sdelay $0x1  }
0x498: {  	v1 =	vadd.f32 v2, v1;
	_ =	sdelay $0x1  }
0x499: {  	s18 =	simm.s32 $0x0;
	[tilespmem:$0x10000] =	vst v1  }
0x49a: {  	s17 =	simm.s32 $0x200;
	v2 =	vld [tilespmem:s18+$0xA010]  }
.LBB2_108:
0x49b: {  	p0 =	sne.s32 s17, $0x7E00;
	v3 =	vld [tilespmem:s18+$0xA000];
	_ =	sdelay $0x1  }
0x49c: {  	v4 =	vld [tilespmem:s18+$0xA020];
	_ =	sdelay $0x1  }
0x49d: {  	v5 =	vld [tilespmem:s18+$0xA030]  }
0x49e: {  	v2 =	vadd.f32 v2, v3;
	_ =	sdelay $0x1  }
0x49f: {  	v2 =	vadd.f32 v4, v2;
	_ =	sdelay $0x1  }
0x4a0: {  	v2 =	vadd.f32 v5, v2  }
.Ltmp53:
0x4a1: {  	(pc) =	sbr.rel @p0 .LBB2_108-.Ltmp53, $3  }
0x4a2: {  	v1 =	vadd.f32 v2, v1;
	_ =	sdelay $0x1  }
0x4a3: {  	s18 =	sshra.s32 s17, $0x2;
	[tilespmem:$0x10000] =	vst v1  }
0x4a4: {  	s17 =	sadd.s32 $0x200, s17;
	v2 =	vld [tilespmem:s18+$0xA010]  }
0x4a5: {  	v3 =	vld [tilespmem:s18+$0xA000];
	_ =	sdelay $0x1  }
0x4a6: {  	v4 =	vld [tilespmem:s18+$0xA020];
	_ =	sdelay $0x1  }
0x4a7: {  	v5 =	vld [tilespmem:s18+$0xA030]  }
0x4a8: {  	v2 =	vadd.f32 v2, v3;
	_ =	sdelay $0x1  }
0x4a9: {  	v2 =	vadd.f32 v4, v2;
	_ =	sdelay $0x1  }
0x4aa: {  	v2 =	vadd.f32 v5, v2;
	_ =	sdelay $0x1  }
0x4ab: {  	v1 =	vadd.f32 v2, v1;
	_ =	sdelay $0x1  }
0x4ac: {  	s17 =	simm.s32 $0x0;
	[tilespmem:$0x10000] =	vst v1  }
0x4ad: {  	[tilespmem:s9], [sflag:$0x3] =	stream.linear.gather [hbm4b:s3+s17], $0x4000, $0x38;
	[tilespmem:$0x10100] =	vst v63  }
0x4ae: {  	_ =	swait.ge [sflag:s14], $0x4000  }
0x4af: {  	[sflag:s14] =	ssyncset.done $0x0  }
0x4b0: {  	[sflag:s14] =	ssyncadd.s32 $0xFFFFC000  }
0x4b1: {  	s18 =	simm.s32 $0x0;
	v1 =	vld [tilespmem:$0x10000]  }
0x4b2: {  	s17 =	simm.s32 $0x200;
	v2 =	vld [tilespmem:s18+$0xC010]  }
.LBB2_110:
0x4b3: {  	p0 =	sne.s32 s17, $0x7E00;
	v3 =	vld [tilespmem:s18+$0xC000];
	_ =	sdelay $0x1  }
0x4b4: {  	v4 =	vld [tilespmem:s18+$0xC020];
	_ =	sdelay $0x1  }
0x4b5: {  	v5 =	vld [tilespmem:s18+$0xC030]  }
0x4b6: {  	v2 =	vadd.f32 v2, v3;
	_ =	sdelay $0x1  }
0x4b7: {  	v2 =	vadd.f32 v4, v2;
	_ =	sdelay $0x1  }
0x4b8: {  	v2 =	vadd.f32 v5, v2  }
.Ltmp54:
0x4b9: {  	(pc) =	sbr.rel @p0 .LBB2_110-.Ltmp54, $3  }
0x4ba: {  	v1 =	vadd.f32 v2, v1;
	_ =	sdelay $0x1  }
0x4bb: {  	s18 =	sshra.s32 s17, $0x2;
	[tilespmem:$0x10000] =	vst v1  }
0x4bc: {  	s17 =	sadd.s32 $0x200, s17;
	v2 =	vld [tilespmem:s18+$0xC010]  }
0x4bd: {  	v3 =	vld [tilespmem:s18+$0xC000];
	_ =	sdelay $0x1  }
0x4be: {  	v4 =	vld [tilespmem:s18+$0xC020];
	_ =	sdelay $0x1  }
0x4bf: {  	v5 =	vld [tilespmem:s18+$0xC030]  }
0x4c0: {  	v2 =	vadd.f32 v2, v3;
	_ =	sdelay $0x1  }
0x4c1: {  	v2 =	vadd.f32 v4, v2;
	_ =	sdelay $0x1  }
0x4c2: {  	v2 =	vadd.f32 v5, v2;
	_ =	sdelay $0x1  }
0x4c3: {  	v1 =	vadd.f32 v2, v1;
	_ =	sdelay $0x1  }
0x4c4: {  	s18 =	simm.s32 $0x0;
	[tilespmem:$0x10000] =	vst v1  }
0x4c5: {  	s17 =	simm.s32 $0x200;
	v2 =	vld [tilespmem:s18+$0xE010]  }
.LBB2_112:
0x4c6: {  	p0 =	sne.s32 s17, $0x7E00;
	v3 =	vld [tilespmem:s18+$0xE000];
	_ =	sdelay $0x1  }
0x4c7: {  	v4 =	vld [tilespmem:s18+$0xE020];
	_ =	sdelay $0x1  }
0x4c8: {  	v5 =	vld [tilespmem:s18+$0xE030]  }
0x4c9: {  	v2 =	vadd.f32 v2, v3;
	_ =	sdelay $0x1  }
0x4ca: {  	v2 =	vadd.f32 v4, v2;
	_ =	sdelay $0x1  }
0x4cb: {  	v2 =	vadd.f32 v5, v2  }
.Ltmp55:
0x4cc: {  	(pc) =	sbr.rel @p0 .LBB2_112-.Ltmp55, $3  }
0x4cd: {  	v1 =	vadd.f32 v2, v1;
	_ =	sdelay $0x1  }
0x4ce: {  	s18 =	sshra.s32 s17, $0x2;
	[tilespmem:$0x10000] =	vst v1  }
0x4cf: {  	s17 =	sadd.s32 $0x200, s17;
	v2 =	vld [tilespmem:s18+$0xE010]  }
0x4d0: {  	v3 =	vld [tilespmem:s18+$0xE000];
	_ =	sdelay $0x1  }
0x4d1: {  	v4 =	vld [tilespmem:s18+$0xE020];
	_ =	sdelay $0x1  }
0x4d2: {  	v5 =	vld [tilespmem:s18+$0xE030]  }
0x4d3: {  	v2 =	vadd.f32 v2, v3;
	_ =	sdelay $0x1  }
0x4d4: {  	v2 =	vadd.f32 v4, v2;
	_ =	sdelay $0x1  }
0x4d5: {  	v2 =	vadd.f32 v5, v2;
	_ =	sdelay $0x1  }
0x4d6: {  	v1 =	vadd.f32 v2, v1;
	_ =	sdelay $0x1  }
0x4d7: {  	s17 =	simm.s32 $0x0;
	[tilespmem:$0x10000] =	vst v1  }
0x4d8: {  	[tilespmem:s10], [sflag:$0x4] =	stream.linear.gather [hbm4b:s4+s17], $0x4000, $0x38;
	[tilespmem:$0x10100] =	vst v63  }
0x4d9: {  	_ =	swait.ge [sflag:s11], $0x4000  }
0x4da: {  	[sflag:s11] =	ssyncset.done $0x0  }
0x4db: {  	[sflag:s11] =	ssyncadd.s32 $0xFFFFC000  }
0x4dc: {  	s18 =	simm.s32 $0x0;
	v1 =	vld [tilespmem:$0x10000]  }
0x4dd: {  	s17 =	simm.s32 $0x200;
	v2 =	vld [tilespmem:s18+$0x10]  }
.LBB2_114:
0x4de: {  	p0 =	sne.s32 s17, $0x7E00;
	v3 =	vld [tilespmem:s18+$0x0];
	_ =	sdelay $0x1  }
0x4df: {  	v4 =	vld [tilespmem:s18+$0x20];
	_ =	sdelay $0x1  }
0x4e0: {  	v5 =	vld [tilespmem:s18+$0x30]  }
0x4e1: {  	v2 =	vadd.f32 v2, v3;
	_ =	sdelay $0x1  }
0x4e2: {  	v2 =	vadd.f32 v4, v2;
	_ =	sdelay $0x1  }
0x4e3: {  	v2 =	vadd.f32 v5, v2  }
.Ltmp56:
0x4e4: {  	(pc) =	sbr.rel @p0 .LBB2_114-.Ltmp56, $3  }
0x4e5: {  	v1 =	vadd.f32 v2, v1;
	_ =	sdelay $0x1  }
0x4e6: {  	s18 =	sshra.s32 s17, $0x2;
	[tilespmem:$0x10000] =	vst v1  }
0x4e7: {  	s17 =	sadd.s32 $0x200, s17;
	v2 =	vld [tilespmem:s18+$0x10]  }
0x4e8: {  	v3 =	vld [tilespmem:s18+$0x0];
	_ =	sdelay $0x1  }
0x4e9: {  	v4 =	vld [tilespmem:s18+$0x20];
	_ =	sdelay $0x1  }
0x4ea: {  	v5 =	vld [tilespmem:s18+$0x30]  }
0x4eb: {  	v2 =	vadd.f32 v2, v3;
	_ =	sdelay $0x1  }
0x4ec: {  	v2 =	vadd.f32 v4, v2;
	_ =	sdelay $0x1  }
0x4ed: {  	v2 =	vadd.f32 v5, v2;
	_ =	sdelay $0x1  }
0x4ee: {  	v1 =	vadd.f32 v2, v1;
	_ =	sdelay $0x1  }
0x4ef: {  	s18 =	simm.s32 $0x0;
	[tilespmem:$0x10000] =	vst v1  }
0x4f0: {  	s17 =	simm.s32 $0x200;
	v2 =	vld [tilespmem:s18+$0x2010]  }
.LBB2_116:
0x4f1: {  	p0 =	sne.s32 s17, $0x7E00;
	v3 =	vld [tilespmem:s18+$0x2000];
	_ =	sdelay $0x1  }
0x4f2: {  	v4 =	vld [tilespmem:s18+$0x2020];
	_ =	sdelay $0x1  }
0x4f3: {  	v5 =	vld [tilespmem:s18+$0x2030]  }
0x4f4: {  	v2 =	vadd.f32 v2, v3;
	_ =	sdelay $0x1  }
0x4f5: {  	v2 =	vadd.f32 v4, v2;
	_ =	sdelay $0x1  }
0x4f6: {  	v2 =	vadd.f32 v5, v2  }
.Ltmp57:
0x4f7: {  	(pc) =	sbr.rel @p0 .LBB2_116-.Ltmp57, $3  }
0x4f8: {  	v1 =	vadd.f32 v2, v1;
	_ =	sdelay $0x1  }
0x4f9: {  	s18 =	sshra.s32 s17, $0x2;
	[tilespmem:$0x10000] =	vst v1  }
0x4fa: {  	s17 =	sadd.s32 $0x200, s17;
	v2 =	vld [tilespmem:s18+$0x2010]  }
0x4fb: {  	v3 =	vld [tilespmem:s18+$0x2000];
	_ =	sdelay $0x1  }
0x4fc: {  	v4 =	vld [tilespmem:s18+$0x2020];
	_ =	sdelay $0x1  }
0x4fd: {  	v5 =	vld [tilespmem:s18+$0x2030]  }
0x4fe: {  	v2 =	vadd.f32 v2, v3;
	_ =	sdelay $0x1  }
0x4ff: {  	v2 =	vadd.f32 v4, v2;
	_ =	sdelay $0x1  }
0x500: {  	v2 =	vadd.f32 v5, v2;
	_ =	sdelay $0x1  }
0x501: {  	v1 =	vadd.f32 v2, v1;
	_ =	sdelay $0x1  }
0x502: {  	[tilespmem:$0x10000] =	vst v1  }
0x503: {  	_ =	swait.ge [sflag:s12], $0x4000  }
0x504: {  	[sflag:s12] =	ssyncset.done $0x0  }
0x505: {  	s18 =	simm.s32 $0x0;
	[sflag:s12] =	ssyncadd.s32 $0xFFFFC000  }
0x506: {  	s17 =	simm.s32 $0x200;
	v2 =	vld [tilespmem:s18+$0x4010]  }
.LBB2_118:
0x507: {  	p0 =	sne.s32 s17, $0x7E00;
	v3 =	vld [tilespmem:s18+$0x4000];
	_ =	sdelay $0x1  }
0x508: {  	v4 =	vld [tilespmem:s18+$0x4020];
	_ =	sdelay $0x1  }
0x509: {  	v5 =	vld [tilespmem:s18+$0x4030]  }
0x50a: {  	v2 =	vadd.f32 v2, v3;
	_ =	sdelay $0x1  }
0x50b: {  	v2 =	vadd.f32 v4, v2;
	_ =	sdelay $0x1  }
0x50c: {  	v2 =	vadd.f32 v5, v2  }
.Ltmp58:
0x50d: {  	(pc) =	sbr.rel @p0 .LBB2_118-.Ltmp58, $3  }
0x50e: {  	v1 =	vadd.f32 v2, v1;
	_ =	sdelay $0x1  }
0x50f: {  	s18 =	sshra.s32 s17, $0x2;
	[tilespmem:$0x10000] =	vst v1  }
0x510: {  	s17 =	sadd.s32 $0x200, s17;
	v2 =	vld [tilespmem:s18+$0x4010]  }
0x511: {  	v3 =	vld [tilespmem:s18+$0x4000];
	_ =	sdelay $0x1  }
0x512: {  	v4 =	vld [tilespmem:s18+$0x4020];
	_ =	sdelay $0x1  }
0x513: {  	v5 =	vld [tilespmem:s18+$0x4030]  }
0x514: {  	v2 =	vadd.f32 v2, v3;
	_ =	sdelay $0x1  }
0x515: {  	v2 =	vadd.f32 v4, v2;
	_ =	sdelay $0x1  }
0x516: {  	v2 =	vadd.f32 v5, v2;
	_ =	sdelay $0x1  }
0x517: {  	v1 =	vadd.f32 v2, v1;
	_ =	sdelay $0x1  }
0x518: {  	s18 =	simm.s32 $0x0;
	[tilespmem:$0x10000] =	vst v1  }
0x519: {  	s17 =	simm.s32 $0x200;
	v2 =	vld [tilespmem:s18+$0x6010]  }
.LBB2_120:
0x51a: {  	p0 =	sne.s32 s17, $0x7E00;
	v3 =	vld [tilespmem:s18+$0x6000];
	_ =	sdelay $0x1  }
0x51b: {  	v4 =	vld [tilespmem:s18+$0x6020];
	_ =	sdelay $0x1  }
0x51c: {  	v5 =	vld [tilespmem:s18+$0x6030]  }
0x51d: {  	v2 =	vadd.f32 v2, v3;
	_ =	sdelay $0x1  }
0x51e: {  	v2 =	vadd.f32 v4, v2;
	_ =	sdelay $0x1  }
0x51f: {  	v2 =	vadd.f32 v5, v2  }
.Ltmp59:
0x520: {  	(pc) =	sbr.rel @p0 .LBB2_120-.Ltmp59, $3  }
0x521: {  	v1 =	vadd.f32 v2, v1;
	_ =	sdelay $0x1  }
0x522: {  	s18 =	sshra.s32 s17, $0x2;
	[tilespmem:$0x10000] =	vst v1  }
0x523: {  	s17 =	sadd.s32 $0x200, s17;
	v2 =	vld [tilespmem:s18+$0x6010]  }
0x524: {  	v3 =	vld [tilespmem:s18+$0x6000];
	_ =	sdelay $0x1  }
0x525: {  	v4 =	vld [tilespmem:s18+$0x6020];
	_ =	sdelay $0x1  }
0x526: {  	v5 =	vld [tilespmem:s18+$0x6030]  }
0x527: {  	v2 =	vadd.f32 v2, v3;
	_ =	sdelay $0x1  }
0x528: {  	v2 =	vadd.f32 v4, v2;
	_ =	sdelay $0x1  }
0x529: {  	v2 =	vadd.f32 v5, v2;
	_ =	sdelay $0x1  }
0x52a: {  	v1 =	vadd.f32 v2, v1;
	_ =	sdelay $0x1  }
0x52b: {  	[tilespmem:$0x10000] =	vst v1  }
0x52c: {  	_ =	swait.ge [sflag:s13], $0x4000  }
0x52d: {  	[sflag:s13] =	ssyncset.done $0x0  }
0x52e: {  	s18 =	simm.s32 $0x0;
	[sflag:s13] =	ssyncadd.s32 $0xFFFFC000  }
0x52f: {  	s17 =	simm.s32 $0x200;
	v2 =	vld [tilespmem:s18+$0x8010]  }
.LBB2_122:
0x530: {  	p0 =	sne.s32 s17, $0x7E00;
	v3 =	vld [tilespmem:s18+$0x8000];
	_ =	sdelay $0x1  }
0x531: {  	v4 =	vld [tilespmem:s18+$0x8020];
	_ =	sdelay $0x1  }
0x532: {  	v5 =	vld [tilespmem:s18+$0x8030]  }
0x533: {  	v2 =	vadd.f32 v2, v3;
	_ =	sdelay $0x1  }
0x534: {  	v2 =	vadd.f32 v4, v2;
	_ =	sdelay $0x1  }
0x535: {  	v2 =	vadd.f32 v5, v2  }
.Ltmp60:
0x536: {  	(pc) =	sbr.rel @p0 .LBB2_122-.Ltmp60, $3  }
0x537: {  	v1 =	vadd.f32 v2, v1;
	_ =	sdelay $0x1  }
0x538: {  	s18 =	sshra.s32 s17, $0x2;
	[tilespmem:$0x10000] =	vst v1  }
0x539: {  	s17 =	sadd.s32 $0x200, s17;
	v2 =	vld [tilespmem:s18+$0x8010]  }
0x53a: {  	v3 =	vld [tilespmem:s18+$0x8000];
	_ =	sdelay $0x1  }
0x53b: {  	v4 =	vld [tilespmem:s18+$0x8020];
	_ =	sdelay $0x1  }
0x53c: {  	v5 =	vld [tilespmem:s18+$0x8030]  }
0x53d: {  	v2 =	vadd.f32 v2, v3;
	_ =	sdelay $0x1  }
0x53e: {  	v2 =	vadd.f32 v4, v2;
	_ =	sdelay $0x1  }
0x53f: {  	v2 =	vadd.f32 v5, v2;
	_ =	sdelay $0x1  }
0x540: {  	v1 =	vadd.f32 v2, v1;
	_ =	sdelay $0x1  }
0x541: {  	s18 =	simm.s32 $0x0;
	[tilespmem:$0x10000] =	vst v1  }
0x542: {  	s17 =	simm.s32 $0x200;
	v2 =	vld [tilespmem:s18+$0xA010]  }
.LBB2_124:
0x543: {  	p0 =	sne.s32 s17, $0x7E00;
	v3 =	vld [tilespmem:s18+$0xA000];
	_ =	sdelay $0x1  }
0x544: {  	v4 =	vld [tilespmem:s18+$0xA020];
	_ =	sdelay $0x1  }
0x545: {  	v5 =	vld [tilespmem:s18+$0xA030]  }
0x546: {  	v2 =	vadd.f32 v2, v3;
	_ =	sdelay $0x1  }
0x547: {  	v2 =	vadd.f32 v4, v2;
	_ =	sdelay $0x1  }
0x548: {  	v2 =	vadd.f32 v5, v2  }
.Ltmp61:
0x549: {  	(pc) =	sbr.rel @p0 .LBB2_124-.Ltmp61, $3  }
0x54a: {  	v1 =	vadd.f32 v2, v1;
	_ =	sdelay $0x1  }
0x54b: {  	s18 =	sshra.s32 s17, $0x2;
	[tilespmem:$0x10000] =	vst v1  }
0x54c: {  	s17 =	sadd.s32 $0x200, s17;
	v2 =	vld [tilespmem:s18+$0xA010]  }
0x54d: {  	v3 =	vld [tilespmem:s18+$0xA000];
	_ =	sdelay $0x1  }
0x54e: {  	v4 =	vld [tilespmem:s18+$0xA020];
	_ =	sdelay $0x1  }
0x54f: {  	v5 =	vld [tilespmem:s18+$0xA030]  }
0x550: {  	v2 =	vadd.f32 v2, v3;
	_ =	sdelay $0x1  }
0x551: {  	v2 =	vadd.f32 v4, v2;
	_ =	sdelay $0x1  }
0x552: {  	v2 =	vadd.f32 v5, v2;
	_ =	sdelay $0x1  }
0x553: {  	v1 =	vadd.f32 v2, v1;
	_ =	sdelay $0x1  }
0x554: {  	[tilespmem:$0x10000] =	vst v1  }
0x555: {  	_ =	swait.ge [sflag:s14], $0x4000  }
0x556: {  	[sflag:s14] =	ssyncset.done $0x0  }
0x557: {  	s18 =	simm.s32 $0x0;
	[sflag:s14] =	ssyncadd.s32 $0xFFFFC000  }
0x558: {  	s17 =	simm.s32 $0x200;
	v2 =	vld [tilespmem:s18+$0xC010]  }
.LBB2_126:
0x559: {  	p0 =	sne.s32 s17, $0x7E00;
	v3 =	vld [tilespmem:s18+$0xC000];
	_ =	sdelay $0x1  }
0x55a: {  	v4 =	vld [tilespmem:s18+$0xC020];
	_ =	sdelay $0x1  }
0x55b: {  	v5 =	vld [tilespmem:s18+$0xC030]  }
0x55c: {  	v2 =	vadd.f32 v2, v3;
	_ =	sdelay $0x1  }
0x55d: {  	v2 =	vadd.f32 v4, v2;
	_ =	sdelay $0x1  }
0x55e: {  	v2 =	vadd.f32 v5, v2  }
.Ltmp62:
0x55f: {  	(pc) =	sbr.rel @p0 .LBB2_126-.Ltmp62, $3  }
0x560: {  	v1 =	vadd.f32 v2, v1;
	_ =	sdelay $0x1  }
0x561: {  	s18 =	sshra.s32 s17, $0x2;
	[tilespmem:$0x10000] =	vst v1  }
0x562: {  	s17 =	sadd.s32 $0x200, s17;
	v2 =	vld [tilespmem:s18+$0xC010]  }
0x563: {  	v3 =	vld [tilespmem:s18+$0xC000];
	_ =	sdelay $0x1  }
0x564: {  	v4 =	vld [tilespmem:s18+$0xC020];
	_ =	sdelay $0x1  }
0x565: {  	v5 =	vld [tilespmem:s18+$0xC030]  }
0x566: {  	v2 =	vadd.f32 v2, v3;
	_ =	sdelay $0x1  }
0x567: {  	v2 =	vadd.f32 v4, v2;
	_ =	sdelay $0x1  }
0x568: {  	v2 =	vadd.f32 v5, v2;
	_ =	sdelay $0x1  }
0x569: {  	v1 =	vadd.f32 v2, v1;
	_ =	sdelay $0x1  }
0x56a: {  	s18 =	simm.s32 $0x0;
	[tilespmem:$0x10000] =	vst v1  }
0x56b: {  	s17 =	simm.s32 $0x200;
	v2 =	vld [tilespmem:s18+$0xE010]  }
.LBB2_128:
0x56c: {  	p0 =	sne.s32 s17, $0x7E00;
	v3 =	vld [tilespmem:s18+$0xE000];
	_ =	sdelay $0x1  }
0x56d: {  	v4 =	vld [tilespmem:s18+$0xE020];
	_ =	sdelay $0x1  }
0x56e: {  	v5 =	vld [tilespmem:s18+$0xE030]  }
0x56f: {  	v2 =	vadd.f32 v2, v3;
	_ =	sdelay $0x1  }
0x570: {  	v2 =	vadd.f32 v4, v2;
	_ =	sdelay $0x1  }
0x571: {  	v2 =	vadd.f32 v5, v2  }
.Ltmp63:
0x572: {  	(pc) =	sbr.rel @p0 .LBB2_128-.Ltmp63, $3  }
0x573: {  	v1 =	vadd.f32 v2, v1;
	_ =	sdelay $0x1  }
0x574: {  	s18 =	sshra.s32 s17, $0x2;
	[tilespmem:$0x10000] =	vst v1  }
0x575: {  	s17 =	sadd.s32 $0x200, s17;
	v2 =	vld [tilespmem:s18+$0xE010]  }
0x576: {  	v3 =	vld [tilespmem:s18+$0xE000];
	_ =	sdelay $0x1  }
0x577: {  	v4 =	vld [tilespmem:s18+$0xE020];
	_ =	sdelay $0x1  }
0x578: {  	v5 =	vld [tilespmem:s18+$0xE030]  }
0x579: {  	v2 =	vadd.f32 v2, v3;
	_ =	sdelay $0x1  }
0x57a: {  	v2 =	vadd.f32 v4, v2;
	_ =	sdelay $0x1  }
0x57b: {  	v2 =	vadd.f32 v5, v2;
	_ =	sdelay $0x1  }
0x57c: {  	v1 =	vadd.f32 v2, v1;
	_ =	sdelay $0x1  }
0x57d: {  	s17 =	simm.s32 $0x10000;
	[tilespmem:$0x10000] =	vst v1  }
0x57e: {  	[hbm4b:s5+s2] =	stream.linear.scatter [tilespmem:s17], [sflag:$0x5], $0x10, $0x38;
	[tilespmem:$0x10100] =	vst v63  }
0x57f: {  	_ =	swait.ge [sflag:s15], $0x10  }
0x580: {  	[sflag:s15] =	ssyncset.done $0x0  }
0x581: {  	s18 =	simm.s32 $0x10080;
	[sflag:s15] =	ssyncadd.s32 $0xFFFFFFF0  }
0x582: {  	[tilespmem:s18], [sflag:$0x5] =	stream.linear.gather [hbm4b:s20+s2], $0x10, $0x38;
	[tilespmem:$0x10100] =	vst v63  }
0x583: {  	s16 =	sadd.s32 $0x1, s16;
	_ =	swait.ge [sflag:s15], $0x10  }
0x584: {  	p0 =	sne.s32 s16, s7;
	[sflag:s15] =	ssyncset.done $0x0  }
.Ltmp64:
0x585: {  	[sflag:s15] =	ssyncadd.s32 $0xFFFFFFF0;
	(pc) =	sbr.rel @p0 .LBB2_1-.Ltmp64, $4  }
0x586: {  	[hbm4b:s6+s2] =	stream.linear.scatter [tilespmem:s18], [sflag:$0x5], $0x10, $0x38;
	[tilespmem:$0x10100] =	vst v63  }
0x587: {  	_ =	swait.ge [sflag:s15], $0x10  }
0x588: {  	[sflag:s15] =	ssyncset.done $0x0  }
0x589: {  	[sflag:s15] =	ssyncadd.s32 $0xFFFFFFF0  }
0x58a: {  	_ =	sfence.sel $0x180000  }
0x58b: {  	[bflag:$0x0] =	sbarrier.arrive $0xFFFF  }
0x58c: {  	_ =	strace $0x90000047  }
0x58d: {  	s0 =	stileid.u32;
	[bflag:$0x2] =	sbarrier.arrive $0xFFFF  }
0x58e: {  	p0 =	sne.s32 s0, $0x0;
	s0 =	rddreg [dreg:$0x2]  }
0x58f: {  	s0 =	sadd.s32 @!p0 $0x100000, s0  }
0x590: {  	[sflag:s0] =	ssyncadd.tile.s32 @!p0 $0x1;
	_ =	shalt  }
.Lfunc_end2:
_tile_overlayer_lowered:
.L_overlay_start_2:
0x591: {  	(tag) =	ssettag $0x2  }
0x592: {  	s0 =	rddreg [dreg:$0x0];
	s2 =	stileid.u32  }
0x593: {  	s1 =	rddreg [dreg:$0x1];
	p0 =	sne.s32 s2, $0x0  }
0x594: {  	s3 =	rddreg [dreg:$0x2];
	[bflag:$0x3] =	sbarrier.arrive $0xFFFF;
	s2 =	simm.s32 @!p0 $0x1C05  }
0x595: {  	[timem:s3], [sflag:s2] =	dma.local @!p0 [hbm:s0], s1  }
0x596: {  	s0 =	simm.s32 @!p0 $0x5  }
0x597: {  	_ =	swait.ge @!p0 [sflag:s0], s1  }
0x598: {  	s1 =	ssub.s32 @!p0 $0x0, s1;
	[sflag:s0] =	ssyncset.done @!p0 $0x0  }
0x599: {  	[sflag:s0] =	ssyncadd.s32 @!p0 s1  }
0x59a: {  	[bflag:$0x3] =	sbarrier.arrive $0xFFFF  }
0x59b: {  	_ =	shalt  }

</sc_bundles>
